<compile_context>
chip_gen: v7x
topology: tpu7x:2x2x1
jax: 0.10.2.dev20260603
libtpu: 0.0.44.dev20260713+nightly
codegen_flags: <defaults>
</compile_context>

<pallas_src>
import functools

import jax
import jax.numpy as jnp
from jax import lax
from jax.experimental import pallas as pl
from jax.experimental.pallas import tpu as pltpu
from jax.experimental.pallas import tpu_sc as plsc

B, L = 4096, 200
NTOK = B * L
INTD = 21
D = 32
HID = 64
EPS = 1e-6

NC, NS = 2, 16
NW = NC * NS
TOK_PER_W = NTOK // NW
CH = 256
CHB = CH // 128
NCHUNK = TOK_PER_W // CH


def _proj_body(e1, e2, e3, e4, w1, w2, w3, w4, p1, p2, p3, p4):
    p1[...] = jnp.dot(e1[...], w1[...], preferred_element_type=jnp.float32)
    p2[...] = jnp.dot(e2[...], w2[...], preferred_element_type=jnp.float32)
    p3[...] = jnp.dot(e3[...], w3[...], preferred_element_type=jnp.float32)
    p4[...] = jnp.dot(e4[...], w4[...], preferred_element_type=jnp.float32)


def _project_tables(E1, E2, E3, E4, W_cat):
    w1, w2, w3, w4 = (W_cat[0:21], W_cat[21:42], W_cat[42:63], W_cat[63:84])
    out_shapes = tuple(
        jax.ShapeDtypeStruct((e.shape[0], D), jnp.float32)
        for e in (E1, E2, E3, E4)
    )
    return pl.pallas_call(
        _proj_body,
        out_shape=out_shapes,
    )(E1, E2, E3, E4, w1, w2, w3, w4)


def _sc_body(ix, p1, p2, p3, p4, out,
             idxv, r1, r2, r3, r4, sv, p1s, p2s, p3s, p4s,
             semi, semg0, semg1, semo0, semo1, semt):
    sid = lax.axis_index("s")
    wid = sid * NC + lax.axis_index("c")
    tabs = (p1s, p2s, p3s, p4s)
    rbufs = (r1, r2, r3, r4)

    @pl.when(sid == 0)
    def _():
        for hb, sh in zip((p1, p2, p3, p4), tabs):
            pltpu.async_copy(hb, sh, semt)
        for hb, sh in zip((p1, p2, p3, p4), tabs):
            pltpu.make_async_copy(hb, sh, semt).wait()

    plsc.subcore_barrier()

    def base(c):
        return wid * TOK_PER_W + c * CH

    def fire_idx(c, b):
        for t in range(4):
            pltpu.async_copy(ix.at[t, pl.ds(base(c), CH)], idxv.at[b, t],
                             semi)

    def wait_idx(b):
        for t in range(4):
            pltpu.make_async_copy(ix.at[0, pl.ds(0, CH)], idxv.at[b, t],
                                  semi).wait()

    def fire_gathers(c, b, semg):
        for t in range(4):
            pltpu.async_copy(tabs[t].at[idxv.at[b, t]], rbufs[t].at[b], semg)

    def wait_gathers(b, semg):
        for t in range(4):
            pltpu.make_async_copy(p1.at[pl.ds(0, CH)], rbufs[t].at[b],
                                  semg).wait()

    def fire_out(c, b, semo):
        pltpu.async_copy(sv.at[b], out.at[pl.ds(base(c) // 4, CH // 4)],
                         semo)

    def wait_out(c, b, semo):
        pltpu.make_async_copy(sv.at[b], out.at[pl.ds(base(c) // 4, CH // 4)],
                              semo).wait()

    UNROLL = 8

    def do_sum(b):
        def sum_body(t, carry):
            for u in range(UNROLL):
                row = t * UNROLL + u
                prow = 2 * t + u // 4
                for k in range(2):
                    sl = pl.ds(k * 16, 16)
                    psl = pl.ds((u % 4) * 32 + k * 16, 16)
                    sv[b, prow, psl] = (r1[b, row, sl] + r2[b, row, sl]
                                        + r3[b, row, sl] + r4[b, row, sl])
            return carry
        lax.fori_loop(0, CH // UNROLL, sum_body, None)

    def chunk(c, b, semg_b, semg_o, semo_b):
        @pl.when(c >= 2)
        def _():
            wait_out(c - 2, b, semo_b)

        @pl.when(c + 1 < NCHUNK)
        def _():
            wait_idx(1 - b)
            fire_gathers(c + 1, 1 - b, semg_o)

        wait_gathers(b, semg_b)

        @pl.when(c + 2 < NCHUNK)
        def _():
            fire_idx(c + 2, b)

        do_sum(b)
        fire_out(c, b, semo_b)

    fire_idx(0, 0)
    wait_idx(0)
    fire_gathers(0, 0, semg0)
    fire_idx(1, 1)

    def super_body(i, carry):
        chunk(2 * i, 0, semg0, semg1, semo0)
        chunk(2 * i + 1, 1, semg1, semg0, semo1)
        return carry

    lax.fori_loop(0, NCHUNK // 2, super_body, None)
    wait_out(NCHUNK - 2, 0, semo0)
    wait_out(NCHUNK - 1, 1, semo1)


def _sc_gather_sum(ix, P1, P2, P3, P4):
    mesh = plsc.VectorSubcoreMesh(core_axis_name="c", subcore_axis_name="s")
    fn = functools.partial(
        pl.kernel,
        out_type=jax.ShapeDtypeStruct((NTOK // 4, 128), jnp.float32),
        mesh=mesh,
        scratch_types=[
            pltpu.VMEM((2, 4, CH), jnp.int32),
            pltpu.VMEM((2, CH, D), jnp.float32),
            pltpu.VMEM((2, CH, D), jnp.float32),
            pltpu.VMEM((2, CH, D), jnp.float32),
            pltpu.VMEM((2, CH, D), jnp.float32),
            pltpu.VMEM((2, CH // 4, 128), jnp.float32),
            pltpu.VMEM_SHARED((1539, D), jnp.float32),
            pltpu.VMEM_SHARED((9456, D), jnp.float32),
            pltpu.VMEM_SHARED((914, D), jnp.float32),
            pltpu.VMEM_SHARED((10, D), jnp.float32),
            pltpu.SemaphoreType.DMA,
            pltpu.SemaphoreType.DMA,
            pltpu.SemaphoreType.DMA,
            pltpu.SemaphoreType.DMA,
            pltpu.SemaphoreType.DMA,
            pltpu.SemaphoreType.DMA,
        ],
        compiler_params=pltpu.CompilerParams(use_tc_tiling_on_sc=False),
    )(_sc_body)
    return fn(ix, P1, P2, P3, P4)


TBLK4 = 512


def _ln_body(s_ref, x_ref, R32, R64, Ex, SCe, SNe, SCo, SNo,
             bcat, gcat, btcat, wc4, bc4, acd, gnum, btnum,
             goc, gon, btoc, bton, o_ref):
    f32 = jnp.float32
    s = s_ref[...] + bcat[...]
    mu = jnp.dot(s, R32[...], preferred_element_type=f32)
    xc = s - mu
    var = jnp.dot(xc * xc, R32[...], preferred_element_type=f32)
    cat = xc * lax.rsqrt(var + EPS) * gcat[...] + btcat[...]

    xe = jnp.dot(Ex[...], x_ref[...], preferred_element_type=f32)
    ii = lax.broadcasted_iota(jnp.int32, (TBLK4, 128), 0)
    jj = lax.broadcasted_iota(jnp.int32, (TBLK4, 128), 1)
    x = jnp.take_along_axis(xe, 4 * (ii % 32) + jj // 32, axis=1)
    A = acd[0, 0]
    C = acd[0, 1]
    Dq = acd[0, 2]
    inv2 = lax.rsqrt(x * x * A + 2.0 * C * x + Dq + EPS)
    num = (x * wc4[...] + bc4[...]) * inv2 * gnum[...] + btnum[...]

    mu3 = jnp.dot(cat + num, R64[...], preferred_element_type=f32)
    cc = cat - mu3
    nc = num - mu3
    var3 = jnp.dot(cc * cc + nc * nc, R64[...], preferred_element_type=f32)
    r3 = lax.rsqrt(var3 + EPS)
    oc = cc * r3 * goc[...] + btoc[...]
    on = nc * r3 * gon[...] + bton[...]
    o_ref[:, 0, :] = (jnp.dot(oc, SCe[...], preferred_element_type=f32)
                      + jnp.dot(on, SNe[...], preferred_element_type=f32))
    o_ref[:, 1, :] = (jnp.dot(oc, SCo[...], preferred_element_type=f32)
                      + jnp.dot(on, SNo[...], preferred_element_type=f32))


def _sel(pairs):
    m = jnp.zeros((128, 128), dtype=jnp.float32)
    i = lax.broadcasted_iota(jnp.int32, (128, 128), 0)
    j = lax.broadcasted_iota(jnp.int32, (128, 128), 1)
    for src, dst in pairs:
        m = m + jnp.where((j >= dst) & (j < dst + 32) & (i == j - dst + src),
                          1.0, 0.0)
    return m


def _ln_stage(s, x, b_cat, g_cat, bt_cat, W_num, b_num, g_num, bt_num,
              g_out, bt_out):
    i = lax.broadcasted_iota(jnp.int32, (128, 128), 0)
    j = lax.broadcasted_iota(jnp.int32, (128, 128), 1)
    seg = jnp.where(i // 32 == j // 32, 1.0, 0.0)
    R32 = seg / 32.0
    R64 = seg / 64.0
    Ex = jnp.where(lax.broadcasted_iota(jnp.int32, (TBLK4, 16), 0) // 32
                   == lax.broadcasted_iota(jnp.int32, (TBLK4, 16), 1),
                   1.0, 0.0).astype(jnp.float32)
    SCe = _sel([(0, 0), (32, 64)])
    SNe = _sel([(0, 32), (32, 96)])
    SCo = _sel([(64, 0), (96, 64)])
    SNo = _sel([(64, 32), (96, 96)])

    w = W_num.reshape(D)
    bn = b_num
    wc = w - jnp.mean(w)
    bc = bn - jnp.mean(bn)
    acd = jnp.stack([jnp.mean(wc * wc), jnp.mean(wc * bc),
                     jnp.mean(bc * bc)]).reshape(1, 3)
    t4 = lambda v: jnp.tile(v, 4).reshape(1, 128)

    grid = (NTOK // 4 // TBLK4,)
    row = lambda g: (g, 0)
    const2 = lambda g: (0, 0)
    mat = pl.BlockSpec((128, 128), const2)
    vec = pl.BlockSpec((1, 128), const2)
    return pl.pallas_call(
        _ln_body,
        grid=grid,
        in_specs=[
            pl.BlockSpec((TBLK4, 128), row),
            pl.BlockSpec((TBLK4 // 32, 128), row),
            mat, mat, pl.BlockSpec((TBLK4, 16), const2),
            mat, mat, mat, mat,
            vec, vec, vec, vec, vec,
            pl.BlockSpec((1, 3), const2),
            vec, vec, vec, vec, vec, vec,
        ],
        out_specs=pl.BlockSpec((TBLK4, 2, 128), lambda g: (g, 0, 0)),
        out_shape=jax.ShapeDtypeStruct((NTOK // 4, 2, 128), jnp.float32),
    )(s, x, R32, R64, Ex, SCe, SNe, SCo, SNo,
      t4(b_cat), t4(g_cat), t4(bt_cat), t4(wc), t4(bc), acd,
      t4(g_num), t4(bt_num),
      t4(g_out[0:D]), t4(g_out[D:]), t4(bt_out[0:D]), t4(bt_out[D:]))


def kernel(test, question, tag, testTag, num_feat,
           E_test, E_q, E_tag, E_tt,
           W_cat, b_cat, g_cat, bt_cat,
           W_num, b_num, g_num, bt_num,
           g_out, bt_out):
    P1, P2, P3, P4 = _project_tables(E_test, E_q, E_tag, E_tt, W_cat)
    idx = lambda a: a.reshape(NTOK)
    ix = jnp.stack([idx(test), idx(question), idx(tag), idx(testTag)], axis=0)
    s = _sc_gather_sum(ix, P1, P2, P3, P4)
    out = _ln_stage(s, num_feat.reshape(NTOK // 128, 128),
                    b_cat, g_cat, bt_cat, W_num, b_num, g_num, bt_num,
                    g_out, bt_out)
    return out.reshape(B, L, HID)

# --- scband reference (transcript-rebuilt; emitter-appended) ---
"""Pipeline reference for scband-past-encoder-embedding-64647847739759 (READ-ONLY COPY).

The authoritative reference and input builder live on the scoring server;
editing this copy changes nothing except your own understanding.
"""

import jax, jax.numpy as jnp
import numpy as np

HID = 64
INTD = HID // 3  # 21
B, L = 4096, 200

def _ln(x, g, b, eps=1e-6):
    mu = jnp.mean(x, axis=-1, keepdims=True)
    var = jnp.mean((x - mu) ** 2, axis=-1, keepdims=True)
    return (x - mu) / jnp.sqrt(var + eps) * g + b

def setup_inputs(seed: int = 0) -> dict:
    key = jax.random.key(seed)
    ks = jax.random.split(key, 20)
    inp = {}
    inp['test'] = jax.random.randint(ks[0], (B, L), 0, 1539, dtype=jnp.int32)
    inp['question'] = jax.random.randint(ks[1], (B, L), 0, 9456, dtype=jnp.int32)
    inp['tag'] = jax.random.randint(ks[2], (B, L), 0, 914, dtype=jnp.int32)
    inp['testTag'] = jax.random.randint(ks[3], (B, L), 0, 10, dtype=jnp.int32)
    inp['num_feat'] = jax.random.normal(ks[4], (B, L), dtype=jnp.float32)
    # learned parameters
    inp['E_test'] = jax.random.normal(ks[5], (1539, INTD), dtype=jnp.float32)
    inp['E_q'] = jax.random.normal(ks[6], (9456, INTD), dtype=jnp.float32)
    inp['E_tag'] = jax.random.normal(ks[7], (914, INTD), dtype=jnp.float32)
    inp['E_tt'] = jax.random.normal(ks[8], (10, INTD), dtype=jnp.float32)
    inp['W_cat'] = jax.random.normal(ks[9], (INTD * 4, HID // 2), dtype=jnp.float32) * 0.05
    inp['b_cat'] = jnp.zeros((HID // 2,), dtype=jnp.float32)
    inp['g_cat'] = jnp.ones((HID // 2,), dtype=jnp.float32)
    inp['bt_cat'] = jnp.zeros((HID // 2,), dtype=jnp.float32)
    inp['W_num'] = jax.random.normal(ks[10], (1, HID // 2), dtype=jnp.float32) * 0.05
    inp['b_num'] = jnp.zeros((HID // 2,), dtype=jnp.float32)
    inp['g_num'] = jnp.ones((HID // 2,), dtype=jnp.float32)
    inp['bt_num'] = jnp.zeros((HID // 2,), dtype=jnp.float32)
    inp['g_out'] = jnp.ones((HID,), dtype=jnp.float32)
    inp['bt_out'] = jnp.zeros((HID,), dtype=jnp.float32)
    return inp

def reference(test, question, tag, testTag, num_feat,
              E_test, E_q, E_tag, E_tt,
              W_cat, b_cat, g_cat, bt_cat,
              W_num, b_num, g_num, bt_num,
              g_out, bt_out):
    # categorical embedding gathers (SparseCore-friendly)
    e1 = jnp.take(E_test, test, axis=0)
    e2 = jnp.take(E_q, question, axis=0)
    e3 = jnp.take(E_tag, tag, axis=0)
    e4 = jnp.take(E_tt, testTag, axis=0)
    cat = jnp.concatenate([e1, e2, e3, e4], axis=-1)  # [B, L, 4*intd]
    cat = _ln(cat @ W_cat + b_cat, g_cat, bt_cat)
    # single numeric feature: unsqueeze(-1) then concat along dim 0 (faithful to torch.concat default dim=0)
    num = num_feat[..., None]  # list of one tensor -> concat dim 0 is identity
    num = _ln(num @ W_num + b_num, g_num, bt_num)
    out = jnp.concatenate([cat, num], axis=-1)
    out = _ln(out, g_out, bt_out)
    return out

if __name__ == "__main__":
    import jax
    _d = setup_inputs()
    print(jax.jit(kernel)(*tuple(_d.values())))

</pallas_src>

<mosaic_0001>
#map = affine_map<(d0, d1) -> (0, 0)>
module attributes {stable_mosaic.version = 14 : i64} {
  func.func @_sc_body(%arg0: i32, %arg1: i32, %arg2: memref<4x819200xi32, #tpu.memory_space<hbm>>, %arg3: memref<1539x32xf32, #tpu.memory_space<hbm>>, %arg4: memref<9456x32xf32, #tpu.memory_space<hbm>>, %arg5: memref<914x32xf32, #tpu.memory_space<hbm>>, %arg6: memref<10x32xf32, #tpu.memory_space<hbm>>, %arg7: memref<204800x128xf32, #tpu.memory_space<hbm>>, %arg8: memref<2x4x256xi32, #tpu.memory_space<vmem>>, %arg9: memref<2x256x32xf32, #tpu.memory_space<vmem>>, %arg10: memref<2x256x32xf32, #tpu.memory_space<vmem>>, %arg11: memref<2x256x32xf32, #tpu.memory_space<vmem>>, %arg12: memref<2x256x32xf32, #tpu.memory_space<vmem>>, %arg13: memref<2x64x128xf32, #tpu.memory_space<vmem>>, %arg14: memref<1539x32xf32, #tpu.memory_space<vmem_shared>>, %arg15: memref<9456x32xf32, #tpu.memory_space<vmem_shared>>, %arg16: memref<914x32xf32, #tpu.memory_space<vmem_shared>>, %arg17: memref<10x32xf32, #tpu.memory_space<vmem_shared>>, %arg18: memref<!tpu.dma_semaphore, #tpu.memory_space<semaphore_mem>>, %arg19: memref<!tpu.dma_semaphore, #tpu.memory_space<semaphore_mem>>, %arg20: memref<!tpu.dma_semaphore, #tpu.memory_space<semaphore_mem>>, %arg21: memref<!tpu.dma_semaphore, #tpu.memory_space<semaphore_mem>>, %arg22: memref<!tpu.dma_semaphore, #tpu.memory_space<semaphore_mem>>, %arg23: memref<!tpu.dma_semaphore, #tpu.memory_space<semaphore_mem>>) attributes {dimension_semantics = [#tpu.dimension_semantics<core_parallel>, #tpu.dimension_semantics<subcore_parallel>], iteration_bounds = array<i64: 2, 16>, scalar_prefetch = 0 : i64, scratch_operands = 16 : i64, tpu.core_type = #tpu.core_type<sc_vector_subcore>, window_params = [{transform_indices = #map}, {transform_indices = #map}, {transform_indices = #map}, {transform_indices = #map}, {transform_indices = #map}, {transform_indices = #map}]} {
    %mul3A = arith.constant 2 : i32
    %mul3A_0 = arith.muli %arg1, %mul3A : i32
    %add3A = arith.addi %mul3A_0, %arg0 : i32
    %eq3A = arith.constant 0 : i32
    %eq3A_1 = arith.cmpi eq, %arg1, %eq3A : i32
    %convert_element_type3A = arith.extui %eq3A_1 : i1 to i32
    %cond3A = arith.constant 0 : i32
    %cond3A_2 = arith.cmpi ne, %convert_element_type3A, %cond3A : i32
    scf.if %cond3A_2 {
      tpu.enqueue_dma source(%arg3 : memref<1539x32xf32, #tpu.memory_space<hbm>>) target(%arg14 : memref<1539x32xf32, #tpu.memory_space<vmem_shared>>) target_semaphore(%arg23 : memref<!tpu.dma_semaphore, #tpu.memory_space<semaphore_mem>>)
      tpu.enqueue_dma source(%arg4 : memref<9456x32xf32, #tpu.memory_space<hbm>>) target(%arg15 : memref<9456x32xf32, #tpu.memory_space<vmem_shared>>) target_semaphore(%arg23 : memref<!tpu.dma_semaphore, #tpu.memory_space<semaphore_mem>>)
      tpu.enqueue_dma source(%arg5 : memref<914x32xf32, #tpu.memory_space<hbm>>) target(%arg16 : memref<914x32xf32, #tpu.memory_space<vmem_shared>>) target_semaphore(%arg23 : memref<!tpu.dma_semaphore, #tpu.memory_space<semaphore_mem>>)
      tpu.enqueue_dma source(%arg6 : memref<10x32xf32, #tpu.memory_space<hbm>>) target(%arg17 : memref<10x32xf32, #tpu.memory_space<vmem_shared>>) target_semaphore(%arg23 : memref<!tpu.dma_semaphore, #tpu.memory_space<semaphore_mem>>)
      tpu.wait_dma2 semaphore(%arg23 : memref<!tpu.dma_semaphore, #tpu.memory_space<semaphore_mem>>) src(%arg3 : memref<1539x32xf32, #tpu.memory_space<hbm>>) dst(%arg14 : memref<1539x32xf32, #tpu.memory_space<vmem_shared>>)
      tpu.wait_dma2 semaphore(%arg23 : memref<!tpu.dma_semaphore, #tpu.memory_space<semaphore_mem>>) src(%arg4 : memref<9456x32xf32, #tpu.memory_space<hbm>>) dst(%arg15 : memref<9456x32xf32, #tpu.memory_space<vmem_shared>>)
      tpu.wait_dma2 semaphore(%arg23 : memref<!tpu.dma_semaphore, #tpu.memory_space<semaphore_mem>>) src(%arg5 : memref<914x32xf32, #tpu.memory_space<hbm>>) dst(%arg16 : memref<914x32xf32, #tpu.memory_space<vmem_shared>>)
      tpu.wait_dma2 semaphore(%arg23 : memref<!tpu.dma_semaphore, #tpu.memory_space<semaphore_mem>>) src(%arg6 : memref<10x32xf32, #tpu.memory_space<hbm>>) dst(%arg17 : memref<10x32xf32, #tpu.memory_space<vmem_shared>>)
    } else {
    }
    %barrier3A = arith.constant 0 : index
    tpu.barrier barrier_id(%barrier3A)
    %mul3A_3 = arith.constant 25600 : i32
    %mul3A_4 = arith.muli %add3A, %mul3A_3 : i32
    %add3A_5 = arith.constant 0 : i32
    %add3A_6 = arith.addi %mul3A_4, %add3A_5 : i32
    %dma_start3A = arith.constant 0 : i32
    %dma_start3A_7 = arith.constant 0 : i32
    %dma_start3A_8 = arith.constant 0 : i32
    %dma_start3A_9 = arith.constant 0 : i32
    %dma_start3A_10 = tpu.memref_slice %arg8[%dma_start3A_7, %dma_start3A_8, %dma_start3A_9] : memref<2x4x256xi32, #tpu.memory_space<vmem>> -> memref<1x1x256xi32, #tpu.memory_space<vmem>>
    %dma_start3A_11 = tpu.memref_squeeze %dma_start3A_10 : memref<1x1x256xi32, #tpu.memory_space<vmem>> -> memref<256xi32, #tpu.memory_space<vmem>>
    %dma_start3A_12 = tpu.memref_slice %arg2[%dma_start3A, %add3A_6] : memref<4x819200xi32, #tpu.memory_space<hbm>> -> memref<1x256xi32, #tpu.memory_space<hbm>>
    %dma_start3A_13 = tpu.memref_squeeze %dma_start3A_12 : memref<1x256xi32, #tpu.memory_space<hbm>> -> memref<256xi32, #tpu.memory_space<hbm>>
    %dma_start3A_14 = arith.constant 0 : i32
    %dma_start3A_15 = tpu.memref_slice %arg8[%dma_start3A_7, %dma_start3A_8, %dma_start3A_14] : memref<2x4x256xi32, #tpu.memory_space<vmem>> -> memref<1x1x256xi32, #tpu.memory_space<vmem>>
    %dma_start3A_16 = tpu.memref_squeeze %dma_start3A_15 : memref<1x1x256xi32, #tpu.memory_space<vmem>> -> memref<256xi32, #tpu.memory_space<vmem>>
    %dma_start3A_17 = tpu.memref_slice %arg2[%dma_start3A, %add3A_6] : memref<4x819200xi32, #tpu.memory_space<hbm>> -> memref<1x256xi32, #tpu.memory_space<hbm>>
    %dma_start3A_18 = tpu.memref_squeeze %dma_start3A_17 : memref<1x256xi32, #tpu.memory_space<hbm>> -> memref<256xi32, #tpu.memory_space<hbm>>
    tpu.enqueue_dma source(%dma_start3A_18 : memref<256xi32, #tpu.memory_space<hbm>>) target(%dma_start3A_16 : memref<256xi32, #tpu.memory_space<vmem>>) target_semaphore(%arg18 : memref<!tpu.dma_semaphore, #tpu.memory_space<semaphore_mem>>)
    %mul3A_19 = arith.constant 25600 : i32
    %mul3A_20 = arith.muli %add3A, %mul3A_19 : i32
    %add3A_21 = arith.constant 0 : i32
    %add3A_22 = arith.addi %mul3A_20, %add3A_21 : i32
    %dma_start3A_23 = arith.constant 1 : i32
    %dma_start3A_24 = arith.constant 0 : i32
    %dma_start3A_25 = arith.constant 1 : i32
    %dma_start3A_26 = arith.constant 0 : i32
    %dma_start3A_27 = tpu.memref_slice %arg8[%dma_start3A_24, %dma_start3A_25, %dma_start3A_26] : memref<2x4x256xi32, #tpu.memory_space<vmem>> -> memref<1x1x256xi32, #tpu.memory_space<vmem>>
    %dma_start3A_28 = tpu.memref_squeeze %dma_start3A_27 : memref<1x1x256xi32, #tpu.memory_space<vmem>> -> memref<256xi32, #tpu.memory_space<vmem>>
    %dma_start3A_29 = tpu.memref_slice %arg2[%dma_start3A_23, %add3A_22] : memref<4x819200xi32, #tpu.memory_space<hbm>> -> memref<1x256xi32, #tpu.memory_space<hbm>>
    %dma_start3A_30 = tpu.memref_squeeze %dma_start3A_29 : memref<1x256xi32, #tpu.memory_space<hbm>> -> memref<256xi32, #tpu.memory_space<hbm>>
    %dma_start3A_31 = arith.constant 0 : i32
    %dma_start3A_32 = tpu.memref_slice %arg8[%dma_start3A_24, %dma_start3A_25, %dma_start3A_31] : memref<2x4x256xi32, #tpu.memory_space<vmem>> -> memref<1x1x256xi32, #tpu.memory_space<vmem>>
    %dma_start3A_33 = tpu.memref_squeeze %dma_start3A_32 : memref<1x1x256xi32, #tpu.memory_space<vmem>> -> memref<256xi32, #tpu.memory_space<vmem>>
    %dma_start3A_34 = tpu.memref_slice %arg2[%dma_start3A_23, %add3A_22] : memref<4x819200xi32, #tpu.memory_space<hbm>> -> memref<1x256xi32, #tpu.memory_space<hbm>>
    %dma_start3A_35 = tpu.memref_squeeze %dma_start3A_34 : memref<1x256xi32, #tpu.memory_space<hbm>> -> memref<256xi32, #tpu.memory_space<hbm>>
    tpu.enqueue_dma source(%dma_start3A_35 : memref<256xi32, #tpu.memory_space<hbm>>) target(%dma_start3A_33 : memref<256xi32, #tpu.memory_space<vmem>>) target_semaphore(%arg18 : memref<!tpu.dma_semaphore, #tpu.memory_space<semaphore_mem>>)
    %mul3A_36 = arith.constant 25600 : i32
    %mul3A_37 = arith.muli %add3A, %mul3A_36 : i32
    %add3A_38 = arith.constant 0 : i32
    %add3A_39 = arith.addi %mul3A_37, %add3A_38 : i32
    %dma_start3A_40 = arith.constant 2 : i32
    %dma_start3A_41 = arith.constant 0 : i32
    %dma_start3A_42 = arith.constant 2 : i32
    %dma_start3A_43 = arith.constant 0 : i32
    %dma_start3A_44 = tpu.memref_slice %arg8[%dma_start3A_41, %dma_start3A_42, %dma_start3A_43] : memref<2x4x256xi32, #tpu.memory_space<vmem>> -> memref<1x1x256xi32, #tpu.memory_space<vmem>>
    %dma_start3A_45 = tpu.memref_squeeze %dma_start3A_44 : memref<1x1x256xi32, #tpu.memory_space<vmem>> -> memref<256xi32, #tpu.memory_space<vmem>>
    %dma_start3A_46 = tpu.memref_slice %arg2[%dma_start3A_40, %add3A_39] : memref<4x819200xi32, #tpu.memory_space<hbm>> -> memref<1x256xi32, #tpu.memory_space<hbm>>
    %dma_start3A_47 = tpu.memref_squeeze %dma_start3A_46 : memref<1x256xi32, #tpu.memory_space<hbm>> -> memref<256xi32, #tpu.memory_space<hbm>>
    %dma_start3A_48 = arith.constant 0 : i32
    %dma_start3A_49 = tpu.memref_slice %arg8[%dma_start3A_41, %dma_start3A_42, %dma_start3A_48] : memref<2x4x256xi32, #tpu.memory_space<vmem>> -> memref<1x1x256xi32, #tpu.memory_space<vmem>>
    %dma_start3A_50 = tpu.memref_squeeze %dma_start3A_49 : memref<1x1x256xi32, #tpu.memory_space<vmem>> -> memref<256xi32, #tpu.memory_space<vmem>>
    %dma_start3A_51 = tpu.memref_slice %arg2[%dma_start3A_40, %add3A_39] : memref<4x819200xi32, #tpu.memory_space<hbm>> -> memref<1x256xi32, #tpu.memory_space<hbm>>
    %dma_start3A_52 = tpu.memref_squeeze %dma_start3A_51 : memref<1x256xi32, #tpu.memory_space<hbm>> -> memref<256xi32, #tpu.memory_space<hbm>>
    tpu.enqueue_dma source(%dma_start3A_52 : memref<256xi32, #tpu.memory_space<hbm>>) target(%dma_start3A_50 : memref<256xi32, #tpu.memory_space<vmem>>) target_semaphore(%arg18 : memref<!tpu.dma_semaphore, #tpu.memory_space<semaphore_mem>>)
    %mul3A_53 = arith.constant 25600 : i32
    %mul3A_54 = arith.muli %add3A, %mul3A_53 : i32
    %add3A_55 = arith.constant 0 : i32
    %add3A_56 = arith.addi %mul3A_54, %add3A_55 : i32
    %dma_start3A_57 = arith.constant 3 : i32
    %dma_start3A_58 = arith.constant 0 : i32
    %dma_start3A_59 = arith.constant 3 : i32
    %dma_start3A_60 = arith.constant 0 : i32
    %dma_start3A_61 = tpu.memref_slice %arg8[%dma_start3A_58, %dma_start3A_59, %dma_start3A_60] : memref<2x4x256xi32, #tpu.memory_space<vmem>> -> memref<1x1x256xi32, #tpu.memory_space<vmem>>
    %dma_start3A_62 = tpu.memref_squeeze %dma_start3A_61 : memref<1x1x256xi32, #tpu.memory_space<vmem>> -> memref<256xi32, #tpu.memory_space<vmem>>
    %dma_start3A_63 = tpu.memref_slice %arg2[%dma_start3A_57, %add3A_56] : memref<4x819200xi32, #tpu.memory_space<hbm>> -> memref<1x256xi32, #tpu.memory_space<hbm>>
    %dma_start3A_64 = tpu.memref_squeeze %dma_start3A_63 : memref<1x256xi32, #tpu.memory_space<hbm>> -> memref<256xi32, #tpu.memory_space<hbm>>
    %dma_start3A_65 = arith.constant 0 : i32
    %dma_start3A_66 = tpu.memref_slice %arg8[%dma_start3A_58, %dma_start3A_59, %dma_start3A_65] : memref<2x4x256xi32, #tpu.memory_space<vmem>> -> memref<1x1x256xi32, #tpu.memory_space<vmem>>
    %dma_start3A_67 = tpu.memref_squeeze %dma_start3A_66 : memref<1x1x256xi32, #tpu.memory_space<vmem>> -> memref<256xi32, #tpu.memory_space<vmem>>
    %dma_start3A_68 = tpu.memref_slice %arg2[%dma_start3A_57, %add3A_56] : memref<4x819200xi32, #tpu.memory_space<hbm>> -> memref<1x256xi32, #tpu.memory_space<hbm>>
    %dma_start3A_69 = tpu.memref_squeeze %dma_start3A_68 : memref<1x256xi32, #tpu.memory_space<hbm>> -> memref<256xi32, #tpu.memory_space<hbm>>
    tpu.enqueue_dma source(%dma_start3A_69 : memref<256xi32, #tpu.memory_space<hbm>>) target(%dma_start3A_67 : memref<256xi32, #tpu.memory_space<vmem>>) target_semaphore(%arg18 : memref<!tpu.dma_semaphore, #tpu.memory_space<semaphore_mem>>)
    %dma_wait3A = arith.constant 0 : i32
    %dma_wait3A_70 = arith.constant 0 : i32
    %dma_wait3A_71 = arith.constant 0 : i32
    %dma_wait3A_72 = arith.constant 0 : i32
    %dma_wait3A_73 = tpu.memref_slice %arg8[%dma_wait3A_70, %dma_wait3A_71, %dma_wait3A_72] : memref<2x4x256xi32, #tpu.memory_space<vmem>> -> memref<1x1x256xi32, #tpu.memory_space<vmem>>
    %dma_wait3A_74 = tpu.memref_squeeze %dma_wait3A_73 : memref<1x1x256xi32, #tpu.memory_space<vmem>> -> memref<256xi32, #tpu.memory_space<vmem>>
    %dma_wait3A_75 = arith.constant 0 : i32
    %dma_wait3A_76 = tpu.memref_slice %arg2[%dma_wait3A, %dma_wait3A_75] : memref<4x819200xi32, #tpu.memory_space<hbm>> -> memref<1x256xi32, #tpu.memory_space<hbm>>
    %dma_wait3A_77 = tpu.memref_squeeze %dma_wait3A_76 : memref<1x256xi32, #tpu.memory_space<hbm>> -> memref<256xi32, #tpu.memory_space<hbm>>
    %dma_wait3A_78 = arith.constant 0 : i32
    %dma_wait3A_79 = tpu.memref_slice %arg8[%dma_wait3A_70, %dma_wait3A_71, %dma_wait3A_78] : memref<2x4x256xi32, #tpu.memory_space<vmem>> -> memref<1x1x256xi32, #tpu.memory_space<vmem>>
    %dma_wait3A_80 = tpu.memref_squeeze %dma_wait3A_79 : memref<1x1x256xi32, #tpu.memory_space<vmem>> -> memref<256xi32, #tpu.memory_space<vmem>>
    %dma_wait3A_81 = arith.constant 0 : i32
    %dma_wait3A_82 = tpu.memref_slice %arg2[%dma_wait3A, %dma_wait3A_81] : memref<4x819200xi32, #tpu.memory_space<hbm>> -> memref<1x256xi32, #tpu.memory_space<hbm>>
    %dma_wait3A_83 = tpu.memref_squeeze %dma_wait3A_82 : memref<1x256xi32, #tpu.memory_space<hbm>> -> memref<256xi32, #tpu.memory_space<hbm>>
    tpu.wait_dma2 semaphore(%arg18 : memref<!tpu.dma_semaphore, #tpu.memory_space<semaphore_mem>>) src(%dma_wait3A_83 : memref<256xi32, #tpu.memory_space<hbm>>) dst(%dma_wait3A_80 : memref<256xi32, #tpu.memory_space<vmem>>)
    %dma_wait3A_84 = arith.constant 0 : i32
    %dma_wait3A_85 = arith.constant 0 : i32
    %dma_wait3A_86 = arith.constant 1 : i32
    %dma_wait3A_87 = arith.constant 0 : i32
    %dma_wait3A_88 = tpu.memref_slice %arg8[%dma_wait3A_85, %dma_wait3A_86, %dma_wait3A_87] : memref<2x4x256xi32, #tpu.memory_space<vmem>> -> memref<1x1x256xi32, #tpu.memory_space<vmem>>
    %dma_wait3A_89 = tpu.memref_squeeze %dma_wait3A_88 : memref<1x1x256xi32, #tpu.memory_space<vmem>> -> memref<256xi32, #tpu.memory_space<vmem>>
    %dma_wait3A_90 = arith.constant 0 : i32
    %dma_wait3A_91 = tpu.memref_slice %arg2[%dma_wait3A_84, %dma_wait3A_90] : memref<4x819200xi32, #tpu.memory_space<hbm>> -> memref<1x256xi32, #tpu.memory_space<hbm>>
    %dma_wait3A_92 = tpu.memref_squeeze %dma_wait3A_91 : memref<1x256xi32, #tpu.memory_space<hbm>> -> memref<256xi32, #tpu.memory_space<hbm>>
    %dma_wait3A_93 = arith.constant 0 : i32
    %dma_wait3A_94 = tpu.memref_slice %arg8[%dma_wait3A_85, %dma_wait3A_86, %dma_wait3A_93] : memref<2x4x256xi32, #tpu.memory_space<vmem>> -> memref<1x1x256xi32, #tpu.memory_space<vmem>>
    %dma_wait3A_95 = tpu.memref_squeeze %dma_wait3A_94 : memref<1x1x256xi32, #tpu.memory_space<vmem>> -> memref<256xi32, #tpu.memory_space<vmem>>
    %dma_wait3A_96 = arith.constant 0 : i32
    %dma_wait3A_97 = tpu.memref_slice %arg2[%dma_wait3A_84, %dma_wait3A_96] : memref<4x819200xi32, #tpu.memory_space<hbm>> -> memref<1x256xi32, #tpu.memory_space<hbm>>
    %dma_wait3A_98 = tpu.memref_squeeze %dma_wait3A_97 : memref<1x256xi32, #tpu.memory_space<hbm>> -> memref<256xi32, #tpu.memory_space<hbm>>
    tpu.wait_dma2 semaphore(%arg18 : memref<!tpu.dma_semaphore, #tpu.memory_space<semaphore_mem>>) src(%dma_wait3A_98 : memref<256xi32, #tpu.memory_space<hbm>>) dst(%dma_wait3A_95 : memref<256xi32, #tpu.memory_space<vmem>>)
    %dma_wait3A_99 = arith.constant 0 : i32
    %dma_wait3A_100 = arith.constant 0 : i32
    %dma_wait3A_101 = arith.constant 2 : i32
    %dma_wait3A_102 = arith.constant 0 : i32
    %dma_wait3A_103 = tpu.memref_slice %arg8[%dma_wait3A_100, %dma_wait3A_101, %dma_wait3A_102] : memref<2x4x256xi32, #tpu.memory_space<vmem>> -> memref<1x1x256xi32, #tpu.memory_space<vmem>>
    %dma_wait3A_104 = tpu.memref_squeeze %dma_wait3A_103 : memref<1x1x256xi32, #tpu.memory_space<vmem>> -> memref<256xi32, #tpu.memory_space<vmem>>
    %dma_wait3A_105 = arith.constant 0 : i32
    %dma_wait3A_106 = tpu.memref_slice %arg2[%dma_wait3A_99, %dma_wait3A_105] : memref<4x819200xi32, #tpu.memory_space<hbm>> -> memref<1x256xi32, #tpu.memory_space<hbm>>
    %dma_wait3A_107 = tpu.memref_squeeze %dma_wait3A_106 : memref<1x256xi32, #tpu.memory_space<hbm>> -> memref<256xi32, #tpu.memory_space<hbm>>
    %dma_wait3A_108 = arith.constant 0 : i32
    %dma_wait3A_109 = tpu.memref_slice %arg8[%dma_wait3A_100, %dma_wait3A_101, %dma_wait3A_108] : memref<2x4x256xi32, #tpu.memory_space<vmem>> -> memref<1x1x256xi32, #tpu.memory_space<vmem>>
    %dma_wait3A_110 = tpu.memref_squeeze %dma_wait3A_109 : memref<1x1x256xi32, #tpu.memory_space<vmem>> -> memref<256xi32, #tpu.memory_space<vmem>>
    %dma_wait3A_111 = arith.constant 0 : i32
    %dma_wait3A_112 = tpu.memref_slice %arg2[%dma_wait3A_99, %dma_wait3A_111] : memref<4x819200xi32, #tpu.memory_space<hbm>> -> memref<1x256xi32, #tpu.memory_space<hbm>>
    %dma_wait3A_113 = tpu.memref_squeeze %dma_wait3A_112 : memref<1x256xi32, #tpu.memory_space<hbm>> -> memref<256xi32, #tpu.memory_space<hbm>>
    tpu.wait_dma2 semaphore(%arg18 : memref<!tpu.dma_semaphore, #tpu.memory_space<semaphore_mem>>) src(%dma_wait3A_113 : memref<256xi32, #tpu.memory_space<hbm>>) dst(%dma_wait3A_110 : memref<256xi32, #tpu.memory_space<vmem>>)
    %dma_wait3A_114 = arith.constant 0 : i32
    %dma_wait3A_115 = arith.constant 0 : i32
    %dma_wait3A_116 = arith.constant 3 : i32
    %dma_wait3A_117 = arith.constant 0 : i32
    %dma_wait3A_118 = tpu.memref_slice %arg8[%dma_wait3A_115, %dma_wait3A_116, %dma_wait3A_117] : memref<2x4x256xi32, #tpu.memory_space<vmem>> -> memref<1x1x256xi32, #tpu.memory_space<vmem>>
    %dma_wait3A_119 = tpu.memref_squeeze %dma_wait3A_118 : memref<1x1x256xi32, #tpu.memory_space<vmem>> -> memref<256xi32, #tpu.memory_space<vmem>>
    %dma_wait3A_120 = arith.constant 0 : i32
    %dma_wait3A_121 = tpu.memref_slice %arg2[%dma_wait3A_114, %dma_wait3A_120] : memref<4x819200xi32, #tpu.memory_space<hbm>> -> memref<1x256xi32, #tpu.memory_space<hbm>>
    %dma_wait3A_122 = tpu.memref_squeeze %dma_wait3A_121 : memref<1x256xi32, #tpu.memory_space<hbm>> -> memref<256xi32, #tpu.memory_space<hbm>>
    %dma_wait3A_123 = arith.constant 0 : i32
    %dma_wait3A_124 = tpu.memref_slice %arg8[%dma_wait3A_115, %dma_wait3A_116, %dma_wait3A_123] : memref<2x4x256xi32, #tpu.memory_space<vmem>> -> memref<1x1x256xi32, #tpu.memory_space<vmem>>
    %dma_wait3A_125 = tpu.memref_squeeze %dma_wait3A_124 : memref<1x1x256xi32, #tpu.memory_space<vmem>> -> memref<256xi32, #tpu.memory_space<vmem>>
    %dma_wait3A_126 = arith.constant 0 : i32
    %dma_wait3A_127 = tpu.memref_slice %arg2[%dma_wait3A_114, %dma_wait3A_126] : memref<4x819200xi32, #tpu.memory_space<hbm>> -> memref<1x256xi32, #tpu.memory_space<hbm>>
    %dma_wait3A_128 = tpu.memref_squeeze %dma_wait3A_127 : memref<1x256xi32, #tpu.memory_space<hbm>> -> memref<256xi32, #tpu.memory_space<hbm>>
    tpu.wait_dma2 semaphore(%arg18 : memref<!tpu.dma_semaphore, #tpu.memory_space<semaphore_mem>>) src(%dma_wait3A_128 : memref<256xi32, #tpu.memory_space<hbm>>) dst(%dma_wait3A_125 : memref<256xi32, #tpu.memory_space<vmem>>)
    %dma_start3A_129 = arith.constant 0 : i32
    %dma_start3A_130 = arith.constant 0 : i32
    %dma_start3A_131 = arith.constant 0 : i32
    %dma_start3A_132 = arith.constant 0 : i32
    %dma_start3A_133 = arith.constant 0 : i32
    %dma_start3A_134 = tpu.memref_slice %arg9[%dma_start3A_131, %dma_start3A_132, %dma_start3A_133] : memref<2x256x32xf32, #tpu.memory_space<vmem>> -> memref<1x256x32xf32, #tpu.memory_space<vmem>>
    %dma_start3A_135 = tpu.memref_squeeze %dma_start3A_134 : memref<1x256x32xf32, #tpu.memory_space<vmem>> -> memref<256x32xf32, #tpu.memory_space<vmem>>
    %dma_start3A_136 = arith.constant 0 : i32
    %dma_start3A_137 = tpu.memref_slice %arg8[%dma_start3A_129, %dma_start3A_130, %dma_start3A_136] : memref<2x4x256xi32, #tpu.memory_space<vmem>> -> memref<1x1x256xi32, #tpu.memory_space<vmem>>
    %dma_start3A_138 = tpu.memref_squeeze %dma_start3A_137 : memref<1x1x256xi32, #tpu.memory_space<vmem>> -> memref<256xi32, #tpu.memory_space<vmem>>
    %dma_start3A_139 = arith.constant 0 : i32
    %dma_start3A_140 = arith.constant 0 : i32
    %dma_start3A_141 = tpu.memref_slice %arg14[%dma_start3A_139, %dma_start3A_140] : memref<1539x32xf32, #tpu.memory_space<vmem_shared>> -> memref<1539x32xf32, #tpu.memory_space<vmem_shared>>
    tpu.enqueue_indirect_dma source(%dma_start3A_141 : memref<1539x32xf32, #tpu.memory_space<vmem_shared>>) target(%dma_start3A_135 : memref<256x32xf32, #tpu.memory_space<vmem>>) offsets(%dma_start3A_138 : memref<256xi32, #tpu.memory_space<vmem>>) semaphore(%arg19 : memref<!tpu.dma_semaphore, #tpu.memory_space<semaphore_mem>>)
    %dma_start3A_142 = arith.constant 0 : i32
    %dma_start3A_143 = arith.constant 1 : i32
    %dma_start3A_144 = arith.constant 0 : i32
    %dma_start3A_145 = arith.constant 0 : i32
    %dma_start3A_146 = arith.constant 0 : i32
    %dma_start3A_147 = tpu.memref_slice %arg10[%dma_start3A_144, %dma_start3A_145, %dma_start3A_146] : memref<2x256x32xf32, #tpu.memory_space<vmem>> -> memref<1x256x32xf32, #tpu.memory_space<vmem>>
    %dma_start3A_148 = tpu.memref_squeeze %dma_start3A_147 : memref<1x256x32xf32, #tpu.memory_space<vmem>> -> memref<256x32xf32, #tpu.memory_space<vmem>>
    %dma_start3A_149 = arith.constant 0 : i32
    %dma_start3A_150 = tpu.memref_slice %arg8[%dma_start3A_142, %dma_start3A_143, %dma_start3A_149] : memref<2x4x256xi32, #tpu.memory_space<vmem>> -> memref<1x1x256xi32, #tpu.memory_space<vmem>>
    %dma_start3A_151 = tpu.memref_squeeze %dma_start3A_150 : memref<1x1x256xi32, #tpu.memory_space<vmem>> -> memref<256xi32, #tpu.memory_space<vmem>>
    %dma_start3A_152 = arith.constant 0 : i32
    %dma_start3A_153 = arith.constant 0 : i32
    %dma_start3A_154 = tpu.memref_slice %arg15[%dma_start3A_152, %dma_start3A_153] : memref<9456x32xf32, #tpu.memory_space<vmem_shared>> -> memref<9456x32xf32, #tpu.memory_space<vmem_shared>>
    tpu.enqueue_indirect_dma source(%dma_start3A_154 : memref<9456x32xf32, #tpu.memory_space<vmem_shared>>) target(%dma_start3A_148 : memref<256x32xf32, #tpu.memory_space<vmem>>) offsets(%dma_start3A_151 : memref<256xi32, #tpu.memory_space<vmem>>) semaphore(%arg19 : memref<!tpu.dma_semaphore, #tpu.memory_space<semaphore_mem>>)
    %dma_start3A_155 = arith.constant 0 : i32
    %dma_start3A_156 = arith.constant 2 : i32
    %dma_start3A_157 = arith.constant 0 : i32
    %dma_start3A_158 = arith.constant 0 : i32
    %dma_start3A_159 = arith.constant 0 : i32
    %dma_start3A_160 = tpu.memref_slice %arg11[%dma_start3A_157, %dma_start3A_158, %dma_start3A_159] : memref<2x256x32xf32, #tpu.memory_space<vmem>> -> memref<1x256x32xf32, #tpu.memory_space<vmem>>
    %dma_start3A_161 = tpu.memref_squeeze %dma_start3A_160 : memref<1x256x32xf32, #tpu.memory_space<vmem>> -> memref<256x32xf32, #tpu.memory_space<vmem>>
    %dma_start3A_162 = arith.constant 0 : i32
    %dma_start3A_163 = tpu.memref_slice %arg8[%dma_start3A_155, %dma_start3A_156, %dma_start3A_162] : memref<2x4x256xi32, #tpu.memory_space<vmem>> -> memref<1x1x256xi32, #tpu.memory_space<vmem>>
    %dma_start3A_164 = tpu.memref_squeeze %dma_start3A_163 : memref<1x1x256xi32, #tpu.memory_space<vmem>> -> memref<256xi32, #tpu.memory_space<vmem>>
    %dma_start3A_165 = arith.constant 0 : i32
    %dma_start3A_166 = arith.constant 0 : i32
    %dma_start3A_167 = tpu.memref_slice %arg16[%dma_start3A_165, %dma_start3A_166] : memref<914x32xf32, #tpu.memory_space<vmem_shared>> -> memref<914x32xf32, #tpu.memory_space<vmem_shared>>
    tpu.enqueue_indirect_dma source(%dma_start3A_167 : memref<914x32xf32, #tpu.memory_space<vmem_shared>>) target(%dma_start3A_161 : memref<256x32xf32, #tpu.memory_space<vmem>>) offsets(%dma_start3A_164 : memref<256xi32, #tpu.memory_space<vmem>>) semaphore(%arg19 : memref<!tpu.dma_semaphore, #tpu.memory_space<semaphore_mem>>)
    %dma_start3A_168 = arith.constant 0 : i32
    %dma_start3A_169 = arith.constant 3 : i32
    %dma_start3A_170 = arith.constant 0 : i32
    %dma_start3A_171 = arith.constant 0 : i32
    %dma_start3A_172 = arith.constant 0 : i32
    %dma_start3A_173 = tpu.memref_slice %arg12[%dma_start3A_170, %dma_start3A_171, %dma_start3A_172] : memref<2x256x32xf32, #tpu.memory_space<vmem>> -> memref<1x256x32xf32, #tpu.memory_space<vmem>>
    %dma_start3A_174 = tpu.memref_squeeze %dma_start3A_173 : memref<1x256x32xf32, #tpu.memory_space<vmem>> -> memref<256x32xf32, #tpu.memory_space<vmem>>
    %dma_start3A_175 = arith.constant 0 : i32
    %dma_start3A_176 = tpu.memref_slice %arg8[%dma_start3A_168, %dma_start3A_169, %dma_start3A_175] : memref<2x4x256xi32, #tpu.memory_space<vmem>> -> memref<1x1x256xi32, #tpu.memory_space<vmem>>
    %dma_start3A_177 = tpu.memref_squeeze %dma_start3A_176 : memref<1x1x256xi32, #tpu.memory_space<vmem>> -> memref<256xi32, #tpu.memory_space<vmem>>
    %dma_start3A_178 = arith.constant 0 : i32
    %dma_start3A_179 = arith.constant 0 : i32
    %dma_start3A_180 = tpu.memref_slice %arg17[%dma_start3A_178, %dma_start3A_179] : memref<10x32xf32, #tpu.memory_space<vmem_shared>> -> memref<10x32xf32, #tpu.memory_space<vmem_shared>>
    tpu.enqueue_indirect_dma source(%dma_start3A_180 : memref<10x32xf32, #tpu.memory_space<vmem_shared>>) target(%dma_start3A_174 : memref<256x32xf32, #tpu.memory_space<vmem>>) offsets(%dma_start3A_177 : memref<256xi32, #tpu.memory_space<vmem>>) semaphore(%arg19 : memref<!tpu.dma_semaphore, #tpu.memory_space<semaphore_mem>>)
    %mul3A_181 = arith.constant 25600 : i32
    %mul3A_182 = arith.muli %add3A, %mul3A_181 : i32
    %add3A_183 = arith.constant 256 : i32
    %add3A_184 = arith.addi %mul3A_182, %add3A_183 : i32
    %dma_start3A_185 = arith.constant 0 : i32
    %dma_start3A_186 = arith.constant 1 : i32
    %dma_start3A_187 = arith.constant 0 : i32
    %dma_start3A_188 = arith.constant 0 : i32
    %dma_start3A_189 = tpu.memref_slice %arg8[%dma_start3A_186, %dma_start3A_187, %dma_start3A_188] : memref<2x4x256xi32, #tpu.memory_space<vmem>> -> memref<1x1x256xi32, #tpu.memory_space<vmem>>
    %dma_start3A_190 = tpu.memref_squeeze %dma_start3A_189 : memref<1x1x256xi32, #tpu.memory_space<vmem>> -> memref<256xi32, #tpu.memory_space<vmem>>
    %dma_start3A_191 = tpu.memref_slice %arg2[%dma_start3A_185, %add3A_184] : memref<4x819200xi32, #tpu.memory_space<hbm>> -> memref<1x256xi32, #tpu.memory_space<hbm>>
    %dma_start3A_192 = tpu.memref_squeeze %dma_start3A_191 : memref<1x256xi32, #tpu.memory_space<hbm>> -> memref<256xi32, #tpu.memory_space<hbm>>
    %dma_start3A_193 = arith.constant 0 : i32
    %dma_start3A_194 = tpu.memref_slice %arg8[%dma_start3A_186, %dma_start3A_187, %dma_start3A_193] : memref<2x4x256xi32, #tpu.memory_space<vmem>> -> memref<1x1x256xi32, #tpu.memory_space<vmem>>
    %dma_start3A_195 = tpu.memref_squeeze %dma_start3A_194 : memref<1x1x256xi32, #tpu.memory_space<vmem>> -> memref<256xi32, #tpu.memory_space<vmem>>
    %dma_start3A_196 = tpu.memref_slice %arg2[%dma_start3A_185, %add3A_184] : memref<4x819200xi32, #tpu.memory_space<hbm>> -> memref<1x256xi32, #tpu.memory_space<hbm>>
    %dma_start3A_197 = tpu.memref_squeeze %dma_start3A_196 : memref<1x256xi32, #tpu.memory_space<hbm>> -> memref<256xi32, #tpu.memory_space<hbm>>
    tpu.enqueue_dma source(%dma_start3A_197 : memref<256xi32, #tpu.memory_space<hbm>>) target(%dma_start3A_195 : memref<256xi32, #tpu.memory_space<vmem>>) target_semaphore(%arg18 : memref<!tpu.dma_semaphore, #tpu.memory_space<semaphore_mem>>)
    %mul3A_198 = arith.constant 25600 : i32
    %mul3A_199 = arith.muli %add3A, %mul3A_198 : i32
    %add3A_200 = arith.constant 256 : i32
    %add3A_201 = arith.addi %mul3A_199, %add3A_200 : i32
    %dma_start3A_202 = arith.constant 1 : i32
    %dma_start3A_203 = arith.constant 1 : i32
    %dma_start3A_204 = arith.constant 1 : i32
    %dma_start3A_205 = arith.constant 0 : i32
    %dma_start3A_206 = tpu.memref_slice %arg8[%dma_start3A_203, %dma_start3A_204, %dma_start3A_205] : memref<2x4x256xi32, #tpu.memory_space<vmem>> -> memref<1x1x256xi32, #tpu.memory_space<vmem>>
    %dma_start3A_207 = tpu.memref_squeeze %dma_start3A_206 : memref<1x1x256xi32, #tpu.memory_space<vmem>> -> memref<256xi32, #tpu.memory_space<vmem>>
    %dma_start3A_208 = tpu.memref_slice %arg2[%dma_start3A_202, %add3A_201] : memref<4x819200xi32, #tpu.memory_space<hbm>> -> memref<1x256xi32, #tpu.memory_space<hbm>>
    %dma_start3A_209 = tpu.memref_squeeze %dma_start3A_208 : memref<1x256xi32, #tpu.memory_space<hbm>> -> memref<256xi32, #tpu.memory_space<hbm>>
    %dma_start3A_210 = arith.constant 0 : i32
    %dma_start3A_211 = tpu.memref_slice %arg8[%dma_start3A_203, %dma_start3A_204, %dma_start3A_210] : memref<2x4x256xi32, #tpu.memory_space<vmem>> -> memref<1x1x256xi32, #tpu.memory_space<vmem>>
    %dma_start3A_212 = tpu.memref_squeeze %dma_start3A_211 : memref<1x1x256xi32, #tpu.memory_space<vmem>> -> memref<256xi32, #tpu.memory_space<vmem>>
    %dma_start3A_213 = tpu.memref_slice %arg2[%dma_start3A_202, %add3A_201] : memref<4x819200xi32, #tpu.memory_space<hbm>> -> memref<1x256xi32, #tpu.memory_space<hbm>>
    %dma_start3A_214 = tpu.memref_squeeze %dma_start3A_213 : memref<1x256xi32, #tpu.memory_space<hbm>> -> memref<256xi32, #tpu.memory_space<hbm>>
    tpu.enqueue_dma source(%dma_start3A_214 : memref<256xi32, #tpu.memory_space<hbm>>) target(%dma_start3A_212 : memref<256xi32, #tpu.memory_space<vmem>>) target_semaphore(%arg18 : memref<!tpu.dma_semaphore, #tpu.memory_space<semaphore_mem>>)
    %mul3A_215 = arith.constant 25600 : i32
    %mul3A_216 = arith.muli %add3A, %mul3A_215 : i32
    %add3A_217 = arith.constant 256 : i32
    %add3A_218 = arith.addi %mul3A_216, %add3A_217 : i32
    %dma_start3A_219 = arith.constant 2 : i32
    %dma_start3A_220 = arith.constant 1 : i32
    %dma_start3A_221 = arith.constant 2 : i32
    %dma_start3A_222 = arith.constant 0 : i32
    %dma_start3A_223 = tpu.memref_slice %arg8[%dma_start3A_220, %dma_start3A_221, %dma_start3A_222] : memref<2x4x256xi32, #tpu.memory_space<vmem>> -> memref<1x1x256xi32, #tpu.memory_space<vmem>>
    %dma_start3A_224 = tpu.memref_squeeze %dma_start3A_223 : memref<1x1x256xi32, #tpu.memory_space<vmem>> -> memref<256xi32, #tpu.memory_space<vmem>>
    %dma_start3A_225 = tpu.memref_slice %arg2[%dma_start3A_219, %add3A_218] : memref<4x819200xi32, #tpu.memory_space<hbm>> -> memref<1x256xi32, #tpu.memory_space<hbm>>
    %dma_start3A_226 = tpu.memref_squeeze %dma_start3A_225 : memref<1x256xi32, #tpu.memory_space<hbm>> -> memref<256xi32, #tpu.memory_space<hbm>>
    %dma_start3A_227 = arith.constant 0 : i32
    %dma_start3A_228 = tpu.memref_slice %arg8[%dma_start3A_220, %dma_start3A_221, %dma_start3A_227] : memref<2x4x256xi32, #tpu.memory_space<vmem>> -> memref<1x1x256xi32, #tpu.memory_space<vmem>>
    %dma_start3A_229 = tpu.memref_squeeze %dma_start3A_228 : memref<1x1x256xi32, #tpu.memory_space<vmem>> -> memref<256xi32, #tpu.memory_space<vmem>>
    %dma_start3A_230 = tpu.memref_slice %arg2[%dma_start3A_219, %add3A_218] : memref<4x819200xi32, #tpu.memory_space<hbm>> -> memref<1x256xi32, #tpu.memory_space<hbm>>
    %dma_start3A_231 = tpu.memref_squeeze %dma_start3A_230 : memref<1x256xi32, #tpu.memory_space<hbm>> -> memref<256xi32, #tpu.memory_space<hbm>>
    tpu.enqueue_dma source(%dma_start3A_231 : memref<256xi32, #tpu.memory_space<hbm>>) target(%dma_start3A_229 : memref<256xi32, #tpu.memory_space<vmem>>) target_semaphore(%arg18 : memref<!tpu.dma_semaphore, #tpu.memory_space<semaphore_mem>>)
    %mul3A_232 = arith.constant 25600 : i32
    %mul3A_233 = arith.muli %add3A, %mul3A_232 : i32
    %add3A_234 = arith.constant 256 : i32
    %add3A_235 = arith.addi %mul3A_233, %add3A_234 : i32
    %dma_start3A_236 = arith.constant 3 : i32
    %dma_start3A_237 = arith.constant 1 : i32
    %dma_start3A_238 = arith.constant 3 : i32
    %dma_start3A_239 = arith.constant 0 : i32
    %dma_start3A_240 = tpu.memref_slice %arg8[%dma_start3A_237, %dma_start3A_238, %dma_start3A_239] : memref<2x4x256xi32, #tpu.memory_space<vmem>> -> memref<1x1x256xi32, #tpu.memory_space<vmem>>
    %dma_start3A_241 = tpu.memref_squeeze %dma_start3A_240 : memref<1x1x256xi32, #tpu.memory_space<vmem>> -> memref<256xi32, #tpu.memory_space<vmem>>
    %dma_start3A_242 = tpu.memref_slice %arg2[%dma_start3A_236, %add3A_235] : memref<4x819200xi32, #tpu.memory_space<hbm>> -> memref<1x256xi32, #tpu.memory_space<hbm>>
    %dma_start3A_243 = tpu.memref_squeeze %dma_start3A_242 : memref<1x256xi32, #tpu.memory_space<hbm>> -> memref<256xi32, #tpu.memory_space<hbm>>
    %dma_start3A_244 = arith.constant 0 : i32
    %dma_start3A_245 = tpu.memref_slice %arg8[%dma_start3A_237, %dma_start3A_238, %dma_start3A_244] : memref<2x4x256xi32, #tpu.memory_space<vmem>> -> memref<1x1x256xi32, #tpu.memory_space<vmem>>
    %dma_start3A_246 = tpu.memref_squeeze %dma_start3A_245 : memref<1x1x256xi32, #tpu.memory_space<vmem>> -> memref<256xi32, #tpu.memory_space<vmem>>
    %dma_start3A_247 = tpu.memref_slice %arg2[%dma_start3A_236, %add3A_235] : memref<4x819200xi32, #tpu.memory_space<hbm>> -> memref<1x256xi32, #tpu.memory_space<hbm>>
    %dma_start3A_248 = tpu.memref_squeeze %dma_start3A_247 : memref<1x256xi32, #tpu.memory_space<hbm>> -> memref<256xi32, #tpu.memory_space<hbm>>
    tpu.enqueue_dma source(%dma_start3A_248 : memref<256xi32, #tpu.memory_space<hbm>>) target(%dma_start3A_246 : memref<256xi32, #tpu.memory_space<vmem>>) target_semaphore(%arg18 : memref<!tpu.dma_semaphore, #tpu.memory_space<semaphore_mem>>)
    %scan3A = arith.constant 0 : i32
    %scan3A_249 = arith.constant 50 : i32
    %scan3A_250 = arith.addi %scan3A, %scan3A_249 : i32
    %scan3A_251 = arith.constant 1 : i32
    scf.for %scan3A_327 = %scan3A to %scan3A_250 step %scan3A_251  : i32 {
      %mul3A_328 = arith.constant 2 : i32
      %mul3A_329 = arith.muli %mul3A_328, %scan3A_327 : i32
      %ge3A = arith.constant 2 : i32
      %ge3A_330 = arith.cmpi sge, %mul3A_329, %ge3A : i32
      %convert_element_type3A_331 = arith.extui %ge3A_330 : i1 to i32
      %cond3A_332 = arith.constant 0 : i32
      %cond3A_333 = arith.cmpi ne, %convert_element_type3A_331, %cond3A_332 : i32
      scf.if %cond3A_333 {
        %sub3A_584 = arith.constant 2 : i32
        %sub3A_585 = arith.subi %mul3A_329, %sub3A_584 : i32
        %mul3A_586 = arith.constant 25600 : i32
        %mul3A_587 = arith.muli %add3A, %mul3A_586 : i32
        %mul3A_588 = arith.constant 256 : i32
        %mul3A_589 = arith.muli %sub3A_585, %mul3A_588 : i32
        %add3A_590 = arith.addi %mul3A_587, %mul3A_589 : i32
        %jit3A_591 = arith.constant 4 : i32
        %div3A_592 = arith.divsi %add3A_590, %jit3A_591 : i32
        %sign3A_593 = arith.constant 0 : i32
        %sign3A_594 = arith.cmpi sgt, %add3A_590, %sign3A_593 : i32
        %sign3A_595 = arith.extui %sign3A_594 : i1 to i32
        %sign3A_596 = arith.constant 0 : i32
        %sign3A_597 = arith.cmpi slt, %add3A_590, %sign3A_596 : i32
        %sign3A_598 = arith.extui %sign3A_597 : i1 to i32
        %sign3A_599 = arith.subi %sign3A_595, %sign3A_598 : i32
        %sign3A_600 = arith.constant 0 : i32
        %sign3A_601 = arith.cmpi sgt, %jit3A_591, %sign3A_600 : i32
        %sign3A_602 = arith.extui %sign3A_601 : i1 to i32
        %sign3A_603 = arith.constant 0 : i32
        %sign3A_604 = arith.cmpi slt, %jit3A_591, %sign3A_603 : i32
        %sign3A_605 = arith.extui %sign3A_604 : i1 to i32
        %sign3A_606 = arith.subi %sign3A_602, %sign3A_605 : i32
        %ne3A_607 = arith.cmpi ne, %sign3A_599, %sign3A_606 : i32
        %rem3A_608 = arith.remsi %add3A_590, %jit3A_591 : i32
        %ne3A_609 = arith.constant 0 : i32
        %ne3A_610 = arith.cmpi ne, %rem3A_608, %ne3A_609 : i32
        %and3A_611 = arith.andi %ne3A_607, %ne3A_610 : i1
        %sub3A_612 = arith.constant 1 : i32
        %sub3A_613 = arith.subi %div3A_592, %sub3A_612 : i32
        %select_n3A_614 = arith.select %and3A_611, %sub3A_613, %div3A_592 : i32
        %dma_wait3A_615 = arith.constant 0 : i32
        %dma_wait3A_616 = arith.constant 0 : i32
        %dma_wait3A_617 = arith.constant 0 : i32
        %dma_wait3A_618 = tpu.memref_slice %arg13[%dma_wait3A_615, %dma_wait3A_616, %dma_wait3A_617] : memref<2x64x128xf32, #tpu.memory_space<vmem>> -> memref<1x64x128xf32, #tpu.memory_space<vmem>>
        %dma_wait3A_619 = tpu.memref_squeeze %dma_wait3A_618 : memref<1x64x128xf32, #tpu.memory_space<vmem>> -> memref<64x128xf32, #tpu.memory_space<vmem>>
        %dma_wait3A_620 = arith.constant 0 : i32
        %dma_wait3A_621 = tpu.memref_slice %arg7[%select_n3A_614, %dma_wait3A_620] : memref<204800x128xf32, #tpu.memory_space<hbm>> -> memref<64x128xf32, #tpu.memory_space<hbm>>
        %dma_wait3A_622 = arith.constant 0 : i32
        %dma_wait3A_623 = tpu.memref_slice %arg7[%select_n3A_614, %dma_wait3A_622] : memref<204800x128xf32, #tpu.memory_space<hbm>> -> memref<64x128xf32, #tpu.memory_space<hbm>>
        %dma_wait3A_624 = arith.constant 0 : i32
        %dma_wait3A_625 = arith.constant 0 : i32
        %dma_wait3A_626 = tpu.memref_slice %arg13[%dma_wait3A_615, %dma_wait3A_624, %dma_wait3A_625] : memref<2x64x128xf32, #tpu.memory_space<vmem>> -> memref<1x64x128xf32, #tpu.memory_space<vmem>>
        %dma_wait3A_627 = tpu.memref_squeeze %dma_wait3A_626 : memref<1x64x128xf32, #tpu.memory_space<vmem>> -> memref<64x128xf32, #tpu.memory_space<vmem>>
        tpu.wait_dma2 semaphore(%arg21 : memref<!tpu.dma_semaphore, #tpu.memory_space<semaphore_mem>>) src(%dma_wait3A_627 : memref<64x128xf32, #tpu.memory_space<vmem>>) dst(%dma_wait3A_623 : memref<64x128xf32, #tpu.memory_space<hbm>>)
      } else {
      }
      %add3A_334 = arith.constant 1 : i32
      %add3A_335 = arith.addi %mul3A_329, %add3A_334 : i32
      %lt3A = arith.constant 100 : i32
      %lt3A_336 = arith.cmpi slt, %add3A_335, %lt3A : i32
      %convert_element_type3A_337 = arith.extui %lt3A_336 : i1 to i32
      %cond3A_338 = arith.constant 0 : i32
      %cond3A_339 = arith.cmpi ne, %convert_element_type3A_337, %cond3A_338 : i32
      scf.if %cond3A_339 {
        %dma_wait3A_584 = arith.constant 0 : i32
        %dma_wait3A_585 = arith.constant 1 : i32
        %dma_wait3A_586 = arith.constant 0 : i32
        %dma_wait3A_587 = arith.constant 0 : i32
        %dma_wait3A_588 = tpu.memref_slice %arg8[%dma_wait3A_585, %dma_wait3A_586, %dma_wait3A_587] : memref<2x4x256xi32, #tpu.memory_space<vmem>> -> memref<1x1x256xi32, #tpu.memory_space<vmem>>
        %dma_wait3A_589 = tpu.memref_squeeze %dma_wait3A_588 : memref<1x1x256xi32, #tpu.memory_space<vmem>> -> memref<256xi32, #tpu.memory_space<vmem>>
        %dma_wait3A_590 = arith.constant 0 : i32
        %dma_wait3A_591 = tpu.memref_slice %arg2[%dma_wait3A_584, %dma_wait3A_590] : memref<4x819200xi32, #tpu.memory_space<hbm>> -> memref<1x256xi32, #tpu.memory_space<hbm>>
        %dma_wait3A_592 = tpu.memref_squeeze %dma_wait3A_591 : memref<1x256xi32, #tpu.memory_space<hbm>> -> memref<256xi32, #tpu.memory_space<hbm>>
        %dma_wait3A_593 = arith.constant 0 : i32
        %dma_wait3A_594 = tpu.memref_slice %arg8[%dma_wait3A_585, %dma_wait3A_586, %dma_wait3A_593] : memref<2x4x256xi32, #tpu.memory_space<vmem>> -> memref<1x1x256xi32, #tpu.memory_space<vmem>>
        %dma_wait3A_595 = tpu.memref_squeeze %dma_wait3A_594 : memref<1x1x256xi32, #tpu.memory_space<vmem>> -> memref<256xi32, #tpu.memory_space<vmem>>
        %dma_wait3A_596 = arith.constant 0 : i32
        %dma_wait3A_597 = tpu.memref_slice %arg2[%dma_wait3A_584, %dma_wait3A_596] : memref<4x819200xi32, #tpu.memory_space<hbm>> -> memref<1x256xi32, #tpu.memory_space<hbm>>
        %dma_wait3A_598 = tpu.memref_squeeze %dma_wait3A_597 : memref<1x256xi32, #tpu.memory_space<hbm>> -> memref<256xi32, #tpu.memory_space<hbm>>
        tpu.wait_dma2 semaphore(%arg18 : memref<!tpu.dma_semaphore, #tpu.memory_space<semaphore_mem>>) src(%dma_wait3A_598 : memref<256xi32, #tpu.memory_space<hbm>>) dst(%dma_wait3A_595 : memref<256xi32, #tpu.memory_space<vmem>>)
        %dma_wait3A_599 = arith.constant 0 : i32
        %dma_wait3A_600 = arith.constant 1 : i32
        %dma_wait3A_601 = arith.constant 1 : i32
        %dma_wait3A_602 = arith.constant 0 : i32
        %dma_wait3A_603 = tpu.memref_slice %arg8[%dma_wait3A_600, %dma_wait3A_601, %dma_wait3A_602] : memref<2x4x256xi32, #tpu.memory_space<vmem>> -> memref<1x1x256xi32, #tpu.memory_space<vmem>>
        %dma_wait3A_604 = tpu.memref_squeeze %dma_wait3A_603 : memref<1x1x256xi32, #tpu.memory_space<vmem>> -> memref<256xi32, #tpu.memory_space<vmem>>
        %dma_wait3A_605 = arith.constant 0 : i32
        %dma_wait3A_606 = tpu.memref_slice %arg2[%dma_wait3A_599, %dma_wait3A_605] : memref<4x819200xi32, #tpu.memory_space<hbm>> -> memref<1x256xi32, #tpu.memory_space<hbm>>
        %dma_wait3A_607 = tpu.memref_squeeze %dma_wait3A_606 : memref<1x256xi32, #tpu.memory_space<hbm>> -> memref<256xi32, #tpu.memory_space<hbm>>
        %dma_wait3A_608 = arith.constant 0 : i32
        %dma_wait3A_609 = tpu.memref_slice %arg8[%dma_wait3A_600, %dma_wait3A_601, %dma_wait3A_608] : memref<2x4x256xi32, #tpu.memory_space<vmem>> -> memref<1x1x256xi32, #tpu.memory_space<vmem>>
        %dma_wait3A_610 = tpu.memref_squeeze %dma_wait3A_609 : memref<1x1x256xi32, #tpu.memory_space<vmem>> -> memref<256xi32, #tpu.memory_space<vmem>>
        %dma_wait3A_611 = arith.constant 0 : i32
        %dma_wait3A_612 = tpu.memref_slice %arg2[%dma_wait3A_599, %dma_wait3A_611] : memref<4x819200xi32, #tpu.memory_space<hbm>> -> memref<1x256xi32, #tpu.memory_space<hbm>>
        %dma_wait3A_613 = tpu.memref_squeeze %dma_wait3A_612 : memref<1x256xi32, #tpu.memory_space<hbm>> -> memref<256xi32, #tpu.memory_space<hbm>>
        tpu.wait_dma2 semaphore(%arg18 : memref<!tpu.dma_semaphore, #tpu.memory_space<semaphore_mem>>) src(%dma_wait3A_613 : memref<256xi32, #tpu.memory_space<hbm>>) dst(%dma_wait3A_610 : memref<256xi32, #tpu.memory_space<vmem>>)
        %dma_wait3A_614 = arith.constant 0 : i32
        %dma_wait3A_615 = arith.constant 1 : i32
        %dma_wait3A_616 = arith.constant 2 : i32
        %dma_wait3A_617 = arith.constant 0 : i32
        %dma_wait3A_618 = tpu.memref_slice %arg8[%dma_wait3A_615, %dma_wait3A_616, %dma_wait3A_617] : memref<2x4x256xi32, #tpu.memory_space<vmem>> -> memref<1x1x256xi32, #tpu.memory_space<vmem>>
        %dma_wait3A_619 = tpu.memref_squeeze %dma_wait3A_618 : memref<1x1x256xi32, #tpu.memory_space<vmem>> -> memref<256xi32, #tpu.memory_space<vmem>>
        %dma_wait3A_620 = arith.constant 0 : i32
        %dma_wait3A_621 = tpu.memref_slice %arg2[%dma_wait3A_614, %dma_wait3A_620] : memref<4x819200xi32, #tpu.memory_space<hbm>> -> memref<1x256xi32, #tpu.memory_space<hbm>>
        %dma_wait3A_622 = tpu.memref_squeeze %dma_wait3A_621 : memref<1x256xi32, #tpu.memory_space<hbm>> -> memref<256xi32, #tpu.memory_space<hbm>>
        %dma_wait3A_623 = arith.constant 0 : i32
        %dma_wait3A_624 = tpu.memref_slice %arg8[%dma_wait3A_615, %dma_wait3A_616, %dma_wait3A_623] : memref<2x4x256xi32, #tpu.memory_space<vmem>> -> memref<1x1x256xi32, #tpu.memory_space<vmem>>
        %dma_wait3A_625 = tpu.memref_squeeze %dma_wait3A_624 : memref<1x1x256xi32, #tpu.memory_space<vmem>> -> memref<256xi32, #tpu.memory_space<vmem>>
        %dma_wait3A_626 = arith.constant 0 : i32
        %dma_wait3A_627 = tpu.memref_slice %arg2[%dma_wait3A_614, %dma_wait3A_626] : memref<4x819200xi32, #tpu.memory_space<hbm>> -> memref<1x256xi32, #tpu.memory_space<hbm>>
        %dma_wait3A_628 = tpu.memref_squeeze %dma_wait3A_627 : memref<1x256xi32, #tpu.memory_space<hbm>> -> memref<256xi32, #tpu.memory_space<hbm>>
        tpu.wait_dma2 semaphore(%arg18 : memref<!tpu.dma_semaphore, #tpu.memory_space<semaphore_mem>>) src(%dma_wait3A_628 : memref<256xi32, #tpu.memory_space<hbm>>) dst(%dma_wait3A_625 : memref<256xi32, #tpu.memory_space<vmem>>)
        %dma_wait3A_629 = arith.constant 0 : i32
        %dma_wait3A_630 = arith.constant 1 : i32
        %dma_wait3A_631 = arith.constant 3 : i32
        %dma_wait3A_632 = arith.constant 0 : i32
        %dma_wait3A_633 = tpu.memref_slice %arg8[%dma_wait3A_630, %dma_wait3A_631, %dma_wait3A_632] : memref<2x4x256xi32, #tpu.memory_space<vmem>> -> memref<1x1x256xi32, #tpu.memory_space<vmem>>
        %dma_wait3A_634 = tpu.memref_squeeze %dma_wait3A_633 : memref<1x1x256xi32, #tpu.memory_space<vmem>> -> memref<256xi32, #tpu.memory_space<vmem>>
        %dma_wait3A_635 = arith.constant 0 : i32
        %dma_wait3A_636 = tpu.memref_slice %arg2[%dma_wait3A_629, %dma_wait3A_635] : memref<4x819200xi32, #tpu.memory_space<hbm>> -> memref<1x256xi32, #tpu.memory_space<hbm>>
        %dma_wait3A_637 = tpu.memref_squeeze %dma_wait3A_636 : memref<1x256xi32, #tpu.memory_space<hbm>> -> memref<256xi32, #tpu.memory_space<hbm>>
        %dma_wait3A_638 = arith.constant 0 : i32
        %dma_wait3A_639 = tpu.memref_slice %arg8[%dma_wait3A_630, %dma_wait3A_631, %dma_wait3A_638] : memref<2x4x256xi32, #tpu.memory_space<vmem>> -> memref<1x1x256xi32, #tpu.memory_space<vmem>>
        %dma_wait3A_640 = tpu.memref_squeeze %dma_wait3A_639 : memref<1x1x256xi32, #tpu.memory_space<vmem>> -> memref<256xi32, #tpu.memory_space<vmem>>
        %dma_wait3A_641 = arith.constant 0 : i32
        %dma_wait3A_642 = tpu.memref_slice %arg2[%dma_wait3A_629, %dma_wait3A_641] : memref<4x819200xi32, #tpu.memory_space<hbm>> -> memref<1x256xi32, #tpu.memory_space<hbm>>
        %dma_wait3A_643 = tpu.memref_squeeze %dma_wait3A_642 : memref<1x256xi32, #tpu.memory_space<hbm>> -> memref<256xi32, #tpu.memory_space<hbm>>
        tpu.wait_dma2 semaphore(%arg18 : memref<!tpu.dma_semaphore, #tpu.memory_space<semaphore_mem>>) src(%dma_wait3A_643 : memref<256xi32, #tpu.memory_space<hbm>>) dst(%dma_wait3A_640 : memref<256xi32, #tpu.memory_space<vmem>>)
        %add3A_644 = arith.constant 1 : i32
        %add3A_645 = arith.addi %mul3A_329, %add3A_644 : i32
        %dma_start3A_646 = arith.constant 1 : i32
        %dma_start3A_647 = arith.constant 0 : i32
        %dma_start3A_648 = arith.constant 1 : i32
        %dma_start3A_649 = arith.constant 0 : i32
        %dma_start3A_650 = arith.constant 0 : i32
        %dma_start3A_651 = tpu.memref_slice %arg9[%dma_start3A_648, %dma_start3A_649, %dma_start3A_650] : memref<2x256x32xf32, #tpu.memory_space<vmem>> -> memref<1x256x32xf32, #tpu.memory_space<vmem>>
        %dma_start3A_652 = tpu.memref_squeeze %dma_start3A_651 : memref<1x256x32xf32, #tpu.memory_space<vmem>> -> memref<256x32xf32, #tpu.memory_space<vmem>>
        %dma_start3A_653 = arith.constant 0 : i32
        %dma_start3A_654 = tpu.memref_slice %arg8[%dma_start3A_646, %dma_start3A_647, %dma_start3A_653] : memref<2x4x256xi32, #tpu.memory_space<vmem>> -> memref<1x1x256xi32, #tpu.memory_space<vmem>>
        %dma_start3A_655 = tpu.memref_squeeze %dma_start3A_654 : memref<1x1x256xi32, #tpu.memory_space<vmem>> -> memref<256xi32, #tpu.memory_space<vmem>>
        %dma_start3A_656 = arith.constant 0 : i32
        %dma_start3A_657 = arith.constant 0 : i32
        %dma_start3A_658 = tpu.memref_slice %arg14[%dma_start3A_656, %dma_start3A_657] : memref<1539x32xf32, #tpu.memory_space<vmem_shared>> -> memref<1539x32xf32, #tpu.memory_space<vmem_shared>>
        tpu.enqueue_indirect_dma source(%dma_start3A_658 : memref<1539x32xf32, #tpu.memory_space<vmem_shared>>) target(%dma_start3A_652 : memref<256x32xf32, #tpu.memory_space<vmem>>) offsets(%dma_start3A_655 : memref<256xi32, #tpu.memory_space<vmem>>) semaphore(%arg20 : memref<!tpu.dma_semaphore, #tpu.memory_space<semaphore_mem>>)
        %dma_start3A_659 = arith.constant 1 : i32
        %dma_start3A_660 = arith.constant 1 : i32
        %dma_start3A_661 = arith.constant 1 : i32
        %dma_start3A_662 = arith.constant 0 : i32
        %dma_start3A_663 = arith.constant 0 : i32
        %dma_start3A_664 = tpu.memref_slice %arg10[%dma_start3A_661, %dma_start3A_662, %dma_start3A_663] : memref<2x256x32xf32, #tpu.memory_space<vmem>> -> memref<1x256x32xf32, #tpu.memory_space<vmem>>
        %dma_start3A_665 = tpu.memref_squeeze %dma_start3A_664 : memref<1x256x32xf32, #tpu.memory_space<vmem>> -> memref<256x32xf32, #tpu.memory_space<vmem>>
        %dma_start3A_666 = arith.constant 0 : i32
        %dma_start3A_667 = tpu.memref_slice %arg8[%dma_start3A_659, %dma_start3A_660, %dma_start3A_666] : memref<2x4x256xi32, #tpu.memory_space<vmem>> -> memref<1x1x256xi32, #tpu.memory_space<vmem>>
        %dma_start3A_668 = tpu.memref_squeeze %dma_start3A_667 : memref<1x1x256xi32, #tpu.memory_space<vmem>> -> memref<256xi32, #tpu.memory_space<vmem>>
        %dma_start3A_669 = arith.constant 0 : i32
        %dma_start3A_670 = arith.constant 0 : i32
        %dma_start3A_671 = tpu.memref_slice %arg15[%dma_start3A_669, %dma_start3A_670] : memref<9456x32xf32, #tpu.memory_space<vmem_shared>> -> memref<9456x32xf32, #tpu.memory_space<vmem_shared>>
        tpu.enqueue_indirect_dma source(%dma_start3A_671 : memref<9456x32xf32, #tpu.memory_space<vmem_shared>>) target(%dma_start3A_665 : memref<256x32xf32, #tpu.memory_space<vmem>>) offsets(%dma_start3A_668 : memref<256xi32, #tpu.memory_space<vmem>>) semaphore(%arg20 : memref<!tpu.dma_semaphore, #tpu.memory_space<semaphore_mem>>)
        %dma_start3A_672 = arith.constant 1 : i32
        %dma_start3A_673 = arith.constant 2 : i32
        %dma_start3A_674 = arith.constant 1 : i32
        %dma_start3A_675 = arith.constant 0 : i32
        %dma_start3A_676 = arith.constant 0 : i32
        %dma_start3A_677 = tpu.memref_slice %arg11[%dma_start3A_674, %dma_start3A_675, %dma_start3A_676] : memref<2x256x32xf32, #tpu.memory_space<vmem>> -> memref<1x256x32xf32, #tpu.memory_space<vmem>>
        %dma_start3A_678 = tpu.memref_squeeze %dma_start3A_677 : memref<1x256x32xf32, #tpu.memory_space<vmem>> -> memref<256x32xf32, #tpu.memory_space<vmem>>
        %dma_start3A_679 = arith.constant 0 : i32
        %dma_start3A_680 = tpu.memref_slice %arg8[%dma_start3A_672, %dma_start3A_673, %dma_start3A_679] : memref<2x4x256xi32, #tpu.memory_space<vmem>> -> memref<1x1x256xi32, #tpu.memory_space<vmem>>
        %dma_start3A_681 = tpu.memref_squeeze %dma_start3A_680 : memref<1x1x256xi32, #tpu.memory_space<vmem>> -> memref<256xi32, #tpu.memory_space<vmem>>
        %dma_start3A_682 = arith.constant 0 : i32
        %dma_start3A_683 = arith.constant 0 : i32
        %dma_start3A_684 = tpu.memref_slice %arg16[%dma_start3A_682, %dma_start3A_683] : memref<914x32xf32, #tpu.memory_space<vmem_shared>> -> memref<914x32xf32, #tpu.memory_space<vmem_shared>>
        tpu.enqueue_indirect_dma source(%dma_start3A_684 : memref<914x32xf32, #tpu.memory_space<vmem_shared>>) target(%dma_start3A_678 : memref<256x32xf32, #tpu.memory_space<vmem>>) offsets(%dma_start3A_681 : memref<256xi32, #tpu.memory_space<vmem>>) semaphore(%arg20 : memref<!tpu.dma_semaphore, #tpu.memory_space<semaphore_mem>>)
        %dma_start3A_685 = arith.constant 1 : i32
        %dma_start3A_686 = arith.constant 3 : i32
        %dma_start3A_687 = arith.constant 1 : i32
        %dma_start3A_688 = arith.constant 0 : i32
        %dma_start3A_689 = arith.constant 0 : i32
        %dma_start3A_690 = tpu.memref_slice %arg12[%dma_start3A_687, %dma_start3A_688, %dma_start3A_689] : memref<2x256x32xf32, #tpu.memory_space<vmem>> -> memref<1x256x32xf32, #tpu.memory_space<vmem>>
        %dma_start3A_691 = tpu.memref_squeeze %dma_start3A_690 : memref<1x256x32xf32, #tpu.memory_space<vmem>> -> memref<256x32xf32, #tpu.memory_space<vmem>>
        %dma_start3A_692 = arith.constant 0 : i32
        %dma_start3A_693 = tpu.memref_slice %arg8[%dma_start3A_685, %dma_start3A_686, %dma_start3A_692] : memref<2x4x256xi32, #tpu.memory_space<vmem>> -> memref<1x1x256xi32, #tpu.memory_space<vmem>>
        %dma_start3A_694 = tpu.memref_squeeze %dma_start3A_693 : memref<1x1x256xi32, #tpu.memory_space<vmem>> -> memref<256xi32, #tpu.memory_space<vmem>>
        %dma_start3A_695 = arith.constant 0 : i32
        %dma_start3A_696 = arith.constant 0 : i32
        %dma_start3A_697 = tpu.memref_slice %arg17[%dma_start3A_695, %dma_start3A_696] : memref<10x32xf32, #tpu.memory_space<vmem_shared>> -> memref<10x32xf32, #tpu.memory_space<vmem_shared>>
        tpu.enqueue_indirect_dma source(%dma_start3A_697 : memref<10x32xf32, #tpu.memory_space<vmem_shared>>) target(%dma_start3A_691 : memref<256x32xf32, #tpu.memory_space<vmem>>) offsets(%dma_start3A_694 : memref<256xi32, #tpu.memory_space<vmem>>) semaphore(%arg20 : memref<!tpu.dma_semaphore, #tpu.memory_space<semaphore_mem>>)
      } else {
      }
      %dma_wait3A_340 = arith.constant 0 : i32
      %dma_wait3A_341 = arith.constant 0 : i32
      %dma_wait3A_342 = arith.constant 0 : i32
      %dma_wait3A_343 = tpu.memref_slice %arg9[%dma_wait3A_340, %dma_wait3A_341, %dma_wait3A_342] : memref<2x256x32xf32, #tpu.memory_space<vmem>> -> memref<1x256x32xf32, #tpu.memory_space<vmem>>
      %dma_wait3A_344 = tpu.memref_squeeze %dma_wait3A_343 : memref<1x256x32xf32, #tpu.memory_space<vmem>> -> memref<256x32xf32, #tpu.memory_space<vmem>>
      %dma_wait3A_345 = arith.constant 0 : i32
      %dma_wait3A_346 = arith.constant 0 : i32
      %dma_wait3A_347 = tpu.memref_slice %arg3[%dma_wait3A_345, %dma_wait3A_346] : memref<1539x32xf32, #tpu.memory_space<hbm>> -> memref<256x32xf32, #tpu.memory_space<hbm>>
      %dma_wait3A_348 = arith.constant 0 : i32
      %dma_wait3A_349 = arith.constant 0 : i32
      %dma_wait3A_350 = tpu.memref_slice %arg9[%dma_wait3A_340, %dma_wait3A_348, %dma_wait3A_349] : memref<2x256x32xf32, #tpu.memory_space<vmem>> -> memref<1x256x32xf32, #tpu.memory_space<vmem>>
      %dma_wait3A_351 = tpu.memref_squeeze %dma_wait3A_350 : memref<1x256x32xf32, #tpu.memory_space<vmem>> -> memref<256x32xf32, #tpu.memory_space<vmem>>
      %dma_wait3A_352 = arith.constant 0 : i32
      %dma_wait3A_353 = arith.constant 0 : i32
      %dma_wait3A_354 = tpu.memref_slice %arg3[%dma_wait3A_352, %dma_wait3A_353] : memref<1539x32xf32, #tpu.memory_space<hbm>> -> memref<256x32xf32, #tpu.memory_space<hbm>>
      tpu.wait_dma2 semaphore(%arg19 : memref<!tpu.dma_semaphore, #tpu.memory_space<semaphore_mem>>) src(%dma_wait3A_354 : memref<256x32xf32, #tpu.memory_space<hbm>>) dst(%dma_wait3A_351 : memref<256x32xf32, #tpu.memory_space<vmem>>)
      %dma_wait3A_355 = arith.constant 0 : i32
      %dma_wait3A_356 = arith.constant 0 : i32
      %dma_wait3A_357 = arith.constant 0 : i32
      %dma_wait3A_358 = tpu.memref_slice %arg10[%dma_wait3A_355, %dma_wait3A_356, %dma_wait3A_357] : memref<2x256x32xf32, #tpu.memory_space<vmem>> -> memref<1x256x32xf32, #tpu.memory_space<vmem>>
      %dma_wait3A_359 = tpu.memref_squeeze %dma_wait3A_358 : memref<1x256x32xf32, #tpu.memory_space<vmem>> -> memref<256x32xf32, #tpu.memory_space<vmem>>
      %dma_wait3A_360 = arith.constant 0 : i32
      %dma_wait3A_361 = arith.constant 0 : i32
      %dma_wait3A_362 = tpu.memref_slice %arg3[%dma_wait3A_360, %dma_wait3A_361] : memref<1539x32xf32, #tpu.memory_space<hbm>> -> memref<256x32xf32, #tpu.memory_space<hbm>>
      %dma_wait3A_363 = arith.constant 0 : i32
      %dma_wait3A_364 = arith.constant 0 : i32
      %dma_wait3A_365 = tpu.memref_slice %arg10[%dma_wait3A_355, %dma_wait3A_363, %dma_wait3A_364] : memref<2x256x32xf32, #tpu.memory_space<vmem>> -> memref<1x256x32xf32, #tpu.memory_space<vmem>>
      %dma_wait3A_366 = tpu.memref_squeeze %dma_wait3A_365 : memref<1x256x32xf32, #tpu.memory_space<vmem>> -> memref<256x32xf32, #tpu.memory_space<vmem>>
      %dma_wait3A_367 = arith.constant 0 : i32
      %dma_wait3A_368 = arith.constant 0 : i32
      %dma_wait3A_369 = tpu.memref_slice %arg3[%dma_wait3A_367, %dma_wait3A_368] : memref<1539x32xf32, #tpu.memory_space<hbm>> -> memref<256x32xf32, #tpu.memory_space<hbm>>
      tpu.wait_dma2 semaphore(%arg19 : memref<!tpu.dma_semaphore, #tpu.memory_space<semaphore_mem>>) src(%dma_wait3A_369 : memref<256x32xf32, #tpu.memory_space<hbm>>) dst(%dma_wait3A_366 : memref<256x32xf32, #tpu.memory_space<vmem>>)
      %dma_wait3A_370 = arith.constant 0 : i32
      %dma_wait3A_371 = arith.constant 0 : i32
      %dma_wait3A_372 = arith.constant 0 : i32
      %dma_wait3A_373 = tpu.memref_slice %arg11[%dma_wait3A_370, %dma_wait3A_371, %dma_wait3A_372] : memref<2x256x32xf32, #tpu.memory_space<vmem>> -> memref<1x256x32xf32, #tpu.memory_space<vmem>>
      %dma_wait3A_374 = tpu.memref_squeeze %dma_wait3A_373 : memref<1x256x32xf32, #tpu.memory_space<vmem>> -> memref<256x32xf32, #tpu.memory_space<vmem>>
      %dma_wait3A_375 = arith.constant 0 : i32
      %dma_wait3A_376 = arith.constant 0 : i32
      %dma_wait3A_377 = tpu.memref_slice %arg3[%dma_wait3A_375, %dma_wait3A_376] : memref<1539x32xf32, #tpu.memory_space<hbm>> -> memref<256x32xf32, #tpu.memory_space<hbm>>
      %dma_wait3A_378 = arith.constant 0 : i32
      %dma_wait3A_379 = arith.constant 0 : i32
      %dma_wait3A_380 = tpu.memref_slice %arg11[%dma_wait3A_370, %dma_wait3A_378, %dma_wait3A_379] : memref<2x256x32xf32, #tpu.memory_space<vmem>> -> memref<1x256x32xf32, #tpu.memory_space<vmem>>
      %dma_wait3A_381 = tpu.memref_squeeze %dma_wait3A_380 : memref<1x256x32xf32, #tpu.memory_space<vmem>> -> memref<256x32xf32, #tpu.memory_space<vmem>>
      %dma_wait3A_382 = arith.constant 0 : i32
      %dma_wait3A_383 = arith.constant 0 : i32
      %dma_wait3A_384 = tpu.memref_slice %arg3[%dma_wait3A_382, %dma_wait3A_383] : memref<1539x32xf32, #tpu.memory_space<hbm>> -> memref<256x32xf32, #tpu.memory_space<hbm>>
      tpu.wait_dma2 semaphore(%arg19 : memref<!tpu.dma_semaphore, #tpu.memory_space<semaphore_mem>>) src(%dma_wait3A_384 : memref<256x32xf32, #tpu.memory_space<hbm>>) dst(%dma_wait3A_381 : memref<256x32xf32, #tpu.memory_space<vmem>>)
      %dma_wait3A_385 = arith.constant 0 : i32
      %dma_wait3A_386 = arith.constant 0 : i32
      %dma_wait3A_387 = arith.constant 0 : i32
      %dma_wait3A_388 = tpu.memref_slice %arg12[%dma_wait3A_385, %dma_wait3A_386, %dma_wait3A_387] : memref<2x256x32xf32, #tpu.memory_space<vmem>> -> memref<1x256x32xf32, #tpu.memory_space<vmem>>
      %dma_wait3A_389 = tpu.memref_squeeze %dma_wait3A_388 : memref<1x256x32xf32, #tpu.memory_space<vmem>> -> memref<256x32xf32, #tpu.memory_space<vmem>>
      %dma_wait3A_390 = arith.constant 0 : i32
      %dma_wait3A_391 = arith.constant 0 : i32
      %dma_wait3A_392 = tpu.memref_slice %arg3[%dma_wait3A_390, %dma_wait3A_391] : memref<1539x32xf32, #tpu.memory_space<hbm>> -> memref<256x32xf32, #tpu.memory_space<hbm>>
      %dma_wait3A_393 = arith.constant 0 : i32
      %dma_wait3A_394 = arith.constant 0 : i32
      %dma_wait3A_395 = tpu.memref_slice %arg12[%dma_wait3A_385, %dma_wait3A_393, %dma_wait3A_394] : memref<2x256x32xf32, #tpu.memory_space<vmem>> -> memref<1x256x32xf32, #tpu.memory_space<vmem>>
      %dma_wait3A_396 = tpu.memref_squeeze %dma_wait3A_395 : memref<1x256x32xf32, #tpu.memory_space<vmem>> -> memref<256x32xf32, #tpu.memory_space<vmem>>
      %dma_wait3A_397 = arith.constant 0 : i32
      %dma_wait3A_398 = arith.constant 0 : i32
      %dma_wait3A_399 = tpu.memref_slice %arg3[%dma_wait3A_397, %dma_wait3A_398] : memref<1539x32xf32, #tpu.memory_space<hbm>> -> memref<256x32xf32, #tpu.memory_space<hbm>>
      tpu.wait_dma2 semaphore(%arg19 : memref<!tpu.dma_semaphore, #tpu.memory_space<semaphore_mem>>) src(%dma_wait3A_399 : memref<256x32xf32, #tpu.memory_space<hbm>>) dst(%dma_wait3A_396 : memref<256x32xf32, #tpu.memory_space<vmem>>)
      %add3A_400 = arith.constant 2 : i32
      %add3A_401 = arith.addi %mul3A_329, %add3A_400 : i32
      %lt3A_402 = arith.constant 100 : i32
      %lt3A_403 = arith.cmpi slt, %add3A_401, %lt3A_402 : i32
      %convert_element_type3A_404 = arith.extui %lt3A_403 : i1 to i32
      %cond3A_405 = arith.constant 0 : i32
      %cond3A_406 = arith.cmpi ne, %convert_element_type3A_404, %cond3A_405 : i32
      scf.if %cond3A_406 {
        %add3A_584 = arith.constant 2 : i32
        %add3A_585 = arith.addi %mul3A_329, %add3A_584 : i32
        %mul3A_586 = arith.constant 25600 : i32
        %mul3A_587 = arith.muli %add3A, %mul3A_586 : i32
        %mul3A_588 = arith.constant 256 : i32
        %mul3A_589 = arith.muli %add3A_585, %mul3A_588 : i32
        %add3A_590 = arith.addi %mul3A_587, %mul3A_589 : i32
        %dma_start3A_591 = arith.constant 0 : i32
        %dma_start3A_592 = arith.constant 0 : i32
        %dma_start3A_593 = arith.constant 0 : i32
        %dma_start3A_594 = arith.constant 0 : i32
        %dma_start3A_595 = tpu.memref_slice %arg8[%dma_start3A_592, %dma_start3A_593, %dma_start3A_594] : memref<2x4x256xi32, #tpu.memory_space<vmem>> -> memref<1x1x256xi32, #tpu.memory_space<vmem>>
        %dma_start3A_596 = tpu.memref_squeeze %dma_start3A_595 : memref<1x1x256xi32, #tpu.memory_space<vmem>> -> memref<256xi32, #tpu.memory_space<vmem>>
        %dma_start3A_597 = tpu.memref_slice %arg2[%dma_start3A_591, %add3A_590] : memref<4x819200xi32, #tpu.memory_space<hbm>> -> memref<1x256xi32, #tpu.memory_space<hbm>>
        %dma_start3A_598 = tpu.memref_squeeze %dma_start3A_597 : memref<1x256xi32, #tpu.memory_space<hbm>> -> memref<256xi32, #tpu.memory_space<hbm>>
        %dma_start3A_599 = arith.constant 0 : i32
        %dma_start3A_600 = tpu.memref_slice %arg8[%dma_start3A_592, %dma_start3A_593, %dma_start3A_599] : memref<2x4x256xi32, #tpu.memory_space<vmem>> -> memref<1x1x256xi32, #tpu.memory_space<vmem>>
        %dma_start3A_601 = tpu.memref_squeeze %dma_start3A_600 : memref<1x1x256xi32, #tpu.memory_space<vmem>> -> memref<256xi32, #tpu.memory_space<vmem>>
        %dma_start3A_602 = tpu.memref_slice %arg2[%dma_start3A_591, %add3A_590] : memref<4x819200xi32, #tpu.memory_space<hbm>> -> memref<1x256xi32, #tpu.memory_space<hbm>>
        %dma_start3A_603 = tpu.memref_squeeze %dma_start3A_602 : memref<1x256xi32, #tpu.memory_space<hbm>> -> memref<256xi32, #tpu.memory_space<hbm>>
        tpu.enqueue_dma source(%dma_start3A_603 : memref<256xi32, #tpu.memory_space<hbm>>) target(%dma_start3A_601 : memref<256xi32, #tpu.memory_space<vmem>>) target_semaphore(%arg18 : memref<!tpu.dma_semaphore, #tpu.memory_space<semaphore_mem>>)
        %mul3A_604 = arith.constant 25600 : i32
        %mul3A_605 = arith.muli %add3A, %mul3A_604 : i32
        %mul3A_606 = arith.constant 256 : i32
        %mul3A_607 = arith.muli %add3A_585, %mul3A_606 : i32
        %add3A_608 = arith.addi %mul3A_605, %mul3A_607 : i32
        %dma_start3A_609 = arith.constant 1 : i32
        %dma_start3A_610 = arith.constant 0 : i32
        %dma_start3A_611 = arith.constant 1 : i32
        %dma_start3A_612 = arith.constant 0 : i32
        %dma_start3A_613 = tpu.memref_slice %arg8[%dma_start3A_610, %dma_start3A_611, %dma_start3A_612] : memref<2x4x256xi32, #tpu.memory_space<vmem>> -> memref<1x1x256xi32, #tpu.memory_space<vmem>>
        %dma_start3A_614 = tpu.memref_squeeze %dma_start3A_613 : memref<1x1x256xi32, #tpu.memory_space<vmem>> -> memref<256xi32, #tpu.memory_space<vmem>>
        %dma_start3A_615 = tpu.memref_slice %arg2[%dma_start3A_609, %add3A_608] : memref<4x819200xi32, #tpu.memory_space<hbm>> -> memref<1x256xi32, #tpu.memory_space<hbm>>
        %dma_start3A_616 = tpu.memref_squeeze %dma_start3A_615 : memref<1x256xi32, #tpu.memory_space<hbm>> -> memref<256xi32, #tpu.memory_space<hbm>>
        %dma_start3A_617 = arith.constant 0 : i32
        %dma_start3A_618 = tpu.memref_slice %arg8[%dma_start3A_610, %dma_start3A_611, %dma_start3A_617] : memref<2x4x256xi32, #tpu.memory_space<vmem>> -> memref<1x1x256xi32, #tpu.memory_space<vmem>>
        %dma_start3A_619 = tpu.memref_squeeze %dma_start3A_618 : memref<1x1x256xi32, #tpu.memory_space<vmem>> -> memref<256xi32, #tpu.memory_space<vmem>>
        %dma_start3A_620 = tpu.memref_slice %arg2[%dma_start3A_609, %add3A_608] : memref<4x819200xi32, #tpu.memory_space<hbm>> -> memref<1x256xi32, #tpu.memory_space<hbm>>
        %dma_start3A_621 = tpu.memref_squeeze %dma_start3A_620 : memref<1x256xi32, #tpu.memory_space<hbm>> -> memref<256xi32, #tpu.memory_space<hbm>>
        tpu.enqueue_dma source(%dma_start3A_621 : memref<256xi32, #tpu.memory_space<hbm>>) target(%dma_start3A_619 : memref<256xi32, #tpu.memory_space<vmem>>) target_semaphore(%arg18 : memref<!tpu.dma_semaphore, #tpu.memory_space<semaphore_mem>>)
        %mul3A_622 = arith.constant 25600 : i32
        %mul3A_623 = arith.muli %add3A, %mul3A_622 : i32
        %mul3A_624 = arith.constant 256 : i32
        %mul3A_625 = arith.muli %add3A_585, %mul3A_624 : i32
        %add3A_626 = arith.addi %mul3A_623, %mul3A_625 : i32
        %dma_start3A_627 = arith.constant 2 : i32
        %dma_start3A_628 = arith.constant 0 : i32
        %dma_start3A_629 = arith.constant 2 : i32
        %dma_start3A_630 = arith.constant 0 : i32
        %dma_start3A_631 = tpu.memref_slice %arg8[%dma_start3A_628, %dma_start3A_629, %dma_start3A_630] : memref<2x4x256xi32, #tpu.memory_space<vmem>> -> memref<1x1x256xi32, #tpu.memory_space<vmem>>
        %dma_start3A_632 = tpu.memref_squeeze %dma_start3A_631 : memref<1x1x256xi32, #tpu.memory_space<vmem>> -> memref<256xi32, #tpu.memory_space<vmem>>
        %dma_start3A_633 = tpu.memref_slice %arg2[%dma_start3A_627, %add3A_626] : memref<4x819200xi32, #tpu.memory_space<hbm>> -> memref<1x256xi32, #tpu.memory_space<hbm>>
        %dma_start3A_634 = tpu.memref_squeeze %dma_start3A_633 : memref<1x256xi32, #tpu.memory_space<hbm>> -> memref<256xi32, #tpu.memory_space<hbm>>
        %dma_start3A_635 = arith.constant 0 : i32
        %dma_start3A_636 = tpu.memref_slice %arg8[%dma_start3A_628, %dma_start3A_629, %dma_start3A_635] : memref<2x4x256xi32, #tpu.memory_space<vmem>> -> memref<1x1x256xi32, #tpu.memory_space<vmem>>
        %dma_start3A_637 = tpu.memref_squeeze %dma_start3A_636 : memref<1x1x256xi32, #tpu.memory_space<vmem>> -> memref<256xi32, #tpu.memory_space<vmem>>
        %dma_start3A_638 = tpu.memref_slice %arg2[%dma_start3A_627, %add3A_626] : memref<4x819200xi32, #tpu.memory_space<hbm>> -> memref<1x256xi32, #tpu.memory_space<hbm>>
        %dma_start3A_639 = tpu.memref_squeeze %dma_start3A_638 : memref<1x256xi32, #tpu.memory_space<hbm>> -> memref<256xi32, #tpu.memory_space<hbm>>
        tpu.enqueue_dma source(%dma_start3A_639 : memref<256xi32, #tpu.memory_space<hbm>>) target(%dma_start3A_637 : memref<256xi32, #tpu.memory_space<vmem>>) target_semaphore(%arg18 : memref<!tpu.dma_semaphore, #tpu.memory_space<semaphore_mem>>)
        %mul3A_640 = arith.constant 25600 : i32
        %mul3A_641 = arith.muli %add3A, %mul3A_640 : i32
        %mul3A_642 = arith.constant 256 : i32
        %mul3A_643 = arith.muli %add3A_585, %mul3A_642 : i32
        %add3A_644 = arith.addi %mul3A_641, %mul3A_643 : i32
        %dma_start3A_645 = arith.constant 3 : i32
        %dma_start3A_646 = arith.constant 0 : i32
        %dma_start3A_647 = arith.constant 3 : i32
        %dma_start3A_648 = arith.constant 0 : i32
        %dma_start3A_649 = tpu.memref_slice %arg8[%dma_start3A_646, %dma_start3A_647, %dma_start3A_648] : memref<2x4x256xi32, #tpu.memory_space<vmem>> -> memref<1x1x256xi32, #tpu.memory_space<vmem>>
        %dma_start3A_650 = tpu.memref_squeeze %dma_start3A_649 : memref<1x1x256xi32, #tpu.memory_space<vmem>> -> memref<256xi32, #tpu.memory_space<vmem>>
        %dma_start3A_651 = tpu.memref_slice %arg2[%dma_start3A_645, %add3A_644] : memref<4x819200xi32, #tpu.memory_space<hbm>> -> memref<1x256xi32, #tpu.memory_space<hbm>>
        %dma_start3A_652 = tpu.memref_squeeze %dma_start3A_651 : memref<1x256xi32, #tpu.memory_space<hbm>> -> memref<256xi32, #tpu.memory_space<hbm>>
        %dma_start3A_653 = arith.constant 0 : i32
        %dma_start3A_654 = tpu.memref_slice %arg8[%dma_start3A_646, %dma_start3A_647, %dma_start3A_653] : memref<2x4x256xi32, #tpu.memory_space<vmem>> -> memref<1x1x256xi32, #tpu.memory_space<vmem>>
        %dma_start3A_655 = tpu.memref_squeeze %dma_start3A_654 : memref<1x1x256xi32, #tpu.memory_space<vmem>> -> memref<256xi32, #tpu.memory_space<vmem>>
        %dma_start3A_656 = tpu.memref_slice %arg2[%dma_start3A_645, %add3A_644] : memref<4x819200xi32, #tpu.memory_space<hbm>> -> memref<1x256xi32, #tpu.memory_space<hbm>>
        %dma_start3A_657 = tpu.memref_squeeze %dma_start3A_656 : memref<1x256xi32, #tpu.memory_space<hbm>> -> memref<256xi32, #tpu.memory_space<hbm>>
        tpu.enqueue_dma source(%dma_start3A_657 : memref<256xi32, #tpu.memory_space<hbm>>) target(%dma_start3A_655 : memref<256xi32, #tpu.memory_space<vmem>>) target_semaphore(%arg18 : memref<!tpu.dma_semaphore, #tpu.memory_space<semaphore_mem>>)
      } else {
      }
      %scan3A_407 = arith.constant 0 : i32
      %scan3A_408 = arith.constant 32 : i32
      %scan3A_409 = arith.addi %scan3A_407, %scan3A_408 : i32
      %scan3A_410 = arith.constant 1 : i32
      scf.for %scan3A_584 = %scan3A_407 to %scan3A_409 step %scan3A_410  : i32 {
        %mul3A_585 = arith.constant 8 : i32
        %mul3A_586 = arith.muli %scan3A_584, %mul3A_585 : i32
        %add3A_587 = arith.constant 0 : i32
        %add3A_588 = arith.addi %mul3A_586, %add3A_587 : i32
        %mul3A_589 = arith.constant 2 : i32
        %mul3A_590 = arith.muli %mul3A_589, %scan3A_584 : i32
        %add3A_591 = arith.constant 0 : i32
        %add3A_592 = arith.addi %mul3A_590, %add3A_591 : i32
        %get3A = arith.constant 0 : i32
        %get3A_593 = arith.index_cast %get3A : i32 to index
        %get3A_594 = arith.index_cast %add3A_588 : i32 to index
        %get3A_595 = arith.constant 0 : index
        %get3A_596 = tpu.vector_load %arg9[%get3A_593, %get3A_594, %get3A_595] {strides = array<i32>} : memref<2x256x32xf32, #tpu.memory_space<vmem>>, vector<1x1x16xf32>,
        %get3A_597 = vector.shape_cast %get3A_596 : vector<1x1x16xf32> to vector<16xf32>
        %get3A_598 = arith.constant 0 : i32
        %get3A_599 = arith.index_cast %get3A_598 : i32 to index
        %get3A_600 = arith.index_cast %add3A_588 : i32 to index
        %get3A_601 = arith.constant 0 : index
        %get3A_602 = tpu.vector_load %arg10[%get3A_599, %get3A_600, %get3A_601] {strides = array<i32>} : memref<2x256x32xf32, #tpu.memory_space<vmem>>, vector<1x1x16xf32>,
        %get3A_603 = vector.shape_cast %get3A_602 : vector<1x1x16xf32> to vector<16xf32>
        %add3A_604 = arith.addf %get3A_597, %get3A_603 : vector<16xf32>
        %get3A_605 = arith.constant 0 : i32
        %get3A_606 = arith.index_cast %get3A_605 : i32 to index
        %get3A_607 = arith.index_cast %add3A_588 : i32 to index
        %get3A_608 = arith.constant 0 : index
        %get3A_609 = tpu.vector_load %arg11[%get3A_606, %get3A_607, %get3A_608] {strides = array<i32>} : memref<2x256x32xf32, #tpu.memory_space<vmem>>, vector<1x1x16xf32>,
        %get3A_610 = vector.shape_cast %get3A_609 : vector<1x1x16xf32> to vector<16xf32>
        %add3A_611 = arith.addf %add3A_604, %get3A_610 : vector<16xf32>
        %get3A_612 = arith.constant 0 : i32
        %get3A_613 = arith.index_cast %get3A_612 : i32 to index
        %get3A_614 = arith.index_cast %add3A_588 : i32 to index
        %get3A_615 = arith.constant 0 : index
        %get3A_616 = tpu.vector_load %arg12[%get3A_613, %get3A_614, %get3A_615] {strides = array<i32>} : memref<2x256x32xf32, #tpu.memory_space<vmem>>, vector<1x1x16xf32>,
        %get3A_617 = vector.shape_cast %get3A_616 : vector<1x1x16xf32> to vector<16xf32>
        %add3A_618 = arith.addf %add3A_611, %get3A_617 : vector<16xf32>
        %swap3A = arith.constant 0 : i32
        %swap3A_619 = arith.index_cast %swap3A : i32 to index
        %swap3A_620 = arith.index_cast %add3A_592 : i32 to index
        %swap3A_621 = arith.constant 0 : index
        %swap3A_622 = tpu.vector_load %arg13[%swap3A_619, %swap3A_620, %swap3A_621] {strides = array<i32>} : memref<2x64x128xf32, #tpu.memory_space<vmem>>, vector<1x1x16xf32>,
        %swap3A_623 = vector.shape_cast %swap3A_622 : vector<1x1x16xf32> to vector<16xf32>
        %swap3A_624 = vector.shape_cast %add3A_618 : vector<16xf32> to vector<1x1x16xf32>
        tpu.vector_store %arg13[%swap3A_619, %swap3A_620, %swap3A_621], %swap3A_624 {strides = array<i32>} : memref<2x64x128xf32, #tpu.memory_space<vmem>>, vector<1x1x16xf32>,
        %get3A_625 = arith.constant 0 : i32
        %get3A_626 = arith.index_cast %get3A_625 : i32 to index
        %get3A_627 = arith.index_cast %add3A_588 : i32 to index
        %get3A_628 = arith.constant 16 : index
        %get3A_629 = tpu.vector_load %arg9[%get3A_626, %get3A_627, %get3A_628] {strides = array<i32>} : memref<2x256x32xf32, #tpu.memory_space<vmem>>, vector<1x1x16xf32>,
        %get3A_630 = vector.shape_cast %get3A_629 : vector<1x1x16xf32> to vector<16xf32>
        %get3A_631 = arith.constant 0 : i32
        %get3A_632 = arith.index_cast %get3A_631 : i32 to index
        %get3A_633 = arith.index_cast %add3A_588 : i32 to index
        %get3A_634 = arith.constant 16 : index
        %get3A_635 = tpu.vector_load %arg10[%get3A_632, %get3A_633, %get3A_634] {strides = array<i32>} : memref<2x256x32xf32, #tpu.memory_space<vmem>>, vector<1x1x16xf32>,
        %get3A_636 = vector.shape_cast %get3A_635 : vector<1x1x16xf32> to vector<16xf32>
        %add3A_637 = arith.addf %get3A_630, %get3A_636 : vector<16xf32>
        %get3A_638 = arith.constant 0 : i32
        %get3A_639 = arith.index_cast %get3A_638 : i32 to index
        %get3A_640 = arith.index_cast %add3A_588 : i32 to index
        %get3A_641 = arith.constant 16 : index
        %get3A_642 = tpu.vector_load %arg11[%get3A_639, %get3A_640, %get3A_641] {strides = array<i32>} : memref<2x256x32xf32, #tpu.memory_space<vmem>>, vector<1x1x16xf32>,
        %get3A_643 = vector.shape_cast %get3A_642 : vector<1x1x16xf32> to vector<16xf32>
        %add3A_644 = arith.addf %add3A_637, %get3A_643 : vector<16xf32>
        %get3A_645 = arith.constant 0 : i32
        %get3A_646 = arith.index_cast %get3A_645 : i32 to index
        %get3A_647 = arith.index_cast %add3A_588 : i32 to index
        %get3A_648 = arith.constant 16 : index
        %get3A_649 = tpu.vector_load %arg12[%get3A_646, %get3A_647, %get3A_648] {strides = array<i32>} : memref<2x256x32xf32, #tpu.memory_space<vmem>>, vector<1x1x16xf32>,
        %get3A_650 = vector.shape_cast %get3A_649 : vector<1x1x16xf32> to vector<16xf32>
        %add3A_651 = arith.addf %add3A_644, %get3A_650 : vector<16xf32>
        %swap3A_652 = arith.constant 0 : i32
        %swap3A_653 = arith.index_cast %swap3A_652 : i32 to index
        %swap3A_654 = arith.index_cast %add3A_592 : i32 to index
        %swap3A_655 = arith.constant 16 : index
        %swap3A_656 = tpu.vector_load %arg13[%swap3A_653, %swap3A_654, %swap3A_655] {strides = array<i32>} : memref<2x64x128xf32, #tpu.memory_space<vmem>>, vector<1x1x16xf32>,
        %swap3A_657 = vector.shape_cast %swap3A_656 : vector<1x1x16xf32> to vector<16xf32>
        %swap3A_658 = vector.shape_cast %add3A_651 : vector<16xf32> to vector<1x1x16xf32>
        tpu.vector_store %arg13[%swap3A_653, %swap3A_654, %swap3A_655], %swap3A_658 {strides = array<i32>} : memref<2x64x128xf32, #tpu.memory_space<vmem>>, vector<1x1x16xf32>,
        %mul3A_659 = arith.constant 8 : i32
        %mul3A_660 = arith.muli %scan3A_584, %mul3A_659 : i32
        %add3A_661 = arith.constant 1 : i32
        %add3A_662 = arith.addi %mul3A_660, %add3A_661 : i32
        %mul3A_663 = arith.constant 2 : i32
        %mul3A_664 = arith.muli %mul3A_663, %scan3A_584 : i32
        %add3A_665 = arith.constant 0 : i32
        %add3A_666 = arith.addi %mul3A_664, %add3A_665 : i32
        %get3A_667 = arith.constant 0 : i32
        %get3A_668 = arith.index_cast %get3A_667 : i32 to index
        %get3A_669 = arith.index_cast %add3A_662 : i32 to index
        %get3A_670 = arith.constant 0 : index
        %get3A_671 = tpu.vector_load %arg9[%get3A_668, %get3A_669, %get3A_670] {strides = array<i32>} : memref<2x256x32xf32, #tpu.memory_space<vmem>>, vector<1x1x16xf32>,
        %get3A_672 = vector.shape_cast %get3A_671 : vector<1x1x16xf32> to vector<16xf32>
        %get3A_673 = arith.constant 0 : i32
        %get3A_674 = arith.index_cast %get3A_673 : i32 to index
        %get3A_675 = arith.index_cast %add3A_662 : i32 to index
        %get3A_676 = arith.constant 0 : index
        %get3A_677 = tpu.vector_load %arg10[%get3A_674, %get3A_675, %get3A_676] {strides = array<i32>} : memref<2x256x32xf32, #tpu.memory_space<vmem>>, vector<1x1x16xf32>,
        %get3A_678 = vector.shape_cast %get3A_677 : vector<1x1x16xf32> to vector<16xf32>
        %add3A_679 = arith.addf %get3A_672, %get3A_678 : vector<16xf32>
        %get3A_680 = arith.constant 0 : i32
        %get3A_681 = arith.index_cast %get3A_680 : i32 to index
        %get3A_682 = arith.index_cast %add3A_662 : i32 to index
        %get3A_683 = arith.constant 0 : index
        %get3A_684 = tpu.vector_load %arg11[%get3A_681, %get3A_682, %get3A_683] {strides = array<i32>} : memref<2x256x32xf32, #tpu.memory_space<vmem>>, vector<1x1x16xf32>,
        %get3A_685 = vector.shape_cast %get3A_684 : vector<1x1x16xf32> to vector<16xf32>
        %add3A_686 = arith.addf %add3A_679, %get3A_685 : vector<16xf32>
        %get3A_687 = arith.constant 0 : i32
        %get3A_688 = arith.index_cast %get3A_687 : i32 to index
        %get3A_689 = arith.index_cast %add3A_662 : i32 to index
        %get3A_690 = arith.constant 0 : index
        %get3A_691 = tpu.vector_load %arg12[%get3A_688, %get3A_689, %get3A_690] {strides = array<i32>} : memref<2x256x32xf32, #tpu.memory_space<vmem>>, vector<1x1x16xf32>,
        %get3A_692 = vector.shape_cast %get3A_691 : vector<1x1x16xf32> to vector<16xf32>
        %add3A_693 = arith.addf %add3A_686, %get3A_692 : vector<16xf32>
        %swap3A_694 = arith.constant 0 : i32
        %swap3A_695 = arith.index_cast %swap3A_694 : i32 to index
        %swap3A_696 = arith.index_cast %add3A_666 : i32 to index
        %swap3A_697 = arith.constant 32 : index
        %swap3A_698 = tpu.vector_load %arg13[%swap3A_695, %swap3A_696, %swap3A_697] {strides = array<i32>} : memref<2x64x128xf32, #tpu.memory_space<vmem>>, vector<1x1x16xf32>,
        %swap3A_699 = vector.shape_cast %swap3A_698 : vector<1x1x16xf32> to vector<16xf32>
        %swap3A_700 = vector.shape_cast %add3A_693 : vector<16xf32> to vector<1x1x16xf32>
        tpu.vector_store %arg13[%swap3A_695, %swap3A_696, %swap3A_697], %swap3A_700 {strides = array<i32>} : memref<2x64x128xf32, #tpu.memory_space<vmem>>, vector<1x1x16xf32>,
        %get3A_701 = arith.constant 0 : i32
        %get3A_702 = arith.index_cast %get3A_701 : i32 to index
        %get3A_703 = arith.index_cast %add3A_662 : i32 to index
        %get3A_704 = arith.constant 16 : index
        %get3A_705 = tpu.vector_load %arg9[%get3A_702, %get3A_703, %get3A_704] {strides = array<i32>} : memref<2x256x32xf32, #tpu.memory_space<vmem>>, vector<1x1x16xf32>,
        %get3A_706 = vector.shape_cast %get3A_705 : vector<1x1x16xf32> to vector<16xf32>
        %get3A_707 = arith.constant 0 : i32
        %get3A_708 = arith.index_cast %get3A_707 : i32 to index
        %get3A_709 = arith.index_cast %add3A_662 : i32 to index
        %get3A_710 = arith.constant 16 : index
        %get3A_711 = tpu.vector_load %arg10[%get3A_708, %get3A_709, %get3A_710] {strides = array<i32>} : memref<2x256x32xf32, #tpu.memory_space<vmem>>, vector<1x1x16xf32>,
        %get3A_712 = vector.shape_cast %get3A_711 : vector<1x1x16xf32> to vector<16xf32>
        %add3A_713 = arith.addf %get3A_706, %get3A_712 : vector<16xf32>
        %get3A_714 = arith.constant 0 : i32
        %get3A_715 = arith.index_cast %get3A_714 : i32 to index
        %get3A_716 = arith.index_cast %add3A_662 : i32 to index
        %get3A_717 = arith.constant 16 : index
        %get3A_718 = tpu.vector_load %arg11[%get3A_715, %get3A_716, %get3A_717] {strides = array<i32>} : memref<2x256x32xf32, #tpu.memory_space<vmem>>, vector<1x1x16xf32>,
        %get3A_719 = vector.shape_cast %get3A_718 : vector<1x1x16xf32> to vector<16xf32>
        %add3A_720 = arith.addf %add3A_713, %get3A_719 : vector<16xf32>
        %get3A_721 = arith.constant 0 : i32
        %get3A_722 = arith.index_cast %get3A_721 : i32 to index
        %get3A_723 = arith.index_cast %add3A_662 : i32 to index
        %get3A_724 = arith.constant 16 : index
        %get3A_725 = tpu.vector_load %arg12[%get3A_722, %get3A_723, %get3A_724] {strides = array<i32>} : memref<2x256x32xf32, #tpu.memory_space<vmem>>, vector<1x1x16xf32>,
        %get3A_726 = vector.shape_cast %get3A_725 : vector<1x1x16xf32> to vector<16xf32>
        %add3A_727 = arith.addf %add3A_720, %get3A_726 : vector<16xf32>
        %swap3A_728 = arith.constant 0 : i32
        %swap3A_729 = arith.index_cast %swap3A_728 : i32 to index
        %swap3A_730 = arith.index_cast %add3A_666 : i32 to index
        %swap3A_731 = arith.constant 48 : index
        %swap3A_732 = tpu.vector_load %arg13[%swap3A_729, %swap3A_730, %swap3A_731] {strides = array<i32>} : memref<2x64x128xf32, #tpu.memory_space<vmem>>, vector<1x1x16xf32>,
        %swap3A_733 = vector.shape_cast %swap3A_732 : vector<1x1x16xf32> to vector<16xf32>
        %swap3A_734 = vector.shape_cast %add3A_727 : vector<16xf32> to vector<1x1x16xf32>
        tpu.vector_store %arg13[%swap3A_729, %swap3A_730, %swap3A_731], %swap3A_734 {strides = array<i32>} : memref<2x64x128xf32, #tpu.memory_space<vmem>>, vector<1x1x16xf32>,
        %mul3A_735 = arith.constant 8 : i32
        %mul3A_736 = arith.muli %scan3A_584, %mul3A_735 : i32
        %add3A_737 = arith.constant 2 : i32
        %add3A_738 = arith.addi %mul3A_736, %add3A_737 : i32
        %mul3A_739 = arith.constant 2 : i32
        %mul3A_740 = arith.muli %mul3A_739, %scan3A_584 : i32
        %add3A_741 = arith.constant 0 : i32
        %add3A_742 = arith.addi %mul3A_740, %add3A_741 : i32
        %get3A_743 = arith.constant 0 : i32
        %get3A_744 = arith.index_cast %get3A_743 : i32 to index
        %get3A_745 = arith.index_cast %add3A_738 : i32 to index
        %get3A_746 = arith.constant 0 : index
        %get3A_747 = tpu.vector_load %arg9[%get3A_744, %get3A_745, %get3A_746] {strides = array<i32>} : memref<2x256x32xf32, #tpu.memory_space<vmem>>, vector<1x1x16xf32>,
        %get3A_748 = vector.shape_cast %get3A_747 : vector<1x1x16xf32> to vector<16xf32>
        %get3A_749 = arith.constant 0 : i32
        %get3A_750 = arith.index_cast %get3A_749 : i32 to index
        %get3A_751 = arith.index_cast %add3A_738 : i32 to index
        %get3A_752 = arith.constant 0 : index
        %get3A_753 = tpu.vector_load %arg10[%get3A_750, %get3A_751, %get3A_752] {strides = array<i32>} : memref<2x256x32xf32, #tpu.memory_space<vmem>>, vector<1x1x16xf32>,
        %get3A_754 = vector.shape_cast %get3A_753 : vector<1x1x16xf32> to vector<16xf32>
        %add3A_755 = arith.addf %get3A_748, %get3A_754 : vector<16xf32>
        %get3A_756 = arith.constant 0 : i32
        %get3A_757 = arith.index_cast %get3A_756 : i32 to index
        %get3A_758 = arith.index_cast %add3A_738 : i32 to index
        %get3A_759 = arith.constant 0 : index
        %get3A_760 = tpu.vector_load %arg11[%get3A_757, %get3A_758, %get3A_759] {strides = array<i32>} : memref<2x256x32xf32, #tpu.memory_space<vmem>>, vector<1x1x16xf32>,
        %get3A_761 = vector.shape_cast %get3A_760 : vector<1x1x16xf32> to vector<16xf32>
        %add3A_762 = arith.addf %add3A_755, %get3A_761 : vector<16xf32>
        %get3A_763 = arith.constant 0 : i32
        %get3A_764 = arith.index_cast %get3A_763 : i32 to index
        %get3A_765 = arith.index_cast %add3A_738 : i32 to index
        %get3A_766 = arith.constant 0 : index
        %get3A_767 = tpu.vector_load %arg12[%get3A_764, %get3A_765, %get3A_766] {strides = array<i32>} : memref<2x256x32xf32, #tpu.memory_space<vmem>>, vector<1x1x16xf32>,
        %get3A_768 = vector.shape_cast %get3A_767 : vector<1x1x16xf32> to vector<16xf32>
        %add3A_769 = arith.addf %add3A_762, %get3A_768 : vector<16xf32>
        %swap3A_770 = arith.constant 0 : i32
        %swap3A_771 = arith.index_cast %swap3A_770 : i32 to index
        %swap3A_772 = arith.index_cast %add3A_742 : i32 to index
        %swap3A_773 = arith.constant 64 : index
        %swap3A_774 = tpu.vector_load %arg13[%swap3A_771, %swap3A_772, %swap3A_773] {strides = array<i32>} : memref<2x64x128xf32, #tpu.memory_space<vmem>>, vector<1x1x16xf32>,
        %swap3A_775 = vector.shape_cast %swap3A_774 : vector<1x1x16xf32> to vector<16xf32>
        %swap3A_776 = vector.shape_cast %add3A_769 : vector<16xf32> to vector<1x1x16xf32>
        tpu.vector_store %arg13[%swap3A_771, %swap3A_772, %swap3A_773], %swap3A_776 {strides = array<i32>} : memref<2x64x128xf32, #tpu.memory_space<vmem>>, vector<1x1x16xf32>,
        %get3A_777 = arith.constant 0 : i32
        %get3A_778 = arith.index_cast %get3A_777 : i32 to index
        %get3A_779 = arith.index_cast %add3A_738 : i32 to index
        %get3A_780 = arith.constant 16 : index
        %get3A_781 = tpu.vector_load %arg9[%get3A_778, %get3A_779, %get3A_780] {strides = array<i32>} : memref<2x256x32xf32, #tpu.memory_space<vmem>>, vector<1x1x16xf32>,
        %get3A_782 = vector.shape_cast %get3A_781 : vector<1x1x16xf32> to vector<16xf32>
        %get3A_783 = arith.constant 0 : i32
        %get3A_784 = arith.index_cast %get3A_783 : i32 to index
        %get3A_785 = arith.index_cast %add3A_738 : i32 to index
        %get3A_786 = arith.constant 16 : index
        %get3A_787 = tpu.vector_load %arg10[%get3A_784, %get3A_785, %get3A_786] {strides = array<i32>} : memref<2x256x32xf32, #tpu.memory_space<vmem>>, vector<1x1x16xf32>,
        %get3A_788 = vector.shape_cast %get3A_787 : vector<1x1x16xf32> to vector<16xf32>
        %add3A_789 = arith.addf %get3A_782, %get3A_788 : vector<16xf32>
        %get3A_790 = arith.constant 0 : i32
        %get3A_791 = arith.index_cast %get3A_790 : i32 to index
        %get3A_792 = arith.index_cast %add3A_738 : i32 to index
        %get3A_793 = arith.constant 16 : index
        %get3A_794 = tpu.vector_load %arg11[%get3A_791, %get3A_792, %get3A_793] {strides = array<i32>} : memref<2x256x32xf32, #tpu.memory_space<vmem>>, vector<1x1x16xf32>,
        %get3A_795 = vector.shape_cast %get3A_794 : vector<1x1x16xf32> to vector<16xf32>
        %add3A_796 = arith.addf %add3A_789, %get3A_795 : vector<16xf32>
        %get3A_797 = arith.constant 0 : i32
        %get3A_798 = arith.index_cast %get3A_797 : i32 to index
        %get3A_799 = arith.index_cast %add3A_738 : i32 to index
        %get3A_800 = arith.constant 16 : index
        %get3A_801 = tpu.vector_load %arg12[%get3A_798, %get3A_799, %get3A_800] {strides = array<i32>} : memref<2x256x32xf32, #tpu.memory_space<vmem>>, vector<1x1x16xf32>,
        %get3A_802 = vector.shape_cast %get3A_801 : vector<1x1x16xf32> to vector<16xf32>
        %add3A_803 = arith.addf %add3A_796, %get3A_802 : vector<16xf32>
        %swap3A_804 = arith.constant 0 : i32
        %swap3A_805 = arith.index_cast %swap3A_804 : i32 to index
        %swap3A_806 = arith.index_cast %add3A_742 : i32 to index
        %swap3A_807 = arith.constant 80 : index
        %swap3A_808 = tpu.vector_load %arg13[%swap3A_805, %swap3A_806, %swap3A_807] {strides = array<i32>} : memref<2x64x128xf32, #tpu.memory_space<vmem>>, vector<1x1x16xf32>,
        %swap3A_809 = vector.shape_cast %swap3A_808 : vector<1x1x16xf32> to vector<16xf32>
        %swap3A_810 = vector.shape_cast %add3A_803 : vector<16xf32> to vector<1x1x16xf32>
        tpu.vector_store %arg13[%swap3A_805, %swap3A_806, %swap3A_807], %swap3A_810 {strides = array<i32>} : memref<2x64x128xf32, #tpu.memory_space<vmem>>, vector<1x1x16xf32>,
        %mul3A_811 = arith.constant 8 : i32
        %mul3A_812 = arith.muli %scan3A_584, %mul3A_811 : i32
        %add3A_813 = arith.constant 3 : i32
        %add3A_814 = arith.addi %mul3A_812, %add3A_813 : i32
        %mul3A_815 = arith.constant 2 : i32
        %mul3A_816 = arith.muli %mul3A_815, %scan3A_584 : i32
        %add3A_817 = arith.constant 0 : i32
        %add3A_818 = arith.addi %mul3A_816, %add3A_817 : i32
        %get3A_819 = arith.constant 0 : i32
        %get3A_820 = arith.index_cast %get3A_819 : i32 to index
        %get3A_821 = arith.index_cast %add3A_814 : i32 to index
        %get3A_822 = arith.constant 0 : index
        %get3A_823 = tpu.vector_load %arg9[%get3A_820, %get3A_821, %get3A_822] {strides = array<i32>} : memref<2x256x32xf32, #tpu.memory_space<vmem>>, vector<1x1x16xf32>,
        %get3A_824 = vector.shape_cast %get3A_823 : vector<1x1x16xf32> to vector<16xf32>
        %get3A_825 = arith.constant 0 : i32
        %get3A_826 = arith.index_cast %get3A_825 : i32 to index
        %get3A_827 = arith.index_cast %add3A_814 : i32 to index
        %get3A_828 = arith.constant 0 : index
        %get3A_829 = tpu.vector_load %arg10[%get3A_826, %get3A_827, %get3A_828] {strides = array<i32>} : memref<2x256x32xf32, #tpu.memory_space<vmem>>, vector<1x1x16xf32>,
        %get3A_830 = vector.shape_cast %get3A_829 : vector<1x1x16xf32> to vector<16xf32>
        %add3A_831 = arith.addf %get3A_824, %get3A_830 : vector<16xf32>
        %get3A_832 = arith.constant 0 : i32
        %get3A_833 = arith.index_cast %get3A_832 : i32 to index
        %get3A_834 = arith.index_cast %add3A_814 : i32 to index
        %get3A_835 = arith.constant 0 : index
        %get3A_836 = tpu.vector_load %arg11[%get3A_833, %get3A_834, %get3A_835] {strides = array<i32>} : memref<2x256x32xf32, #tpu.memory_space<vmem>>, vector<1x1x16xf32>,
        %get3A_837 = vector.shape_cast %get3A_836 : vector<1x1x16xf32> to vector<16xf32>
        %add3A_838 = arith.addf %add3A_831, %get3A_837 : vector<16xf32>
        %get3A_839 = arith.constant 0 : i32
        %get3A_840 = arith.index_cast %get3A_839 : i32 to index
        %get3A_841 = arith.index_cast %add3A_814 : i32 to index
        %get3A_842 = arith.constant 0 : index
        %get3A_843 = tpu.vector_load %arg12[%get3A_840, %get3A_841, %get3A_842] {strides = array<i32>} : memref<2x256x32xf32, #tpu.memory_space<vmem>>, vector<1x1x16xf32>,
        %get3A_844 = vector.shape_cast %get3A_843 : vector<1x1x16xf32> to vector<16xf32>
        %add3A_845 = arith.addf %add3A_838, %get3A_844 : vector<16xf32>
        %swap3A_846 = arith.constant 0 : i32
        %swap3A_847 = arith.index_cast %swap3A_846 : i32 to index
        %swap3A_848 = arith.index_cast %add3A_818 : i32 to index
        %swap3A_849 = arith.constant 96 : index
        %swap3A_850 = tpu.vector_load %arg13[%swap3A_847, %swap3A_848, %swap3A_849] {strides = array<i32>} : memref<2x64x128xf32, #tpu.memory_space<vmem>>, vector<1x1x16xf32>,
        %swap3A_851 = vector.shape_cast %swap3A_850 : vector<1x1x16xf32> to vector<16xf32>
        %swap3A_852 = vector.shape_cast %add3A_845 : vector<16xf32> to vector<1x1x16xf32>
        tpu.vector_store %arg13[%swap3A_847, %swap3A_848, %swap3A_849], %swap3A_852 {strides = array<i32>} : memref<2x64x128xf32, #tpu.memory_space<vmem>>, vector<1x1x16xf32>,
        %get3A_853 = arith.constant 0 : i32
        %get3A_854 = arith.index_cast %get3A_853 : i32 to index
        %get3A_855 = arith.index_cast %add3A_814 : i32 to index
        %get3A_856 = arith.constant 16 : index
        %get3A_857 = tpu.vector_load %arg9[%get3A_854, %get3A_855, %get3A_856] {strides = array<i32>} : memref<2x256x32xf32, #tpu.memory_space<vmem>>, vector<1x1x16xf32>,
        %get3A_858 = vector.shape_cast %get3A_857 : vector<1x1x16xf32> to vector<16xf32>
        %get3A_859 = arith.constant 0 : i32
        %get3A_860 = arith.index_cast %get3A_859 : i32 to index
        %get3A_861 = arith.index_cast %add3A_814 : i32 to index
        %get3A_862 = arith.constant 16 : index
        %get3A_863 = tpu.vector_load %arg10[%get3A_860, %get3A_861, %get3A_862] {strides = array<i32>} : memref<2x256x32xf32, #tpu.memory_space<vmem>>, vector<1x1x16xf32>,
        %get3A_864 = vector.shape_cast %get3A_863 : vector<1x1x16xf32> to vector<16xf32>
        %add3A_865 = arith.addf %get3A_858, %get3A_864 : vector<16xf32>
        %get3A_866 = arith.constant 0 : i32
        %get3A_867 = arith.index_cast %get3A_866 : i32 to index
        %get3A_868 = arith.index_cast %add3A_814 : i32 to index
        %get3A_869 = arith.constant 16 : index
        %get3A_870 = tpu.vector_load %arg11[%get3A_867, %get3A_868, %get3A_869] {strides = array<i32>} : memref<2x256x32xf32, #tpu.memory_space<vmem>>, vector<1x1x16xf32>,
        %get3A_871 = vector.shape_cast %get3A_870 : vector<1x1x16xf32> to vector<16xf32>
        %add3A_872 = arith.addf %add3A_865, %get3A_871 : vector<16xf32>
        %get3A_873 = arith.constant 0 : i32
        %get3A_874 = arith.index_cast %get3A_873 : i32 to index
        %get3A_875 = arith.index_cast %add3A_814 : i32 to index
        %get3A_876 = arith.constant 16 : index
        %get3A_877 = tpu.vector_load %arg12[%get3A_874, %get3A_875, %get3A_876] {strides = array<i32>} : memref<2x256x32xf32, #tpu.memory_space<vmem>>, vector<1x1x16xf32>,
        %get3A_878 = vector.shape_cast %get3A_877 : vector<1x1x16xf32> to vector<16xf32>
        %add3A_879 = arith.addf %add3A_872, %get3A_878 : vector<16xf32>
        %swap3A_880 = arith.constant 0 : i32
        %swap3A_881 = arith.index_cast %swap3A_880 : i32 to index
        %swap3A_882 = arith.index_cast %add3A_818 : i32 to index
        %swap3A_883 = arith.constant 112 : index
        %swap3A_884 = tpu.vector_load %arg13[%swap3A_881, %swap3A_882, %swap3A_883] {strides = array<i32>} : memref<2x64x128xf32, #tpu.memory_space<vmem>>, vector<1x1x16xf32>,
        %swap3A_885 = vector.shape_cast %swap3A_884 : vector<1x1x16xf32> to vector<16xf32>
        %swap3A_886 = vector.shape_cast %add3A_879 : vector<16xf32> to vector<1x1x16xf32>
        tpu.vector_store %arg13[%swap3A_881, %swap3A_882, %swap3A_883], %swap3A_886 {strides = array<i32>} : memref<2x64x128xf32, #tpu.memory_space<vmem>>, vector<1x1x16xf32>,
        %mul3A_887 = arith.constant 8 : i32
        %mul3A_888 = arith.muli %scan3A_584, %mul3A_887 : i32
        %add3A_889 = arith.constant 4 : i32
        %add3A_890 = arith.addi %mul3A_888, %add3A_889 : i32
        %mul3A_891 = arith.constant 2 : i32
        %mul3A_892 = arith.muli %mul3A_891, %scan3A_584 : i32
        %add3A_893 = arith.constant 1 : i32
        %add3A_894 = arith.addi %mul3A_892, %add3A_893 : i32
        %get3A_895 = arith.constant 0 : i32
        %get3A_896 = arith.index_cast %get3A_895 : i32 to index
        %get3A_897 = arith.index_cast %add3A_890 : i32 to index
        %get3A_898 = arith.constant 0 : index
        %get3A_899 = tpu.vector_load %arg9[%get3A_896, %get3A_897, %get3A_898] {strides = array<i32>} : memref<2x256x32xf32, #tpu.memory_space<vmem>>, vector<1x1x16xf32>,
        %get3A_900 = vector.shape_cast %get3A_899 : vector<1x1x16xf32> to vector<16xf32>
        %get3A_901 = arith.constant 0 : i32
        %get3A_902 = arith.index_cast %get3A_901 : i32 to index
        %get3A_903 = arith.index_cast %add3A_890 : i32 to index
        %get3A_904 = arith.constant 0 : index
        %get3A_905 = tpu.vector_load %arg10[%get3A_902, %get3A_903, %get3A_904] {strides = array<i32>} : memref<2x256x32xf32, #tpu.memory_space<vmem>>, vector<1x1x16xf32>,
        %get3A_906 = vector.shape_cast %get3A_905 : vector<1x1x16xf32> to vector<16xf32>
        %add3A_907 = arith.addf %get3A_900, %get3A_906 : vector<16xf32>
        %get3A_908 = arith.constant 0 : i32
        %get3A_909 = arith.index_cast %get3A_908 : i32 to index
        %get3A_910 = arith.index_cast %add3A_890 : i32 to index
        %get3A_911 = arith.constant 0 : index
        %get3A_912 = tpu.vector_load %arg11[%get3A_909, %get3A_910, %get3A_911] {strides = array<i32>} : memref<2x256x32xf32, #tpu.memory_space<vmem>>, vector<1x1x16xf32>,
        %get3A_913 = vector.shape_cast %get3A_912 : vector<1x1x16xf32> to vector<16xf32>
        %add3A_914 = arith.addf %add3A_907, %get3A_913 : vector<16xf32>
        %get3A_915 = arith.constant 0 : i32
        %get3A_916 = arith.index_cast %get3A_915 : i32 to index
        %get3A_917 = arith.index_cast %add3A_890 : i32 to index
        %get3A_918 = arith.constant 0 : index
        %get3A_919 = tpu.vector_load %arg12[%get3A_916, %get3A_917, %get3A_918] {strides = array<i32>} : memref<2x256x32xf32, #tpu.memory_space<vmem>>, vector<1x1x16xf32>,
        %get3A_920 = vector.shape_cast %get3A_919 : vector<1x1x16xf32> to vector<16xf32>
        %add3A_921 = arith.addf %add3A_914, %get3A_920 : vector<16xf32>
        %swap3A_922 = arith.constant 0 : i32
        %swap3A_923 = arith.index_cast %swap3A_922 : i32 to index
        %swap3A_924 = arith.index_cast %add3A_894 : i32 to index
        %swap3A_925 = arith.constant 0 : index
        %swap3A_926 = tpu.vector_load %arg13[%swap3A_923, %swap3A_924, %swap3A_925] {strides = array<i32>} : memref<2x64x128xf32, #tpu.memory_space<vmem>>, vector<1x1x16xf32>,
        %swap3A_927 = vector.shape_cast %swap3A_926 : vector<1x1x16xf32> to vector<16xf32>
        %swap3A_928 = vector.shape_cast %add3A_921 : vector<16xf32> to vector<1x1x16xf32>
        tpu.vector_store %arg13[%swap3A_923, %swap3A_924, %swap3A_925], %swap3A_928 {strides = array<i32>} : memref<2x64x128xf32, #tpu.memory_space<vmem>>, vector<1x1x16xf32>,
        %get3A_929 = arith.constant 0 : i32
        %get3A_930 = arith.index_cast %get3A_929 : i32 to index
        %get3A_931 = arith.index_cast %add3A_890 : i32 to index
        %get3A_932 = arith.constant 16 : index
        %get3A_933 = tpu.vector_load %arg9[%get3A_930, %get3A_931, %get3A_932] {strides = array<i32>} : memref<2x256x32xf32, #tpu.memory_space<vmem>>, vector<1x1x16xf32>,
        %get3A_934 = vector.shape_cast %get3A_933 : vector<1x1x16xf32> to vector<16xf32>
        %get3A_935 = arith.constant 0 : i32
        %get3A_936 = arith.index_cast %get3A_935 : i32 to index
        %get3A_937 = arith.index_cast %add3A_890 : i32 to index
        %get3A_938 = arith.constant 16 : index
        %get3A_939 = tpu.vector_load %arg10[%get3A_936, %get3A_937, %get3A_938] {strides = array<i32>} : memref<2x256x32xf32, #tpu.memory_space<vmem>>, vector<1x1x16xf32>,
        %get3A_940 = vector.shape_cast %get3A_939 : vector<1x1x16xf32> to vector<16xf32>
        %add3A_941 = arith.addf %get3A_934, %get3A_940 : vector<16xf32>
        %get3A_942 = arith.constant 0 : i32
        %get3A_943 = arith.index_cast %get3A_942 : i32 to index
        %get3A_944 = arith.index_cast %add3A_890 : i32 to index
        %get3A_945 = arith.constant 16 : index
        %get3A_946 = tpu.vector_load %arg11[%get3A_943, %get3A_944, %get3A_945] {strides = array<i32>} : memref<2x256x32xf32, #tpu.memory_space<vmem>>, vector<1x1x16xf32>,
        %get3A_947 = vector.shape_cast %get3A_946 : vector<1x1x16xf32> to vector<16xf32>
        %add3A_948 = arith.addf %add3A_941, %get3A_947 : vector<16xf32>
        %get3A_949 = arith.constant 0 : i32
        %get3A_950 = arith.index_cast %get3A_949 : i32 to index
        %get3A_951 = arith.index_cast %add3A_890 : i32 to index
        %get3A_952 = arith.constant 16 : index
        %get3A_953 = tpu.vector_load %arg12[%get3A_950, %get3A_951, %get3A_952] {strides = array<i32>} : memref<2x256x32xf32, #tpu.memory_space<vmem>>, vector<1x1x16xf32>,
        %get3A_954 = vector.shape_cast %get3A_953 : vector<1x1x16xf32> to vector<16xf32>
        %add3A_955 = arith.addf %add3A_948, %get3A_954 : vector<16xf32>
        %swap3A_956 = arith.constant 0 : i32
        %swap3A_957 = arith.index_cast %swap3A_956 : i32 to index
        %swap3A_958 = arith.index_cast %add3A_894 : i32 to index
        %swap3A_959 = arith.constant 16 : index
        %swap3A_960 = tpu.vector_load %arg13[%swap3A_957, %swap3A_958, %swap3A_959] {strides = array<i32>} : memref<2x64x128xf32, #tpu.memory_space<vmem>>, vector<1x1x16xf32>,
        %swap3A_961 = vector.shape_cast %swap3A_960 : vector<1x1x16xf32> to vector<16xf32>
        %swap3A_962 = vector.shape_cast %add3A_955 : vector<16xf32> to vector<1x1x16xf32>
        tpu.vector_store %arg13[%swap3A_957, %swap3A_958, %swap3A_959], %swap3A_962 {strides = array<i32>} : memref<2x64x128xf32, #tpu.memory_space<vmem>>, vector<1x1x16xf32>,
        %mul3A_963 = arith.constant 8 : i32
        %mul3A_964 = arith.muli %scan3A_584, %mul3A_963 : i32
        %add3A_965 = arith.constant 5 : i32
        %add3A_966 = arith.addi %mul3A_964, %add3A_965 : i32
        %mul3A_967 = arith.constant 2 : i32
        %mul3A_968 = arith.muli %mul3A_967, %scan3A_584 : i32
        %add3A_969 = arith.constant 1 : i32
        %add3A_970 = arith.addi %mul3A_968, %add3A_969 : i32
        %get3A_971 = arith.constant 0 : i32
        %get3A_972 = arith.index_cast %get3A_971 : i32 to index
        %get3A_973 = arith.index_cast %add3A_966 : i32 to index
        %get3A_974 = arith.constant 0 : index
        %get3A_975 = tpu.vector_load %arg9[%get3A_972, %get3A_973, %get3A_974] {strides = array<i32>} : memref<2x256x32xf32, #tpu.memory_space<vmem>>, vector<1x1x16xf32>,
        %get3A_976 = vector.shape_cast %get3A_975 : vector<1x1x16xf32> to vector<16xf32>
        %get3A_977 = arith.constant 0 : i32
        %get3A_978 = arith.index_cast %get3A_977 : i32 to index
        %get3A_979 = arith.index_cast %add3A_966 : i32 to index
        %get3A_980 = arith.constant 0 : index
        %get3A_981 = tpu.vector_load %arg10[%get3A_978, %get3A_979, %get3A_980] {strides = array<i32>} : memref<2x256x32xf32, #tpu.memory_space<vmem>>, vector<1x1x16xf32>,
        %get3A_982 = vector.shape_cast %get3A_981 : vector<1x1x16xf32> to vector<16xf32>
        %add3A_983 = arith.addf %get3A_976, %get3A_982 : vector<16xf32>
        %get3A_984 = arith.constant 0 : i32
        %get3A_985 = arith.index_cast %get3A_984 : i32 to index
        %get3A_986 = arith.index_cast %add3A_966 : i32 to index
        %get3A_987 = arith.constant 0 : index
        %get3A_988 = tpu.vector_load %arg11[%get3A_985, %get3A_986, %get3A_987] {strides = array<i32>} : memref<2x256x32xf32, #tpu.memory_space<vmem>>, vector<1x1x16xf32>,
        %get3A_989 = vector.shape_cast %get3A_988 : vector<1x1x16xf32> to vector<16xf32>
        %add3A_990 = arith.addf %add3A_983, %get3A_989 : vector<16xf32>
        %get3A_991 = arith.constant 0 : i32
        %get3A_992 = arith.index_cast %get3A_991 : i32 to index
        %get3A_993 = arith.index_cast %add3A_966 : i32 to index
        %get3A_994 = arith.constant 0 : index
        %get3A_995 = tpu.vector_load %arg12[%get3A_992, %get3A_993, %get3A_994] {strides = array<i32>} : memref<2x256x32xf32, #tpu.memory_space<vmem>>, vector<1x1x16xf32>,
        %get3A_996 = vector.shape_cast %get3A_995 : vector<1x1x16xf32> to vector<16xf32>
        %add3A_997 = arith.addf %add3A_990, %get3A_996 : vector<16xf32>
        %swap3A_998 = arith.constant 0 : i32
        %swap3A_999 = arith.index_cast %swap3A_998 : i32 to index
        %swap3A_1000 = arith.index_cast %add3A_970 : i32 to index
        %swap3A_1001 = arith.constant 32 : index
        %swap3A_1002 = tpu.vector_load %arg13[%swap3A_999, %swap3A_1000, %swap3A_1001] {strides = array<i32>} : memref<2x64x128xf32, #tpu.memory_space<vmem>>, vector<1x1x16xf32>,
        %swap3A_1003 = vector.shape_cast %swap3A_1002 : vector<1x1x16xf32> to vector<16xf32>
        %swap3A_1004 = vector.shape_cast %add3A_997 : vector<16xf32> to vector<1x1x16xf32>
        tpu.vector_store %arg13[%swap3A_999, %swap3A_1000, %swap3A_1001], %swap3A_1004 {strides = array<i32>} : memref<2x64x128xf32, #tpu.memory_space<vmem>>, vector<1x1x16xf32>,
        %get3A_1005 = arith.constant 0 : i32
        %get3A_1006 = arith.index_cast %get3A_1005 : i32 to index
        %get3A_1007 = arith.index_cast %add3A_966 : i32 to index
        %get3A_1008 = arith.constant 16 : index
        %get3A_1009 = tpu.vector_load %arg9[%get3A_1006, %get3A_1007, %get3A_1008] {strides = array<i32>} : memref<2x256x32xf32, #tpu.memory_space<vmem>>, vector<1x1x16xf32>,
        %get3A_1010 = vector.shape_cast %get3A_1009 : vector<1x1x16xf32> to vector<16xf32>
        %get3A_1011 = arith.constant 0 : i32
        %get3A_1012 = arith.index_cast %get3A_1011 : i32 to index
        %get3A_1013 = arith.index_cast %add3A_966 : i32 to index
        %get3A_1014 = arith.constant 16 : index
        %get3A_1015 = tpu.vector_load %arg10[%get3A_1012, %get3A_1013, %get3A_1014] {strides = array<i32>} : memref<2x256x32xf32, #tpu.memory_space<vmem>>, vector<1x1x16xf32>,
        %get3A_1016 = vector.shape_cast %get3A_1015 : vector<1x1x16xf32> to vector<16xf32>
        %add3A_1017 = arith.addf %get3A_1010, %get3A_1016 : vector<16xf32>
        %get3A_1018 = arith.constant 0 : i32
        %get3A_1019 = arith.index_cast %get3A_1018 : i32 to index
        %get3A_1020 = arith.index_cast %add3A_966 : i32 to index
        %get3A_1021 = arith.constant 16 : index
        %get3A_1022 = tpu.vector_load %arg11[%get3A_1019, %get3A_1020, %get3A_1021] {strides = array<i32>} : memref<2x256x32xf32, #tpu.memory_space<vmem>>, vector<1x1x16xf32>,
        %get3A_1023 = vector.shape_cast %get3A_1022 : vector<1x1x16xf32> to vector<16xf32>
        %add3A_1024 = arith.addf %add3A_1017, %get3A_1023 : vector<16xf32>
        %get3A_1025 = arith.constant 0 : i32
        %get3A_1026 = arith.index_cast %get3A_1025 : i32 to index
        %get3A_1027 = arith.index_cast %add3A_966 : i32 to index
        %get3A_1028 = arith.constant 16 : index
        %get3A_1029 = tpu.vector_load %arg12[%get3A_1026, %get3A_1027, %get3A_1028] {strides = array<i32>} : memref<2x256x32xf32, #tpu.memory_space<vmem>>, vector<1x1x16xf32>,
        %get3A_1030 = vector.shape_cast %get3A_1029 : vector<1x1x16xf32> to vector<16xf32>
        %add3A_1031 = arith.addf %add3A_1024, %get3A_1030 : vector<16xf32>
        %swap3A_1032 = arith.constant 0 : i32
        %swap3A_1033 = arith.index_cast %swap3A_1032 : i32 to index
        %swap3A_1034 = arith.index_cast %add3A_970 : i32 to index
        %swap3A_1035 = arith.constant 48 : index
        %swap3A_1036 = tpu.vector_load %arg13[%swap3A_1033, %swap3A_1034, %swap3A_1035] {strides = array<i32>} : memref<2x64x128xf32, #tpu.memory_space<vmem>>, vector<1x1x16xf32>,
        %swap3A_1037 = vector.shape_cast %swap3A_1036 : vector<1x1x16xf32> to vector<16xf32>
        %swap3A_1038 = vector.shape_cast %add3A_1031 : vector<16xf32> to vector<1x1x16xf32>
        tpu.vector_store %arg13[%swap3A_1033, %swap3A_1034, %swap3A_1035], %swap3A_1038 {strides = array<i32>} : memref<2x64x128xf32, #tpu.memory_space<vmem>>, vector<1x1x16xf32>,
        %mul3A_1039 = arith.constant 8 : i32
        %mul3A_1040 = arith.muli %scan3A_584, %mul3A_1039 : i32
        %add3A_1041 = arith.constant 6 : i32
        %add3A_1042 = arith.addi %mul3A_1040, %add3A_1041 : i32
        %mul3A_1043 = arith.constant 2 : i32
        %mul3A_1044 = arith.muli %mul3A_1043, %scan3A_584 : i32
        %add3A_1045 = arith.constant 1 : i32
        %add3A_1046 = arith.addi %mul3A_1044, %add3A_1045 : i32
        %get3A_1047 = arith.constant 0 : i32
        %get3A_1048 = arith.index_cast %get3A_1047 : i32 to index
        %get3A_1049 = arith.index_cast %add3A_1042 : i32 to index
        %get3A_1050 = arith.constant 0 : index
        %get3A_1051 = tpu.vector_load %arg9[%get3A_1048, %get3A_1049, %get3A_1050] {strides = array<i32>} : memref<2x256x32xf32, #tpu.memory_space<vmem>>, vector<1x1x16xf32>,
        %get3A_1052 = vector.shape_cast %get3A_1051 : vector<1x1x16xf32> to vector<16xf32>
        %get3A_1053 = arith.constant 0 : i32
        %get3A_1054 = arith.index_cast %get3A_1053 : i32 to index
        %get3A_1055 = arith.index_cast %add3A_1042 : i32 to index
        %get3A_1056 = arith.constant 0 : index
        %get3A_1057 = tpu.vector_load %arg10[%get3A_1054, %get3A_1055, %get3A_1056] {strides = array<i32>} : memref<2x256x32xf32, #tpu.memory_space<vmem>>, vector<1x1x16xf32>,
        %get3A_1058 = vector.shape_cast %get3A_1057 : vector<1x1x16xf32> to vector<16xf32>
        %add3A_1059 = arith.addf %get3A_1052, %get3A_1058 : vector<16xf32>
        %get3A_1060 = arith.constant 0 : i32
        %get3A_1061 = arith.index_cast %get3A_1060 : i32 to index
        %get3A_1062 = arith.index_cast %add3A_1042 : i32 to index
        %get3A_1063 = arith.constant 0 : index
        %get3A_1064 = tpu.vector_load %arg11[%get3A_1061, %get3A_1062, %get3A_1063] {strides = array<i32>} : memref<2x256x32xf32, #tpu.memory_space<vmem>>, vector<1x1x16xf32>,
        %get3A_1065 = vector.shape_cast %get3A_1064 : vector<1x1x16xf32> to vector<16xf32>
        %add3A_1066 = arith.addf %add3A_1059, %get3A_1065 : vector<16xf32>
        %get3A_1067 = arith.constant 0 : i32
        %get3A_1068 = arith.index_cast %get3A_1067 : i32 to index
        %get3A_1069 = arith.index_cast %add3A_1042 : i32 to index
        %get3A_1070 = arith.constant 0 : index
        %get3A_1071 = tpu.vector_load %arg12[%get3A_1068, %get3A_1069, %get3A_1070] {strides = array<i32>} : memref<2x256x32xf32, #tpu.memory_space<vmem>>, vector<1x1x16xf32>,
        %get3A_1072 = vector.shape_cast %get3A_1071 : vector<1x1x16xf32> to vector<16xf32>
        %add3A_1073 = arith.addf %add3A_1066, %get3A_1072 : vector<16xf32>
        %swap3A_1074 = arith.constant 0 : i32
        %swap3A_1075 = arith.index_cast %swap3A_1074 : i32 to index
        %swap3A_1076 = arith.index_cast %add3A_1046 : i32 to index
        %swap3A_1077 = arith.constant 64 : index
        %swap3A_1078 = tpu.vector_load %arg13[%swap3A_1075, %swap3A_1076, %swap3A_1077] {strides = array<i32>} : memref<2x64x128xf32, #tpu.memory_space<vmem>>, vector<1x1x16xf32>,
        %swap3A_1079 = vector.shape_cast %swap3A_1078 : vector<1x1x16xf32> to vector<16xf32>
        %swap3A_1080 = vector.shape_cast %add3A_1073 : vector<16xf32> to vector<1x1x16xf32>
        tpu.vector_store %arg13[%swap3A_1075, %swap3A_1076, %swap3A_1077], %swap3A_1080 {strides = array<i32>} : memref<2x64x128xf32, #tpu.memory_space<vmem>>, vector<1x1x16xf32>,
        %get3A_1081 = arith.constant 0 : i32
        %get3A_1082 = arith.index_cast %get3A_1081 : i32 to index
        %get3A_1083 = arith.index_cast %add3A_1042 : i32 to index
        %get3A_1084 = arith.constant 16 : index
        %get3A_1085 = tpu.vector_load %arg9[%get3A_1082, %get3A_1083, %get3A_1084] {strides = array<i32>} : memref<2x256x32xf32, #tpu.memory_space<vmem>>, vector<1x1x16xf32>,
        %get3A_1086 = vector.shape_cast %get3A_1085 : vector<1x1x16xf32> to vector<16xf32>
        %get3A_1087 = arith.constant 0 : i32
        %get3A_1088 = arith.index_cast %get3A_1087 : i32 to index
        %get3A_1089 = arith.index_cast %add3A_1042 : i32 to index
        %get3A_1090 = arith.constant 16 : index
        %get3A_1091 = tpu.vector_load %arg10[%get3A_1088, %get3A_1089, %get3A_1090] {strides = array<i32>} : memref<2x256x32xf32, #tpu.memory_space<vmem>>, vector<1x1x16xf32>,
        %get3A_1092 = vector.shape_cast %get3A_1091 : vector<1x1x16xf32> to vector<16xf32>
        %add3A_1093 = arith.addf %get3A_1086, %get3A_1092 : vector<16xf32>
        %get3A_1094 = arith.constant 0 : i32
        %get3A_1095 = arith.index_cast %get3A_1094 : i32 to index
        %get3A_1096 = arith.index_cast %add3A_1042 : i32 to index
        %get3A_1097 = arith.constant 16 : index
        %get3A_1098 = tpu.vector_load %arg11[%get3A_1095, %get3A_1096, %get3A_1097] {strides = array<i32>} : memref<2x256x32xf32, #tpu.memory_space<vmem>>, vector<1x1x16xf32>,
        %get3A_1099 = vector.shape_cast %get3A_1098 : vector<1x1x16xf32> to vector<16xf32>
        %add3A_1100 = arith.addf %add3A_1093, %get3A_1099 : vector<16xf32>
        %get3A_1101 = arith.constant 0 : i32
        %get3A_1102 = arith.index_cast %get3A_1101 : i32 to index
        %get3A_1103 = arith.index_cast %add3A_1042 : i32 to index
        %get3A_1104 = arith.constant 16 : index
        %get3A_1105 = tpu.vector_load %arg12[%get3A_1102, %get3A_1103, %get3A_1104] {strides = array<i32>} : memref<2x256x32xf32, #tpu.memory_space<vmem>>, vector<1x1x16xf32>,
        %get3A_1106 = vector.shape_cast %get3A_1105 : vector<1x1x16xf32> to vector<16xf32>
        %add3A_1107 = arith.addf %add3A_1100, %get3A_1106 : vector<16xf32>
        %swap3A_1108 = arith.constant 0 : i32
        %swap3A_1109 = arith.index_cast %swap3A_1108 : i32 to index
        %swap3A_1110 = arith.index_cast %add3A_1046 : i32 to index
        %swap3A_1111 = arith.constant 80 : index
        %swap3A_1112 = tpu.vector_load %arg13[%swap3A_1109, %swap3A_1110, %swap3A_1111] {strides = array<i32>} : memref<2x64x128xf32, #tpu.memory_space<vmem>>, vector<1x1x16xf32>,
        %swap3A_1113 = vector.shape_cast %swap3A_1112 : vector<1x1x16xf32> to vector<16xf32>
        %swap3A_1114 = vector.shape_cast %add3A_1107 : vector<16xf32> to vector<1x1x16xf32>
        tpu.vector_store %arg13[%swap3A_1109, %swap3A_1110, %swap3A_1111], %swap3A_1114 {strides = array<i32>} : memref<2x64x128xf32, #tpu.memory_space<vmem>>, vector<1x1x16xf32>,
        %mul3A_1115 = arith.constant 8 : i32
        %mul3A_1116 = arith.muli %scan3A_584, %mul3A_1115 : i32
        %add3A_1117 = arith.constant 7 : i32
        %add3A_1118 = arith.addi %mul3A_1116, %add3A_1117 : i32
        %mul3A_1119 = arith.constant 2 : i32
        %mul3A_1120 = arith.muli %mul3A_1119, %scan3A_584 : i32
        %add3A_1121 = arith.constant 1 : i32
        %add3A_1122 = arith.addi %mul3A_1120, %add3A_1121 : i32
        %get3A_1123 = arith.constant 0 : i32
        %get3A_1124 = arith.index_cast %get3A_1123 : i32 to index
        %get3A_1125 = arith.index_cast %add3A_1118 : i32 to index
        %get3A_1126 = arith.constant 0 : index
        %get3A_1127 = tpu.vector_load %arg9[%get3A_1124, %get3A_1125, %get3A_1126] {strides = array<i32>} : memref<2x256x32xf32, #tpu.memory_space<vmem>>, vector<1x1x16xf32>,
        %get3A_1128 = vector.shape_cast %get3A_1127 : vector<1x1x16xf32> to vector<16xf32>
        %get3A_1129 = arith.constant 0 : i32
        %get3A_1130 = arith.index_cast %get3A_1129 : i32 to index
        %get3A_1131 = arith.index_cast %add3A_1118 : i32 to index
        %get3A_1132 = arith.constant 0 : index
        %get3A_1133 = tpu.vector_load %arg10[%get3A_1130, %get3A_1131, %get3A_1132] {strides = array<i32>} : memref<2x256x32xf32, #tpu.memory_space<vmem>>, vector<1x1x16xf32>,
        %get3A_1134 = vector.shape_cast %get3A_1133 : vector<1x1x16xf32> to vector<16xf32>
        %add3A_1135 = arith.addf %get3A_1128, %get3A_1134 : vector<16xf32>
        %get3A_1136 = arith.constant 0 : i32
        %get3A_1137 = arith.index_cast %get3A_1136 : i32 to index
        %get3A_1138 = arith.index_cast %add3A_1118 : i32 to index
        %get3A_1139 = arith.constant 0 : index
        %get3A_1140 = tpu.vector_load %arg11[%get3A_1137, %get3A_1138, %get3A_1139] {strides = array<i32>} : memref<2x256x32xf32, #tpu.memory_space<vmem>>, vector<1x1x16xf32>,
        %get3A_1141 = vector.shape_cast %get3A_1140 : vector<1x1x16xf32> to vector<16xf32>
        %add3A_1142 = arith.addf %add3A_1135, %get3A_1141 : vector<16xf32>
        %get3A_1143 = arith.constant 0 : i32
        %get3A_1144 = arith.index_cast %get3A_1143 : i32 to index
        %get3A_1145 = arith.index_cast %add3A_1118 : i32 to index
        %get3A_1146 = arith.constant 0 : index
        %get3A_1147 = tpu.vector_load %arg12[%get3A_1144, %get3A_1145, %get3A_1146] {strides = array<i32>} : memref<2x256x32xf32, #tpu.memory_space<vmem>>, vector<1x1x16xf32>,
        %get3A_1148 = vector.shape_cast %get3A_1147 : vector<1x1x16xf32> to vector<16xf32>
        %add3A_1149 = arith.addf %add3A_1142, %get3A_1148 : vector<16xf32>
        %swap3A_1150 = arith.constant 0 : i32
        %swap3A_1151 = arith.index_cast %swap3A_1150 : i32 to index
        %swap3A_1152 = arith.index_cast %add3A_1122 : i32 to index
        %swap3A_1153 = arith.constant 96 : index
        %swap3A_1154 = tpu.vector_load %arg13[%swap3A_1151, %swap3A_1152, %swap3A_1153] {strides = array<i32>} : memref<2x64x128xf32, #tpu.memory_space<vmem>>, vector<1x1x16xf32>,
        %swap3A_1155 = vector.shape_cast %swap3A_1154 : vector<1x1x16xf32> to vector<16xf32>
        %swap3A_1156 = vector.shape_cast %add3A_1149 : vector<16xf32> to vector<1x1x16xf32>
        tpu.vector_store %arg13[%swap3A_1151, %swap3A_1152, %swap3A_1153], %swap3A_1156 {strides = array<i32>} : memref<2x64x128xf32, #tpu.memory_space<vmem>>, vector<1x1x16xf32>,
        %get3A_1157 = arith.constant 0 : i32
        %get3A_1158 = arith.index_cast %get3A_1157 : i32 to index
        %get3A_1159 = arith.index_cast %add3A_1118 : i32 to index
        %get3A_1160 = arith.constant 16 : index
        %get3A_1161 = tpu.vector_load %arg9[%get3A_1158, %get3A_1159, %get3A_1160] {strides = array<i32>} : memref<2x256x32xf32, #tpu.memory_space<vmem>>, vector<1x1x16xf32>,
        %get3A_1162 = vector.shape_cast %get3A_1161 : vector<1x1x16xf32> to vector<16xf32>
        %get3A_1163 = arith.constant 0 : i32
        %get3A_1164 = arith.index_cast %get3A_1163 : i32 to index
        %get3A_1165 = arith.index_cast %add3A_1118 : i32 to index
        %get3A_1166 = arith.constant 16 : index
        %get3A_1167 = tpu.vector_load %arg10[%get3A_1164, %get3A_1165, %get3A_1166] {strides = array<i32>} : memref<2x256x32xf32, #tpu.memory_space<vmem>>, vector<1x1x16xf32>,
        %get3A_1168 = vector.shape_cast %get3A_1167 : vector<1x1x16xf32> to vector<16xf32>
        %add3A_1169 = arith.addf %get3A_1162, %get3A_1168 : vector<16xf32>
        %get3A_1170 = arith.constant 0 : i32
        %get3A_1171 = arith.index_cast %get3A_1170 : i32 to index
        %get3A_1172 = arith.index_cast %add3A_1118 : i32 to index
        %get3A_1173 = arith.constant 16 : index
        %get3A_1174 = tpu.vector_load %arg11[%get3A_1171, %get3A_1172, %get3A_1173] {strides = array<i32>} : memref<2x256x32xf32, #tpu.memory_space<vmem>>, vector<1x1x16xf32>,
        %get3A_1175 = vector.shape_cast %get3A_1174 : vector<1x1x16xf32> to vector<16xf32>
        %add3A_1176 = arith.addf %add3A_1169, %get3A_1175 : vector<16xf32>
        %get3A_1177 = arith.constant 0 : i32
        %get3A_1178 = arith.index_cast %get3A_1177 : i32 to index
        %get3A_1179 = arith.index_cast %add3A_1118 : i32 to index
        %get3A_1180 = arith.constant 16 : index
        %get3A_1181 = tpu.vector_load %arg12[%get3A_1178, %get3A_1179, %get3A_1180] {strides = array<i32>} : memref<2x256x32xf32, #tpu.memory_space<vmem>>, vector<1x1x16xf32>,
        %get3A_1182 = vector.shape_cast %get3A_1181 : vector<1x1x16xf32> to vector<16xf32>
        %add3A_1183 = arith.addf %add3A_1176, %get3A_1182 : vector<16xf32>
        %swap3A_1184 = arith.constant 0 : i32
        %swap3A_1185 = arith.index_cast %swap3A_1184 : i32 to index
        %swap3A_1186 = arith.index_cast %add3A_1122 : i32 to index
        %swap3A_1187 = arith.constant 112 : index
        %swap3A_1188 = tpu.vector_load %arg13[%swap3A_1185, %swap3A_1186, %swap3A_1187] {strides = array<i32>} : memref<2x64x128xf32, #tpu.memory_space<vmem>>, vector<1x1x16xf32>,
        %swap3A_1189 = vector.shape_cast %swap3A_1188 : vector<1x1x16xf32> to vector<16xf32>
        %swap3A_1190 = vector.shape_cast %add3A_1183 : vector<16xf32> to vector<1x1x16xf32>
        tpu.vector_store %arg13[%swap3A_1185, %swap3A_1186, %swap3A_1187], %swap3A_1190 {strides = array<i32>} : memref<2x64x128xf32, #tpu.memory_space<vmem>>, vector<1x1x16xf32>,
      }
      %scan3A_411 = arith.constant 32 : i32
      %mul3A_412 = arith.constant 25600 : i32
      %mul3A_413 = arith.muli %add3A, %mul3A_412 : i32
      %mul3A_414 = arith.constant 256 : i32
      %mul3A_415 = arith.muli %mul3A_329, %mul3A_414 : i32
      %add3A_416 = arith.addi %mul3A_413, %mul3A_415 : i32
      %jit3A_417 = arith.constant 4 : i32
      %div3A_418 = arith.divsi %add3A_416, %jit3A_417 : i32
      %sign3A_419 = arith.constant 0 : i32
      %sign3A_420 = arith.cmpi sgt, %add3A_416, %sign3A_419 : i32
      %sign3A_421 = arith.extui %sign3A_420 : i1 to i32
      %sign3A_422 = arith.constant 0 : i32
      %sign3A_423 = arith.cmpi slt, %add3A_416, %sign3A_422 : i32
      %sign3A_424 = arith.extui %sign3A_423 : i1 to i32
      %sign3A_425 = arith.subi %sign3A_421, %sign3A_424 : i32
      %sign3A_426 = arith.constant 0 : i32
      %sign3A_427 = arith.cmpi sgt, %jit3A_417, %sign3A_426 : i32
      %sign3A_428 = arith.extui %sign3A_427 : i1 to i32
      %sign3A_429 = arith.constant 0 : i32
      %sign3A_430 = arith.cmpi slt, %jit3A_417, %sign3A_429 : i32
      %sign3A_431 = arith.extui %sign3A_430 : i1 to i32
      %sign3A_432 = arith.subi %sign3A_428, %sign3A_431 : i32
      %ne3A_433 = arith.cmpi ne, %sign3A_425, %sign3A_432 : i32
      %rem3A_434 = arith.remsi %add3A_416, %jit3A_417 : i32
      %ne3A_435 = arith.constant 0 : i32
      %ne3A_436 = arith.cmpi ne, %rem3A_434, %ne3A_435 : i32
      %and3A_437 = arith.andi %ne3A_433, %ne3A_436 : i1
      %sub3A_438 = arith.constant 1 : i32
      %sub3A_439 = arith.subi %div3A_418, %sub3A_438 : i32
      %select_n3A_440 = arith.select %and3A_437, %sub3A_439, %div3A_418 : i32
      %dma_start3A_441 = arith.constant 0 : i32
      %dma_start3A_442 = arith.constant 0 : i32
      %dma_start3A_443 = arith.constant 0 : i32
      %dma_start3A_444 = tpu.memref_slice %arg13[%dma_start3A_441, %dma_start3A_442, %dma_start3A_443] : memref<2x64x128xf32, #tpu.memory_space<vmem>> -> memref<1x64x128xf32, #tpu.memory_space<vmem>>
      %dma_start3A_445 = tpu.memref_squeeze %dma_start3A_444 : memref<1x64x128xf32, #tpu.memory_space<vmem>> -> memref<64x128xf32, #tpu.memory_space<vmem>>
      %dma_start3A_446 = arith.constant 0 : i32
      %dma_start3A_447 = tpu.memref_slice %arg7[%select_n3A_440, %dma_start3A_446] : memref<204800x128xf32, #tpu.memory_space<hbm>> -> memref<64x128xf32, #tpu.memory_space<hbm>>
      %dma_start3A_448 = arith.constant 0 : i32
      %dma_start3A_449 = tpu.memref_slice %arg7[%select_n3A_440, %dma_start3A_448] : memref<204800x128xf32, #tpu.memory_space<hbm>> -> memref<64x128xf32, #tpu.memory_space<hbm>>
      %dma_start3A_450 = arith.constant 0 : i32
      %dma_start3A_451 = arith.constant 0 : i32
      %dma_start3A_452 = tpu.memref_slice %arg13[%dma_start3A_441, %dma_start3A_450, %dma_start3A_451] : memref<2x64x128xf32, #tpu.memory_space<vmem>> -> memref<1x64x128xf32, #tpu.memory_space<vmem>>
      %dma_start3A_453 = tpu.memref_squeeze %dma_start3A_452 : memref<1x64x128xf32, #tpu.memory_space<vmem>> -> memref<64x128xf32, #tpu.memory_space<vmem>>
      tpu.enqueue_dma source(%dma_start3A_453 : memref<64x128xf32, #tpu.memory_space<vmem>>) target(%dma_start3A_449 : memref<64x128xf32, #tpu.memory_space<hbm>>) target_semaphore(%arg21 : memref<!tpu.dma_semaphore, #tpu.memory_space<semaphore_mem>>)
      %mul3A_454 = arith.constant 2 : i32
      %mul3A_455 = arith.muli %mul3A_454, %scan3A_327 : i32
      %add3A_456 = arith.constant 1 : i32
      %add3A_457 = arith.addi %mul3A_455, %add3A_456 : i32
      %ge3A_458 = arith.constant 2 : i32
      %ge3A_459 = arith.cmpi sge, %add3A_457, %ge3A_458 : i32
      %convert_element_type3A_460 = arith.extui %ge3A_459 : i1 to i32
      %cond3A_461 = arith.constant 0 : i32
      %cond3A_462 = arith.cmpi ne, %convert_element_type3A_460, %cond3A_461 : i32
      scf.if %cond3A_462 {
        %sub3A_584 = arith.constant 2 : i32
        %sub3A_585 = arith.subi %add3A_457, %sub3A_584 : i32
        %mul3A_586 = arith.constant 25600 : i32
        %mul3A_587 = arith.muli %add3A, %mul3A_586 : i32
        %mul3A_588 = arith.constant 256 : i32
        %mul3A_589 = arith.muli %sub3A_585, %mul3A_588 : i32
        %add3A_590 = arith.addi %mul3A_587, %mul3A_589 : i32
        %jit3A_591 = arith.constant 4 : i32
        %div3A_592 = arith.divsi %add3A_590, %jit3A_591 : i32
        %sign3A_593 = arith.constant 0 : i32
        %sign3A_594 = arith.cmpi sgt, %add3A_590, %sign3A_593 : i32
        %sign3A_595 = arith.extui %sign3A_594 : i1 to i32
        %sign3A_596 = arith.constant 0 : i32
        %sign3A_597 = arith.cmpi slt, %add3A_590, %sign3A_596 : i32
        %sign3A_598 = arith.extui %sign3A_597 : i1 to i32
        %sign3A_599 = arith.subi %sign3A_595, %sign3A_598 : i32
        %sign3A_600 = arith.constant 0 : i32
        %sign3A_601 = arith.cmpi sgt, %jit3A_591, %sign3A_600 : i32
        %sign3A_602 = arith.extui %sign3A_601 : i1 to i32
        %sign3A_603 = arith.constant 0 : i32
        %sign3A_604 = arith.cmpi slt, %jit3A_591, %sign3A_603 : i32
        %sign3A_605 = arith.extui %sign3A_604 : i1 to i32
        %sign3A_606 = arith.subi %sign3A_602, %sign3A_605 : i32
        %ne3A_607 = arith.cmpi ne, %sign3A_599, %sign3A_606 : i32
        %rem3A_608 = arith.remsi %add3A_590, %jit3A_591 : i32
        %ne3A_609 = arith.constant 0 : i32
        %ne3A_610 = arith.cmpi ne, %rem3A_608, %ne3A_609 : i32
        %and3A_611 = arith.andi %ne3A_607, %ne3A_610 : i1
        %sub3A_612 = arith.constant 1 : i32
        %sub3A_613 = arith.subi %div3A_592, %sub3A_612 : i32
        %select_n3A_614 = arith.select %and3A_611, %sub3A_613, %div3A_592 : i32
        %dma_wait3A_615 = arith.constant 1 : i32
        %dma_wait3A_616 = arith.constant 0 : i32
        %dma_wait3A_617 = arith.constant 0 : i32
        %dma_wait3A_618 = tpu.memref_slice %arg13[%dma_wait3A_615, %dma_wait3A_616, %dma_wait3A_617] : memref<2x64x128xf32, #tpu.memory_space<vmem>> -> memref<1x64x128xf32, #tpu.memory_space<vmem>>
        %dma_wait3A_619 = tpu.memref_squeeze %dma_wait3A_618 : memref<1x64x128xf32, #tpu.memory_space<vmem>> -> memref<64x128xf32, #tpu.memory_space<vmem>>
        %dma_wait3A_620 = arith.constant 0 : i32
        %dma_wait3A_621 = tpu.memref_slice %arg7[%select_n3A_614, %dma_wait3A_620] : memref<204800x128xf32, #tpu.memory_space<hbm>> -> memref<64x128xf32, #tpu.memory_space<hbm>>
        %dma_wait3A_622 = arith.constant 0 : i32
        %dma_wait3A_623 = tpu.memref_slice %arg7[%select_n3A_614, %dma_wait3A_622] : memref<204800x128xf32, #tpu.memory_space<hbm>> -> memref<64x128xf32, #tpu.memory_space<hbm>>
        %dma_wait3A_624 = arith.constant 0 : i32
        %dma_wait3A_625 = arith.constant 0 : i32
        %dma_wait3A_626 = tpu.memref_slice %arg13[%dma_wait3A_615, %dma_wait3A_624, %dma_wait3A_625] : memref<2x64x128xf32, #tpu.memory_space<vmem>> -> memref<1x64x128xf32, #tpu.memory_space<vmem>>
        %dma_wait3A_627 = tpu.memref_squeeze %dma_wait3A_626 : memref<1x64x128xf32, #tpu.memory_space<vmem>> -> memref<64x128xf32, #tpu.memory_space<vmem>>
        tpu.wait_dma2 semaphore(%arg22 : memref<!tpu.dma_semaphore, #tpu.memory_space<semaphore_mem>>) src(%dma_wait3A_627 : memref<64x128xf32, #tpu.memory_space<vmem>>) dst(%dma_wait3A_623 : memref<64x128xf32, #tpu.memory_space<hbm>>)
      } else {
      }
      %add3A_463 = arith.constant 1 : i32
      %add3A_464 = arith.addi %add3A_457, %add3A_463 : i32
      %lt3A_465 = arith.constant 100 : i32
      %lt3A_466 = arith.cmpi slt, %add3A_464, %lt3A_465 : i32
      %convert_element_type3A_467 = arith.extui %lt3A_466 : i1 to i32
      %cond3A_468 = arith.constant 0 : i32
      %cond3A_469 = arith.cmpi ne, %convert_element_type3A_467, %cond3A_468 : i32
      scf.if %cond3A_469 {
        %dma_wait3A_584 = arith.constant 0 : i32
        %dma_wait3A_585 = arith.constant 0 : i32
        %dma_wait3A_586 = arith.constant 0 : i32
        %dma_wait3A_587 = arith.constant 0 : i32
        %dma_wait3A_588 = tpu.memref_slice %arg8[%dma_wait3A_585, %dma_wait3A_586, %dma_wait3A_587] : memref<2x4x256xi32, #tpu.memory_space<vmem>> -> memref<1x1x256xi32, #tpu.memory_space<vmem>>
        %dma_wait3A_589 = tpu.memref_squeeze %dma_wait3A_588 : memref<1x1x256xi32, #tpu.memory_space<vmem>> -> memref<256xi32, #tpu.memory_space<vmem>>
        %dma_wait3A_590 = arith.constant 0 : i32
        %dma_wait3A_591 = tpu.memref_slice %arg2[%dma_wait3A_584, %dma_wait3A_590] : memref<4x819200xi32, #tpu.memory_space<hbm>> -> memref<1x256xi32, #tpu.memory_space<hbm>>
        %dma_wait3A_592 = tpu.memref_squeeze %dma_wait3A_591 : memref<1x256xi32, #tpu.memory_space<hbm>> -> memref<256xi32, #tpu.memory_space<hbm>>
        %dma_wait3A_593 = arith.constant 0 : i32
        %dma_wait3A_594 = tpu.memref_slice %arg8[%dma_wait3A_585, %dma_wait3A_586, %dma_wait3A_593] : memref<2x4x256xi32, #tpu.memory_space<vmem>> -> memref<1x1x256xi32, #tpu.memory_space<vmem>>
        %dma_wait3A_595 = tpu.memref_squeeze %dma_wait3A_594 : memref<1x1x256xi32, #tpu.memory_space<vmem>> -> memref<256xi32, #tpu.memory_space<vmem>>
        %dma_wait3A_596 = arith.constant 0 : i32
        %dma_wait3A_597 = tpu.memref_slice %arg2[%dma_wait3A_584, %dma_wait3A_596] : memref<4x819200xi32, #tpu.memory_space<hbm>> -> memref<1x256xi32, #tpu.memory_space<hbm>>
        %dma_wait3A_598 = tpu.memref_squeeze %dma_wait3A_597 : memref<1x256xi32, #tpu.memory_space<hbm>> -> memref<256xi32, #tpu.memory_space<hbm>>
        tpu.wait_dma2 semaphore(%arg18 : memref<!tpu.dma_semaphore, #tpu.memory_space<semaphore_mem>>) src(%dma_wait3A_598 : memref<256xi32, #tpu.memory_space<hbm>>) dst(%dma_wait3A_595 : memref<256xi32, #tpu.memory_space<vmem>>)
        %dma_wait3A_599 = arith.constant 0 : i32
        %dma_wait3A_600 = arith.constant 0 : i32
        %dma_wait3A_601 = arith.constant 1 : i32
        %dma_wait3A_602 = arith.constant 0 : i32
        %dma_wait3A_603 = tpu.memref_slice %arg8[%dma_wait3A_600, %dma_wait3A_601, %dma_wait3A_602] : memref<2x4x256xi32, #tpu.memory_space<vmem>> -> memref<1x1x256xi32, #tpu.memory_space<vmem>>
        %dma_wait3A_604 = tpu.memref_squeeze %dma_wait3A_603 : memref<1x1x256xi32, #tpu.memory_space<vmem>> -> memref<256xi32, #tpu.memory_space<vmem>>
        %dma_wait3A_605 = arith.constant 0 : i32
        %dma_wait3A_606 = tpu.memref_slice %arg2[%dma_wait3A_599, %dma_wait3A_605] : memref<4x819200xi32, #tpu.memory_space<hbm>> -> memref<1x256xi32, #tpu.memory_space<hbm>>
        %dma_wait3A_607 = tpu.memref_squeeze %dma_wait3A_606 : memref<1x256xi32, #tpu.memory_space<hbm>> -> memref<256xi32, #tpu.memory_space<hbm>>
        %dma_wait3A_608 = arith.constant 0 : i32
        %dma_wait3A_609 = tpu.memref_slice %arg8[%dma_wait3A_600, %dma_wait3A_601, %dma_wait3A_608] : memref<2x4x256xi32, #tpu.memory_space<vmem>> -> memref<1x1x256xi32, #tpu.memory_space<vmem>>
        %dma_wait3A_610 = tpu.memref_squeeze %dma_wait3A_609 : memref<1x1x256xi32, #tpu.memory_space<vmem>> -> memref<256xi32, #tpu.memory_space<vmem>>
        %dma_wait3A_611 = arith.constant 0 : i32
        %dma_wait3A_612 = tpu.memref_slice %arg2[%dma_wait3A_599, %dma_wait3A_611] : memref<4x819200xi32, #tpu.memory_space<hbm>> -> memref<1x256xi32, #tpu.memory_space<hbm>>
        %dma_wait3A_613 = tpu.memref_squeeze %dma_wait3A_612 : memref<1x256xi32, #tpu.memory_space<hbm>> -> memref<256xi32, #tpu.memory_space<hbm>>
        tpu.wait_dma2 semaphore(%arg18 : memref<!tpu.dma_semaphore, #tpu.memory_space<semaphore_mem>>) src(%dma_wait3A_613 : memref<256xi32, #tpu.memory_space<hbm>>) dst(%dma_wait3A_610 : memref<256xi32, #tpu.memory_space<vmem>>)
        %dma_wait3A_614 = arith.constant 0 : i32
        %dma_wait3A_615 = arith.constant 0 : i32
        %dma_wait3A_616 = arith.constant 2 : i32
        %dma_wait3A_617 = arith.constant 0 : i32
        %dma_wait3A_618 = tpu.memref_slice %arg8[%dma_wait3A_615, %dma_wait3A_616, %dma_wait3A_617] : memref<2x4x256xi32, #tpu.memory_space<vmem>> -> memref<1x1x256xi32, #tpu.memory_space<vmem>>
        %dma_wait3A_619 = tpu.memref_squeeze %dma_wait3A_618 : memref<1x1x256xi32, #tpu.memory_space<vmem>> -> memref<256xi32, #tpu.memory_space<vmem>>
        %dma_wait3A_620 = arith.constant 0 : i32
        %dma_wait3A_621 = tpu.memref_slice %arg2[%dma_wait3A_614, %dma_wait3A_620] : memref<4x819200xi32, #tpu.memory_space<hbm>> -> memref<1x256xi32, #tpu.memory_space<hbm>>
        %dma_wait3A_622 = tpu.memref_squeeze %dma_wait3A_621 : memref<1x256xi32, #tpu.memory_space<hbm>> -> memref<256xi32, #tpu.memory_space<hbm>>
        %dma_wait3A_623 = arith.constant 0 : i32
        %dma_wait3A_624 = tpu.memref_slice %arg8[%dma_wait3A_615, %dma_wait3A_616, %dma_wait3A_623] : memref<2x4x256xi32, #tpu.memory_space<vmem>> -> memref<1x1x256xi32, #tpu.memory_space<vmem>>
        %dma_wait3A_625 = tpu.memref_squeeze %dma_wait3A_624 : memref<1x1x256xi32, #tpu.memory_space<vmem>> -> memref<256xi32, #tpu.memory_space<vmem>>
        %dma_wait3A_626 = arith.constant 0 : i32
        %dma_wait3A_627 = tpu.memref_slice %arg2[%dma_wait3A_614, %dma_wait3A_626] : memref<4x819200xi32, #tpu.memory_space<hbm>> -> memref<1x256xi32, #tpu.memory_space<hbm>>
        %dma_wait3A_628 = tpu.memref_squeeze %dma_wait3A_627 : memref<1x256xi32, #tpu.memory_space<hbm>> -> memref<256xi32, #tpu.memory_space<hbm>>
        tpu.wait_dma2 semaphore(%arg18 : memref<!tpu.dma_semaphore, #tpu.memory_space<semaphore_mem>>) src(%dma_wait3A_628 : memref<256xi32, #tpu.memory_space<hbm>>) dst(%dma_wait3A_625 : memref<256xi32, #tpu.memory_space<vmem>>)
        %dma_wait3A_629 = arith.constant 0 : i32
        %dma_wait3A_630 = arith.constant 0 : i32
        %dma_wait3A_631 = arith.constant 3 : i32
        %dma_wait3A_632 = arith.constant 0 : i32
        %dma_wait3A_633 = tpu.memref_slice %arg8[%dma_wait3A_630, %dma_wait3A_631, %dma_wait3A_632] : memref<2x4x256xi32, #tpu.memory_space<vmem>> -> memref<1x1x256xi32, #tpu.memory_space<vmem>>
        %dma_wait3A_634 = tpu.memref_squeeze %dma_wait3A_633 : memref<1x1x256xi32, #tpu.memory_space<vmem>> -> memref<256xi32, #tpu.memory_space<vmem>>
        %dma_wait3A_635 = arith.constant 0 : i32
        %dma_wait3A_636 = tpu.memref_slice %arg2[%dma_wait3A_629, %dma_wait3A_635] : memref<4x819200xi32, #tpu.memory_space<hbm>> -> memref<1x256xi32, #tpu.memory_space<hbm>>
        %dma_wait3A_637 = tpu.memref_squeeze %dma_wait3A_636 : memref<1x256xi32, #tpu.memory_space<hbm>> -> memref<256xi32, #tpu.memory_space<hbm>>
        %dma_wait3A_638 = arith.constant 0 : i32
        %dma_wait3A_639 = tpu.memref_slice %arg8[%dma_wait3A_630, %dma_wait3A_631, %dma_wait3A_638] : memref<2x4x256xi32, #tpu.memory_space<vmem>> -> memref<1x1x256xi32, #tpu.memory_space<vmem>>
        %dma_wait3A_640 = tpu.memref_squeeze %dma_wait3A_639 : memref<1x1x256xi32, #tpu.memory_space<vmem>> -> memref<256xi32, #tpu.memory_space<vmem>>
        %dma_wait3A_641 = arith.constant 0 : i32
        %dma_wait3A_642 = tpu.memref_slice %arg2[%dma_wait3A_629, %dma_wait3A_641] : memref<4x819200xi32, #tpu.memory_space<hbm>> -> memref<1x256xi32, #tpu.memory_space<hbm>>
        %dma_wait3A_643 = tpu.memref_squeeze %dma_wait3A_642 : memref<1x256xi32, #tpu.memory_space<hbm>> -> memref<256xi32, #tpu.memory_space<hbm>>
        tpu.wait_dma2 semaphore(%arg18 : memref<!tpu.dma_semaphore, #tpu.memory_space<semaphore_mem>>) src(%dma_wait3A_643 : memref<256xi32, #tpu.memory_space<hbm>>) dst(%dma_wait3A_640 : memref<256xi32, #tpu.memory_space<vmem>>)
        %add3A_644 = arith.constant 1 : i32
        %add3A_645 = arith.addi %add3A_457, %add3A_644 : i32
        %dma_start3A_646 = arith.constant 0 : i32
        %dma_start3A_647 = arith.constant 0 : i32
        %dma_start3A_648 = arith.constant 0 : i32
        %dma_start3A_649 = arith.constant 0 : i32
        %dma_start3A_650 = arith.constant 0 : i32
        %dma_start3A_651 = tpu.memref_slice %arg9[%dma_start3A_648, %dma_start3A_649, %dma_start3A_650] : memref<2x256x32xf32, #tpu.memory_space<vmem>> -> memref<1x256x32xf32, #tpu.memory_space<vmem>>
        %dma_start3A_652 = tpu.memref_squeeze %dma_start3A_651 : memref<1x256x32xf32, #tpu.memory_space<vmem>> -> memref<256x32xf32, #tpu.memory_space<vmem>>
        %dma_start3A_653 = arith.constant 0 : i32
        %dma_start3A_654 = tpu.memref_slice %arg8[%dma_start3A_646, %dma_start3A_647, %dma_start3A_653] : memref<2x4x256xi32, #tpu.memory_space<vmem>> -> memref<1x1x256xi32, #tpu.memory_space<vmem>>
        %dma_start3A_655 = tpu.memref_squeeze %dma_start3A_654 : memref<1x1x256xi32, #tpu.memory_space<vmem>> -> memref<256xi32, #tpu.memory_space<vmem>>
        %dma_start3A_656 = arith.constant 0 : i32
        %dma_start3A_657 = arith.constant 0 : i32
        %dma_start3A_658 = tpu.memref_slice %arg14[%dma_start3A_656, %dma_start3A_657] : memref<1539x32xf32, #tpu.memory_space<vmem_shared>> -> memref<1539x32xf32, #tpu.memory_space<vmem_shared>>
        tpu.enqueue_indirect_dma source(%dma_start3A_658 : memref<1539x32xf32, #tpu.memory_space<vmem_shared>>) target(%dma_start3A_652 : memref<256x32xf32, #tpu.memory_space<vmem>>) offsets(%dma_start3A_655 : memref<256xi32, #tpu.memory_space<vmem>>) semaphore(%arg19 : memref<!tpu.dma_semaphore, #tpu.memory_space<semaphore_mem>>)
        %dma_start3A_659 = arith.constant 0 : i32
        %dma_start3A_660 = arith.constant 1 : i32
        %dma_start3A_661 = arith.constant 0 : i32
        %dma_start3A_662 = arith.constant 0 : i32
        %dma_start3A_663 = arith.constant 0 : i32
        %dma_start3A_664 = tpu.memref_slice %arg10[%dma_start3A_661, %dma_start3A_662, %dma_start3A_663] : memref<2x256x32xf32, #tpu.memory_space<vmem>> -> memref<1x256x32xf32, #tpu.memory_space<vmem>>
        %dma_start3A_665 = tpu.memref_squeeze %dma_start3A_664 : memref<1x256x32xf32, #tpu.memory_space<vmem>> -> memref<256x32xf32, #tpu.memory_space<vmem>>
        %dma_start3A_666 = arith.constant 0 : i32
        %dma_start3A_667 = tpu.memref_slice %arg8[%dma_start3A_659, %dma_start3A_660, %dma_start3A_666] : memref<2x4x256xi32, #tpu.memory_space<vmem>> -> memref<1x1x256xi32, #tpu.memory_space<vmem>>
        %dma_start3A_668 = tpu.memref_squeeze %dma_start3A_667 : memref<1x1x256xi32, #tpu.memory_space<vmem>> -> memref<256xi32, #tpu.memory_space<vmem>>
        %dma_start3A_669 = arith.constant 0 : i32
        %dma_start3A_670 = arith.constant 0 : i32
        %dma_start3A_671 = tpu.memref_slice %arg15[%dma_start3A_669, %dma_start3A_670] : memref<9456x32xf32, #tpu.memory_space<vmem_shared>> -> memref<9456x32xf32, #tpu.memory_space<vmem_shared>>
        tpu.enqueue_indirect_dma source(%dma_start3A_671 : memref<9456x32xf32, #tpu.memory_space<vmem_shared>>) target(%dma_start3A_665 : memref<256x32xf32, #tpu.memory_space<vmem>>) offsets(%dma_start3A_668 : memref<256xi32, #tpu.memory_space<vmem>>) semaphore(%arg19 : memref<!tpu.dma_semaphore, #tpu.memory_space<semaphore_mem>>)
        %dma_start3A_672 = arith.constant 0 : i32
        %dma_start3A_673 = arith.constant 2 : i32
        %dma_start3A_674 = arith.constant 0 : i32
        %dma_start3A_675 = arith.constant 0 : i32
        %dma_start3A_676 = arith.constant 0 : i32
        %dma_start3A_677 = tpu.memref_slice %arg11[%dma_start3A_674, %dma_start3A_675, %dma_start3A_676] : memref<2x256x32xf32, #tpu.memory_space<vmem>> -> memref<1x256x32xf32, #tpu.memory_space<vmem>>
        %dma_start3A_678 = tpu.memref_squeeze %dma_start3A_677 : memref<1x256x32xf32, #tpu.memory_space<vmem>> -> memref<256x32xf32, #tpu.memory_space<vmem>>
        %dma_start3A_679 = arith.constant 0 : i32
        %dma_start3A_680 = tpu.memref_slice %arg8[%dma_start3A_672, %dma_start3A_673, %dma_start3A_679] : memref<2x4x256xi32, #tpu.memory_space<vmem>> -> memref<1x1x256xi32, #tpu.memory_space<vmem>>
        %dma_start3A_681 = tpu.memref_squeeze %dma_start3A_680 : memref<1x1x256xi32, #tpu.memory_space<vmem>> -> memref<256xi32, #tpu.memory_space<vmem>>
        %dma_start3A_682 = arith.constant 0 : i32
        %dma_start3A_683 = arith.constant 0 : i32
        %dma_start3A_684 = tpu.memref_slice %arg16[%dma_start3A_682, %dma_start3A_683] : memref<914x32xf32, #tpu.memory_space<vmem_shared>> -> memref<914x32xf32, #tpu.memory_space<vmem_shared>>
        tpu.enqueue_indirect_dma source(%dma_start3A_684 : memref<914x32xf32, #tpu.memory_space<vmem_shared>>) target(%dma_start3A_678 : memref<256x32xf32, #tpu.memory_space<vmem>>) offsets(%dma_start3A_681 : memref<256xi32, #tpu.memory_space<vmem>>) semaphore(%arg19 : memref<!tpu.dma_semaphore, #tpu.memory_space<semaphore_mem>>)
        %dma_start3A_685 = arith.constant 0 : i32
        %dma_start3A_686 = arith.constant 3 : i32
        %dma_start3A_687 = arith.constant 0 : i32
        %dma_start3A_688 = arith.constant 0 : i32
        %dma_start3A_689 = arith.constant 0 : i32
        %dma_start3A_690 = tpu.memref_slice %arg12[%dma_start3A_687, %dma_start3A_688, %dma_start3A_689] : memref<2x256x32xf32, #tpu.memory_space<vmem>> -> memref<1x256x32xf32, #tpu.memory_space<vmem>>
        %dma_start3A_691 = tpu.memref_squeeze %dma_start3A_690 : memref<1x256x32xf32, #tpu.memory_space<vmem>> -> memref<256x32xf32, #tpu.memory_space<vmem>>
        %dma_start3A_692 = arith.constant 0 : i32
        %dma_start3A_693 = tpu.memref_slice %arg8[%dma_start3A_685, %dma_start3A_686, %dma_start3A_692] : memref<2x4x256xi32, #tpu.memory_space<vmem>> -> memref<1x1x256xi32, #tpu.memory_space<vmem>>
        %dma_start3A_694 = tpu.memref_squeeze %dma_start3A_693 : memref<1x1x256xi32, #tpu.memory_space<vmem>> -> memref<256xi32, #tpu.memory_space<vmem>>
        %dma_start3A_695 = arith.constant 0 : i32
        %dma_start3A_696 = arith.constant 0 : i32
        %dma_start3A_697 = tpu.memref_slice %arg17[%dma_start3A_695, %dma_start3A_696] : memref<10x32xf32, #tpu.memory_space<vmem_shared>> -> memref<10x32xf32, #tpu.memory_space<vmem_shared>>
        tpu.enqueue_indirect_dma source(%dma_start3A_697 : memref<10x32xf32, #tpu.memory_space<vmem_shared>>) target(%dma_start3A_691 : memref<256x32xf32, #tpu.memory_space<vmem>>) offsets(%dma_start3A_694 : memref<256xi32, #tpu.memory_space<vmem>>) semaphore(%arg19 : memref<!tpu.dma_semaphore, #tpu.memory_space<semaphore_mem>>)
      } else {
      }
      %dma_wait3A_470 = arith.constant 1 : i32
      %dma_wait3A_471 = arith.constant 0 : i32
      %dma_wait3A_472 = arith.constant 0 : i32
      %dma_wait3A_473 = tpu.memref_slice %arg9[%dma_wait3A_470, %dma_wait3A_471, %dma_wait3A_472] : memref<2x256x32xf32, #tpu.memory_space<vmem>> -> memref<1x256x32xf32, #tpu.memory_space<vmem>>
      %dma_wait3A_474 = tpu.memref_squeeze %dma_wait3A_473 : memref<1x256x32xf32, #tpu.memory_space<vmem>> -> memref<256x32xf32, #tpu.memory_space<vmem>>
      %dma_wait3A_475 = arith.constant 0 : i32
      %dma_wait3A_476 = arith.constant 0 : i32
      %dma_wait3A_477 = tpu.memref_slice %arg3[%dma_wait3A_475, %dma_wait3A_476] : memref<1539x32xf32, #tpu.memory_space<hbm>> -> memref<256x32xf32, #tpu.memory_space<hbm>>
      %dma_wait3A_478 = arith.constant 0 : i32
      %dma_wait3A_479 = arith.constant 0 : i32
      %dma_wait3A_480 = tpu.memref_slice %arg9[%dma_wait3A_470, %dma_wait3A_478, %dma_wait3A_479] : memref<2x256x32xf32, #tpu.memory_space<vmem>> -> memref<1x256x32xf32, #tpu.memory_space<vmem>>
      %dma_wait3A_481 = tpu.memref_squeeze %dma_wait3A_480 : memref<1x256x32xf32, #tpu.memory_space<vmem>> -> memref<256x32xf32, #tpu.memory_space<vmem>>
      %dma_wait3A_482 = arith.constant 0 : i32
      %dma_wait3A_483 = arith.constant 0 : i32
      %dma_wait3A_484 = tpu.memref_slice %arg3[%dma_wait3A_482, %dma_wait3A_483] : memref<1539x32xf32, #tpu.memory_space<hbm>> -> memref<256x32xf32, #tpu.memory_space<hbm>>
      tpu.wait_dma2 semaphore(%arg20 : memref<!tpu.dma_semaphore, #tpu.memory_space<semaphore_mem>>) src(%dma_wait3A_484 : memref<256x32xf32, #tpu.memory_space<hbm>>) dst(%dma_wait3A_481 : memref<256x32xf32, #tpu.memory_space<vmem>>)
      %dma_wait3A_485 = arith.constant 1 : i32
      %dma_wait3A_486 = arith.constant 0 : i32
      %dma_wait3A_487 = arith.constant 0 : i32
      %dma_wait3A_488 = tpu.memref_slice %arg10[%dma_wait3A_485, %dma_wait3A_486, %dma_wait3A_487] : memref<2x256x32xf32, #tpu.memory_space<vmem>> -> memref<1x256x32xf32, #tpu.memory_space<vmem>>
      %dma_wait3A_489 = tpu.memref_squeeze %dma_wait3A_488 : memref<1x256x32xf32, #tpu.memory_space<vmem>> -> memref<256x32xf32, #tpu.memory_space<vmem>>
      %dma_wait3A_490 = arith.constant 0 : i32
      %dma_wait3A_491 = arith.constant 0 : i32
      %dma_wait3A_492 = tpu.memref_slice %arg3[%dma_wait3A_490, %dma_wait3A_491] : memref<1539x32xf32, #tpu.memory_space<hbm>> -> memref<256x32xf32, #tpu.memory_space<hbm>>
      %dma_wait3A_493 = arith.constant 0 : i32
      %dma_wait3A_494 = arith.constant 0 : i32
      %dma_wait3A_495 = tpu.memref_slice %arg10[%dma_wait3A_485, %dma_wait3A_493, %dma_wait3A_494] : memref<2x256x32xf32, #tpu.memory_space<vmem>> -> memref<1x256x32xf32, #tpu.memory_space<vmem>>
      %dma_wait3A_496 = tpu.memref_squeeze %dma_wait3A_495 : memref<1x256x32xf32, #tpu.memory_space<vmem>> -> memref<256x32xf32, #tpu.memory_space<vmem>>
      %dma_wait3A_497 = arith.constant 0 : i32
      %dma_wait3A_498 = arith.constant 0 : i32
      %dma_wait3A_499 = tpu.memref_slice %arg3[%dma_wait3A_497, %dma_wait3A_498] : memref<1539x32xf32, #tpu.memory_space<hbm>> -> memref<256x32xf32, #tpu.memory_space<hbm>>
      tpu.wait_dma2 semaphore(%arg20 : memref<!tpu.dma_semaphore, #tpu.memory_space<semaphore_mem>>) src(%dma_wait3A_499 : memref<256x32xf32, #tpu.memory_space<hbm>>) dst(%dma_wait3A_496 : memref<256x32xf32, #tpu.memory_space<vmem>>)
      %dma_wait3A_500 = arith.constant 1 : i32
      %dma_wait3A_501 = arith.constant 0 : i32
      %dma_wait3A_502 = arith.constant 0 : i32
      %dma_wait3A_503 = tpu.memref_slice %arg11[%dma_wait3A_500, %dma_wait3A_501, %dma_wait3A_502] : memref<2x256x32xf32, #tpu.memory_space<vmem>> -> memref<1x256x32xf32, #tpu.memory_space<vmem>>
      %dma_wait3A_504 = tpu.memref_squeeze %dma_wait3A_503 : memref<1x256x32xf32, #tpu.memory_space<vmem>> -> memref<256x32xf32, #tpu.memory_space<vmem>>
      %dma_wait3A_505 = arith.constant 0 : i32
      %dma_wait3A_506 = arith.constant 0 : i32
      %dma_wait3A_507 = tpu.memref_slice %arg3[%dma_wait3A_505, %dma_wait3A_506] : memref<1539x32xf32, #tpu.memory_space<hbm>> -> memref<256x32xf32, #tpu.memory_space<hbm>>
      %dma_wait3A_508 = arith.constant 0 : i32
      %dma_wait3A_509 = arith.constant 0 : i32
      %dma_wait3A_510 = tpu.memref_slice %arg11[%dma_wait3A_500, %dma_wait3A_508, %dma_wait3A_509] : memref<2x256x32xf32, #tpu.memory_space<vmem>> -> memref<1x256x32xf32, #tpu.memory_space<vmem>>
      %dma_wait3A_511 = tpu.memref_squeeze %dma_wait3A_510 : memref<1x256x32xf32, #tpu.memory_space<vmem>> -> memref<256x32xf32, #tpu.memory_space<vmem>>
      %dma_wait3A_512 = arith.constant 0 : i32
      %dma_wait3A_513 = arith.constant 0 : i32
      %dma_wait3A_514 = tpu.memref_slice %arg3[%dma_wait3A_512, %dma_wait3A_513] : memref<1539x32xf32, #tpu.memory_space<hbm>> -> memref<256x32xf32, #tpu.memory_space<hbm>>
      tpu.wait_dma2 semaphore(%arg20 : memref<!tpu.dma_semaphore, #tpu.memory_space<semaphore_mem>>) src(%dma_wait3A_514 : memref<256x32xf32, #tpu.memory_space<hbm>>) dst(%dma_wait3A_511 : memref<256x32xf32, #tpu.memory_space<vmem>>)
      %dma_wait3A_515 = arith.constant 1 : i32
      %dma_wait3A_516 = arith.constant 0 : i32
      %dma_wait3A_517 = arith.constant 0 : i32
      %dma_wait3A_518 = tpu.memref_slice %arg12[%dma_wait3A_515, %dma_wait3A_516, %dma_wait3A_517] : memref<2x256x32xf32, #tpu.memory_space<vmem>> -> memref<1x256x32xf32, #tpu.memory_space<vmem>>
      %dma_wait3A_519 = tpu.memref_squeeze %dma_wait3A_518 : memref<1x256x32xf32, #tpu.memory_space<vmem>> -> memref<256x32xf32, #tpu.memory_space<vmem>>
      %dma_wait3A_520 = arith.constant 0 : i32
      %dma_wait3A_521 = arith.constant 0 : i32
      %dma_wait3A_522 = tpu.memref_slice %arg3[%dma_wait3A_520, %dma_wait3A_521] : memref<1539x32xf32, #tpu.memory_space<hbm>> -> memref<256x32xf32, #tpu.memory_space<hbm>>
      %dma_wait3A_523 = arith.constant 0 : i32
      %dma_wait3A_524 = arith.constant 0 : i32
      %dma_wait3A_525 = tpu.memref_slice %arg12[%dma_wait3A_515, %dma_wait3A_523, %dma_wait3A_524] : memref<2x256x32xf32, #tpu.memory_space<vmem>> -> memref<1x256x32xf32, #tpu.memory_space<vmem>>
      %dma_wait3A_526 = tpu.memref_squeeze %dma_wait3A_525 : memref<1x256x32xf32, #tpu.memory_space<vmem>> -> memref<256x32xf32, #tpu.memory_space<vmem>>
      %dma_wait3A_527 = arith.constant 0 : i32
      %dma_wait3A_528 = arith.constant 0 : i32
      %dma_wait3A_529 = tpu.memref_slice %arg3[%dma_wait3A_527, %dma_wait3A_528] : memref<1539x32xf32, #tpu.memory_space<hbm>> -> memref<256x32xf32, #tpu.memory_space<hbm>>
      tpu.wait_dma2 semaphore(%arg20 : memref<!tpu.dma_semaphore, #tpu.memory_space<semaphore_mem>>) src(%dma_wait3A_529 : memref<256x32xf32, #tpu.memory_space<hbm>>) dst(%dma_wait3A_526 : memref<256x32xf32, #tpu.memory_space<vmem>>)
      %add3A_530 = arith.constant 2 : i32
      %add3A_531 = arith.addi %add3A_457, %add3A_530 : i32
      %lt3A_532 = arith.constant 100 : i32
      %lt3A_533 = arith.cmpi slt, %add3A_531, %lt3A_532 : i32
      %convert_element_type3A_534 = arith.extui %lt3A_533 : i1 to i32
      %cond3A_535 = arith.constant 0 : i32
      %cond3A_536 = arith.cmpi ne, %convert_element_type3A_534, %cond3A_535 : i32
      scf.if %cond3A_536 {
        %add3A_584 = arith.constant 2 : i32
        %add3A_585 = arith.addi %add3A_457, %add3A_584 : i32
        %mul3A_586 = arith.constant 25600 : i32
        %mul3A_587 = arith.muli %add3A, %mul3A_586 : i32
        %mul3A_588 = arith.constant 256 : i32
        %mul3A_589 = arith.muli %add3A_585, %mul3A_588 : i32
        %add3A_590 = arith.addi %mul3A_587, %mul3A_589 : i32
        %dma_start3A_591 = arith.constant 0 : i32
        %dma_start3A_592 = arith.constant 1 : i32
        %dma_start3A_593 = arith.constant 0 : i32
        %dma_start3A_594 = arith.constant 0 : i32
        %dma_start3A_595 = tpu.memref_slice %arg8[%dma_start3A_592, %dma_start3A_593, %dma_start3A_594] : memref<2x4x256xi32, #tpu.memory_space<vmem>> -> memref<1x1x256xi32, #tpu.memory_space<vmem>>
        %dma_start3A_596 = tpu.memref_squeeze %dma_start3A_595 : memref<1x1x256xi32, #tpu.memory_space<vmem>> -> memref<256xi32, #tpu.memory_space<vmem>>
        %dma_start3A_597 = tpu.memref_slice %arg2[%dma_start3A_591, %add3A_590] : memref<4x819200xi32, #tpu.memory_space<hbm>> -> memref<1x256xi32, #tpu.memory_space<hbm>>
        %dma_start3A_598 = tpu.memref_squeeze %dma_start3A_597 : memref<1x256xi32, #tpu.memory_space<hbm>> -> memref<256xi32, #tpu.memory_space<hbm>>
        %dma_start3A_599 = arith.constant 0 : i32
        %dma_start3A_600 = tpu.memref_slice %arg8[%dma_start3A_592, %dma_start3A_593, %dma_start3A_599] : memref<2x4x256xi32, #tpu.memory_space<vmem>> -> memref<1x1x256xi32, #tpu.memory_space<vmem>>
        %dma_start3A_601 = tpu.memref_squeeze %dma_start3A_600 : memref<1x1x256xi32, #tpu.memory_space<vmem>> -> memref<256xi32, #tpu.memory_space<vmem>>
        %dma_start3A_602 = tpu.memref_slice %arg2[%dma_start3A_591, %add3A_590] : memref<4x819200xi32, #tpu.memory_space<hbm>> -> memref<1x256xi32, #tpu.memory_space<hbm>>
        %dma_start3A_603 = tpu.memref_squeeze %dma_start3A_602 : memref<1x256xi32, #tpu.memory_space<hbm>> -> memref<256xi32, #tpu.memory_space<hbm>>
        tpu.enqueue_dma source(%dma_start3A_603 : memref<256xi32, #tpu.memory_space<hbm>>) target(%dma_start3A_601 : memref<256xi32, #tpu.memory_space<vmem>>) target_semaphore(%arg18 : memref<!tpu.dma_semaphore, #tpu.memory_space<semaphore_mem>>)
        %mul3A_604 = arith.constant 25600 : i32
        %mul3A_605 = arith.muli %add3A, %mul3A_604 : i32
        %mul3A_606 = arith.constant 256 : i32
        %mul3A_607 = arith.muli %add3A_585, %mul3A_606 : i32
        %add3A_608 = arith.addi %mul3A_605, %mul3A_607 : i32
        %dma_start3A_609 = arith.constant 1 : i32
        %dma_start3A_610 = arith.constant 1 : i32
        %dma_start3A_611 = arith.constant 1 : i32
        %dma_start3A_612 = arith.constant 0 : i32
        %dma_start3A_613 = tpu.memref_slice %arg8[%dma_start3A_610, %dma_start3A_611, %dma_start3A_612] : memref<2x4x256xi32, #tpu.memory_space<vmem>> -> memref<1x1x256xi32, #tpu.memory_space<vmem>>
        %dma_start3A_614 = tpu.memref_squeeze %dma_start3A_613 : memref<1x1x256xi32, #tpu.memory_space<vmem>> -> memref<256xi32, #tpu.memory_space<vmem>>
        %dma_start3A_615 = tpu.memref_slice %arg2[%dma_start3A_609, %add3A_608] : memref<4x819200xi32, #tpu.memory_space<hbm>> -> memref<1x256xi32, #tpu.memory_space<hbm>>
        %dma_start3A_616 = tpu.memref_squeeze %dma_start3A_615 : memref<1x256xi32, #tpu.memory_space<hbm>> -> memref<256xi32, #tpu.memory_space<hbm>>
        %dma_start3A_617 = arith.constant 0 : i32
        %dma_start3A_618 = tpu.memref_slice %arg8[%dma_start3A_610, %dma_start3A_611, %dma_start3A_617] : memref<2x4x256xi32, #tpu.memory_space<vmem>> -> memref<1x1x256xi32, #tpu.memory_space<vmem>>
        %dma_start3A_619 = tpu.memref_squeeze %dma_start3A_618 : memref<1x1x256xi32, #tpu.memory_space<vmem>> -> memref<256xi32, #tpu.memory_space<vmem>>
        %dma_start3A_620 = tpu.memref_slice %arg2[%dma_start3A_609, %add3A_608] : memref<4x819200xi32, #tpu.memory_space<hbm>> -> memref<1x256xi32, #tpu.memory_space<hbm>>
        %dma_start3A_621 = tpu.memref_squeeze %dma_start3A_620 : memref<1x256xi32, #tpu.memory_space<hbm>> -> memref<256xi32, #tpu.memory_space<hbm>>
        tpu.enqueue_dma source(%dma_start3A_621 : memref<256xi32, #tpu.memory_space<hbm>>) target(%dma_start3A_619 : memref<256xi32, #tpu.memory_space<vmem>>) target_semaphore(%arg18 : memref<!tpu.dma_semaphore, #tpu.memory_space<semaphore_mem>>)
        %mul3A_622 = arith.constant 25600 : i32
        %mul3A_623 = arith.muli %add3A, %mul3A_622 : i32
        %mul3A_624 = arith.constant 256 : i32
        %mul3A_625 = arith.muli %add3A_585, %mul3A_624 : i32
        %add3A_626 = arith.addi %mul3A_623, %mul3A_625 : i32
        %dma_start3A_627 = arith.constant 2 : i32
        %dma_start3A_628 = arith.constant 1 : i32
        %dma_start3A_629 = arith.constant 2 : i32
        %dma_start3A_630 = arith.constant 0 : i32
        %dma_start3A_631 = tpu.memref_slice %arg8[%dma_start3A_628, %dma_start3A_629, %dma_start3A_630] : memref<2x4x256xi32, #tpu.memory_space<vmem>> -> memref<1x1x256xi32, #tpu.memory_space<vmem>>
        %dma_start3A_632 = tpu.memref_squeeze %dma_start3A_631 : memref<1x1x256xi32, #tpu.memory_space<vmem>> -> memref<256xi32, #tpu.memory_space<vmem>>
        %dma_start3A_633 = tpu.memref_slice %arg2[%dma_start3A_627, %add3A_626] : memref<4x819200xi32, #tpu.memory_space<hbm>> -> memref<1x256xi32, #tpu.memory_space<hbm>>
        %dma_start3A_634 = tpu.memref_squeeze %dma_start3A_633 : memref<1x256xi32, #tpu.memory_space<hbm>> -> memref<256xi32, #tpu.memory_space<hbm>>
        %dma_start3A_635 = arith.constant 0 : i32
        %dma_start3A_636 = tpu.memref_slice %arg8[%dma_start3A_628, %dma_start3A_629, %dma_start3A_635] : memref<2x4x256xi32, #tpu.memory_space<vmem>> -> memref<1x1x256xi32, #tpu.memory_space<vmem>>
        %dma_start3A_637 = tpu.memref_squeeze %dma_start3A_636 : memref<1x1x256xi32, #tpu.memory_space<vmem>> -> memref<256xi32, #tpu.memory_space<vmem>>
        %dma_start3A_638 = tpu.memref_slice %arg2[%dma_start3A_627, %add3A_626] : memref<4x819200xi32, #tpu.memory_space<hbm>> -> memref<1x256xi32, #tpu.memory_space<hbm>>
        %dma_start3A_639 = tpu.memref_squeeze %dma_start3A_638 : memref<1x256xi32, #tpu.memory_space<hbm>> -> memref<256xi32, #tpu.memory_space<hbm>>
        tpu.enqueue_dma source(%dma_start3A_639 : memref<256xi32, #tpu.memory_space<hbm>>) target(%dma_start3A_637 : memref<256xi32, #tpu.memory_space<vmem>>) target_semaphore(%arg18 : memref<!tpu.dma_semaphore, #tpu.memory_space<semaphore_mem>>)
        %mul3A_640 = arith.constant 25600 : i32
        %mul3A_641 = arith.muli %add3A, %mul3A_640 : i32
        %mul3A_642 = arith.constant 256 : i32
        %mul3A_643 = arith.muli %add3A_585, %mul3A_642 : i32
        %add3A_644 = arith.addi %mul3A_641, %mul3A_643 : i32
        %dma_start3A_645 = arith.constant 3 : i32
        %dma_start3A_646 = arith.constant 1 : i32
        %dma_start3A_647 = arith.constant 3 : i32
        %dma_start3A_648 = arith.constant 0 : i32
        %dma_start3A_649 = tpu.memref_slice %arg8[%dma_start3A_646, %dma_start3A_647, %dma_start3A_648] : memref<2x4x256xi32, #tpu.memory_space<vmem>> -> memref<1x1x256xi32, #tpu.memory_space<vmem>>
        %dma_start3A_650 = tpu.memref_squeeze %dma_start3A_649 : memref<1x1x256xi32, #tpu.memory_space<vmem>> -> memref<256xi32, #tpu.memory_space<vmem>>
        %dma_start3A_651 = tpu.memref_slice %arg2[%dma_start3A_645, %add3A_644] : memref<4x819200xi32, #tpu.memory_space<hbm>> -> memref<1x256xi32, #tpu.memory_space<hbm>>
        %dma_start3A_652 = tpu.memref_squeeze %dma_start3A_651 : memref<1x256xi32, #tpu.memory_space<hbm>> -> memref<256xi32, #tpu.memory_space<hbm>>
        %dma_start3A_653 = arith.constant 0 : i32
        %dma_start3A_654 = tpu.memref_slice %arg8[%dma_start3A_646, %dma_start3A_647, %dma_start3A_653] : memref<2x4x256xi32, #tpu.memory_space<vmem>> -> memref<1x1x256xi32, #tpu.memory_space<vmem>>
        %dma_start3A_655 = tpu.memref_squeeze %dma_start3A_654 : memref<1x1x256xi32, #tpu.memory_space<vmem>> -> memref<256xi32, #tpu.memory_space<vmem>>
        %dma_start3A_656 = tpu.memref_slice %arg2[%dma_start3A_645, %add3A_644] : memref<4x819200xi32, #tpu.memory_space<hbm>> -> memref<1x256xi32, #tpu.memory_space<hbm>>
        %dma_start3A_657 = tpu.memref_squeeze %dma_start3A_656 : memref<1x256xi32, #tpu.memory_space<hbm>> -> memref<256xi32, #tpu.memory_space<hbm>>
        tpu.enqueue_dma source(%dma_start3A_657 : memref<256xi32, #tpu.memory_space<hbm>>) target(%dma_start3A_655 : memref<256xi32, #tpu.memory_space<vmem>>) target_semaphore(%arg18 : memref<!tpu.dma_semaphore, #tpu.memory_space<semaphore_mem>>)
      } else {
      }
      %scan3A_537 = arith.constant 0 : i32
      %scan3A_538 = arith.constant 32 : i32
      %scan3A_539 = arith.addi %scan3A_537, %scan3A_538 : i32
      %scan3A_540 = arith.constant 1 : i32
      scf.for %scan3A_584 = %scan3A_537 to %scan3A_539 step %scan3A_540  : i32 {
        %mul3A_585 = arith.constant 8 : i32
        %mul3A_586 = arith.muli %scan3A_584, %mul3A_585 : i32
        %add3A_587 = arith.constant 0 : i32
        %add3A_588 = arith.addi %mul3A_586, %add3A_587 : i32
        %mul3A_589 = arith.constant 2 : i32
        %mul3A_590 = arith.muli %mul3A_589, %scan3A_584 : i32
        %add3A_591 = arith.constant 0 : i32
        %add3A_592 = arith.addi %mul3A_590, %add3A_591 : i32
        %get3A = arith.constant 1 : i32
        %get3A_593 = arith.index_cast %get3A : i32 to index
        %get3A_594 = arith.index_cast %add3A_588 : i32 to index
        %get3A_595 = arith.constant 0 : index
        %get3A_596 = tpu.vector_load %arg9[%get3A_593, %get3A_594, %get3A_595] {strides = array<i32>} : memref<2x256x32xf32, #tpu.memory_space<vmem>>, vector<1x1x16xf32>,
        %get3A_597 = vector.shape_cast %get3A_596 : vector<1x1x16xf32> to vector<16xf32>
        %get3A_598 = arith.constant 1 : i32
        %get3A_599 = arith.index_cast %get3A_598 : i32 to index
        %get3A_600 = arith.index_cast %add3A_588 : i32 to index
        %get3A_601 = arith.constant 0 : index
        %get3A_602 = tpu.vector_load %arg10[%get3A_599, %get3A_600, %get3A_601] {strides = array<i32>} : memref<2x256x32xf32, #tpu.memory_space<vmem>>, vector<1x1x16xf32>,
        %get3A_603 = vector.shape_cast %get3A_602 : vector<1x1x16xf32> to vector<16xf32>
        %add3A_604 = arith.addf %get3A_597, %get3A_603 : vector<16xf32>
        %get3A_605 = arith.constant 1 : i32
        %get3A_606 = arith.index_cast %get3A_605 : i32 to index
        %get3A_607 = arith.index_cast %add3A_588 : i32 to index
        %get3A_608 = arith.constant 0 : index
        %get3A_609 = tpu.vector_load %arg11[%get3A_606, %get3A_607, %get3A_608] {strides = array<i32>} : memref<2x256x32xf32, #tpu.memory_space<vmem>>, vector<1x1x16xf32>,
        %get3A_610 = vector.shape_cast %get3A_609 : vector<1x1x16xf32> to vector<16xf32>
        %add3A_611 = arith.addf %add3A_604, %get3A_610 : vector<16xf32>
        %get3A_612 = arith.constant 1 : i32
        %get3A_613 = arith.index_cast %get3A_612 : i32 to index
        %get3A_614 = arith.index_cast %add3A_588 : i32 to index
        %get3A_615 = arith.constant 0 : index
        %get3A_616 = tpu.vector_load %arg12[%get3A_613, %get3A_614, %get3A_615] {strides = array<i32>} : memref<2x256x32xf32, #tpu.memory_space<vmem>>, vector<1x1x16xf32>,
        %get3A_617 = vector.shape_cast %get3A_616 : vector<1x1x16xf32> to vector<16xf32>
        %add3A_618 = arith.addf %add3A_611, %get3A_617 : vector<16xf32>
        %swap3A = arith.constant 1 : i32
        %swap3A_619 = arith.index_cast %swap3A : i32 to index
        %swap3A_620 = arith.index_cast %add3A_592 : i32 to index
        %swap3A_621 = arith.constant 0 : index
        %swap3A_622 = tpu.vector_load %arg13[%swap3A_619, %swap3A_620, %swap3A_621] {strides = array<i32>} : memref<2x64x128xf32, #tpu.memory_space<vmem>>, vector<1x1x16xf32>,
        %swap3A_623 = vector.shape_cast %swap3A_622 : vector<1x1x16xf32> to vector<16xf32>
        %swap3A_624 = vector.shape_cast %add3A_618 : vector<16xf32> to vector<1x1x16xf32>
        tpu.vector_store %arg13[%swap3A_619, %swap3A_620, %swap3A_621], %swap3A_624 {strides = array<i32>} : memref<2x64x128xf32, #tpu.memory_space<vmem>>, vector<1x1x16xf32>,
        %get3A_625 = arith.constant 1 : i32
        %get3A_626 = arith.index_cast %get3A_625 : i32 to index
        %get3A_627 = arith.index_cast %add3A_588 : i32 to index
        %get3A_628 = arith.constant 16 : index
        %get3A_629 = tpu.vector_load %arg9[%get3A_626, %get3A_627, %get3A_628] {strides = array<i32>} : memref<2x256x32xf32, #tpu.memory_space<vmem>>, vector<1x1x16xf32>,
        %get3A_630 = vector.shape_cast %get3A_629 : vector<1x1x16xf32> to vector<16xf32>
        %get3A_631 = arith.constant 1 : i32
        %get3A_632 = arith.index_cast %get3A_631 : i32 to index
        %get3A_633 = arith.index_cast %add3A_588 : i32 to index
        %get3A_634 = arith.constant 16 : index
        %get3A_635 = tpu.vector_load %arg10[%get3A_632, %get3A_633, %get3A_634] {strides = array<i32>} : memref<2x256x32xf32, #tpu.memory_space<vmem>>, vector<1x1x16xf32>,
        %get3A_636 = vector.shape_cast %get3A_635 : vector<1x1x16xf32> to vector<16xf32>
        %add3A_637 = arith.addf %get3A_630, %get3A_636 : vector<16xf32>
        %get3A_638 = arith.constant 1 : i32
        %get3A_639 = arith.index_cast %get3A_638 : i32 to index
        %get3A_640 = arith.index_cast %add3A_588 : i32 to index
        %get3A_641 = arith.constant 16 : index
        %get3A_642 = tpu.vector_load %arg11[%get3A_639, %get3A_640, %get3A_641] {strides = array<i32>} : memref<2x256x32xf32, #tpu.memory_space<vmem>>, vector<1x1x16xf32>,
        %get3A_643 = vector.shape_cast %get3A_642 : vector<1x1x16xf32> to vector<16xf32>
        %add3A_644 = arith.addf %add3A_637, %get3A_643 : vector<16xf32>
        %get3A_645 = arith.constant 1 : i32
        %get3A_646 = arith.index_cast %get3A_645 : i32 to index
        %get3A_647 = arith.index_cast %add3A_588 : i32 to index
        %get3A_648 = arith.constant 16 : index
        %get3A_649 = tpu.vector_load %arg12[%get3A_646, %get3A_647, %get3A_648] {strides = array<i32>} : memref<2x256x32xf32, #tpu.memory_space<vmem>>, vector<1x1x16xf32>,
        %get3A_650 = vector.shape_cast %get3A_649 : vector<1x1x16xf32> to vector<16xf32>
        %add3A_651 = arith.addf %add3A_644, %get3A_650 : vector<16xf32>
        %swap3A_652 = arith.constant 1 : i32
        %swap3A_653 = arith.index_cast %swap3A_652 : i32 to index
        %swap3A_654 = arith.index_cast %add3A_592 : i32 to index
        %swap3A_655 = arith.constant 16 : index
        %swap3A_656 = tpu.vector_load %arg13[%swap3A_653, %swap3A_654, %swap3A_655] {strides = array<i32>} : memref<2x64x128xf32, #tpu.memory_space<vmem>>, vector<1x1x16xf32>,
        %swap3A_657 = vector.shape_cast %swap3A_656 : vector<1x1x16xf32> to vector<16xf32>
        %swap3A_658 = vector.shape_cast %add3A_651 : vector<16xf32> to vector<1x1x16xf32>
        tpu.vector_store %arg13[%swap3A_653, %swap3A_654, %swap3A_655], %swap3A_658 {strides = array<i32>} : memref<2x64x128xf32, #tpu.memory_space<vmem>>, vector<1x1x16xf32>,
        %mul3A_659 = arith.constant 8 : i32
        %mul3A_660 = arith.muli %scan3A_584, %mul3A_659 : i32
        %add3A_661 = arith.constant 1 : i32
        %add3A_662 = arith.addi %mul3A_660, %add3A_661 : i32
        %mul3A_663 = arith.constant 2 : i32
        %mul3A_664 = arith.muli %mul3A_663, %scan3A_584 : i32
        %add3A_665 = arith.constant 0 : i32
        %add3A_666 = arith.addi %mul3A_664, %add3A_665 : i32
        %get3A_667 = arith.constant 1 : i32
        %get3A_668 = arith.index_cast %get3A_667 : i32 to index
        %get3A_669 = arith.index_cast %add3A_662 : i32 to index
        %get3A_670 = arith.constant 0 : index
        %get3A_671 = tpu.vector_load %arg9[%get3A_668, %get3A_669, %get3A_670] {strides = array<i32>} : memref<2x256x32xf32, #tpu.memory_space<vmem>>, vector<1x1x16xf32>,
        %get3A_672 = vector.shape_cast %get3A_671 : vector<1x1x16xf32> to vector<16xf32>
        %get3A_673 = arith.constant 1 : i32
        %get3A_674 = arith.index_cast %get3A_673 : i32 to index
        %get3A_675 = arith.index_cast %add3A_662 : i32 to index
        %get3A_676 = arith.constant 0 : index
        %get3A_677 = tpu.vector_load %arg10[%get3A_674, %get3A_675, %get3A_676] {strides = array<i32>} : memref<2x256x32xf32, #tpu.memory_space<vmem>>, vector<1x1x16xf32>,
        %get3A_678 = vector.shape_cast %get3A_677 : vector<1x1x16xf32> to vector<16xf32>
        %add3A_679 = arith.addf %get3A_672, %get3A_678 : vector<16xf32>
        %get3A_680 = arith.constant 1 : i32
        %get3A_681 = arith.index_cast %get3A_680 : i32 to index
        %get3A_682 = arith.index_cast %add3A_662 : i32 to index
        %get3A_683 = arith.constant 0 : index
        %get3A_684 = tpu.vector_load %arg11[%get3A_681, %get3A_682, %get3A_683] {strides = array<i32>} : memref<2x256x32xf32, #tpu.memory_space<vmem>>, vector<1x1x16xf32>,
        %get3A_685 = vector.shape_cast %get3A_684 : vector<1x1x16xf32> to vector<16xf32>
        %add3A_686 = arith.addf %add3A_679, %get3A_685 : vector<16xf32>
        %get3A_687 = arith.constant 1 : i32
        %get3A_688 = arith.index_cast %get3A_687 : i32 to index
        %get3A_689 = arith.index_cast %add3A_662 : i32 to index
        %get3A_690 = arith.constant 0 : index
        %get3A_691 = tpu.vector_load %arg12[%get3A_688, %get3A_689, %get3A_690] {strides = array<i32>} : memref<2x256x32xf32, #tpu.memory_space<vmem>>, vector<1x1x16xf32>,
        %get3A_692 = vector.shape_cast %get3A_691 : vector<1x1x16xf32> to vector<16xf32>
        %add3A_693 = arith.addf %add3A_686, %get3A_692 : vector<16xf32>
        %swap3A_694 = arith.constant 1 : i32
        %swap3A_695 = arith.index_cast %swap3A_694 : i32 to index
        %swap3A_696 = arith.index_cast %add3A_666 : i32 to index
        %swap3A_697 = arith.constant 32 : index
        %swap3A_698 = tpu.vector_load %arg13[%swap3A_695, %swap3A_696, %swap3A_697] {strides = array<i32>} : memref<2x64x128xf32, #tpu.memory_space<vmem>>, vector<1x1x16xf32>,
        %swap3A_699 = vector.shape_cast %swap3A_698 : vector<1x1x16xf32> to vector<16xf32>
        %swap3A_700 = vector.shape_cast %add3A_693 : vector<16xf32> to vector<1x1x16xf32>
        tpu.vector_store %arg13[%swap3A_695, %swap3A_696, %swap3A_697], %swap3A_700 {strides = array<i32>} : memref<2x64x128xf32, #tpu.memory_space<vmem>>, vector<1x1x16xf32>,
        %get3A_701 = arith.constant 1 : i32
        %get3A_702 = arith.index_cast %get3A_701 : i32 to index
        %get3A_703 = arith.index_cast %add3A_662 : i32 to index
        %get3A_704 = arith.constant 16 : index
        %get3A_705 = tpu.vector_load %arg9[%get3A_702, %get3A_703, %get3A_704] {strides = array<i32>} : memref<2x256x32xf32, #tpu.memory_space<vmem>>, vector<1x1x16xf32>,
        %get3A_706 = vector.shape_cast %get3A_705 : vector<1x1x16xf32> to vector<16xf32>
        %get3A_707 = arith.constant 1 : i32
        %get3A_708 = arith.index_cast %get3A_707 : i32 to index
        %get3A_709 = arith.index_cast %add3A_662 : i32 to index
        %get3A_710 = arith.constant 16 : index
        %get3A_711 = tpu.vector_load %arg10[%get3A_708, %get3A_709, %get3A_710] {strides = array<i32>} : memref<2x256x32xf32, #tpu.memory_space<vmem>>, vector<1x1x16xf32>,
        %get3A_712 = vector.shape_cast %get3A_711 : vector<1x1x16xf32> to vector<16xf32>
        %add3A_713 = arith.addf %get3A_706, %get3A_712 : vector<16xf32>
        %get3A_714 = arith.constant 1 : i32
        %get3A_715 = arith.index_cast %get3A_714 : i32 to index
        %get3A_716 = arith.index_cast %add3A_662 : i32 to index
        %get3A_717 = arith.constant 16 : index
        %get3A_718 = tpu.vector_load %arg11[%get3A_715, %get3A_716, %get3A_717] {strides = array<i32>} : memref<2x256x32xf32, #tpu.memory_space<vmem>>, vector<1x1x16xf32>,
        %get3A_719 = vector.shape_cast %get3A_718 : vector<1x1x16xf32> to vector<16xf32>
        %add3A_720 = arith.addf %add3A_713, %get3A_719 : vector<16xf32>
        %get3A_721 = arith.constant 1 : i32
        %get3A_722 = arith.index_cast %get3A_721 : i32 to index
        %get3A_723 = arith.index_cast %add3A_662 : i32 to index
        %get3A_724 = arith.constant 16 : index
        %get3A_725 = tpu.vector_load %arg12[%get3A_722, %get3A_723, %get3A_724] {strides = array<i32>} : memref<2x256x32xf32, #tpu.memory_space<vmem>>, vector<1x1x16xf32>,
        %get3A_726 = vector.shape_cast %get3A_725 : vector<1x1x16xf32> to vector<16xf32>
        %add3A_727 = arith.addf %add3A_720, %get3A_726 : vector<16xf32>
        %swap3A_728 = arith.constant 1 : i32
        %swap3A_729 = arith.index_cast %swap3A_728 : i32 to index
        %swap3A_730 = arith.index_cast %add3A_666 : i32 to index
        %swap3A_731 = arith.constant 48 : index
        %swap3A_732 = tpu.vector_load %arg13[%swap3A_729, %swap3A_730, %swap3A_731] {strides = array<i32>} : memref<2x64x128xf32, #tpu.memory_space<vmem>>, vector<1x1x16xf32>,
        %swap3A_733 = vector.shape_cast %swap3A_732 : vector<1x1x16xf32> to vector<16xf32>
        %swap3A_734 = vector.shape_cast %add3A_727 : vector<16xf32> to vector<1x1x16xf32>
        tpu.vector_store %arg13[%swap3A_729, %swap3A_730, %swap3A_731], %swap3A_734 {strides = array<i32>} : memref<2x64x128xf32, #tpu.memory_space<vmem>>, vector<1x1x16xf32>,
        %mul3A_735 = arith.constant 8 : i32
        %mul3A_736 = arith.muli %scan3A_584, %mul3A_735 : i32
        %add3A_737 = arith.constant 2 : i32
        %add3A_738 = arith.addi %mul3A_736, %add3A_737 : i32
        %mul3A_739 = arith.constant 2 : i32
        %mul3A_740 = arith.muli %mul3A_739, %scan3A_584 : i32
        %add3A_741 = arith.constant 0 : i32
        %add3A_742 = arith.addi %mul3A_740, %add3A_741 : i32
        %get3A_743 = arith.constant 1 : i32
        %get3A_744 = arith.index_cast %get3A_743 : i32 to index
        %get3A_745 = arith.index_cast %add3A_738 : i32 to index
        %get3A_746 = arith.constant 0 : index
        %get3A_747 = tpu.vector_load %arg9[%get3A_744, %get3A_745, %get3A_746] {strides = array<i32>} : memref<2x256x32xf32, #tpu.memory_space<vmem>>, vector<1x1x16xf32>,
        %get3A_748 = vector.shape_cast %get3A_747 : vector<1x1x16xf32> to vector<16xf32>
        %get3A_749 = arith.constant 1 : i32
        %get3A_750 = arith.index_cast %get3A_749 : i32 to index
        %get3A_751 = arith.index_cast %add3A_738 : i32 to index
        %get3A_752 = arith.constant 0 : index
        %get3A_753 = tpu.vector_load %arg10[%get3A_750, %get3A_751, %get3A_752] {strides = array<i32>} : memref<2x256x32xf32, #tpu.memory_space<vmem>>, vector<1x1x16xf32>,
        %get3A_754 = vector.shape_cast %get3A_753 : vector<1x1x16xf32> to vector<16xf32>
        %add3A_755 = arith.addf %get3A_748, %get3A_754 : vector<16xf32>
        %get3A_756 = arith.constant 1 : i32
        %get3A_757 = arith.index_cast %get3A_756 : i32 to index
        %get3A_758 = arith.index_cast %add3A_738 : i32 to index
        %get3A_759 = arith.constant 0 : index
        %get3A_760 = tpu.vector_load %arg11[%get3A_757, %get3A_758, %get3A_759] {strides = array<i32>} : memref<2x256x32xf32, #tpu.memory_space<vmem>>, vector<1x1x16xf32>,
        %get3A_761 = vector.shape_cast %get3A_760 : vector<1x1x16xf32> to vector<16xf32>
        %add3A_762 = arith.addf %add3A_755, %get3A_761 : vector<16xf32>
        %get3A_763 = arith.constant 1 : i32
        %get3A_764 = arith.index_cast %get3A_763 : i32 to index
        %get3A_765 = arith.index_cast %add3A_738 : i32 to index
        %get3A_766 = arith.constant 0 : index
        %get3A_767 = tpu.vector_load %arg12[%get3A_764, %get3A_765, %get3A_766] {strides = array<i32>} : memref<2x256x32xf32, #tpu.memory_space<vmem>>, vector<1x1x16xf32>,
        %get3A_768 = vector.shape_cast %get3A_767 : vector<1x1x16xf32> to vector<16xf32>
        %add3A_769 = arith.addf %add3A_762, %get3A_768 : vector<16xf32>
        %swap3A_770 = arith.constant 1 : i32
        %swap3A_771 = arith.index_cast %swap3A_770 : i32 to index
        %swap3A_772 = arith.index_cast %add3A_742 : i32 to index
        %swap3A_773 = arith.constant 64 : index
        %swap3A_774 = tpu.vector_load %arg13[%swap3A_771, %swap3A_772, %swap3A_773] {strides = array<i32>} : memref<2x64x128xf32, #tpu.memory_space<vmem>>, vector<1x1x16xf32>,
        %swap3A_775 = vector.shape_cast %swap3A_774 : vector<1x1x16xf32> to vector<16xf32>
        %swap3A_776 = vector.shape_cast %add3A_769 : vector<16xf32> to vector<1x1x16xf32>
        tpu.vector_store %arg13[%swap3A_771, %swap3A_772, %swap3A_773], %swap3A_776 {strides = array<i32>} : memref<2x64x128xf32, #tpu.memory_space<vmem>>, vector<1x1x16xf32>,
        %get3A_777 = arith.constant 1 : i32
        %get3A_778 = arith.index_cast %get3A_777 : i32 to index
        %get3A_779 = arith.index_cast %add3A_738 : i32 to index
        %get3A_780 = arith.constant 16 : index
        %get3A_781 = tpu.vector_load %arg9[%get3A_778, %get3A_779, %get3A_780] {strides = array<i32>} : memref<2x256x32xf32, #tpu.memory_space<vmem>>, vector<1x1x16xf32>,
        %get3A_782 = vector.shape_cast %get3A_781 : vector<1x1x16xf32> to vector<16xf32>
        %get3A_783 = arith.constant 1 : i32
        %get3A_784 = arith.index_cast %get3A_783 : i32 to index
        %get3A_785 = arith.index_cast %add3A_738 : i32 to index
        %get3A_786 = arith.constant 16 : index
        %get3A_787 = tpu.vector_load %arg10[%get3A_784, %get3A_785, %get3A_786] {strides = array<i32>} : memref<2x256x32xf32, #tpu.memory_space<vmem>>, vector<1x1x16xf32>,
        %get3A_788 = vector.shape_cast %get3A_787 : vector<1x1x16xf32> to vector<16xf32>
        %add3A_789 = arith.addf %get3A_782, %get3A_788 : vector<16xf32>
        %get3A_790 = arith.constant 1 : i32
        %get3A_791 = arith.index_cast %get3A_790 : i32 to index
        %get3A_792 = arith.index_cast %add3A_738 : i32 to index
        %get3A_793 = arith.constant 16 : index
        %get3A_794 = tpu.vector_load %arg11[%get3A_791, %get3A_792, %get3A_793] {strides = array<i32>} : memref<2x256x32xf32, #tpu.memory_space<vmem>>, vector<1x1x16xf32>,
        %get3A_795 = vector.shape_cast %get3A_794 : vector<1x1x16xf32> to vector<16xf32>
        %add3A_796 = arith.addf %add3A_789, %get3A_795 : vector<16xf32>
        %get3A_797 = arith.constant 1 : i32
        %get3A_798 = arith.index_cast %get3A_797 : i32 to index
        %get3A_799 = arith.index_cast %add3A_738 : i32 to index
        %get3A_800 = arith.constant 16 : index
        %get3A_801 = tpu.vector_load %arg12[%get3A_798, %get3A_799, %get3A_800] {strides = array<i32>} : memref<2x256x32xf32, #tpu.memory_space<vmem>>, vector<1x1x16xf32>,
        %get3A_802 = vector.shape_cast %get3A_801 : vector<1x1x16xf32> to vector<16xf32>
        %add3A_803 = arith.addf %add3A_796, %get3A_802 : vector<16xf32>
        %swap3A_804 = arith.constant 1 : i32
        %swap3A_805 = arith.index_cast %swap3A_804 : i32 to index
        %swap3A_806 = arith.index_cast %add3A_742 : i32 to index
        %swap3A_807 = arith.constant 80 : index
        %swap3A_808 = tpu.vector_load %arg13[%swap3A_805, %swap3A_806, %swap3A_807] {strides = array<i32>} : memref<2x64x128xf32, #tpu.memory_space<vmem>>, vector<1x1x16xf32>,
        %swap3A_809 = vector.shape_cast %swap3A_808 : vector<1x1x16xf32> to vector<16xf32>
        %swap3A_810 = vector.shape_cast %add3A_803 : vector<16xf32> to vector<1x1x16xf32>
        tpu.vector_store %arg13[%swap3A_805, %swap3A_806, %swap3A_807], %swap3A_810 {strides = array<i32>} : memref<2x64x128xf32, #tpu.memory_space<vmem>>, vector<1x1x16xf32>,
        %mul3A_811 = arith.constant 8 : i32
        %mul3A_812 = arith.muli %scan3A_584, %mul3A_811 : i32
        %add3A_813 = arith.constant 3 : i32
        %add3A_814 = arith.addi %mul3A_812, %add3A_813 : i32
        %mul3A_815 = arith.constant 2 : i32
        %mul3A_816 = arith.muli %mul3A_815, %scan3A_584 : i32
        %add3A_817 = arith.constant 0 : i32
        %add3A_818 = arith.addi %mul3A_816, %add3A_817 : i32
        %get3A_819 = arith.constant 1 : i32
        %get3A_820 = arith.index_cast %get3A_819 : i32 to index
        %get3A_821 = arith.index_cast %add3A_814 : i32 to index
        %get3A_822 = arith.constant 0 : index
        %get3A_823 = tpu.vector_load %arg9[%get3A_820, %get3A_821, %get3A_822] {strides = array<i32>} : memref<2x256x32xf32, #tpu.memory_space<vmem>>, vector<1x1x16xf32>,
        %get3A_824 = vector.shape_cast %get3A_823 : vector<1x1x16xf32> to vector<16xf32>
        %get3A_825 = arith.constant 1 : i32
        %get3A_826 = arith.index_cast %get3A_825 : i32 to index
        %get3A_827 = arith.index_cast %add3A_814 : i32 to index
        %get3A_828 = arith.constant 0 : index
        %get3A_829 = tpu.vector_load %arg10[%get3A_826, %get3A_827, %get3A_828] {strides = array<i32>} : memref<2x256x32xf32, #tpu.memory_space<vmem>>, vector<1x1x16xf32>,
        %get3A_830 = vector.shape_cast %get3A_829 : vector<1x1x16xf32> to vector<16xf32>
        %add3A_831 = arith.addf %get3A_824, %get3A_830 : vector<16xf32>
        %get3A_832 = arith.constant 1 : i32
        %get3A_833 = arith.index_cast %get3A_832 : i32 to index
        %get3A_834 = arith.index_cast %add3A_814 : i32 to index
        %get3A_835 = arith.constant 0 : index
        %get3A_836 = tpu.vector_load %arg11[%get3A_833, %get3A_834, %get3A_835] {strides = array<i32>} : memref<2x256x32xf32, #tpu.memory_space<vmem>>, vector<1x1x16xf32>,
        %get3A_837 = vector.shape_cast %get3A_836 : vector<1x1x16xf32> to vector<16xf32>
        %add3A_838 = arith.addf %add3A_831, %get3A_837 : vector<16xf32>
        %get3A_839 = arith.constant 1 : i32
        %get3A_840 = arith.index_cast %get3A_839 : i32 to index
        %get3A_841 = arith.index_cast %add3A_814 : i32 to index
        %get3A_842 = arith.constant 0 : index
        %get3A_843 = tpu.vector_load %arg12[%get3A_840, %get3A_841, %get3A_842] {strides = array<i32>} : memref<2x256x32xf32, #tpu.memory_space<vmem>>, vector<1x1x16xf32>,
        %get3A_844 = vector.shape_cast %get3A_843 : vector<1x1x16xf32> to vector<16xf32>
        %add3A_845 = arith.addf %add3A_838, %get3A_844 : vector<16xf32>
        %swap3A_846 = arith.constant 1 : i32
        %swap3A_847 = arith.index_cast %swap3A_846 : i32 to index
        %swap3A_848 = arith.index_cast %add3A_818 : i32 to index
        %swap3A_849 = arith.constant 96 : index
        %swap3A_850 = tpu.vector_load %arg13[%swap3A_847, %swap3A_848, %swap3A_849] {strides = array<i32>} : memref<2x64x128xf32, #tpu.memory_space<vmem>>, vector<1x1x16xf32>,
        %swap3A_851 = vector.shape_cast %swap3A_850 : vector<1x1x16xf32> to vector<16xf32>
        %swap3A_852 = vector.shape_cast %add3A_845 : vector<16xf32> to vector<1x1x16xf32>
        tpu.vector_store %arg13[%swap3A_847, %swap3A_848, %swap3A_849], %swap3A_852 {strides = array<i32>} : memref<2x64x128xf32, #tpu.memory_space<vmem>>, vector<1x1x16xf32>,
        %get3A_853 = arith.constant 1 : i32
        %get3A_854 = arith.index_cast %get3A_853 : i32 to index
        %get3A_855 = arith.index_cast %add3A_814 : i32 to index
        %get3A_856 = arith.constant 16 : index
        %get3A_857 = tpu.vector_load %arg9[%get3A_854, %get3A_855, %get3A_856] {strides = array<i32>} : memref<2x256x32xf32, #tpu.memory_space<vmem>>, vector<1x1x16xf32>,
        %get3A_858 = vector.shape_cast %get3A_857 : vector<1x1x16xf32> to vector<16xf32>
        %get3A_859 = arith.constant 1 : i32
        %get3A_860 = arith.index_cast %get3A_859 : i32 to index
        %get3A_861 = arith.index_cast %add3A_814 : i32 to index
        %get3A_862 = arith.constant 16 : index
        %get3A_863 = tpu.vector_load %arg10[%get3A_860, %get3A_861, %get3A_862] {strides = array<i32>} : memref<2x256x32xf32, #tpu.memory_space<vmem>>, vector<1x1x16xf32>,
        %get3A_864 = vector.shape_cast %get3A_863 : vector<1x1x16xf32> to vector<16xf32>
        %add3A_865 = arith.addf %get3A_858, %get3A_864 : vector<16xf32>
        %get3A_866 = arith.constant 1 : i32
        %get3A_867 = arith.index_cast %get3A_866 : i32 to index
        %get3A_868 = arith.index_cast %add3A_814 : i32 to index
        %get3A_869 = arith.constant 16 : index
        %get3A_870 = tpu.vector_load %arg11[%get3A_867, %get3A_868, %get3A_869] {strides = array<i32>} : memref<2x256x32xf32, #tpu.memory_space<vmem>>, vector<1x1x16xf32>,
        %get3A_871 = vector.shape_cast %get3A_870 : vector<1x1x16xf32> to vector<16xf32>
        %add3A_872 = arith.addf %add3A_865, %get3A_871 : vector<16xf32>
        %get3A_873 = arith.constant 1 : i32
        %get3A_874 = arith.index_cast %get3A_873 : i32 to index
        %get3A_875 = arith.index_cast %add3A_814 : i32 to index
        %get3A_876 = arith.constant 16 : index
        %get3A_877 = tpu.vector_load %arg12[%get3A_874, %get3A_875, %get3A_876] {strides = array<i32>} : memref<2x256x32xf32, #tpu.memory_space<vmem>>, vector<1x1x16xf32>,
        %get3A_878 = vector.shape_cast %get3A_877 : vector<1x1x16xf32> to vector<16xf32>
        %add3A_879 = arith.addf %add3A_872, %get3A_878 : vector<16xf32>
        %swap3A_880 = arith.constant 1 : i32
        %swap3A_881 = arith.index_cast %swap3A_880 : i32 to index
        %swap3A_882 = arith.index_cast %add3A_818 : i32 to index
        %swap3A_883 = arith.constant 112 : index
        %swap3A_884 = tpu.vector_load %arg13[%swap3A_881, %swap3A_882, %swap3A_883] {strides = array<i32>} : memref<2x64x128xf32, #tpu.memory_space<vmem>>, vector<1x1x16xf32>,
        %swap3A_885 = vector.shape_cast %swap3A_884 : vector<1x1x16xf32> to vector<16xf32>
        %swap3A_886 = vector.shape_cast %add3A_879 : vector<16xf32> to vector<1x1x16xf32>
        tpu.vector_store %arg13[%swap3A_881, %swap3A_882, %swap3A_883], %swap3A_886 {strides = array<i32>} : memref<2x64x128xf32, #tpu.memory_space<vmem>>, vector<1x1x16xf32>,
        %mul3A_887 = arith.constant 8 : i32
        %mul3A_888 = arith.muli %scan3A_584, %mul3A_887 : i32
        %add3A_889 = arith.constant 4 : i32
        %add3A_890 = arith.addi %mul3A_888, %add3A_889 : i32
        %mul3A_891 = arith.constant 2 : i32
        %mul3A_892 = arith.muli %mul3A_891, %scan3A_584 : i32
        %add3A_893 = arith.constant 1 : i32
        %add3A_894 = arith.addi %mul3A_892, %add3A_893 : i32
        %get3A_895 = arith.constant 1 : i32
        %get3A_896 = arith.index_cast %get3A_895 : i32 to index
        %get3A_897 = arith.index_cast %add3A_890 : i32 to index
        %get3A_898 = arith.constant 0 : index
        %get3A_899 = tpu.vector_load %arg9[%get3A_896, %get3A_897, %get3A_898] {strides = array<i32>} : memref<2x256x32xf32, #tpu.memory_space<vmem>>, vector<1x1x16xf32>,
        %get3A_900 = vector.shape_cast %get3A_899 : vector<1x1x16xf32> to vector<16xf32>
        %get3A_901 = arith.constant 1 : i32
        %get3A_902 = arith.index_cast %get3A_901 : i32 to index
        %get3A_903 = arith.index_cast %add3A_890 : i32 to index
        %get3A_904 = arith.constant 0 : index
        %get3A_905 = tpu.vector_load %arg10[%get3A_902, %get3A_903, %get3A_904] {strides = array<i32>} : memref<2x256x32xf32, #tpu.memory_space<vmem>>, vector<1x1x16xf32>,
        %get3A_906 = vector.shape_cast %get3A_905 : vector<1x1x16xf32> to vector<16xf32>
        %add3A_907 = arith.addf %get3A_900, %get3A_906 : vector<16xf32>
        %get3A_908 = arith.constant 1 : i32
        %get3A_909 = arith.index_cast %get3A_908 : i32 to index
        %get3A_910 = arith.index_cast %add3A_890 : i32 to index
        %get3A_911 = arith.constant 0 : index
        %get3A_912 = tpu.vector_load %arg11[%get3A_909, %get3A_910, %get3A_911] {strides = array<i32>} : memref<2x256x32xf32, #tpu.memory_space<vmem>>, vector<1x1x16xf32>,
        %get3A_913 = vector.shape_cast %get3A_912 : vector<1x1x16xf32> to vector<16xf32>
        %add3A_914 = arith.addf %add3A_907, %get3A_913 : vector<16xf32>
        %get3A_915 = arith.constant 1 : i32
        %get3A_916 = arith.index_cast %get3A_915 : i32 to index
        %get3A_917 = arith.index_cast %add3A_890 : i32 to index
        %get3A_918 = arith.constant 0 : index
        %get3A_919 = tpu.vector_load %arg12[%get3A_916, %get3A_917, %get3A_918] {strides = array<i32>} : memref<2x256x32xf32, #tpu.memory_space<vmem>>, vector<1x1x16xf32>,
        %get3A_920 = vector.shape_cast %get3A_919 : vector<1x1x16xf32> to vector<16xf32>
        %add3A_921 = arith.addf %add3A_914, %get3A_920 : vector<16xf32>
        %swap3A_922 = arith.constant 1 : i32
        %swap3A_923 = arith.index_cast %swap3A_922 : i32 to index
        %swap3A_924 = arith.index_cast %add3A_894 : i32 to index
        %swap3A_925 = arith.constant 0 : index
        %swap3A_926 = tpu.vector_load %arg13[%swap3A_923, %swap3A_924, %swap3A_925] {strides = array<i32>} : memref<2x64x128xf32, #tpu.memory_space<vmem>>, vector<1x1x16xf32>,
        %swap3A_927 = vector.shape_cast %swap3A_926 : vector<1x1x16xf32> to vector<16xf32>
        %swap3A_928 = vector.shape_cast %add3A_921 : vector<16xf32> to vector<1x1x16xf32>
        tpu.vector_store %arg13[%swap3A_923, %swap3A_924, %swap3A_925], %swap3A_928 {strides = array<i32>} : memref<2x64x128xf32, #tpu.memory_space<vmem>>, vector<1x1x16xf32>,
        %get3A_929 = arith.constant 1 : i32
        %get3A_930 = arith.index_cast %get3A_929 : i32 to index
        %get3A_931 = arith.index_cast %add3A_890 : i32 to index
        %get3A_932 = arith.constant 16 : index
        %get3A_933 = tpu.vector_load %arg9[%get3A_930, %get3A_931, %get3A_932] {strides = array<i32>} : memref<2x256x32xf32, #tpu.memory_space<vmem>>, vector<1x1x16xf32>,
        %get3A_934 = vector.shape_cast %get3A_933 : vector<1x1x16xf32> to vector<16xf32>
        %get3A_935 = arith.constant 1 : i32
        %get3A_936 = arith.index_cast %get3A_935 : i32 to index
        %get3A_937 = arith.index_cast %add3A_890 : i32 to index
        %get3A_938 = arith.constant 16 : index
        %get3A_939 = tpu.vector_load %arg10[%get3A_936, %get3A_937, %get3A_938] {strides = array<i32>} : memref<2x256x32xf32, #tpu.memory_space<vmem>>, vector<1x1x16xf32>,
        %get3A_940 = vector.shape_cast %get3A_939 : vector<1x1x16xf32> to vector<16xf32>
        %add3A_941 = arith.addf %get3A_934, %get3A_940 : vector<16xf32>
        %get3A_942 = arith.constant 1 : i32
        %get3A_943 = arith.index_cast %get3A_942 : i32 to index
        %get3A_944 = arith.index_cast %add3A_890 : i32 to index
        %get3A_945 = arith.constant 16 : index
        %get3A_946 = tpu.vector_load %arg11[%get3A_943, %get3A_944, %get3A_945] {strides = array<i32>} : memref<2x256x32xf32, #tpu.memory_space<vmem>>, vector<1x1x16xf32>,
        %get3A_947 = vector.shape_cast %get3A_946 : vector<1x1x16xf32> to vector<16xf32>
        %add3A_948 = arith.addf %add3A_941, %get3A_947 : vector<16xf32>
        %get3A_949 = arith.constant 1 : i32
        %get3A_950 = arith.index_cast %get3A_949 : i32 to index
        %get3A_951 = arith.index_cast %add3A_890 : i32 to index
        %get3A_952 = arith.constant 16 : index
        %get3A_953 = tpu.vector_load %arg12[%get3A_950, %get3A_951, %get3A_952] {strides = array<i32>} : memref<2x256x32xf32, #tpu.memory_space<vmem>>, vector<1x1x16xf32>,
        %get3A_954 = vector.shape_cast %get3A_953 : vector<1x1x16xf32> to vector<16xf32>
        %add3A_955 = arith.addf %add3A_948, %get3A_954 : vector<16xf32>
        %swap3A_956 = arith.constant 1 : i32
        %swap3A_957 = arith.index_cast %swap3A_956 : i32 to index
        %swap3A_958 = arith.index_cast %add3A_894 : i32 to index
        %swap3A_959 = arith.constant 16 : index
        %swap3A_960 = tpu.vector_load %arg13[%swap3A_957, %swap3A_958, %swap3A_959] {strides = array<i32>} : memref<2x64x128xf32, #tpu.memory_space<vmem>>, vector<1x1x16xf32>,
        %swap3A_961 = vector.shape_cast %swap3A_960 : vector<1x1x16xf32> to vector<16xf32>
        %swap3A_962 = vector.shape_cast %add3A_955 : vector<16xf32> to vector<1x1x16xf32>
        tpu.vector_store %arg13[%swap3A_957, %swap3A_958, %swap3A_959], %swap3A_962 {strides = array<i32>} : memref<2x64x128xf32, #tpu.memory_space<vmem>>, vector<1x1x16xf32>,
        %mul3A_963 = arith.constant 8 : i32
        %mul3A_964 = arith.muli %scan3A_584, %mul3A_963 : i32
        %add3A_965 = arith.constant 5 : i32
        %add3A_966 = arith.addi %mul3A_964, %add3A_965 : i32
        %mul3A_967 = arith.constant 2 : i32
        %mul3A_968 = arith.muli %mul3A_967, %scan3A_584 : i32
        %add3A_969 = arith.constant 1 : i32
        %add3A_970 = arith.addi %mul3A_968, %add3A_969 : i32
        %get3A_971 = arith.constant 1 : i32
        %get3A_972 = arith.index_cast %get3A_971 : i32 to index
        %get3A_973 = arith.index_cast %add3A_966 : i32 to index
        %get3A_974 = arith.constant 0 : index
        %get3A_975 = tpu.vector_load %arg9[%get3A_972, %get3A_973, %get3A_974] {strides = array<i32>} : memref<2x256x32xf32, #tpu.memory_space<vmem>>, vector<1x1x16xf32>,
        %get3A_976 = vector.shape_cast %get3A_975 : vector<1x1x16xf32> to vector<16xf32>
        %get3A_977 = arith.constant 1 : i32
        %get3A_978 = arith.index_cast %get3A_977 : i32 to index
        %get3A_979 = arith.index_cast %add3A_966 : i32 to index
        %get3A_980 = arith.constant 0 : index
        %get3A_981 = tpu.vector_load %arg10[%get3A_978, %get3A_979, %get3A_980] {strides = array<i32>} : memref<2x256x32xf32, #tpu.memory_space<vmem>>, vector<1x1x16xf32>,
        %get3A_982 = vector.shape_cast %get3A_981 : vector<1x1x16xf32> to vector<16xf32>
        %add3A_983 = arith.addf %get3A_976, %get3A_982 : vector<16xf32>
        %get3A_984 = arith.constant 1 : i32
        %get3A_985 = arith.index_cast %get3A_984 : i32 to index
        %get3A_986 = arith.index_cast %add3A_966 : i32 to index
        %get3A_987 = arith.constant 0 : index
        %get3A_988 = tpu.vector_load %arg11[%get3A_985, %get3A_986, %get3A_987] {strides = array<i32>} : memref<2x256x32xf32, #tpu.memory_space<vmem>>, vector<1x1x16xf32>,
        %get3A_989 = vector.shape_cast %get3A_988 : vector<1x1x16xf32> to vector<16xf32>
        %add3A_990 = arith.addf %add3A_983, %get3A_989 : vector<16xf32>
        %get3A_991 = arith.constant 1 : i32
        %get3A_992 = arith.index_cast %get3A_991 : i32 to index
        %get3A_993 = arith.index_cast %add3A_966 : i32 to index
        %get3A_994 = arith.constant 0 : index
        %get3A_995 = tpu.vector_load %arg12[%get3A_992, %get3A_993, %get3A_994] {strides = array<i32>} : memref<2x256x32xf32, #tpu.memory_space<vmem>>, vector<1x1x16xf32>,
        %get3A_996 = vector.shape_cast %get3A_995 : vector<1x1x16xf32> to vector<16xf32>
        %add3A_997 = arith.addf %add3A_990, %get3A_996 : vector<16xf32>
        %swap3A_998 = arith.constant 1 : i32
        %swap3A_999 = arith.index_cast %swap3A_998 : i32 to index
        %swap3A_1000 = arith.index_cast %add3A_970 : i32 to index
        %swap3A_1001 = arith.constant 32 : index
        %swap3A_1002 = tpu.vector_load %arg13[%swap3A_999, %swap3A_1000, %swap3A_1001] {strides = array<i32>} : memref<2x64x128xf32, #tpu.memory_space<vmem>>, vector<1x1x16xf32>,
        %swap3A_1003 = vector.shape_cast %swap3A_1002 : vector<1x1x16xf32> to vector<16xf32>
        %swap3A_1004 = vector.shape_cast %add3A_997 : vector<16xf32> to vector<1x1x16xf32>
        tpu.vector_store %arg13[%swap3A_999, %swap3A_1000, %swap3A_1001], %swap3A_1004 {strides = array<i32>} : memref<2x64x128xf32, #tpu.memory_space<vmem>>, vector<1x1x16xf32>,
        %get3A_1005 = arith.constant 1 : i32
        %get3A_1006 = arith.index_cast %get3A_1005 : i32 to index
        %get3A_1007 = arith.index_cast %add3A_966 : i32 to index
        %get3A_1008 = arith.constant 16 : index
        %get3A_1009 = tpu.vector_load %arg9[%get3A_1006, %get3A_1007, %get3A_1008] {strides = array<i32>} : memref<2x256x32xf32, #tpu.memory_space<vmem>>, vector<1x1x16xf32>,
        %get3A_1010 = vector.shape_cast %get3A_1009 : vector<1x1x16xf32> to vector<16xf32>
        %get3A_1011 = arith.constant 1 : i32
        %get3A_1012 = arith.index_cast %get3A_1011 : i32 to index
        %get3A_1013 = arith.index_cast %add3A_966 : i32 to index
        %get3A_1014 = arith.constant 16 : index
        %get3A_1015 = tpu.vector_load %arg10[%get3A_1012, %get3A_1013, %get3A_1014] {strides = array<i32>} : memref<2x256x32xf32, #tpu.memory_space<vmem>>, vector<1x1x16xf32>,
        %get3A_1016 = vector.shape_cast %get3A_1015 : vector<1x1x16xf32> to vector<16xf32>
        %add3A_1017 = arith.addf %get3A_1010, %get3A_1016 : vector<16xf32>
        %get3A_1018 = arith.constant 1 : i32
        %get3A_1019 = arith.index_cast %get3A_1018 : i32 to index
        %get3A_1020 = arith.index_cast %add3A_966 : i32 to index
        %get3A_1021 = arith.constant 16 : index
        %get3A_1022 = tpu.vector_load %arg11[%get3A_1019, %get3A_1020, %get3A_1021] {strides = array<i32>} : memref<2x256x32xf32, #tpu.memory_space<vmem>>, vector<1x1x16xf32>,
        %get3A_1023 = vector.shape_cast %get3A_1022 : vector<1x1x16xf32> to vector<16xf32>
        %add3A_1024 = arith.addf %add3A_1017, %get3A_1023 : vector<16xf32>
        %get3A_1025 = arith.constant 1 : i32
        %get3A_1026 = arith.index_cast %get3A_1025 : i32 to index
        %get3A_1027 = arith.index_cast %add3A_966 : i32 to index
        %get3A_1028 = arith.constant 16 : index
        %get3A_1029 = tpu.vector_load %arg12[%get3A_1026, %get3A_1027, %get3A_1028] {strides = array<i32>} : memref<2x256x32xf32, #tpu.memory_space<vmem>>, vector<1x1x16xf32>,
        %get3A_1030 = vector.shape_cast %get3A_1029 : vector<1x1x16xf32> to vector<16xf32>
        %add3A_1031 = arith.addf %add3A_1024, %get3A_1030 : vector<16xf32>
        %swap3A_1032 = arith.constant 1 : i32
        %swap3A_1033 = arith.index_cast %swap3A_1032 : i32 to index
        %swap3A_1034 = arith.index_cast %add3A_970 : i32 to index
        %swap3A_1035 = arith.constant 48 : index
        %swap3A_1036 = tpu.vector_load %arg13[%swap3A_1033, %swap3A_1034, %swap3A_1035] {strides = array<i32>} : memref<2x64x128xf32, #tpu.memory_space<vmem>>, vector<1x1x16xf32>,
        %swap3A_1037 = vector.shape_cast %swap3A_1036 : vector<1x1x16xf32> to vector<16xf32>
        %swap3A_1038 = vector.shape_cast %add3A_1031 : vector<16xf32> to vector<1x1x16xf32>
        tpu.vector_store %arg13[%swap3A_1033, %swap3A_1034, %swap3A_1035], %swap3A_1038 {strides = array<i32>} : memref<2x64x128xf32, #tpu.memory_space<vmem>>, vector<1x1x16xf32>,
        %mul3A_1039 = arith.constant 8 : i32
        %mul3A_1040 = arith.muli %scan3A_584, %mul3A_1039 : i32
        %add3A_1041 = arith.constant 6 : i32
        %add3A_1042 = arith.addi %mul3A_1040, %add3A_1041 : i32
        %mul3A_1043 = arith.constant 2 : i32
        %mul3A_1044 = arith.muli %mul3A_1043, %scan3A_584 : i32
        %add3A_1045 = arith.constant 1 : i32
        %add3A_1046 = arith.addi %mul3A_1044, %add3A_1045 : i32
        %get3A_1047 = arith.constant 1 : i32
        %get3A_1048 = arith.index_cast %get3A_1047 : i32 to index
        %get3A_1049 = arith.index_cast %add3A_1042 : i32 to index
        %get3A_1050 = arith.constant 0 : index
        %get3A_1051 = tpu.vector_load %arg9[%get3A_1048, %get3A_1049, %get3A_1050] {strides = array<i32>} : memref<2x256x32xf32, #tpu.memory_space<vmem>>, vector<1x1x16xf32>,
        %get3A_1052 = vector.shape_cast %get3A_1051 : vector<1x1x16xf32> to vector<16xf32>
        %get3A_1053 = arith.constant 1 : i32
        %get3A_1054 = arith.index_cast %get3A_1053 : i32 to index
        %get3A_1055 = arith.index_cast %add3A_1042 : i32 to index
        %get3A_1056 = arith.constant 0 : index
        %get3A_1057 = tpu.vector_load %arg10[%get3A_1054, %get3A_1055, %get3A_1056] {strides = array<i32>} : memref<2x256x32xf32, #tpu.memory_space<vmem>>, vector<1x1x16xf32>,
        %get3A_1058 = vector.shape_cast %get3A_1057 : vector<1x1x16xf32> to vector<16xf32>
        %add3A_1059 = arith.addf %get3A_1052, %get3A_1058 : vector<16xf32>
        %get3A_1060 = arith.constant 1 : i32
        %get3A_1061 = arith.index_cast %get3A_1060 : i32 to index
        %get3A_1062 = arith.index_cast %add3A_1042 : i32 to index
        %get3A_1063 = arith.constant 0 : index
        %get3A_1064 = tpu.vector_load %arg11[%get3A_1061, %get3A_1062, %get3A_1063] {strides = array<i32>} : memref<2x256x32xf32, #tpu.memory_space<vmem>>, vector<1x1x16xf32>,
        %get3A_1065 = vector.shape_cast %get3A_1064 : vector<1x1x16xf32> to vector<16xf32>
        %add3A_1066 = arith.addf %add3A_1059, %get3A_1065 : vector<16xf32>
        %get3A_1067 = arith.constant 1 : i32
        %get3A_1068 = arith.index_cast %get3A_1067 : i32 to index
        %get3A_1069 = arith.index_cast %add3A_1042 : i32 to index
        %get3A_1070 = arith.constant 0 : index
        %get3A_1071 = tpu.vector_load %arg12[%get3A_1068, %get3A_1069, %get3A_1070] {strides = array<i32>} : memref<2x256x32xf32, #tpu.memory_space<vmem>>, vector<1x1x16xf32>,
        %get3A_1072 = vector.shape_cast %get3A_1071 : vector<1x1x16xf32> to vector<16xf32>
        %add3A_1073 = arith.addf %add3A_1066, %get3A_1072 : vector<16xf32>
        %swap3A_1074 = arith.constant 1 : i32
        %swap3A_1075 = arith.index_cast %swap3A_1074 : i32 to index
        %swap3A_1076 = arith.index_cast %add3A_1046 : i32 to index
        %swap3A_1077 = arith.constant 64 : index
        %swap3A_1078 = tpu.vector_load %arg13[%swap3A_1075, %swap3A_1076, %swap3A_1077] {strides = array<i32>} : memref<2x64x128xf32, #tpu.memory_space<vmem>>, vector<1x1x16xf32>,
        %swap3A_1079 = vector.shape_cast %swap3A_1078 : vector<1x1x16xf32> to vector<16xf32>
        %swap3A_1080 = vector.shape_cast %add3A_1073 : vector<16xf32> to vector<1x1x16xf32>
        tpu.vector_store %arg13[%swap3A_1075, %swap3A_1076, %swap3A_1077], %swap3A_1080 {strides = array<i32>} : memref<2x64x128xf32, #tpu.memory_space<vmem>>, vector<1x1x16xf32>,
        %get3A_1081 = arith.constant 1 : i32
        %get3A_1082 = arith.index_cast %get3A_1081 : i32 to index
        %get3A_1083 = arith.index_cast %add3A_1042 : i32 to index
        %get3A_1084 = arith.constant 16 : index
        %get3A_1085 = tpu.vector_load %arg9[%get3A_1082, %get3A_1083, %get3A_1084] {strides = array<i32>} : memref<2x256x32xf32, #tpu.memory_space<vmem>>, vector<1x1x16xf32>,
        %get3A_1086 = vector.shape_cast %get3A_1085 : vector<1x1x16xf32> to vector<16xf32>
        %get3A_1087 = arith.constant 1 : i32
        %get3A_1088 = arith.index_cast %get3A_1087 : i32 to index
        %get3A_1089 = arith.index_cast %add3A_1042 : i32 to index
        %get3A_1090 = arith.constant 16 : index
        %get3A_1091 = tpu.vector_load %arg10[%get3A_1088, %get3A_1089, %get3A_1090] {strides = array<i32>} : memref<2x256x32xf32, #tpu.memory_space<vmem>>, vector<1x1x16xf32>,
        %get3A_1092 = vector.shape_cast %get3A_1091 : vector<1x1x16xf32> to vector<16xf32>
        %add3A_1093 = arith.addf %get3A_1086, %get3A_1092 : vector<16xf32>
        %get3A_1094 = arith.constant 1 : i32
        %get3A_1095 = arith.index_cast %get3A_1094 : i32 to index
        %get3A_1096 = arith.index_cast %add3A_1042 : i32 to index
        %get3A_1097 = arith.constant 16 : index
        %get3A_1098 = tpu.vector_load %arg11[%get3A_1095, %get3A_1096, %get3A_1097] {strides = array<i32>} : memref<2x256x32xf32, #tpu.memory_space<vmem>>, vector<1x1x16xf32>,
        %get3A_1099 = vector.shape_cast %get3A_1098 : vector<1x1x16xf32> to vector<16xf32>
        %add3A_1100 = arith.addf %add3A_1093, %get3A_1099 : vector<16xf32>
        %get3A_1101 = arith.constant 1 : i32
        %get3A_1102 = arith.index_cast %get3A_1101 : i32 to index
        %get3A_1103 = arith.index_cast %add3A_1042 : i32 to index
        %get3A_1104 = arith.constant 16 : index
        %get3A_1105 = tpu.vector_load %arg12[%get3A_1102, %get3A_1103, %get3A_1104] {strides = array<i32>} : memref<2x256x32xf32, #tpu.memory_space<vmem>>, vector<1x1x16xf32>,
        %get3A_1106 = vector.shape_cast %get3A_1105 : vector<1x1x16xf32> to vector<16xf32>
        %add3A_1107 = arith.addf %add3A_1100, %get3A_1106 : vector<16xf32>
        %swap3A_1108 = arith.constant 1 : i32
        %swap3A_1109 = arith.index_cast %swap3A_1108 : i32 to index
        %swap3A_1110 = arith.index_cast %add3A_1046 : i32 to index
        %swap3A_1111 = arith.constant 80 : index
        %swap3A_1112 = tpu.vector_load %arg13[%swap3A_1109, %swap3A_1110, %swap3A_1111] {strides = array<i32>} : memref<2x64x128xf32, #tpu.memory_space<vmem>>, vector<1x1x16xf32>,
        %swap3A_1113 = vector.shape_cast %swap3A_1112 : vector<1x1x16xf32> to vector<16xf32>
        %swap3A_1114 = vector.shape_cast %add3A_1107 : vector<16xf32> to vector<1x1x16xf32>
        tpu.vector_store %arg13[%swap3A_1109, %swap3A_1110, %swap3A_1111], %swap3A_1114 {strides = array<i32>} : memref<2x64x128xf32, #tpu.memory_space<vmem>>, vector<1x1x16xf32>,
        %mul3A_1115 = arith.constant 8 : i32
        %mul3A_1116 = arith.muli %scan3A_584, %mul3A_1115 : i32
        %add3A_1117 = arith.constant 7 : i32
        %add3A_1118 = arith.addi %mul3A_1116, %add3A_1117 : i32
        %mul3A_1119 = arith.constant 2 : i32
        %mul3A_1120 = arith.muli %mul3A_1119, %scan3A_584 : i32
        %add3A_1121 = arith.constant 1 : i32
        %add3A_1122 = arith.addi %mul3A_1120, %add3A_1121 : i32
        %get3A_1123 = arith.constant 1 : i32
        %get3A_1124 = arith.index_cast %get3A_1123 : i32 to index
        %get3A_1125 = arith.index_cast %add3A_1118 : i32 to index
        %get3A_1126 = arith.constant 0 : index
        %get3A_1127 = tpu.vector_load %arg9[%get3A_1124, %get3A_1125, %get3A_1126] {strides = array<i32>} : memref<2x256x32xf32, #tpu.memory_space<vmem>>, vector<1x1x16xf32>,
        %get3A_1128 = vector.shape_cast %get3A_1127 : vector<1x1x16xf32> to vector<16xf32>
        %get3A_1129 = arith.constant 1 : i32
        %get3A_1130 = arith.index_cast %get3A_1129 : i32 to index
        %get3A_1131 = arith.index_cast %add3A_1118 : i32 to index
        %get3A_1132 = arith.constant 0 : index
        %get3A_1133 = tpu.vector_load %arg10[%get3A_1130, %get3A_1131, %get3A_1132] {strides = array<i32>} : memref<2x256x32xf32, #tpu.memory_space<vmem>>, vector<1x1x16xf32>,
        %get3A_1134 = vector.shape_cast %get3A_1133 : vector<1x1x16xf32> to vector<16xf32>
        %add3A_1135 = arith.addf %get3A_1128, %get3A_1134 : vector<16xf32>
        %get3A_1136 = arith.constant 1 : i32
        %get3A_1137 = arith.index_cast %get3A_1136 : i32 to index
        %get3A_1138 = arith.index_cast %add3A_1118 : i32 to index
        %get3A_1139 = arith.constant 0 : index
        %get3A_1140 = tpu.vector_load %arg11[%get3A_1137, %get3A_1138, %get3A_1139] {strides = array<i32>} : memref<2x256x32xf32, #tpu.memory_space<vmem>>, vector<1x1x16xf32>,
        %get3A_1141 = vector.shape_cast %get3A_1140 : vector<1x1x16xf32> to vector<16xf32>
        %add3A_1142 = arith.addf %add3A_1135, %get3A_1141 : vector<16xf32>
        %get3A_1143 = arith.constant 1 : i32
        %get3A_1144 = arith.index_cast %get3A_1143 : i32 to index
        %get3A_1145 = arith.index_cast %add3A_1118 : i32 to index
        %get3A_1146 = arith.constant 0 : index
        %get3A_1147 = tpu.vector_load %arg12[%get3A_1144, %get3A_1145, %get3A_1146] {strides = array<i32>} : memref<2x256x32xf32, #tpu.memory_space<vmem>>, vector<1x1x16xf32>,
        %get3A_1148 = vector.shape_cast %get3A_1147 : vector<1x1x16xf32> to vector<16xf32>
        %add3A_1149 = arith.addf %add3A_1142, %get3A_1148 : vector<16xf32>
        %swap3A_1150 = arith.constant 1 : i32
        %swap3A_1151 = arith.index_cast %swap3A_1150 : i32 to index
        %swap3A_1152 = arith.index_cast %add3A_1122 : i32 to index
        %swap3A_1153 = arith.constant 96 : index
        %swap3A_1154 = tpu.vector_load %arg13[%swap3A_1151, %swap3A_1152, %swap3A_1153] {strides = array<i32>} : memref<2x64x128xf32, #tpu.memory_space<vmem>>, vector<1x1x16xf32>,
        %swap3A_1155 = vector.shape_cast %swap3A_1154 : vector<1x1x16xf32> to vector<16xf32>
        %swap3A_1156 = vector.shape_cast %add3A_1149 : vector<16xf32> to vector<1x1x16xf32>
        tpu.vector_store %arg13[%swap3A_1151, %swap3A_1152, %swap3A_1153], %swap3A_1156 {strides = array<i32>} : memref<2x64x128xf32, #tpu.memory_space<vmem>>, vector<1x1x16xf32>,
        %get3A_1157 = arith.constant 1 : i32
        %get3A_1158 = arith.index_cast %get3A_1157 : i32 to index
        %get3A_1159 = arith.index_cast %add3A_1118 : i32 to index
        %get3A_1160 = arith.constant 16 : index
        %get3A_1161 = tpu.vector_load %arg9[%get3A_1158, %get3A_1159, %get3A_1160] {strides = array<i32>} : memref<2x256x32xf32, #tpu.memory_space<vmem>>, vector<1x1x16xf32>,
        %get3A_1162 = vector.shape_cast %get3A_1161 : vector<1x1x16xf32> to vector<16xf32>
        %get3A_1163 = arith.constant 1 : i32
        %get3A_1164 = arith.index_cast %get3A_1163 : i32 to index
        %get3A_1165 = arith.index_cast %add3A_1118 : i32 to index
        %get3A_1166 = arith.constant 16 : index
        %get3A_1167 = tpu.vector_load %arg10[%get3A_1164, %get3A_1165, %get3A_1166] {strides = array<i32>} : memref<2x256x32xf32, #tpu.memory_space<vmem>>, vector<1x1x16xf32>,
        %get3A_1168 = vector.shape_cast %get3A_1167 : vector<1x1x16xf32> to vector<16xf32>
        %add3A_1169 = arith.addf %get3A_1162, %get3A_1168 : vector<16xf32>
        %get3A_1170 = arith.constant 1 : i32
        %get3A_1171 = arith.index_cast %get3A_1170 : i32 to index
        %get3A_1172 = arith.index_cast %add3A_1118 : i32 to index
        %get3A_1173 = arith.constant 16 : index
        %get3A_1174 = tpu.vector_load %arg11[%get3A_1171, %get3A_1172, %get3A_1173] {strides = array<i32>} : memref<2x256x32xf32, #tpu.memory_space<vmem>>, vector<1x1x16xf32>,
        %get3A_1175 = vector.shape_cast %get3A_1174 : vector<1x1x16xf32> to vector<16xf32>
        %add3A_1176 = arith.addf %add3A_1169, %get3A_1175 : vector<16xf32>
        %get3A_1177 = arith.constant 1 : i32
        %get3A_1178 = arith.index_cast %get3A_1177 : i32 to index
        %get3A_1179 = arith.index_cast %add3A_1118 : i32 to index
        %get3A_1180 = arith.constant 16 : index
        %get3A_1181 = tpu.vector_load %arg12[%get3A_1178, %get3A_1179, %get3A_1180] {strides = array<i32>} : memref<2x256x32xf32, #tpu.memory_space<vmem>>, vector<1x1x16xf32>,
        %get3A_1182 = vector.shape_cast %get3A_1181 : vector<1x1x16xf32> to vector<16xf32>
        %add3A_1183 = arith.addf %add3A_1176, %get3A_1182 : vector<16xf32>
        %swap3A_1184 = arith.constant 1 : i32
        %swap3A_1185 = arith.index_cast %swap3A_1184 : i32 to index
        %swap3A_1186 = arith.index_cast %add3A_1122 : i32 to index
        %swap3A_1187 = arith.constant 112 : index
        %swap3A_1188 = tpu.vector_load %arg13[%swap3A_1185, %swap3A_1186, %swap3A_1187] {strides = array<i32>} : memref<2x64x128xf32, #tpu.memory_space<vmem>>, vector<1x1x16xf32>,
        %swap3A_1189 = vector.shape_cast %swap3A_1188 : vector<1x1x16xf32> to vector<16xf32>
        %swap3A_1190 = vector.shape_cast %add3A_1183 : vector<16xf32> to vector<1x1x16xf32>
        tpu.vector_store %arg13[%swap3A_1185, %swap3A_1186, %swap3A_1187], %swap3A_1190 {strides = array<i32>} : memref<2x64x128xf32, #tpu.memory_space<vmem>>, vector<1x1x16xf32>,
      }
      %scan3A_541 = arith.constant 32 : i32
      %mul3A_542 = arith.constant 25600 : i32
      %mul3A_543 = arith.muli %add3A, %mul3A_542 : i32
      %mul3A_544 = arith.constant 256 : i32
      %mul3A_545 = arith.muli %add3A_457, %mul3A_544 : i32
      %add3A_546 = arith.addi %mul3A_543, %mul3A_545 : i32
      %jit3A_547 = arith.constant 4 : i32
      %div3A_548 = arith.divsi %add3A_546, %jit3A_547 : i32
      %sign3A_549 = arith.constant 0 : i32
      %sign3A_550 = arith.cmpi sgt, %add3A_546, %sign3A_549 : i32
      %sign3A_551 = arith.extui %sign3A_550 : i1 to i32
      %sign3A_552 = arith.constant 0 : i32
      %sign3A_553 = arith.cmpi slt, %add3A_546, %sign3A_552 : i32
      %sign3A_554 = arith.extui %sign3A_553 : i1 to i32
      %sign3A_555 = arith.subi %sign3A_551, %sign3A_554 : i32
      %sign3A_556 = arith.constant 0 : i32
      %sign3A_557 = arith.cmpi sgt, %jit3A_547, %sign3A_556 : i32
      %sign3A_558 = arith.extui %sign3A_557 : i1 to i32
      %sign3A_559 = arith.constant 0 : i32
      %sign3A_560 = arith.cmpi slt, %jit3A_547, %sign3A_559 : i32
      %sign3A_561 = arith.extui %sign3A_560 : i1 to i32
      %sign3A_562 = arith.subi %sign3A_558, %sign3A_561 : i32
      %ne3A_563 = arith.cmpi ne, %sign3A_555, %sign3A_562 : i32
      %rem3A_564 = arith.remsi %add3A_546, %jit3A_547 : i32
      %ne3A_565 = arith.constant 0 : i32
      %ne3A_566 = arith.cmpi ne, %rem3A_564, %ne3A_565 : i32
      %and3A_567 = arith.andi %ne3A_563, %ne3A_566 : i1
      %sub3A_568 = arith.constant 1 : i32
      %sub3A_569 = arith.subi %div3A_548, %sub3A_568 : i32
      %select_n3A_570 = arith.select %and3A_567, %sub3A_569, %div3A_548 : i32
      %dma_start3A_571 = arith.constant 1 : i32
      %dma_start3A_572 = arith.constant 0 : i32
      %dma_start3A_573 = arith.constant 0 : i32
      %dma_start3A_574 = tpu.memref_slice %arg13[%dma_start3A_571, %dma_start3A_572, %dma_start3A_573] : memref<2x64x128xf32, #tpu.memory_space<vmem>> -> memref<1x64x128xf32, #tpu.memory_space<vmem>>
      %dma_start3A_575 = tpu.memref_squeeze %dma_start3A_574 : memref<1x64x128xf32, #tpu.memory_space<vmem>> -> memref<64x128xf32, #tpu.memory_space<vmem>>
      %dma_start3A_576 = arith.constant 0 : i32
      %dma_start3A_577 = tpu.memref_slice %arg7[%select_n3A_570, %dma_start3A_576] : memref<204800x128xf32, #tpu.memory_space<hbm>> -> memref<64x128xf32, #tpu.memory_space<hbm>>
      %dma_start3A_578 = arith.constant 0 : i32
      %dma_start3A_579 = tpu.memref_slice %arg7[%select_n3A_570, %dma_start3A_578] : memref<204800x128xf32, #tpu.memory_space<hbm>> -> memref<64x128xf32, #tpu.memory_space<hbm>>
      %dma_start3A_580 = arith.constant 0 : i32
      %dma_start3A_581 = arith.constant 0 : i32
      %dma_start3A_582 = tpu.memref_slice %arg13[%dma_start3A_571, %dma_start3A_580, %dma_start3A_581] : memref<2x64x128xf32, #tpu.memory_space<vmem>> -> memref<1x64x128xf32, #tpu.memory_space<vmem>>
      %dma_start3A_583 = tpu.memref_squeeze %dma_start3A_582 : memref<1x64x128xf32, #tpu.memory_space<vmem>> -> memref<64x128xf32, #tpu.memory_space<vmem>>
      tpu.enqueue_dma source(%dma_start3A_583 : memref<64x128xf32, #tpu.memory_space<vmem>>) target(%dma_start3A_579 : memref<64x128xf32, #tpu.memory_space<hbm>>) target_semaphore(%arg22 : memref<!tpu.dma_semaphore, #tpu.memory_space<semaphore_mem>>)
    }
    %scan3A_252 = arith.constant 50 : i32
    %mul3A_253 = arith.constant 25600 : i32
    %mul3A_254 = arith.muli %add3A, %mul3A_253 : i32
    %add3A_255 = arith.constant 25088 : i32
    %add3A_256 = arith.addi %mul3A_254, %add3A_255 : i32
    %jit3A = arith.constant 4 : i32
    %div3A = arith.divsi %add3A_256, %jit3A : i32
    %sign3A = arith.constant 0 : i32
    %sign3A_257 = arith.cmpi sgt, %add3A_256, %sign3A : i32
    %sign3A_258 = arith.extui %sign3A_257 : i1 to i32
    %sign3A_259 = arith.constant 0 : i32
    %sign3A_260 = arith.cmpi slt, %add3A_256, %sign3A_259 : i32
    %sign3A_261 = arith.extui %sign3A_260 : i1 to i32
    %sign3A_262 = arith.subi %sign3A_258, %sign3A_261 : i32
    %sign3A_263 = arith.constant 0 : i32
    %sign3A_264 = arith.cmpi sgt, %jit3A, %sign3A_263 : i32
    %sign3A_265 = arith.extui %sign3A_264 : i1 to i32
    %sign3A_266 = arith.constant 0 : i32
    %sign3A_267 = arith.cmpi slt, %jit3A, %sign3A_266 : i32
    %sign3A_268 = arith.extui %sign3A_267 : i1 to i32
    %sign3A_269 = arith.subi %sign3A_265, %sign3A_268 : i32
    %ne3A = arith.cmpi ne, %sign3A_262, %sign3A_269 : i32
    %rem3A = arith.remsi %add3A_256, %jit3A : i32
    %ne3A_270 = arith.constant 0 : i32
    %ne3A_271 = arith.cmpi ne, %rem3A, %ne3A_270 : i32
    %and3A = arith.andi %ne3A, %ne3A_271 : i1
    %sub3A = arith.constant 1 : i32
    %sub3A_272 = arith.subi %div3A, %sub3A : i32
    %select_n3A = arith.select %and3A, %sub3A_272, %div3A : i32
    %dma_wait3A_273 = arith.constant 0 : i32
    %dma_wait3A_274 = arith.constant 0 : i32
    %dma_wait3A_275 = arith.constant 0 : i32
    %dma_wait3A_276 = tpu.memref_slice %arg13[%dma_wait3A_273, %dma_wait3A_274, %dma_wait3A_275] : memref<2x64x128xf32, #tpu.memory_space<vmem>> -> memref<1x64x128xf32, #tpu.memory_space<vmem>>
    %dma_wait3A_277 = tpu.memref_squeeze %dma_wait3A_276 : memref<1x64x128xf32, #tpu.memory_space<vmem>> -> memref<64x128xf32, #tpu.memory_space<vmem>>
    %dma_wait3A_278 = arith.constant 0 : i32
    %dma_wait3A_279 = tpu.memref_slice %arg7[%select_n3A, %dma_wait3A_278] : memref<204800x128xf32, #tpu.memory_space<hbm>> -> memref<64x128xf32, #tpu.memory_space<hbm>>
    %dma_wait3A_280 = arith.constant 0 : i32
    %dma_wait3A_281 = tpu.memref_slice %arg7[%select_n3A, %dma_wait3A_280] : memref<204800x128xf32, #tpu.memory_space<hbm>> -> memref<64x128xf32, #tpu.memory_space<hbm>>
    %dma_wait3A_282 = arith.constant 0 : i32
    %dma_wait3A_283 = arith.constant 0 : i32
    %dma_wait3A_284 = tpu.memref_slice %arg13[%dma_wait3A_273, %dma_wait3A_282, %dma_wait3A_283] : memref<2x64x128xf32, #tpu.memory_space<vmem>> -> memref<1x64x128xf32, #tpu.memory_space<vmem>>
    %dma_wait3A_285 = tpu.memref_squeeze %dma_wait3A_284 : memref<1x64x128xf32, #tpu.memory_space<vmem>> -> memref<64x128xf32, #tpu.memory_space<vmem>>
    tpu.wait_dma2 semaphore(%arg21 : memref<!tpu.dma_semaphore, #tpu.memory_space<semaphore_mem>>) src(%dma_wait3A_285 : memref<64x128xf32, #tpu.memory_space<vmem>>) dst(%dma_wait3A_281 : memref<64x128xf32, #tpu.memory_space<hbm>>)
    %mul3A_286 = arith.constant 25600 : i32
    %mul3A_287 = arith.muli %add3A, %mul3A_286 : i32
    %add3A_288 = arith.constant 25344 : i32
    %add3A_289 = arith.addi %mul3A_287, %add3A_288 : i32
    %jit3A_290 = arith.constant 4 : i32
    %div3A_291 = arith.divsi %add3A_289, %jit3A_290 : i32
    %sign3A_292 = arith.constant 0 : i32
    %sign3A_293 = arith.cmpi sgt, %add3A_289, %sign3A_292 : i32
    %sign3A_294 = arith.extui %sign3A_293 : i1 to i32
    %sign3A_295 = arith.constant 0 : i32
    %sign3A_296 = arith.cmpi slt, %add3A_289, %sign3A_295 : i32
    %sign3A_297 = arith.extui %sign3A_296 : i1 to i32
    %sign3A_298 = arith.subi %sign3A_294, %sign3A_297 : i32
    %sign3A_299 = arith.constant 0 : i32
    %sign3A_300 = arith.cmpi sgt, %jit3A_290, %sign3A_299 : i32
    %sign3A_301 = arith.extui %sign3A_300 : i1 to i32
    %sign3A_302 = arith.constant 0 : i32
    %sign3A_303 = arith.cmpi slt, %jit3A_290, %sign3A_302 : i32
    %sign3A_304 = arith.extui %sign3A_303 : i1 to i32
    %sign3A_305 = arith.subi %sign3A_301, %sign3A_304 : i32
    %ne3A_306 = arith.cmpi ne, %sign3A_298, %sign3A_305 : i32
    %rem3A_307 = arith.remsi %add3A_289, %jit3A_290 : i32
    %ne3A_308 = arith.constant 0 : i32
    %ne3A_309 = arith.cmpi ne, %rem3A_307, %ne3A_308 : i32
    %and3A_310 = arith.andi %ne3A_306, %ne3A_309 : i1
    %sub3A_311 = arith.constant 1 : i32
    %sub3A_312 = arith.subi %div3A_291, %sub3A_311 : i32
    %select_n3A_313 = arith.select %and3A_310, %sub3A_312, %div3A_291 : i32
    %dma_wait3A_314 = arith.constant 1 : i32
    %dma_wait3A_315 = arith.constant 0 : i32
    %dma_wait3A_316 = arith.constant 0 : i32
    %dma_wait3A_317 = tpu.memref_slice %arg13[%dma_wait3A_314, %dma_wait3A_315, %dma_wait3A_316] : memref<2x64x128xf32, #tpu.memory_space<vmem>> -> memref<1x64x128xf32, #tpu.memory_space<vmem>>
    %dma_wait3A_318 = tpu.memref_squeeze %dma_wait3A_317 : memref<1x64x128xf32, #tpu.memory_space<vmem>> -> memref<64x128xf32, #tpu.memory_space<vmem>>
    %dma_wait3A_319 = arith.constant 0 : i32
    %dma_wait3A_320 = tpu.memref_slice %arg7[%select_n3A_313, %dma_wait3A_319] : memref<204800x128xf32, #tpu.memory_space<hbm>> -> memref<64x128xf32, #tpu.memory_space<hbm>>
    %dma_wait3A_321 = arith.constant 0 : i32
    %dma_wait3A_322 = tpu.memref_slice %arg7[%select_n3A_313, %dma_wait3A_321] : memref<204800x128xf32, #tpu.memory_space<hbm>> -> memref<64x128xf32, #tpu.memory_space<hbm>>
    %dma_wait3A_323 = arith.constant 0 : i32
    %dma_wait3A_324 = arith.constant 0 : i32
    %dma_wait3A_325 = tpu.memref_slice %arg13[%dma_wait3A_314, %dma_wait3A_323, %dma_wait3A_324] : memref<2x64x128xf32, #tpu.memory_space<vmem>> -> memref<1x64x128xf32, #tpu.memory_space<vmem>>
    %dma_wait3A_326 = tpu.memref_squeeze %dma_wait3A_325 : memref<1x64x128xf32, #tpu.memory_space<vmem>> -> memref<64x128xf32, #tpu.memory_space<vmem>>
    tpu.wait_dma2 semaphore(%arg22 : memref<!tpu.dma_semaphore, #tpu.memory_space<semaphore_mem>>) src(%dma_wait3A_326 : memref<64x128xf32, #tpu.memory_space<vmem>>) dst(%dma_wait3A_322 : memref<64x128xf32, #tpu.memory_space<hbm>>)
    return
  }
}

module attributes {stable_mosaic.version = 14 : i64} {
  func.func @_proj_body(%arg0: memref<1539x21xf32, #tpu.memory_space<vmem>>, %arg1: memref<9456x21xf32, #tpu.memory_space<vmem>>, %arg2: memref<914x21xf32, #tpu.memory_space<vmem>>, %arg3: memref<10x21xf32, #tpu.memory_space<vmem>>, %arg4: memref<21x32xf32, #tpu.memory_space<vmem>>, %arg5: memref<21x32xf32, #tpu.memory_space<vmem>>, %arg6: memref<21x32xf32, #tpu.memory_space<vmem>>, %arg7: memref<21x32xf32, #tpu.memory_space<vmem>>, %arg8: memref<1539x32xf32, #tpu.memory_space<vmem>>, %arg9: memref<9456x32xf32, #tpu.memory_space<vmem>>, %arg10: memref<914x32xf32, #tpu.memory_space<vmem>>, %arg11: memref<10x32xf32, #tpu.memory_space<vmem>>) attributes {dimension_semantics = [], scalar_prefetch = 0 : i64, scratch_operands = 0 : i64, tpu.core_type = #tpu.core_type<tc>} {
    %get3A = arith.constant 0 : index
    %get3A_0 = arith.constant 0 : index
    %get3A_1 = vector.load %arg0[%get3A, %get3A_0] : memref<1539x21xf32, #tpu.memory_space<vmem>>, vector<1539x21xf32>
    %get3A_2 = arith.constant 0 : index
    %get3A_3 = arith.constant 0 : index
    %get3A_4 = vector.load %arg4[%get3A_2, %get3A_3] : memref<21x32xf32, #tpu.memory_space<vmem>>, vector<21x32xf32>
    %dot_general3A = arith.constant dense<0.000000e+00> : vector<1539x32xf32>
    %dot_general3A_5 = tpu.matmul %get3A_1, %get3A_4, %dot_general3A {dimension_numbers = #tpu.dot_dimension_numbers<[1], [0], [0], [1], [0, 0, 1, 1], [], []>, transpose_lhs_hint = false} : vector<1539x21xf32>, vector<21x32xf32>, vector<1539x32xf32> -> vector<1539x32xf32>
    %swap3A = arith.constant 0 : index
    %swap3A_6 = arith.constant 0 : index
    %swap3A_7 = vector.load %arg8[%swap3A, %swap3A_6] : memref<1539x32xf32, #tpu.memory_space<vmem>>, vector<1539x32xf32>
    tpu.vector_store %arg8[%swap3A, %swap3A_6], %dot_general3A_5 {strides = array<i32>} : memref<1539x32xf32, #tpu.memory_space<vmem>>, vector<1539x32xf32>,
    %get3A_8 = arith.constant 0 : index
    %get3A_9 = arith.constant 0 : index
    %get3A_10 = vector.load %arg1[%get3A_8, %get3A_9] : memref<9456x21xf32, #tpu.memory_space<vmem>>, vector<9456x21xf32>
    %get3A_11 = arith.constant 0 : index
    %get3A_12 = arith.constant 0 : index
    %get3A_13 = vector.load %arg5[%get3A_11, %get3A_12] : memref<21x32xf32, #tpu.memory_space<vmem>>, vector<21x32xf32>
    %dot_general3A_14 = arith.constant dense<0.000000e+00> : vector<9456x32xf32>
    %dot_general3A_15 = tpu.matmul %get3A_10, %get3A_13, %dot_general3A_14 {dimension_numbers = #tpu.dot_dimension_numbers<[1], [0], [0], [1], [0, 0, 1, 1], [], []>, transpose_lhs_hint = false} : vector<9456x21xf32>, vector<21x32xf32>, vector<9456x32xf32> -> vector<9456x32xf32>
    %swap3A_16 = arith.constant 0 : index
    %swap3A_17 = arith.constant 0 : index
    %swap3A_18 = vector.load %arg9[%swap3A_16, %swap3A_17] : memref<9456x32xf32, #tpu.memory_space<vmem>>, vector<9456x32xf32>
    tpu.vector_store %arg9[%swap3A_16, %swap3A_17], %dot_general3A_15 {strides = array<i32>} : memref<9456x32xf32, #tpu.memory_space<vmem>>, vector<9456x32xf32>,
    %get3A_19 = arith.constant 0 : index
    %get3A_20 = arith.constant 0 : index
    %get3A_21 = vector.load %arg2[%get3A_19, %get3A_20] : memref<914x21xf32, #tpu.memory_space<vmem>>, vector<914x21xf32>
    %get3A_22 = arith.constant 0 : index
    %get3A_23 = arith.constant 0 : index
    %get3A_24 = vector.load %arg6[%get3A_22, %get3A_23] : memref<21x32xf32, #tpu.memory_space<vmem>>, vector<21x32xf32>
    %dot_general3A_25 = arith.constant dense<0.000000e+00> : vector<914x32xf32>
    %dot_general3A_26 = tpu.matmul %get3A_21, %get3A_24, %dot_general3A_25 {dimension_numbers = #tpu.dot_dimension_numbers<[1], [0], [0], [1], [0, 0, 1, 1], [], []>, transpose_lhs_hint = false} : vector<914x21xf32>, vector<21x32xf32>, vector<914x32xf32> -> vector<914x32xf32>
    %swap3A_27 = arith.constant 0 : index
    %swap3A_28 = arith.constant 0 : index
    %swap3A_29 = vector.load %arg10[%swap3A_27, %swap3A_28] : memref<914x32xf32, #tpu.memory_space<vmem>>, vector<914x32xf32>
    tpu.vector_store %arg10[%swap3A_27, %swap3A_28], %dot_general3A_26 {strides = array<i32>} : memref<914x32xf32, #tpu.memory_space<vmem>>, vector<914x32xf32>,
    %get3A_30 = arith.constant 0 : index
    %get3A_31 = arith.constant 0 : index
    %get3A_32 = vector.load %arg3[%get3A_30, %get3A_31] : memref<10x21xf32, #tpu.memory_space<vmem>>, vector<10x21xf32>
    %get3A_33 = arith.constant 0 : index
    %get3A_34 = arith.constant 0 : index
    %get3A_35 = vector.load %arg7[%get3A_33, %get3A_34] : memref<21x32xf32, #tpu.memory_space<vmem>>, vector<21x32xf32>
    %dot_general3A_36 = arith.constant dense<0.000000e+00> : vector<10x32xf32>
    %dot_general3A_37 = tpu.matmul %get3A_32, %get3A_35, %dot_general3A_36 {dimension_numbers = #tpu.dot_dimension_numbers<[1], [0], [0], [1], [0, 0, 1, 1], [], []>, transpose_lhs_hint = false} : vector<10x21xf32>, vector<21x32xf32>, vector<10x32xf32> -> vector<10x32xf32>
    %swap3A_38 = arith.constant 0 : index
    %swap3A_39 = arith.constant 0 : index
    %swap3A_40 = vector.load %arg11[%swap3A_38, %swap3A_39] : memref<10x32xf32, #tpu.memory_space<vmem>>, vector<10x32xf32>
    tpu.vector_store %arg11[%swap3A_38, %swap3A_39], %dot_general3A_37 {strides = array<i32>} : memref<10x32xf32, #tpu.memory_space<vmem>>, vector<10x32xf32>,
    return
  }
}

module attributes {stable_mosaic.version = 14 : i64} {
  func.func @_ln_body(%arg0: i32, %arg1: memref<512x128xf32, #tpu.memory_space<vmem>>, %arg2: memref<16x128xf32, #tpu.memory_space<vmem>>, %arg3: memref<128x128xf32, #tpu.memory_space<vmem>>, %arg4: memref<128x128xf32, #tpu.memory_space<vmem>>, %arg5: memref<512x16xf32, #tpu.memory_space<vmem>>, %arg6: memref<128x128xf32, #tpu.memory_space<vmem>>, %arg7: memref<128x128xf32, #tpu.memory_space<vmem>>, %arg8: memref<128x128xf32, #tpu.memory_space<vmem>>, %arg9: memref<128x128xf32, #tpu.memory_space<vmem>>, %arg10: memref<1x128xf32, #tpu.memory_space<vmem>>, %arg11: memref<1x128xf32, #tpu.memory_space<vmem>>, %arg12: memref<1x128xf32, #tpu.memory_space<vmem>>, %arg13: memref<1x128xf32, #tpu.memory_space<vmem>>, %arg14: memref<1x128xf32, #tpu.memory_space<vmem>>, %arg15: memref<1x3xf32, #tpu.memory_space<vmem>>, %arg16: memref<1x128xf32, #tpu.memory_space<vmem>>, %arg17: memref<1x128xf32, #tpu.memory_space<vmem>>, %arg18: memref<1x128xf32, #tpu.memory_space<vmem>>, %arg19: memref<1x128xf32, #tpu.memory_space<vmem>>, %arg20: memref<1x128xf32, #tpu.memory_space<vmem>>, %arg21: memref<1x128xf32, #tpu.memory_space<vmem>>, %arg22: memref<512x2x128xf32, #tpu.memory_space<vmem>>) attributes {dimension_semantics = [#tpu.dimension_semantics<arbitrary>], iteration_bounds = array<i64: 400>, scalar_prefetch = 0 : i64, scratch_operands = 0 : i64, tpu.core_type = #tpu.core_type<tc>, window_params = [{transform_indices = @transform_0, window_bounds = array<i64: 512, 128>}, {transform_indices = @transform_1, window_bounds = array<i64: 16, 128>}, {pipeline_mode = #tpu.pipeline_mode<synchronous>, transform_indices = @transform_2, window_bounds = array<i64: 128, 128>}, {pipeline_mode = #tpu.pipeline_mode<synchronous>, transform_indices = @transform_3, window_bounds = array<i64: 128, 128>}, {pipeline_mode = #tpu.pipeline_mode<synchronous>, transform_indices = @transform_4, window_bounds = array<i64: 512, 16>}, {pipeline_mode = #tpu.pipeline_mode<synchronous>, transform_indices = @transform_5, window_bounds = array<i64: 128, 128>}, {pipeline_mode = #tpu.pipeline_mode<synchronous>, transform_indices = @transform_6, window_bounds = array<i64: 128, 128>}, {pipeline_mode = #tpu.pipeline_mode<synchronous>, transform_indices = @transform_7, window_bounds = array<i64: 128, 128>}, {pipeline_mode = #tpu.pipeline_mode<synchronous>, transform_indices = @transform_8, window_bounds = array<i64: 128, 128>}, {pipeline_mode = #tpu.pipeline_mode<synchronous>, transform_indices = @transform_9, window_bounds = array<i64: 1, 128>}, {pipeline_mode = #tpu.pipeline_mode<synchronous>, transform_indices = @transform_10, window_bounds = array<i64: 1, 128>}, {pipeline_mode = #tpu.pipeline_mode<synchronous>, transform_indices = @transform_11, window_bounds = array<i64: 1, 128>}, {pipeline_mode = #tpu.pipeline_mode<synchronous>, transform_indices = @transform_12, window_bounds = array<i64: 1, 128>}, {pipeline_mode = #tpu.pipeline_mode<synchronous>, transform_indices = @transform_13, window_bounds = array<i64: 1, 128>}, {pipeline_mode = #tpu.pipeline_mode<synchronous>, transform_indices = @transform_14, window_bounds = array<i64: 1, 3>}, {pipeline_mode = #tpu.pipeline_mode<synchronous>, transform_indices = @transform_15, window_bounds = array<i64: 1, 128>}, {pipeline_mode = #tpu.pipeline_mode<synchronous>, transform_indices = @transform_16, window_bounds = array<i64: 1, 128>}, {pipeline_mode = #tpu.pipeline_mode<synchronous>, transform_indices = @transform_17, window_bounds = array<i64: 1, 128>}, {pipeline_mode = #tpu.pipeline_mode<synchronous>, transform_indices = @transform_18, window_bounds = array<i64: 1, 128>}, {pipeline_mode = #tpu.pipeline_mode<synchronous>, transform_indices = @transform_19, window_bounds = array<i64: 1, 128>}, {pipeline_mode = #tpu.pipeline_mode<synchronous>, transform_indices = @transform_20, window_bounds = array<i64: 1, 128>}, {transform_indices = @transform_21, window_bounds = array<i64: 512, 2, 128>}]} {
    %get3A = arith.constant 0 : index
    %get3A_0 = arith.constant 0 : index
    %get3A_1 = vector.load %arg1[%get3A, %get3A_0] : memref<512x128xf32, #tpu.memory_space<vmem>>, vector<512x128xf32>
    %get3A_2 = arith.constant 0 : index
    %get3A_3 = arith.constant 0 : index
    %get3A_4 = vector.load %arg10[%get3A_2, %get3A_3] : memref<1x128xf32, #tpu.memory_space<vmem>>, vector<1x128xf32>
    %add3A = vector.broadcast %get3A_4 : vector<1x128xf32> to vector<512x128xf32>
    %add3A_5 = arith.addf %get3A_1, %add3A : vector<512x128xf32>
    %get3A_6 = arith.constant 0 : index
    %get3A_7 = arith.constant 0 : index
    %get3A_8 = vector.load %arg3[%get3A_6, %get3A_7] : memref<128x128xf32, #tpu.memory_space<vmem>>, vector<128x128xf32>
    %get3A_9 = vector.shape_cast %get3A_8 : vector<128x128xf32> to vector<128x128xf32>
    %dot_general3A = arith.constant dense<0.000000e+00> : vector<512x128xf32>
    %dot_general3A_10 = tpu.matmul %add3A_5, %get3A_9, %dot_general3A {dimension_numbers = #tpu.dot_dimension_numbers<[1], [0], [0], [1], [0, 0, 1, 1], [], []>, transpose_lhs_hint = false} : vector<512x128xf32>, vector<128x128xf32>, vector<512x128xf32> -> vector<512x128xf32>
    %sub3A = arith.subf %add3A_5, %dot_general3A_10 : vector<512x128xf32>
    %mul3A = arith.mulf %sub3A, %sub3A : vector<512x128xf32>
    %get3A_11 = arith.constant 0 : index
    %get3A_12 = arith.constant 0 : index
    %get3A_13 = vector.load %arg3[%get3A_11, %get3A_12] : memref<128x128xf32, #tpu.memory_space<vmem>>, vector<128x128xf32>
    %get3A_14 = vector.shape_cast %get3A_13 : vector<128x128xf32> to vector<128x128xf32>
    %dot_general3A_15 = arith.constant dense<0.000000e+00> : vector<512x128xf32>
    %dot_general3A_16 = tpu.matmul %mul3A, %get3A_14, %dot_general3A_15 {dimension_numbers = #tpu.dot_dimension_numbers<[1], [0], [0], [1], [0, 0, 1, 1], [], []>, transpose_lhs_hint = false} : vector<512x128xf32>, vector<128x128xf32>, vector<512x128xf32> -> vector<512x128xf32>
    %add3A_17 = arith.constant 9.99999997E-7 : f32
    %add3A_18 = vector.broadcast %add3A_17 : f32 to vector<512x128xf32>
    %add3A_19 = arith.addf %dot_general3A_16, %add3A_18 : vector<512x128xf32>
    %rsqrt3A = math.rsqrt %add3A_19 : vector<512x128xf32>
    %mul3A_20 = arith.mulf %sub3A, %rsqrt3A : vector<512x128xf32>
    %get3A_21 = arith.constant 0 : index
    %get3A_22 = arith.constant 0 : index
    %get3A_23 = vector.load %arg11[%get3A_21, %get3A_22] : memref<1x128xf32, #tpu.memory_space<vmem>>, vector<1x128xf32>
    %mul3A_24 = vector.broadcast %get3A_23 : vector<1x128xf32> to vector<512x128xf32>
    %mul3A_25 = arith.mulf %mul3A_20, %mul3A_24 : vector<512x128xf32>
    %get3A_26 = arith.constant 0 : index
    %get3A_27 = arith.constant 0 : index
    %get3A_28 = vector.load %arg12[%get3A_26, %get3A_27] : memref<1x128xf32, #tpu.memory_space<vmem>>, vector<1x128xf32>
    %add3A_29 = vector.broadcast %get3A_28 : vector<1x128xf32> to vector<512x128xf32>
    %add3A_30 = arith.addf %mul3A_25, %add3A_29 : vector<512x128xf32>
    %get3A_31 = arith.constant 0 : index
    %get3A_32 = arith.constant 0 : index
    %get3A_33 = vector.load %arg5[%get3A_31, %get3A_32] : memref<512x16xf32, #tpu.memory_space<vmem>>, vector<512x16xf32>
    %get3A_34 = arith.constant 0 : index
    %get3A_35 = arith.constant 0 : index
    %get3A_36 = vector.load %arg2[%get3A_34, %get3A_35] : memref<16x128xf32, #tpu.memory_space<vmem>>, vector<16x128xf32>
    %dot_general3A_37 = arith.constant dense<0.000000e+00> : vector<512x128xf32>
    %dot_general3A_38 = tpu.matmul %get3A_33, %get3A_36, %dot_general3A_37 {dimension_numbers = #tpu.dot_dimension_numbers<[1], [0], [0], [1], [0, 0, 1, 1], [], []>, transpose_lhs_hint = false} : vector<512x16xf32>, vector<16x128xf32>, vector<512x128xf32> -> vector<512x128xf32>
    %iota3A = tpu.iota {dimensions = array<i32: 0>} : vector<512x128xi32>
    %iota3A_39 = tpu.iota {dimensions = array<i32: 1>} : vector<512x128xi32>
    %jit3A = arith.constant 32 : i32
    %eq3A = arith.constant 0 : i32
    %eq3A_40 = arith.cmpi eq, %jit3A, %eq3A : i32
    %jit3A_41 = arith.constant 1 : i32
    %select_n3A = arith.select %eq3A_40, %jit3A_41, %jit3A : i32
    %rem3A = vector.broadcast %select_n3A : i32 to vector<512x128xi32>
    %rem3A_42 = arith.remsi %iota3A, %rem3A : vector<512x128xi32>
    %ne3A = arith.constant 0 : i32
    %ne3A_43 = vector.broadcast %ne3A : i32 to vector<512x128xi32>
    %ne3A_44 = arith.cmpi ne, %rem3A_42, %ne3A_43 : vector<512x128xi32>
    %lt3A = arith.constant 0 : i32
    %lt3A_45 = vector.broadcast %lt3A : i32 to vector<512x128xi32>
    %lt3A_46 = arith.cmpi slt, %rem3A_42, %lt3A_45 : vector<512x128xi32>
    %lt3A_47 = arith.constant 0 : i32
    %lt3A_48 = arith.cmpi slt, %select_n3A, %lt3A_47 : i32
    %ne3A_49 = vector.broadcast %lt3A_48 : i1 to vector<512x128xi1>
    %ne3A_50 = vector.broadcast %ne3A_49 : vector<512x128xi1> to vector<512x128xi1>
    %ne3A_51 = arith.xori %lt3A_46, %ne3A_50 : vector<512x128xi1>
    %and3A = arith.andi %ne3A_51, %ne3A_44 : vector<512x128xi1>
    %add3A_52 = vector.broadcast %select_n3A : i32 to vector<512x128xi32>
    %add3A_53 = arith.addi %rem3A_42, %add3A_52 : vector<512x128xi32>
    %select_n3A_54 = arith.select %and3A, %add3A_53, %rem3A_42 : vector<512x128xi1>, vector<512x128xi32>
    %mul3A_55 = arith.constant 4 : i32
    %mul3A_56 = vector.broadcast %mul3A_55 : i32 to vector<512x128xi32>
    %mul3A_57 = arith.muli %mul3A_56, %select_n3A_54 : vector<512x128xi32>
    %jit3A_58 = arith.constant 32 : i32
    %div3A = vector.broadcast %jit3A_58 : i32 to vector<512x128xi32>
    %div3A_59 = arith.divsi %iota3A_39, %div3A : vector<512x128xi32>
    %sign3A = arith.constant 0 : i32
    %sign3A_60 = vector.broadcast %sign3A : i32 to vector<512x128xi32>
    %sign3A_61 = arith.cmpi sgt, %iota3A_39, %sign3A_60 : vector<512x128xi32>
    %sign3A_62 = arith.extui %sign3A_61 : vector<512x128xi1> to vector<512x128xi32>
    %sign3A_63 = arith.constant 0 : i32
    %sign3A_64 = vector.broadcast %sign3A_63 : i32 to vector<512x128xi32>
    %sign3A_65 = arith.cmpi slt, %iota3A_39, %sign3A_64 : vector<512x128xi32>
    %sign3A_66 = arith.extui %sign3A_65 : vector<512x128xi1> to vector<512x128xi32>
    %sign3A_67 = arith.subi %sign3A_62, %sign3A_66 : vector<512x128xi32>
    %sign3A_68 = arith.constant 0 : i32
    %sign3A_69 = arith.cmpi sgt, %jit3A_58, %sign3A_68 : i32
    %sign3A_70 = arith.extui %sign3A_69 : i1 to i32
    %sign3A_71 = arith.constant 0 : i32
    %sign3A_72 = arith.cmpi slt, %jit3A_58, %sign3A_71 : i32
    %sign3A_73 = arith.extui %sign3A_72 : i1 to i32
    %sign3A_74 = arith.subi %sign3A_70, %sign3A_73 : i32
    %ne3A_75 = vector.broadcast %sign3A_74 : i32 to vector<512x128xi32>
    %ne3A_76 = arith.cmpi ne, %sign3A_67, %ne3A_75 : vector<512x128xi32>
    %rem3A_77 = vector.broadcast %jit3A_58 : i32 to vector<512x128xi32>
    %rem3A_78 = arith.remsi %iota3A_39, %rem3A_77 : vector<512x128xi32>
    %ne3A_79 = arith.constant 0 : i32
    %ne3A_80 = vector.broadcast %ne3A_79 : i32 to vector<512x128xi32>
    %ne3A_81 = arith.cmpi ne, %rem3A_78, %ne3A_80 : vector<512x128xi32>
    %and3A_82 = arith.andi %ne3A_76, %ne3A_81 : vector<512x128xi1>
    %sub3A_83 = arith.constant 1 : i32
    %sub3A_84 = vector.broadcast %sub3A_83 : i32 to vector<512x128xi32>
    %sub3A_85 = arith.subi %div3A_59, %sub3A_84 : vector<512x128xi32>
    %select_n3A_86 = arith.select %and3A_82, %sub3A_85, %div3A_59 : vector<512x128xi1>, vector<512x128xi32>
    %add3A_87 = arith.addi %mul3A_57, %select_n3A_86 : vector<512x128xi32>
    %lt3A_88 = arith.constant 0 : i32
    %lt3A_89 = vector.broadcast %lt3A_88 : i32 to vector<512x128xi32>
    %lt3A_90 = arith.cmpi slt, %add3A_87, %lt3A_89 : vector<512x128xi32>
    %add3A_91 = arith.constant 128 : i32
    %add3A_92 = vector.broadcast %add3A_91 : i32 to vector<512x128xi32>
    %add3A_93 = arith.addi %add3A_87, %add3A_92 : vector<512x128xi32>
    %select_n3A_94 = arith.select %lt3A_90, %add3A_93, %add3A_87 : vector<512x128xi1>, vector<512x128xi32>
    %reshape3A = vector.shape_cast %select_n3A_94 : vector<512x128xi32> to vector<512x128x1xi32>
    %gather3A = vector.shape_cast %reshape3A : vector<512x128x1xi32> to vector<512x128xi32>
    %gather3A_95 = tpu.dynamic_gather %dot_general3A_38[%gather3A] in [1] : vector<512x128xf32>, vector<512x128xi32> -> vector<512x128xf32>
    %get3A_96 = arith.constant 0 : index
    %get3A_97 = arith.constant 0 : index
    %get3A_98 = vector.load %arg15[%get3A_96, %get3A_97] : memref<1x3xf32, #tpu.memory_space<vmem>>, vector<1x1xf32>
    %get3A_99 = vector.extract %get3A_98[0, 0] : f32 from vector<1x1xf32>
    %get3A_100 = arith.constant 0 : index
    %get3A_101 = arith.constant 1 : index
    %get3A_102 = vector.load %arg15[%get3A_100, %get3A_101] : memref<1x3xf32, #tpu.memory_space<vmem>>, vector<1x1xf32>
    %get3A_103 = vector.extract %get3A_102[0, 0] : f32 from vector<1x1xf32>
    %get3A_104 = arith.constant 0 : index
    %get3A_105 = arith.constant 2 : index
    %get3A_106 = vector.load %arg15[%get3A_104, %get3A_105] : memref<1x3xf32, #tpu.memory_space<vmem>>, vector<1x1xf32>
    %get3A_107 = vector.extract %get3A_106[0, 0] : f32 from vector<1x1xf32>
    %mul3A_108 = arith.mulf %gather3A_95, %gather3A_95 : vector<512x128xf32>
    %mul3A_109 = vector.broadcast %get3A_99 : f32 to vector<512x128xf32>
    %mul3A_110 = arith.mulf %mul3A_108, %mul3A_109 : vector<512x128xf32>
    %mul3A_111 = arith.constant 2.000000e+00 : f32
    %mul3A_112 = arith.mulf %mul3A_111, %get3A_103 : f32
    %mul3A_113 = vector.broadcast %mul3A_112 : f32 to vector<512x128xf32>
    %mul3A_114 = arith.mulf %mul3A_113, %gather3A_95 : vector<512x128xf32>
    %add3A_115 = arith.addf %mul3A_110, %mul3A_114 : vector<512x128xf32>
    %add3A_116 = vector.broadcast %get3A_107 : f32 to vector<512x128xf32>
    %add3A_117 = arith.addf %add3A_115, %add3A_116 : vector<512x128xf32>
    %add3A_118 = arith.constant 9.99999997E-7 : f32
    %add3A_119 = vector.broadcast %add3A_118 : f32 to vector<512x128xf32>
    %add3A_120 = arith.addf %add3A_117, %add3A_119 : vector<512x128xf32>
    %rsqrt3A_121 = math.rsqrt %add3A_120 : vector<512x128xf32>
    %get3A_122 = arith.constant 0 : index
    %get3A_123 = arith.constant 0 : index
    %get3A_124 = vector.load %arg13[%get3A_122, %get3A_123] : memref<1x128xf32, #tpu.memory_space<vmem>>, vector<1x128xf32>
    %mul3A_125 = vector.broadcast %get3A_124 : vector<1x128xf32> to vector<512x128xf32>
    %mul3A_126 = arith.mulf %gather3A_95, %mul3A_125 : vector<512x128xf32>
    %get3A_127 = arith.constant 0 : index
    %get3A_128 = arith.constant 0 : index
    %get3A_129 = vector.load %arg14[%get3A_127, %get3A_128] : memref<1x128xf32, #tpu.memory_space<vmem>>, vector<1x128xf32>
    %add3A_130 = vector.broadcast %get3A_129 : vector<1x128xf32> to vector<512x128xf32>
    %add3A_131 = arith.addf %mul3A_126, %add3A_130 : vector<512x128xf32>
    %mul3A_132 = arith.mulf %add3A_131, %rsqrt3A_121 : vector<512x128xf32>
    %get3A_133 = arith.constant 0 : index
    %get3A_134 = arith.constant 0 : index
    %get3A_135 = vector.load %arg16[%get3A_133, %get3A_134] : memref<1x128xf32, #tpu.memory_space<vmem>>, vector<1x128xf32>
    %mul3A_136 = vector.broadcast %get3A_135 : vector<1x128xf32> to vector<512x128xf32>
    %mul3A_137 = arith.mulf %mul3A_132, %mul3A_136 : vector<512x128xf32>
    %get3A_138 = arith.constant 0 : index
    %get3A_139 = arith.constant 0 : index
    %get3A_140 = vector.load %arg17[%get3A_138, %get3A_139] : memref<1x128xf32, #tpu.memory_space<vmem>>, vector<1x128xf32>
    %add3A_141 = vector.broadcast %get3A_140 : vector<1x128xf32> to vector<512x128xf32>
    %add3A_142 = arith.addf %mul3A_137, %add3A_141 : vector<512x128xf32>
    %add3A_143 = arith.addf %add3A_30, %add3A_142 : vector<512x128xf32>
    %get3A_144 = arith.constant 0 : index
    %get3A_145 = arith.constant 0 : index
    %get3A_146 = vector.load %arg4[%get3A_144, %get3A_145] : memref<128x128xf32, #tpu.memory_space<vmem>>, vector<128x128xf32>
    %get3A_147 = vector.shape_cast %get3A_146 : vector<128x128xf32> to vector<128x128xf32>
    %dot_general3A_148 = arith.constant dense<0.000000e+00> : vector<512x128xf32>
    %dot_general3A_149 = tpu.matmul %add3A_143, %get3A_147, %dot_general3A_148 {dimension_numbers = #tpu.dot_dimension_numbers<[1], [0], [0], [1], [0, 0, 1, 1], [], []>, transpose_lhs_hint = false} : vector<512x128xf32>, vector<128x128xf32>, vector<512x128xf32> -> vector<512x128xf32>
    %sub3A_150 = arith.subf %add3A_30, %dot_general3A_149 : vector<512x128xf32>
    %sub3A_151 = arith.subf %add3A_142, %dot_general3A_149 : vector<512x128xf32>
    %mul3A_152 = arith.mulf %sub3A_150, %sub3A_150 : vector<512x128xf32>
    %mul3A_153 = arith.mulf %sub3A_151, %sub3A_151 : vector<512x128xf32>
    %add3A_154 = arith.addf %mul3A_152, %mul3A_153 : vector<512x128xf32>
    %get3A_155 = arith.constant 0 : index
    %get3A_156 = arith.constant 0 : index
    %get3A_157 = vector.load %arg4[%get3A_155, %get3A_156] : memref<128x128xf32, #tpu.memory_space<vmem>>, vector<128x128xf32>
    %get3A_158 = vector.shape_cast %get3A_157 : vector<128x128xf32> to vector<128x128xf32>
    %dot_general3A_159 = arith.constant dense<0.000000e+00> : vector<512x128xf32>
    %dot_general3A_160 = tpu.matmul %add3A_154, %get3A_158, %dot_general3A_159 {dimension_numbers = #tpu.dot_dimension_numbers<[1], [0], [0], [1], [0, 0, 1, 1], [], []>, transpose_lhs_hint = false} : vector<512x128xf32>, vector<128x128xf32>, vector<512x128xf32> -> vector<512x128xf32>
    %add3A_161 = arith.constant 9.99999997E-7 : f32
    %add3A_162 = vector.broadcast %add3A_161 : f32 to vector<512x128xf32>
    %add3A_163 = arith.addf %dot_general3A_160, %add3A_162 : vector<512x128xf32>
    %rsqrt3A_164 = math.rsqrt %add3A_163 : vector<512x128xf32>
    %mul3A_165 = arith.mulf %sub3A_150, %rsqrt3A_164 : vector<512x128xf32>
    %get3A_166 = arith.constant 0 : index
    %get3A_167 = arith.constant 0 : index
    %get3A_168 = vector.load %arg18[%get3A_166, %get3A_167] : memref<1x128xf32, #tpu.memory_space<vmem>>, vector<1x128xf32>
    %mul3A_169 = vector.broadcast %get3A_168 : vector<1x128xf32> to vector<512x128xf32>
    %mul3A_170 = arith.mulf %mul3A_165, %mul3A_169 : vector<512x128xf32>
    %get3A_171 = arith.constant 0 : index
    %get3A_172 = arith.constant 0 : index
    %get3A_173 = vector.load %arg20[%get3A_171, %get3A_172] : memref<1x128xf32, #tpu.memory_space<vmem>>, vector<1x128xf32>
    %add3A_174 = vector.broadcast %get3A_173 : vector<1x128xf32> to vector<512x128xf32>
    %add3A_175 = arith.addf %mul3A_170, %add3A_174 : vector<512x128xf32>
    %mul3A_176 = arith.mulf %sub3A_151, %rsqrt3A_164 : vector<512x128xf32>
    %get3A_177 = arith.constant 0 : index
    %get3A_178 = arith.constant 0 : index
    %get3A_179 = vector.load %arg19[%get3A_177, %get3A_178] : memref<1x128xf32, #tpu.memory_space<vmem>>, vector<1x128xf32>
    %mul3A_180 = vector.broadcast %get3A_179 : vector<1x128xf32> to vector<512x128xf32>
    %mul3A_181 = arith.mulf %mul3A_176, %mul3A_180 : vector<512x128xf32>
    %get3A_182 = arith.constant 0 : index
    %get3A_183 = arith.constant 0 : index
    %get3A_184 = vector.load %arg21[%get3A_182, %get3A_183] : memref<1x128xf32, #tpu.memory_space<vmem>>, vector<1x128xf32>
    %add3A_185 = vector.broadcast %get3A_184 : vector<1x128xf32> to vector<512x128xf32>
    %add3A_186 = arith.addf %mul3A_181, %add3A_185 : vector<512x128xf32>
    %get3A_187 = arith.constant 0 : index
    %get3A_188 = arith.constant 0 : index
    %get3A_189 = vector.load %arg6[%get3A_187, %get3A_188] : memref<128x128xf32, #tpu.memory_space<vmem>>, vector<128x128xf32>
    %dot_general3A_190 = arith.constant dense<0.000000e+00> : vector<512x128xf32>
    %dot_general3A_191 = tpu.matmul %add3A_175, %get3A_189, %dot_general3A_190 {dimension_numbers = #tpu.dot_dimension_numbers<[1], [0], [0], [1], [0, 0, 1, 1], [], []>, transpose_lhs_hint = false} : vector<512x128xf32>, vector<128x128xf32>, vector<512x128xf32> -> vector<512x128xf32>
    %get3A_192 = arith.constant 0 : index
    %get3A_193 = arith.constant 0 : index
    %get3A_194 = vector.load %arg7[%get3A_192, %get3A_193] : memref<128x128xf32, #tpu.memory_space<vmem>>, vector<128x128xf32>
    %dot_general3A_195 = arith.constant dense<0.000000e+00> : vector<512x128xf32>
    %dot_general3A_196 = tpu.matmul %add3A_186, %get3A_194, %dot_general3A_195 {dimension_numbers = #tpu.dot_dimension_numbers<[1], [0], [0], [1], [0, 0, 1, 1], [], []>, transpose_lhs_hint = false} : vector<512x128xf32>, vector<128x128xf32>, vector<512x128xf32> -> vector<512x128xf32>
    %add3A_197 = arith.addf %dot_general3A_191, %dot_general3A_196 : vector<512x128xf32>
    %swap3A = arith.constant 0 : index
    %swap3A_198 = arith.constant 0 : index
    %swap3A_199 = arith.constant 0 : index
    %swap3A_200 = vector.load %arg22[%swap3A, %swap3A_198, %swap3A_199] : memref<512x2x128xf32, #tpu.memory_space<vmem>>, vector<512x1x128xf32>
    %swap3A_201 = vector.shape_cast %swap3A_200 : vector<512x1x128xf32> to vector<512x128xf32>
    %swap3A_202 = vector.shape_cast %add3A_197 : vector<512x128xf32> to vector<512x1x128xf32>
    tpu.vector_store %arg22[%swap3A, %swap3A_198, %swap3A_199], %swap3A_202 {strides = array<i32>} : memref<512x2x128xf32, #tpu.memory_space<vmem>>, vector<512x1x128xf32>,
    %get3A_203 = arith.constant 0 : index
    %get3A_204 = arith.constant 0 : index
    %get3A_205 = vector.load %arg8[%get3A_203, %get3A_204] : memref<128x128xf32, #tpu.memory_space<vmem>>, vector<128x128xf32>
    %dot_general3A_206 = arith.constant dense<0.000000e+00> : vector<512x128xf32>
    %dot_general3A_207 = tpu.matmul %add3A_175, %get3A_205, %dot_general3A_206 {dimension_numbers = #tpu.dot_dimension_numbers<[1], [0], [0], [1], [0, 0, 1, 1], [], []>, transpose_lhs_hint = false} : vector<512x128xf32>, vector<128x128xf32>, vector<512x128xf32> -> vector<512x128xf32>
    %get3A_208 = arith.constant 0 : index
    %get3A_209 = arith.constant 0 : index
    %get3A_210 = vector.load %arg9[%get3A_208, %get3A_209] : memref<128x128xf32, #tpu.memory_space<vmem>>, vector<128x128xf32>
    %dot_general3A_211 = arith.constant dense<0.000000e+00> : vector<512x128xf32>
    %dot_general3A_212 = tpu.matmul %add3A_186, %get3A_210, %dot_general3A_211 {dimension_numbers = #tpu.dot_dimension_numbers<[1], [0], [0], [1], [0, 0, 1, 1], [], []>, transpose_lhs_hint = false} : vector<512x128xf32>, vector<128x128xf32>, vector<512x128xf32> -> vector<512x128xf32>
    %add3A_213 = arith.addf %dot_general3A_207, %dot_general3A_212 : vector<512x128xf32>
    %swap3A_214 = arith.constant 0 : index
    %swap3A_215 = arith.constant 1 : index
    %swap3A_216 = arith.constant 0 : index
    %swap3A_217 = vector.load %arg22[%swap3A_214, %swap3A_215, %swap3A_216] : memref<512x2x128xf32, #tpu.memory_space<vmem>>, vector<512x1x128xf32>
    %swap3A_218 = vector.shape_cast %swap3A_217 : vector<512x1x128xf32> to vector<512x128xf32>
    %swap3A_219 = vector.shape_cast %add3A_213 : vector<512x128xf32> to vector<512x1x128xf32>
    tpu.vector_store %arg22[%swap3A_214, %swap3A_215, %swap3A_216], %swap3A_219 {strides = array<i32>} : memref<512x2x128xf32, #tpu.memory_space<vmem>>, vector<512x1x128xf32>,
    return
  }
  func.func @transform_0(%arg0: i32) -> (i32, i32) {
    %c0_i32 = arith.constant 0 : i32
    %c0_i32_0 = arith.constant 0 : i32
    return %arg0, %c0_i32 : i32, i32
  }
  func.func @transform_1(%arg0: i32) -> (i32, i32) {
    %c0_i32 = arith.constant 0 : i32
    %c0_i32_0 = arith.constant 0 : i32
    return %arg0, %c0_i32 : i32, i32
  }
  func.func @transform_2(%arg0: i32) -> (i32, i32) {
    %c0_i32 = arith.constant 0 : i32
    %c0_i32_0 = arith.constant 0 : i32
    %c0_i32_1 = arith.constant 0 : i32
    return %c0_i32, %c0_i32_0 : i32, i32
  }
  func.func @transform_3(%arg0: i32) -> (i32, i32) {
    %c0_i32 = arith.constant 0 : i32
    %c0_i32_0 = arith.constant 0 : i32
    %c0_i32_1 = arith.constant 0 : i32
    return %c0_i32, %c0_i32_0 : i32, i32
  }
  func.func @transform_4(%arg0: i32) -> (i32, i32) {
    %c0_i32 = arith.constant 0 : i32
    %c0_i32_0 = arith.constant 0 : i32
    %c0_i32_1 = arith.constant 0 : i32
    return %c0_i32, %c0_i32_0 : i32, i32
  }
  func.func @transform_5(%arg0: i32) -> (i32, i32) {
    %c0_i32 = arith.constant 0 : i32
    %c0_i32_0 = arith.constant 0 : i32
    %c0_i32_1 = arith.constant 0 : i32
    return %c0_i32, %c0_i32_0 : i32, i32
  }
  func.func @transform_6(%arg0: i32) -> (i32, i32) {
    %c0_i32 = arith.constant 0 : i32
    %c0_i32_0 = arith.constant 0 : i32
    %c0_i32_1 = arith.constant 0 : i32
    return %c0_i32, %c0_i32_0 : i32, i32
  }
  func.func @transform_7(%arg0: i32) -> (i32, i32) {
    %c0_i32 = arith.constant 0 : i32
    %c0_i32_0 = arith.constant 0 : i32
    %c0_i32_1 = arith.constant 0 : i32
    return %c0_i32, %c0_i32_0 : i32, i32
  }
  func.func @transform_8(%arg0: i32) -> (i32, i32) {
    %c0_i32 = arith.constant 0 : i32
    %c0_i32_0 = arith.constant 0 : i32
    %c0_i32_1 = arith.constant 0 : i32
    return %c0_i32, %c0_i32_0 : i32, i32
  }
  func.func @transform_9(%arg0: i32) -> (i32, i32) {
    %c0_i32 = arith.constant 0 : i32
    %c0_i32_0 = arith.constant 0 : i32
    %c0_i32_1 = arith.constant 0 : i32
    return %c0_i32, %c0_i32_0 : i32, i32
  }
  func.func @transform_10(%arg0: i32) -> (i32, i32) {
    %c0_i32 = arith.constant 0 : i32
    %c0_i32_0 = arith.constant 0 : i32
    %c0_i32_1 = arith.constant 0 : i32
    return %c0_i32, %c0_i32_0 : i32, i32
  }
  func.func @transform_11(%arg0: i32) -> (i32, i32) {
    %c0_i32 = arith.constant 0 : i32
    %c0_i32_0 = arith.constant 0 : i32
    %c0_i32_1 = arith.constant 0 : i32
    return %c0_i32, %c0_i32_0 : i32, i32
  }
  func.func @transform_12(%arg0: i32) -> (i32, i32) {
    %c0_i32 = arith.constant 0 : i32
    %c0_i32_0 = arith.constant 0 : i32
    %c0_i32_1 = arith.constant 0 : i32
    return %c0_i32, %c0_i32_0 : i32, i32
  }
  func.func @transform_13(%arg0: i32) -> (i32, i32) {
    %c0_i32 = arith.constant 0 : i32
    %c0_i32_0 = arith.constant 0 : i32
    %c0_i32_1 = arith.constant 0 : i32
    return %c0_i32, %c0_i32_0 : i32, i32
  }
  func.func @transform_14(%arg0: i32) -> (i32, i32) {
    %c0_i32 = arith.constant 0 : i32
    %c0_i32_0 = arith.constant 0 : i32
    %c0_i32_1 = arith.constant 0 : i32
    return %c0_i32, %c0_i32_0 : i32, i32
  }
  func.func @transform_15(%arg0: i32) -> (i32, i32) {
    %c0_i32 = arith.constant 0 : i32
    %c0_i32_0 = arith.constant 0 : i32
    %c0_i32_1 = arith.constant 0 : i32
    return %c0_i32, %c0_i32_0 : i32, i32
  }
  func.func @transform_16(%arg0: i32) -> (i32, i32) {
    %c0_i32 = arith.constant 0 : i32
    %c0_i32_0 = arith.constant 0 : i32
    %c0_i32_1 = arith.constant 0 : i32
    return %c0_i32, %c0_i32_0 : i32, i32
  }
  func.func @transform_17(%arg0: i32) -> (i32, i32) {
    %c0_i32 = arith.constant 0 : i32
    %c0_i32_0 = arith.constant 0 : i32
    %c0_i32_1 = arith.constant 0 : i32
    return %c0_i32, %c0_i32_0 : i32, i32
  }
  func.func @transform_18(%arg0: i32) -> (i32, i32) {
    %c0_i32 = arith.constant 0 : i32
    %c0_i32_0 = arith.constant 0 : i32
    %c0_i32_1 = arith.constant 0 : i32
    return %c0_i32, %c0_i32_0 : i32, i32
  }
  func.func @transform_19(%arg0: i32) -> (i32, i32) {
    %c0_i32 = arith.constant 0 : i32
    %c0_i32_0 = arith.constant 0 : i32
    %c0_i32_1 = arith.constant 0 : i32
    return %c0_i32, %c0_i32_0 : i32, i32
  }
  func.func @transform_20(%arg0: i32) -> (i32, i32) {
    %c0_i32 = arith.constant 0 : i32
    %c0_i32_0 = arith.constant 0 : i32
    %c0_i32_1 = arith.constant 0 : i32
    return %c0_i32, %c0_i32_0 : i32, i32
  }
  func.func @transform_21(%arg0: i32) -> (i32, i32, i32) {
    %c0_i32 = arith.constant 0 : i32
    %c0_i32_0 = arith.constant 0 : i32
    %c0_i32_1 = arith.constant 0 : i32
    return %arg0, %c0_i32, %c0_i32_0 : i32, i32, i32
  }
}

</mosaic_0001>

<sc_bundles>
// kernel: kernel.5.cloned.1.call-start
scs
__scs_entry_jumppad:
0x0: {  	(pc) =	sbr.rel $0x88, $3  }
0x1: {  	(tag) =	ssettag $0x0;
	lr =	simm.s32 $0x1  }
0x2: {  	[smem:$0x3F8E] =	sst lr;
	_ =	strace $0xD0000000  }
0x3: {  	_ = 	snop  }
0x4: {  	_ = 	snop  }
0x5: {  	_ = 	snop  }
0x6: {  	_ = 	snop  }
0x7: {  	_ = 	snop  }
__scs_overlays_trampoline_lowered:
0x8: {  	[smem:$0x3F9D] =	sst s0  }
0x9: {  	[smem:$0x3F9E] =	sst s1  }
0xa: {  	[smem:$0x3F9F] =	sst s2  }
0xb: {  	[smem:$0x3FA0] =	sst s3  }
0xc: {  	[smem:$0x3FA1] =	sst s4  }
0xd: {  	[smem:$0x3FA2] =	sst s5  }
0xe: {  	[smem:$0x3FA3] =	sst s6  }
0xf: {  	[smem:$0x3FA4] =	sst s7  }
0x10: {  	[smem:$0x3FA5] =	sst s8  }
0x11: {  	[smem:$0x3FA6] =	sst s9;
	s0 =	simm.s32 @!p0 $0x0  }
0x12: {  	s1 =	sld [smem:$0x3F8C];
	s0 =	simm.s32 @p0 $0x1  }
0x13: {  	[smem:$0x3FA7] =	sst s0;
	s0 =	simm.s32 @!p1 $0x0  }
0x14: {  	s2 =	sld [smem:$0x3F8B];
	s0 =	simm.s32 @p1 $0x1  }
0x15: {  	[smem:$0x3FA8] =	sst s0;
	s0 =	simm.s32 @!p2 $0x0  }
0x16: {  	s3 =	sld [smem:$0x3FDB];
	s0 =	simm.s32 @p2 $0x1  }
0x17: {  	s4 =	simm.s32 $0x1BF5;
	[smem:$0x3FAA] =	sst s0  }
0x18: {  	s0 =	sld [smem:$0x3F8D];
	_ =	swait.ge [sflag:s4], $0x0  }
0x19: {  	s7 =	sld [smem:$0x3F8E]  }
0x1a: {  	s8 =	sadd.s32 $0xFFFFE003, lr  }
0x1b: {  	s9 =	sadd.s32 $0xFFFFFEF7, lr;
	s5 =	simm.s32 $0xFFFFFFFF;
	p2 =	slt.u32 s8, $0xFFFFF086  }
0x1c: {  	p1 =	slt.u32 s9, $0xF7A;
	s5 =	simm.s32 @!p2 $0x0  }
0x1d: {  	s5 =	simm.s32 @p1 $0x1;
	p0 =	seq.s32 s7, s2  }
0x1e: {  	s7 =	smul.u32 @!p0 $0xF7A, s2;
	p2 =	seq.s32 @!p0 s5, $0x0  }
0x1f: {  	s9 =	smul.u32 $0xF7A, s1;
	s8 =	simm.s32 @!p0 $0x1BF5;
	p2 =	por !p2, p0  }
0x20: {  	[sflag:s8] =	ssyncset.s32 @!p0 $0xFFFFF086;
	s6 =	sadd.s32 @!p0 s3, s7;
	s7 =	simm.s32 @!p0 $0x108  }
0x21: {  	s3 =	sadd.s32 s3, s9;
	s6 =	sadd.s32 @!p0 $0x88, s6;
	s7 =	simm.s32 @p2 $0x1082  }
0x22: {  	[simem:s7], [sflag:s8] =	dma.local @!p0 [hbm:s6], $0xF7A  }
0x23: {  	s9 =	sor.u32 $0xD0000000, s2;
	s6 =	simm.s32 $0x108;
	_ =	swait.ge @!p0 [sflag:s8], $0x0  }
0x24: {  	s3 =	sadd.s32 $0x88, s3;
	s6 =	simm.s32 @!p1 $0x1082;
	[sflag:s4] =	ssyncset.s32 $0xFFFFF086  }
0x25: {  	[simem:s6], [sflag:s4] =	dma.local [hbm:s3], $0xF7A  }
0x26: {  	[smem:$0x3F8E] =	sst s1;
	(tag) =	ssettag s2;
	_ =	strace s9  }
0x27: {  	s1 =	sld [smem:$0x3F9E]  }
0x28: {  	s2 =	sld [smem:$0x3F9F]  }
0x29: {  	s4 =	sld [smem:$0x3FA1]  }
0x2a: {  	p0 =	seq.s32 s5, $0x0;
	s5 =	sld [smem:$0x3FA2]  }
0x2b: {  	s6 =	sld [smem:$0x3FA3]  }
0x2c: {  	s7 =	sld [smem:$0x3FA4]  }
0x2d: {  	s3 =	simm.s32 $0x108;
	s8 =	sld [smem:$0x3FA5]  }
0x2e: {  	s3 =	simm.s32 @!p0 $0x1082;
	s9 =	sld [smem:$0x3FA6]  }
0x2f: {  	lr =	sadd.s32 s0, s3;
	s0 =	sld [smem:$0x3F9D]  }
0x30: {  	s3 =	sld [smem:$0x3FA0]  }
0x31: {  	[smem:$0x3FA9] =	sst s10  }
0x32: {  	s10 =	sld [smem:$0x3FA7];
	_ =	sdelay $0x3  }
0x33: {  	p0 =	seq.s32 s10, $0x1;
	s10 =	sld [smem:$0x3FA9];
	_ =	sdelay $0x3  }
0x34: {  	[smem:$0x3FA9] =	sst s10  }
0x35: {  	s10 =	sld [smem:$0x3FA8];
	_ =	sdelay $0x3  }
0x36: {  	p1 =	seq.s32 s10, $0x1;
	s10 =	sld [smem:$0x3FA9];
	_ =	sdelay $0x3  }
0x37: {  	[smem:$0x3FA9] =	sst s10  }
0x38: {  	s10 =	sld [smem:$0x3FAA]  }
0x39: {  	_ = 	snop;
	(pc) =	sbr.ind lr, $3  }
0x3a: {  	_ = 	snop  }
0x3b: {  	_ = 	snop  }
0x3c: {  	p2 =	seq.s32 s10, $0x1;
	s10 =	sld [smem:$0x3FA9]  }
0x3d: {  	_ =	shalt  }
0x3e: {  	_ =	shalt  }
0x3f: {  	_ =	shalt  }
0x40: {  	_ =	shalt  }
0x41: {  	_ =	shalt  }
0x42: {  	_ =	shalt  }
0x43: {  	_ =	shalt  }
0x44: {  	_ =	shalt  }
0x45: {  	_ =	shalt  }
0x46: {  	_ =	shalt  }
0x47: {  	_ =	shalt  }
0x48: {  	_ =	shalt  }
0x49: {  	_ =	shalt  }
0x4a: {  	_ =	shalt  }
0x4b: {  	_ =	shalt  }
0x4c: {  	_ =	shalt  }
0x4d: {  	_ =	shalt  }
0x4e: {  	_ =	shalt  }
0x4f: {  	_ =	shalt  }
0x50: {  	_ =	shalt  }
0x51: {  	_ =	shalt  }
0x52: {  	_ =	shalt  }
0x53: {  	_ =	shalt  }
0x54: {  	_ =	shalt  }
0x55: {  	_ =	shalt  }
0x56: {  	_ =	shalt  }
0x57: {  	_ =	shalt  }
0x58: {  	_ =	shalt  }
0x59: {  	_ =	shalt  }
0x5a: {  	_ =	shalt  }
0x5b: {  	_ =	shalt  }
0x5c: {  	_ =	shalt  }
0x5d: {  	_ =	shalt  }
0x5e: {  	_ =	shalt  }
0x5f: {  	_ =	shalt  }
0x60: {  	_ =	shalt  }
0x61: {  	_ =	shalt  }
0x62: {  	_ =	shalt  }
0x63: {  	_ =	shalt  }
0x64: {  	_ =	shalt  }
0x65: {  	_ =	shalt  }
0x66: {  	_ =	shalt  }
0x67: {  	_ =	shalt  }
0x68: {  	_ =	shalt  }
0x69: {  	_ =	shalt  }
0x6a: {  	_ =	shalt  }
0x6b: {  	_ =	shalt  }
0x6c: {  	_ =	shalt  }
0x6d: {  	_ =	shalt  }
0x6e: {  	_ =	shalt  }
0x6f: {  	_ =	shalt  }
0x70: {  	_ =	shalt  }
0x71: {  	_ =	shalt  }
0x72: {  	_ =	shalt  }
0x73: {  	_ =	shalt  }
0x74: {  	_ =	shalt  }
0x75: {  	_ =	shalt  }
0x76: {  	_ =	shalt  }
0x77: {  	_ =	shalt  }
0x78: {  	_ =	shalt  }
0x79: {  	_ =	shalt  }
0x7a: {  	_ =	shalt  }
0x7b: {  	_ =	shalt  }
0x7c: {  	_ =	shalt  }
0x7d: {  	_ =	shalt  }
0x7e: {  	_ =	shalt  }
0x7f: {  	_ =	shalt  }
0x80: {  	_ =	shalt  }
0x81: {  	_ =	shalt  }
0x82: {  	_ =	shalt  }
0x83: {  	_ =	shalt  }
0x84: {  	_ =	shalt  }
0x85: {  	_ =	shalt  }
0x86: {  	_ =	shalt  }
0x87: {  	_ =	shalt  }
.Lfunc_end0:
.L_simem_size_0:
called_computation.1_lowered:
.L_overlay_start_0:
0x88: {  	s2 =	sld [smem:$0x3FD9]  }
0x89: {  	s3 =	sld [smem:$0x3FFE];
	_ =	sdelay $0x1  }
0x8a: {  	s1 =	srdreg.scid  }
0x8b: {  	s0 =	sand.u32 $0x1, s1  }
0x8c: {  	s17 =	sshll.u32 s0, $0xA;
	s2 =	sadd.s32 s3, s2  }
0x8d: {  	s2 =	sadd.s32 s2, s17  }
0x8e: {  	[smem:$0x3FB5] =	sst s2  }
0x8f: {  	_ = 	snop  }
0x90: {  	s2 =	sld [smem:$0x3FD0];
	(tm) =	ssettm $0x1  }
0x91: {  	s18 =	sld [smem:$0x3FFB];
	_ =	sdelay $0x3  }
0x92: {  	_ =	strace s18  }
0x93: {  	s3 =	sld [smem:$0x3FFC];
	_ =	sdelay $0x3  }
0x94: {  	_ =	strace s3  }
0x95: {  	s3 =	sld [smem:$0x3FFD];
	_ =	sdelay $0x3  }
0x96: {  	_ =	strace s3  }
0x97: {  	_ =	strace $0x8FFFFFFF  }
0x98: {  	s19 =	sld [smem:$0x3FDB];
	_ =	sdelay $0x1  }
0x99: {  	s4 =	simm.s32 $_scs_section_size  }
0x9a: {  	s5 =	simm.s32 $_size__tile_overlayer_lowered;
	s6 =	simm.s32 $_tile_overlayer_lowered  }
0x9b: {  	s22 =	simm.s32 $0x1BFF;
	s21 =	sshll.u32 s6, $0x1;
	s3 =	sadd.s32 s4, s19  }
0x9c: {  	s7 =	simm.s32 $0x0;
	s20 =	sshll.u32 s5, $0x1;
	s5 =	sadd.s32 s21, s3  }
0x9d: {  	[timem:s7], [sflag:s22] =	dma.local [hbm:s5], s20  }
0x9e: {  	_ =	swait.ge [sflag:s22], s20  }
0x9f: {  	s4 =	ssub.s32 $0x0, s20;
	[sflag:s22] =	ssyncset.done $0x0  }
0xa0: {  	[sflag:s22] =	ssyncadd.s32 s4;
	_ =	sdelay $0x1  }
0xa1: {  	s23 =	simm.s32 $0x1B8B  }
0xa2: {  	_ =	swait.ge [sflag:s23], $0x1  }
0xa3: {  	[sflag:s23] =	ssyncset.done $0x0  }
0xa4: {  	s25 =	simm.s32 $0x1B8E;
	s24 =	sld [smem:$0x3FFE];
	[sflag:s23] =	ssyncadd.s32 $0xFFFFFFFF  }
0xa5: {  	s26 =	simm.s32 $execute0_lowered;
	[smem:$0x3FD2] =	sst s25  }
0xa6: {  	s5 =	sshll.u32 s26, $0x1;
	_ =	strace $0x80000046;
	[dreg:$0x1] =	wrdreg $0xFFFFFFFF  }
0xa7: {  	s28 =	simm.s32 $_size_execute0_lowered;
	s3 =	sadd.s32 s3, s5;
	[dreg:$0x0] =	wrdreg $0x0  }
0xa8: {  	s5 =	sshll.u32 s28, $0x1;
	[dreg:$0x2] =	wrdreg s3  }
0xa9: {  	[dreg:$0x3] =	wrdreg s5  }
0xaa: {  	[dreg:$0x4] =	wrdreg $0xC0  }
0xab: {  	_ =	task [dreg:s7], $0x5FFFF  }
0xac: {  	[dreg:$0x1] =	wrdreg $0xFFFFFFFF  }
0xad: {  	[dreg:$0x0] =	wrdreg $0x60  }
0xae: {  	[dreg:$0x2] =	wrdreg s2  }
0xaf: {  	[dreg:$0x3] =	wrdreg s24  }
0xb0: {  	[dreg:$0x4] =	wrdreg $0x148000  }
0xb1: {  	[dreg:$0x5] =	wrdreg $0x154080  }
0xb2: {  	[dreg:$0x6] =	wrdreg $0x19DE80  }
0xb3: {  	[dreg:$0x7] =	wrdreg $0x1A5100  }
0xb4: {  	[dreg:$0x8] =	wrdreg $0x9  }
0xb5: {  	_ =	task.clear_ibuf [dreg:s7], $0x9FFFF;
	_ =	strace $0x90000046  }
0xb6: {  	s29 =	simm.s32 $0x9;
	_ =	strace $0x80000048  }
0xb7: {  	_ =	swait.ge [sflag:s29], $0x1  }
0xb8: {  	[sflag:s29] =	ssyncadd.s32 $0xFFFFFFFF  }
0xb9: {  	_ =	strace $0x90000048  }
0xba: {  	_ =	sfence  }
0xbb: {  	s30 =	sld [smem:$0x0];
	_ =	sdelay $0x2  }
0xbc: {  	s31 =	sshll.u32 s1, $0xD;
	s1 =	sshrl.u32 s1, $0x2  }
0xbd: {  	s3 =	sand.u32 $0x4000, s31;
	s1 =	sadd.s32 s1, s30  }
0xbe: {  	s0 =	sor.u32 s3, s0;
	s1 =	sshll.u32 s1, $0x11  }
0xbf: {  	s0 =	sor.u32 s1, s0  }
0xc0: {  	s0 =	sadd.s32 $0x8F2B, s0  }
0xc1: {  	[sflag:s0] =	ssyncadd.remote.s32 $0x1  }
0xc2: {  	_ =	sfence.sel $0xFFFF  }
0xc3: {  	[dreg:$0x0] =	wrdreg $0xFFFFFFFF;
	(pc) =	sbr.abs _section_cstart, $3  }
0xc4: {  	[dreg:$0x1] =	wrdreg $0xFFFFFFFF  }
0xc5: {  	_ =	task.clear_ibuf [dreg:s7], $0x2FFFF;
	_ =	strace $0x9FFFFFFF  }
0xc6: {  	(tm) =	ssettm $0x7FFFFFFF  }
0xc7: {  	_ =	shalt  }
tec
execute0_lowered:
.L_overlay_start_1:
0x0: {  	(tag) =	ssettag $0x1  }
0x1: {  	s0 =	rddreg [dreg:$0x0]  }
0x2: {  	s1 =	rddreg [dreg:$0x1]  }
0x3: {  	s2 =	rddreg [dreg:$0x2]  }
0x4: {  	s3 =	rddreg [dreg:$0x3]  }
0x5: {  	s4 =	rddreg [dreg:$0x4]  }
0x6: {  	s5 =	rddreg [dreg:$0x5]  }
0x7: {  	s7 =	srdreg.scid;
	s8 =	stileid.u32;
	s6 =	simm.s32 $0x0  }
0x8: {  	s29 =	simm.s32 $0x1;
	s14 =	simm.s32 $0x2800;
	s15 =	simm.s32 $0x6800  }
0x9: {  	s16 =	simm.s32 $0xA800;
	s7 =	sand.u32 $0x1, s7;
	s9 =	sshll.u32 s8, $0x1  }
0xa: {  	[smem:$0x7FF] =	sst s6;
	s10 =	sadd.s32 $0x2400, s1;
	s11 =	sadd.s32 $0x5000, s1  }
0xb: {  	s18 =	sadd.s32 $0x4000, s1;
	s19 =	sadd.s32 $0x3E00, s1;
	p0 =	sne.s32 s8, $0x0  }
0xc: {  	s8 =	simm.s32 $0x400;
	_ =	strace $0x80000047;
	[dreg:$0x7] =	wrdreg s10  }
0xd: {  	s9 =	sor.u32 s7, s9;
	[dreg:$0x8] =	wrdreg s11;
	s7 =	ssub.s32 $0x2, s7  }
0xe: {  	[dreg:$0x9] =	wrdreg s18;
	s17 =	smul.u32 $0x6400, s9;
	s12 =	sshrl.u32 s7, $0x1  }
0xf: {  	[dreg:$0xa] =	wrdreg s19;
	s11 =	sadd.s32 $0xE400, s1;
	s20 =	ssub.s32 s7, s12  }
0x10: {  	s10 =	simm.s32 $0x600;
	s13 =	sshrl.u32 s17, $0x3;
	s1 =	smax.u32 s20, $0x1  }
0x11: {  	s19 =	simm.s32 $0x2;
	s23 =	sadd.s32 s0, s13;
	[dreg:$0x13] =	wrdreg s1  }
0x12: {  	s18 =	smul.u32 $0xC8000, s9;
	s24 =	sadd.s32 $0x19000, s23;
	[dreg:$0xb] =	wrdreg s23  }
0x13: {  	s9 =	simm.s32 $0x500;
	s25 =	sadd.s32 $0x32000, s23;
	[dreg:$0xc] =	wrdreg s24  }
0x14: {  	s12 =	simm.s32 $0x12800;
	s26 =	sadd.s32 $0x4B000, s23;
	[dreg:$0xd] =	wrdreg s25  }
0x15: {  	s21 =	sor.u32 $0x200, s17;
	s28 =	sadd.s32 $0x20, s23;
	[dreg:$0xe] =	wrdreg s26  }
0x16: {  	s22 =	sor.u32 $0x300, s17;
	s30 =	sadd.s32 $0x19020, s23;
	[dreg:$0xf] =	wrdreg s28  }
0x17: {  	s17 =	simm.s32 $0xE800;
	s31 =	sadd.s32 $0x32020, s23;
	[dreg:$0x10] =	wrdreg s30  }
0x18: {  	s20 =	simm.s32 $0x10800;
	s7 =	sadd.s32 $0x4B020, s23;
	[dreg:$0x11] =	wrdreg s31  }
0x19: {  	s13 =	simm.s32 $0x700;
	s23 =	sor.u32 $0x2000, s18;
	[dreg:$0x12] =	wrdreg s7  }
0x1a: {  	s25 =	simm.s32 $0x100;
	s24 =	simm.s32 $0x3;
	s26 =	simm.s32 $0x0  }
.LBB2_1:
0x1b: {  	[dreg:$0x14] =	wrdreg s26  }
0x1c: {  	s1 =	sshrl.u32 @!p0 s2, $0x3;
	s7 =	simm.s32 @!p0 $0x1C06;
	s26 =	rddreg [dreg:$0x7]  }
0x1d: {  	[spmem:s1], [sflag:s7] =	dma.local @!p0 [hbm:s26], $0x180C  }
0x1e: {  	s1 =	sshrl.u32 @!p0 s3, $0x3;
	s26 =	rddreg [dreg:$0x8]  }
0x1f: {  	[spmem:s1], [sflag:s7] =	dma.local @!p0 [hbm:s26], $0x93C0  }
0x20: {  	s1 =	sshrl.u32 @!p0 s4, $0x3;
	s26 =	rddreg [dreg:$0x9]  }
0x21: {  	[spmem:s1], [sflag:s7] =	dma.local @!p0 [hbm:s26], $0xE48  }
0x22: {  	s1 =	sshrl.u32 @!p0 s5, $0x3;
	s26 =	rddreg [dreg:$0xa]  }
0x23: {  	[spmem:s1], [sflag:s7] =	dma.local @!p0 [hbm:s26], $0x28  }
0x24: {  	s1 =	simm.s32 @!p0 $0x6  }
0x25: {  	_ =	swait.ge @!p0 [sflag:s1], $0x180C  }
0x26: {  	[sflag:s1] =	ssyncset.done @!p0 $0x0  }
0x27: {  	[sflag:s1] =	ssyncadd.s32 @!p0 $0xFFFFE7F4  }
0x28: {  	_ =	swait.ge @!p0 [sflag:s1], $0x93C0  }
0x29: {  	[sflag:s1] =	ssyncset.done @!p0 $0x0  }
0x2a: {  	[sflag:s1] =	ssyncadd.s32 @!p0 $0xFFFF6C40  }
0x2b: {  	_ =	swait.ge @!p0 [sflag:s1], $0xE48  }
0x2c: {  	[sflag:s1] =	ssyncset.done @!p0 $0x0  }
0x2d: {  	[sflag:s1] =	ssyncadd.s32 @!p0 $0xFFFFF1B8  }
0x2e: {  	_ =	swait.ge @!p0 [sflag:s1], $0x28  }
0x2f: {  	[sflag:s1] =	ssyncset.done @!p0 $0x0  }
0x30: {  	[sflag:s1] =	ssyncadd.s32 @!p0 $0xFFFFFFD8  }
0x31: {  	[bflag:$0x0] =	sbarrier.arrive $0xFFFF  }
0x32: {  	s7 =	rddreg [dreg:$0xb]  }
0x33: {  	[tilespmem:s6], [sflag:$0x1] =	stream.linear.gather [hbm4b:s7+s6], $0x100, $0x38;
	[tilespmem:$0x1A528] =	vst v63  }
0x34: {  	s26 =	rddreg [dreg:$0xc]  }
0x35: {  	[tilespmem:s25], [sflag:$0x1] =	stream.linear.gather [hbm4b:s26+s6], $0x100, $0x38;
	[tilespmem:$0x1A528] =	vst v63  }
0x36: {  	s28 =	rddreg [dreg:$0xd];
	s7 =	simm.s32 $0x200  }
0x37: {  	[tilespmem:s7], [sflag:$0x1] =	stream.linear.gather [hbm4b:s28+s6], $0x100, $0x38;
	[tilespmem:$0x1A528] =	vst v63  }
0x38: {  	s31 =	rddreg [dreg:$0xe];
	s26 =	simm.s32 $0x300  }
0x39: {  	[tilespmem:s26], [sflag:$0x1] =	stream.linear.gather [hbm4b:s31+s6], $0x100, $0x38;
	[tilespmem:$0x1A528] =	vst v63  }
0x3a: {  	_ =	swait.ge [sflag:s29], $0x100  }
0x3b: {  	[sflag:s29] =	ssyncset.done $0x0  }
0x3c: {  	[sflag:s29] =	ssyncadd.s32 $0xFFFFFF00  }
0x3d: {  	_ =	swait.ge [sflag:s29], $0x100  }
0x3e: {  	[sflag:s29] =	ssyncset.done $0x0  }
0x3f: {  	[sflag:s29] =	ssyncadd.s32 $0xFFFFFF00  }
0x40: {  	_ =	swait.ge [sflag:s29], $0x100  }
0x41: {  	[sflag:s29] =	ssyncset.done $0x0  }
0x42: {  	[sflag:s29] =	ssyncadd.s32 $0xFFFFFF00  }
0x43: {  	_ =	swait.ge [sflag:s29], $0x100  }
0x44: {  	[sflag:s29] =	ssyncset.done $0x0  }
0x45: {  	s28 =	simm.s32 $0x800;
	[sflag:s29] =	ssyncadd.s32 $0xFFFFFF00  }
0x46: {  	[tilespmem:s28], [sflag:$0x2] =	stream.indirect.gather [spmem:s2], $0x20, s6, s25, $0xb8;
	[tilespmem:$0x1A528] =	vst v63  }
0x47: {  	s31 =	simm.s32 $0x4800  }
0x48: {  	[tilespmem:s31], [sflag:$0x2] =	stream.indirect.gather [spmem:s3], $0x20, s25, s25, $0xb8;
	[tilespmem:$0x1A528] =	vst v63  }
0x49: {  	s28 =	simm.s32 $0x8800  }
0x4a: {  	[tilespmem:s28], [sflag:$0x2] =	stream.indirect.gather [spmem:s4], $0x20, s7, s25, $0xb8;
	[tilespmem:$0x1A528] =	vst v63  }
0x4b: {  	s31 =	simm.s32 $0xC800  }
0x4c: {  	[tilespmem:s31], [sflag:$0x2] =	stream.indirect.gather [spmem:s5], $0x20, s26, s25, $0xb8;
	[tilespmem:$0x1A528] =	vst v63  }
0x4d: {  	s7 =	rddreg [dreg:$0xf]  }
0x4e: {  	[tilespmem:s8], [sflag:$0x1] =	stream.linear.gather [hbm4b:s7+s6], $0x100, $0x38;
	[tilespmem:$0x1A528] =	vst v63  }
0x4f: {  	s26 =	rddreg [dreg:$0x10]  }
0x50: {  	[tilespmem:s9], [sflag:$0x1] =	stream.linear.gather [hbm4b:s26+s6], $0x100, $0x38;
	[tilespmem:$0x1A528] =	vst v63  }
0x51: {  	s28 =	rddreg [dreg:$0x11]  }
0x52: {  	[tilespmem:s10], [sflag:$0x1] =	stream.linear.gather [hbm4b:s28+s6], $0x100, $0x38;
	[tilespmem:$0x1A528] =	vst v63  }
0x53: {  	s30 =	simm.s32 $0x0;
	s31 =	rddreg [dreg:$0x12]  }
0x54: {  	[tilespmem:s13], [sflag:$0x1] =	stream.linear.gather [hbm4b:s31+s6], $0x100, $0x38;
	[tilespmem:$0x1A528] =	vst v63  }
.LBB2_2:
0x55: {  	p2 =	seq.s32 s30, $0x0  }
0x56: {  	s1 =	simm.s32 @!p2 $0x4  }
0x57: {  	_ =	swait.ge @!p2 [sflag:s1], $0x2000  }
0x58: {  	[sflag:s1] =	ssyncset.done @!p2 $0x0  }
0x59: {  	[sflag:s1] =	ssyncadd.s32 @!p2 $0xFFFFE000  }
0x5a: {  	_ =	swait.ge [sflag:s29], $0x100  }
0x5b: {  	[sflag:s29] =	ssyncset.done $0x0  }
0x5c: {  	[sflag:s29] =	ssyncadd.s32 $0xFFFFFF00  }
0x5d: {  	_ =	swait.ge [sflag:s29], $0x100  }
0x5e: {  	[sflag:s29] =	ssyncset.done $0x0  }
0x5f: {  	[sflag:s29] =	ssyncadd.s32 $0xFFFFFF00  }
0x60: {  	_ =	swait.ge [sflag:s29], $0x100  }
0x61: {  	[sflag:s29] =	ssyncset.done $0x0  }
0x62: {  	[sflag:s29] =	ssyncadd.s32 $0xFFFFFF00  }
0x63: {  	_ =	swait.ge [sflag:s29], $0x100  }
0x64: {  	[sflag:s29] =	ssyncset.done $0x0  }
0x65: {  	[sflag:s29] =	ssyncadd.s32 $0xFFFFFF00  }
0x66: {  	[tilespmem:s14], [sflag:$0x3] =	stream.indirect.gather [spmem:s2], $0x20, s8, s25, $0xb8;
	[tilespmem:$0x1A528] =	vst v63  }
0x67: {  	_ = 	snop  }
0x68: {  	[tilespmem:s15], [sflag:$0x3] =	stream.indirect.gather [spmem:s3], $0x20, s9, s25, $0xb8;
	[tilespmem:$0x1A528] =	vst v63  }
0x69: {  	_ = 	snop  }
0x6a: {  	[tilespmem:s16], [sflag:$0x3] =	stream.indirect.gather [spmem:s4], $0x20, s10, s25, $0xb8;
	[tilespmem:$0x1A528] =	vst v63  }
0x6b: {  	_ = 	snop  }
0x6c: {  	[tilespmem:s17], [sflag:$0x3] =	stream.indirect.gather [spmem:s5], $0x20, s13, s25, $0xb8;
	[tilespmem:$0x1A528] =	vst v63  }
0x6d: {  	_ =	swait.ge [sflag:s19], $0x2000  }
0x6e: {  	[sflag:s19] =	ssyncset.done $0x0  }
0x6f: {  	[sflag:s19] =	ssyncadd.s32 $0xFFFFE000  }
0x70: {  	_ =	swait.ge [sflag:s19], $0x2000  }
0x71: {  	[sflag:s19] =	ssyncset.done $0x0  }
0x72: {  	[sflag:s19] =	ssyncadd.s32 $0xFFFFE000  }
0x73: {  	_ =	swait.ge [sflag:s19], $0x2000  }
0x74: {  	p1 =	seq.s32 s30, $0x31;
	[sflag:s19] =	ssyncset.done $0x0  }
0x75: {  	s1 =	sshll.u32 @!p1 s30, $0x9;
	[sflag:s19] =	ssyncadd.s32 $0xFFFFE000  }
0x76: {  	s7 =	sadd.s32 @!p1 s1, s21;
	_ =	swait.ge [sflag:s19], $0x2000  }
0x77: {  	s7 =	sshrl.u32 @!p1 s7, $0x3;
	[sflag:s19] =	ssyncset.done $0x0  }
0x78: {  	s26 =	simm.s32 @!p1 $0x0;
	s7 =	sadd.s32 @!p1 s0, s7;
	[sflag:s19] =	ssyncadd.s32 $0xFFFFE000  }
0x79: {  	[tilespmem:s26], [sflag:$0x1] =	stream.linear.gather @!p1 [hbm4b:s7+s26], $0x100, $0x38;
	[tilespmem:$0x1A528] =	vst v63  }
0x7a: {  	s31 =	simm.s32 @!p1 $0x100;
	s28 =	sadd.s32 @!p1 $0x19000, s7  }
0x7b: {  	[tilespmem:s31], [sflag:$0x1] =	stream.linear.gather @!p1 [hbm4b:s28+s26], $0x100, $0x38;
	[tilespmem:$0x1A528] =	vst v63  }
0x7c: {  	s28 =	sadd.s32 @!p1 $0x32000, s7;
	s31 =	simm.s32 @!p1 $0x200  }
0x7d: {  	[tilespmem:s31], [sflag:$0x1] =	stream.linear.gather @!p1 [hbm4b:s28+s26], $0x100, $0x38;
	[tilespmem:$0x1A528] =	vst v63  }
0x7e: {  	s7 =	sadd.s32 @!p1 $0x4B000, s7;
	s28 =	simm.s32 @!p1 $0x300  }
0x7f: {  	[tilespmem:s28], [sflag:$0x1] =	stream.linear.gather @!p1 [hbm4b:s7+s26], $0x100, $0x38;
	[tilespmem:$0x1A528] =	vst v63  }
0x80: {  	s7 =	simm.s32 $0x0  }
0x81: {  	v0 =	vld [tilespmem:s7+$0x8F0]  }
0x82: {  	v1 =	vld [tilespmem:s7+$0x48F0]  }
0x83: {  	v2 =	vld [tilespmem:s7+$0x800]  }
0x84: {  	v3 =	vld [tilespmem:s7+$0x88F0]  }
0x85: {  	v4 =	vld [tilespmem:s7+$0x4800]  }
0x86: {  	v5 =	vld [tilespmem:s7+$0xC8F0]  }
0x87: {  	v6 =	vld [tilespmem:s7+$0x810]  }
0x88: {  	v7 =	vld [tilespmem:s7+$0x820]  }
0x89: {  	v8 =	vld [tilespmem:s7+$0x830]  }
0x8a: {  	v9 =	vld [tilespmem:s7+$0x840]  }
0x8b: {  	v10 =	vld [tilespmem:s7+$0x850]  }
0x8c: {  	v11 =	vld [tilespmem:s7+$0x4850]  }
0x8d: {  	v12 =	vld [tilespmem:s7+$0x860]  }
0x8e: {  	v13 =	vld [tilespmem:s7+$0x4860]  }
0x8f: {  	v14 =	vld [tilespmem:s7+$0x870]  }
0x90: {  	v15 =	vld [tilespmem:s7+$0x4870]  }
0x91: {  	v16 =	vld [tilespmem:s7+$0x880]  }
0x92: {  	v17 =	vld [tilespmem:s7+$0x4880]  }
0x93: {  	v18 =	vld [tilespmem:s7+$0x890]  }
0x94: {  	v19 =	vld [tilespmem:s7+$0x4890]  }
0x95: {  	v20 =	vld [tilespmem:s7+$0x8A0]  }
0x96: {  	v21 =	vld [tilespmem:s7+$0x48A0]  }
0x97: {  	v22 =	vld [tilespmem:s7+$0x8B0]  }
0x98: {  	v23 =	vld [tilespmem:s7+$0x48B0]  }
0x99: {  	v24 =	vld [tilespmem:s7+$0x8C0]  }
0x9a: {  	v25 =	vld [tilespmem:s7+$0x48C0]  }
0x9b: {  	v26 =	vld [tilespmem:s7+$0x8D0]  }
0x9c: {  	v27 =	vld [tilespmem:s7+$0x48D0]  }
0x9d: {  	v28 =	vld [tilespmem:s7+$0x8E0]  }
0x9e: {  	v29 =	vld [tilespmem:s7+$0x48E0]  }
0x9f: {  	v30 =	vld [tilespmem:s7+$0x8800]  }
0xa0: {  	v31 =	vld [tilespmem:s7+$0x8810]  }
0xa1: {  	v32 =	vld [tilespmem:s7+$0x8820]  }
0xa2: {  	v33 =	vld [tilespmem:s7+$0x8830]  }
0xa3: {  	v34 =	vld [tilespmem:s7+$0x8840]  }
0xa4: {  	v35 =	vld [tilespmem:s7+$0x8850]  }
0xa5: {  	v36 =	vld [tilespmem:s7+$0x8860]  }
0xa6: {  	v37 =	vld [tilespmem:s7+$0x8870]  }
0xa7: {  	v38 =	vld [tilespmem:s7+$0x8880]  }
0xa8: {  	v39 =	vld [tilespmem:s7+$0x8890];
	v0 =	vadd.f32 v1, v0  }
0xa9: {  	v45 =	vld [tilespmem:s7+$0xC800]  }
0xaa: {  	v1 =	vld [tilespmem:s7+$0x4810];
	v0 =	vadd.f32 v3, v0  }
0xab: {  	v3 =	vld [tilespmem:s7+$0x4820]  }
0xac: {  	v2 =	vadd.f32 v4, v2;
	v4 =	vld [tilespmem:s7+$0xC810];
	v0 =	vadd.f32 v5, v0  }
0xad: {  	v5 =	vld [tilespmem:s7+$0x4830]  }
0xae: {  	v57 =	vadd.f32 v23, v22;
	v59 =	vadd.f32 v27, v26;
	[tilespmem:s7+$0x108F0] =	vst v0;
	v0 =	vld [tilespmem:s7+$0x4840]  }
0xaf: {  	v46 =	vld [tilespmem:s7+$0xC820];
	v2 =	vadd.f32 v30, v2;
	v1 =	vadd.f32 v1, v6  }
0xb0: {  	v40 =	vld [tilespmem:s7+$0x88A0];
	v60 =	vadd.f32 v29, v28;
	v3 =	vadd.f32 v3, v7  }
0xb1: {  	v2 =	vadd.f32 v45, v2;
	v6 =	vld [tilespmem:s7+$0xC830];
	v1 =	vadd.f32 v31, v1  }
0xb2: {  	v41 =	vld [tilespmem:s7+$0x88B0];
	v5 =	vadd.f32 v5, v8;
	v3 =	vadd.f32 v32, v3  }
0xb3: {  	v42 =	vld [tilespmem:s7+$0x88C0];
	v1 =	vadd.f32 v4, v1;
	v0 =	vadd.f32 v0, v9  }
0xb4: {  	v7 =	vld [tilespmem:s7+$0xC840];
	v4 =	vadd.f32 v33, v5;
	v3 =	vadd.f32 v46, v3  }
0xb5: {  	v56 =	vld [tilespmem:s7+$0xC850];
	[tilespmem:s7+$0x10810] =	vst v1;
	v1 =	vadd.f32 v11, v10;
	v5 =	vadd.f32 v15, v14  }
0xb6: {  	[tilespmem:s7+$0x10800] =	vst v2;
	v2 =	vld [tilespmem:s7+$0xC870];
	v0 =	vadd.f32 v34, v0;
	v4 =	vadd.f32 v6, v4  }
0xb7: {  	v8 =	vld [tilespmem:s7+$0xC860];
	[tilespmem:s7+$0x10820] =	vst v3;
	v3 =	vadd.f32 v13, v12;
	v1 =	vadd.f32 v35, v1  }
0xb8: {  	v43 =	vld [tilespmem:s7+$0x88D0];
	v6 =	vadd.f32 v17, v16;
	v58 =	vadd.f32 v37, v5  }
0xb9: {  	v44 =	vld [tilespmem:s7+$0x88E0];
	v0 =	vadd.f32 v7, v0;
	v7 =	vadd.f32 v19, v18  }
0xba: {  	v9 =	vld [tilespmem:s7+$0xC880];
	v3 =	vadd.f32 v36, v3;
	v1 =	vadd.f32 v56, v1  }
0xbb: {  	v10 =	vld [tilespmem:s7+$0xC890];
	v2 =	vadd.f32 v2, v58;
	[tilespmem:s7+$0x10840] =	vst v0;
	v0 =	vadd.f32 v21, v20  }
0xbc: {  	v11 =	vld [tilespmem:s7+$0xC8A0];
	v3 =	vadd.f32 v8, v3;
	[tilespmem:s7+$0x10850] =	vst v1;
	v1 =	vadd.f32 v25, v24  }
0xbd: {  	[tilespmem:s7+$0x10830] =	vst v4;
	v4 =	vld [tilespmem:s7+$0xC8B0];
	v8 =	vadd.f32 v38, v6;
	v61 =	vadd.f32 v39, v7  }
0xbe: {  	v5 =	vld [tilespmem:s7+$0xC8C0];
	[tilespmem:s7+$0x10870] =	vst v2;
	v2 =	vadd.f32 v43, v59;
	v62 =	vadd.f32 v40, v0  }
0xbf: {  	v6 =	vld [tilespmem:s7+$0xC8D0];
	[tilespmem:s7+$0x10860] =	vst v3;
	v3 =	vadd.f32 v41, v57;
	v63 =	vadd.f32 v9, v8  }
0xc0: {  	s28 =	simm.s32 $0x100;
	v1 =	vadd.f32 v42, v1;
	v8 =	vld [tilespmem:s7+$0xC8E0];
	v9 =	vadd.f32 v10, v61  }
0xc1: {  	s31 =	sshll.u32 s30, $0xE;
	s26 =	simm.s32 $0x800;
	v0 =	vadd.f32 v44, v60;
	v7 =	vld [tilespmem:s28+$0x8F0];
	[tilespmem:s7+$0x10880] =	vst v63;
	v10 =	vadd.f32 v11, v62  }
.LBB2_3:
0xc2: {  	p3 =	sne.s32 s26, $0x7C00;
	v11 =	vld [tilespmem:s28+$0x48F0];
	[tilespmem:s7+$0x10890] =	vst v9;
	v3 =	vadd.f32 v4, v3  }
0xc3: {  	v4 =	vld [tilespmem:s28+$0x800];
	[tilespmem:s7+$0x108A0] =	vst v10;
	v1 =	vadd.f32 v5, v1  }
0xc4: {  	v5 =	vld [tilespmem:s28+$0x88F0];
	[tilespmem:s7+$0x108B0] =	vst v3;
	v2 =	vadd.f32 v6, v2  }
0xc5: {  	v3 =	vld [tilespmem:s28+$0x4800];
	[tilespmem:s7+$0x108C0] =	vst v1;
	v0 =	vadd.f32 v8, v0  }
0xc6: {  	v1 =	vld [tilespmem:s28+$0xC8F0];
	[tilespmem:s7+$0x108D0] =	vst v2  }
0xc7: {  	v2 =	vld [tilespmem:s28+$0x810];
	v6 =	vadd.f32 v11, v7;
	[tilespmem:s7+$0x108E0] =	vst v0;
	s7 =	smov.u32 s28  }
0xc8: {  	v0 =	vld [tilespmem:s7+$0x4810]  }
0xc9: {  	v7 =	vld [tilespmem:s7+$0x820];
	v5 =	vadd.f32 v5, v6  }
0xca: {  	v3 =	vadd.f32 v3, v4;
	v4 =	vld [tilespmem:s7+$0x4820]  }
0xcb: {  	v6 =	vld [tilespmem:s7+$0x830];
	v1 =	vadd.f32 v1, v5  }
0xcc: {  	v5 =	vld [tilespmem:s7+$0x4830]  }
0xcd: {  	v0 =	vadd.f32 v0, v2;
	v2 =	vld [tilespmem:s7+$0x840];
	[tilespmem:s7+$0x108F0] =	vst v1  }
0xce: {  	v1 =	vld [tilespmem:s7+$0x4840]  }
0xcf: {  	v4 =	vadd.f32 v4, v7;
	v7 =	vld [tilespmem:s7+$0x850]  }
0xd0: {  	v8 =	vld [tilespmem:s7+$0x4850]  }
0xd1: {  	v5 =	vadd.f32 v5, v6;
	v6 =	vld [tilespmem:s7+$0x860]  }
0xd2: {  	v9 =	vld [tilespmem:s7+$0x4860]  }
0xd3: {  	v1 =	vadd.f32 v1, v2;
	v2 =	vld [tilespmem:s7+$0x870]  }
0xd4: {  	v10 =	vld [tilespmem:s7+$0x4870]  }
0xd5: {  	v7 =	vadd.f32 v8, v7;
	v8 =	vld [tilespmem:s7+$0x880]  }
0xd6: {  	v11 =	vld [tilespmem:s7+$0x4880]  }
0xd7: {  	v6 =	vadd.f32 v9, v6;
	v9 =	vld [tilespmem:s7+$0x890]  }
0xd8: {  	v12 =	vld [tilespmem:s7+$0x4890]  }
0xd9: {  	v2 =	vadd.f32 v10, v2;
	v10 =	vld [tilespmem:s7+$0x8A0]  }
0xda: {  	v13 =	vld [tilespmem:s7+$0x48A0]  }
0xdb: {  	v8 =	vadd.f32 v11, v8;
	v11 =	vld [tilespmem:s7+$0x8B0]  }
0xdc: {  	v14 =	vld [tilespmem:s7+$0x48B0]  }
0xdd: {  	v9 =	vadd.f32 v12, v9;
	v12 =	vld [tilespmem:s7+$0x8C0]  }
0xde: {  	v15 =	vld [tilespmem:s7+$0x48C0]  }
0xdf: {  	v10 =	vadd.f32 v13, v10;
	v13 =	vld [tilespmem:s7+$0x8D0]  }
0xe0: {  	v16 =	vld [tilespmem:s7+$0x48D0]  }
0xe1: {  	v11 =	vadd.f32 v14, v11;
	v14 =	vld [tilespmem:s7+$0x8E0]  }
0xe2: {  	v17 =	vld [tilespmem:s7+$0x48E0]  }
0xe3: {  	v18 =	vld [tilespmem:s7+$0x8800];
	v12 =	vadd.f32 v15, v12  }
0xe4: {  	v15 =	vld [tilespmem:s7+$0x8810]  }
0xe5: {  	v19 =	vld [tilespmem:s7+$0x8820];
	v13 =	vadd.f32 v16, v13  }
0xe6: {  	v16 =	vld [tilespmem:s7+$0x8830]  }
0xe7: {  	v20 =	vld [tilespmem:s7+$0x8840];
	v14 =	vadd.f32 v17, v14  }
0xe8: {  	v17 =	vadd.f32 v18, v3;
	v3 =	vld [tilespmem:s7+$0x8850]  }
0xe9: {  	v15 =	vadd.f32 v15, v0;
	v0 =	vld [tilespmem:s7+$0x8860]  }
0xea: {  	v4 =	vadd.f32 v19, v4;
	v18 =	vld [tilespmem:s7+$0x8870]  }
0xeb: {  	v5 =	vadd.f32 v16, v5;
	v16 =	vld [tilespmem:s7+$0x8880]  }
0xec: {  	v19 =	vadd.f32 v20, v1;
	v1 =	vld [tilespmem:s7+$0x8890]  }
0xed: {  	v7 =	vadd.f32 v3, v7;
	v3 =	vld [tilespmem:s7+$0x88A0]  }
0xee: {  	v6 =	vadd.f32 v0, v6;
	v0 =	vld [tilespmem:s7+$0x88B0]  }
0xef: {  	v18 =	vadd.f32 v18, v2;
	v2 =	vld [tilespmem:s7+$0x88C0]  }
0xf0: {  	v8 =	vadd.f32 v16, v8;
	v16 =	vld [tilespmem:s7+$0x88D0]  }
0xf1: {  	v9 =	vadd.f32 v1, v9;
	v20 =	vld [tilespmem:s7+$0x88E0]  }
0xf2: {  	v21 =	vld [tilespmem:s7+$0xC800];
	v10 =	vadd.f32 v3, v10  }
0xf3: {  	v22 =	vld [tilespmem:s7+$0xC810];
	v3 =	vadd.f32 v0, v11  }
0xf4: {  	v11 =	vld [tilespmem:s7+$0xC820];
	v1 =	vadd.f32 v2, v12  }
0xf5: {  	v12 =	vld [tilespmem:s7+$0xC830];
	v2 =	vadd.f32 v16, v13  }
0xf6: {  	v13 =	vld [tilespmem:s7+$0xC840];
	v0 =	vadd.f32 v20, v14  }
0xf7: {  	v14 =	vadd.f32 v21, v17;
	v16 =	vld [tilespmem:s7+$0xC850]  }
0xf8: {  	v15 =	vadd.f32 v22, v15;
	v17 =	vld [tilespmem:s7+$0xC860]  }
0xf9: {  	[tilespmem:s7+$0x10800] =	vst v14;
	v4 =	vadd.f32 v11, v4;
	v11 =	vld [tilespmem:s7+$0xC870]  }
0xfa: {  	[tilespmem:s7+$0x10810] =	vst v15;
	v5 =	vadd.f32 v12, v5;
	v12 =	vld [tilespmem:s7+$0xC880]  }
0xfb: {  	[tilespmem:s7+$0x10820] =	vst v4;
	v4 =	vadd.f32 v13, v19;
	v13 =	vld [tilespmem:s7+$0xC890]  }
0xfc: {  	[tilespmem:s7+$0x10830] =	vst v5;
	v5 =	vadd.f32 v16, v7;
	v14 =	vld [tilespmem:s7+$0xC8A0]  }
.Ltmp0:
0xfd: {  	[tilespmem:s7+$0x10840] =	vst v4;
	v6 =	vadd.f32 v17, v6;
	v4 =	vld [tilespmem:s7+$0xC8B0];
	(pc) =	sbr.rel @p3 .LBB2_3-.Ltmp0, $4  }
0xfe: {  	[tilespmem:s7+$0x10850] =	vst v5;
	v7 =	vadd.f32 v11, v18;
	v5 =	vld [tilespmem:s7+$0xC8C0]  }
0xff: {  	[tilespmem:s7+$0x10860] =	vst v6;
	v11 =	vadd.f32 v12, v8;
	v6 =	vld [tilespmem:s7+$0xC8D0]  }
0x100: {  	s28 =	sshra.s32 s26, $0x2;
	[tilespmem:s7+$0x10870] =	vst v7;
	v9 =	vadd.f32 v13, v9;
	v8 =	vld [tilespmem:s7+$0xC8E0]  }
0x101: {  	s26 =	sadd.s32 $0x400, s26;
	v7 =	vld [tilespmem:s28+$0x8F0];
	[tilespmem:s7+$0x10880] =	vst v11;
	v10 =	vadd.f32 v14, v10  }
0x102: {  	v11 =	vld [tilespmem:s28+$0x48F0];
	[tilespmem:s7+$0x10890] =	vst v9;
	v3 =	vadd.f32 v4, v3  }
0x103: {  	v9 =	vld [tilespmem:s28+$0x800];
	[tilespmem:s7+$0x108A0] =	vst v10;
	v1 =	vadd.f32 v5, v1  }
0x104: {  	v4 =	vld [tilespmem:s28+$0x88F0];
	[tilespmem:s7+$0x108B0] =	vst v3;
	v2 =	vadd.f32 v6, v2  }
0x105: {  	v3 =	vld [tilespmem:s28+$0x4800];
	[tilespmem:s7+$0x108C0] =	vst v1;
	v0 =	vadd.f32 v8, v0  }
0x106: {  	v1 =	vld [tilespmem:s28+$0xC8F0];
	[tilespmem:s7+$0x108D0] =	vst v2  }
0x107: {  	v2 =	vld [tilespmem:s28+$0x810];
	[tilespmem:s7+$0x108E0] =	vst v0  }
0x108: {  	v5 =	vld [tilespmem:s28+$0x4810]  }
0x109: {  	v6 =	vld [tilespmem:s28+$0x820]  }
0x10a: {  	v0 =	vadd.f32 v11, v7;
	v7 =	vld [tilespmem:s28+$0x830]  }
0x10b: {  	v8 =	vld [tilespmem:s28+$0x840]  }
0x10c: {  	v10 =	vld [tilespmem:s28+$0x850]  }
0x10d: {  	v11 =	vld [tilespmem:s28+$0x4850]  }
0x10e: {  	v12 =	vld [tilespmem:s28+$0x860]  }
0x10f: {  	v13 =	vld [tilespmem:s28+$0x4860]  }
0x110: {  	v14 =	vld [tilespmem:s28+$0x870]  }
0x111: {  	v15 =	vld [tilespmem:s28+$0x4870]  }
0x112: {  	v16 =	vld [tilespmem:s28+$0x880]  }
0x113: {  	v17 =	vld [tilespmem:s28+$0x4880]  }
0x114: {  	v18 =	vld [tilespmem:s28+$0x890]  }
0x115: {  	v19 =	vld [tilespmem:s28+$0x4890]  }
0x116: {  	v20 =	vld [tilespmem:s28+$0x8A0]  }
0x117: {  	v21 =	vld [tilespmem:s28+$0x48A0]  }
0x118: {  	v22 =	vld [tilespmem:s28+$0x8B0]  }
0x119: {  	v23 =	vld [tilespmem:s28+$0x48B0]  }
0x11a: {  	v24 =	vld [tilespmem:s28+$0x8C0]  }
0x11b: {  	v25 =	vld [tilespmem:s28+$0x48C0]  }
0x11c: {  	v26 =	vld [tilespmem:s28+$0x8D0]  }
0x11d: {  	v27 =	vld [tilespmem:s28+$0x48D0]  }
0x11e: {  	v28 =	vld [tilespmem:s28+$0x8E0]  }
0x11f: {  	v29 =	vld [tilespmem:s28+$0x48E0]  }
0x120: {  	v30 =	vld [tilespmem:s28+$0x8800]  }
0x121: {  	v31 =	vld [tilespmem:s28+$0x8810]  }
0x122: {  	v32 =	vld [tilespmem:s28+$0x8820]  }
0x123: {  	v33 =	vld [tilespmem:s28+$0x8830]  }
0x124: {  	v34 =	vld [tilespmem:s28+$0x8840]  }
0x125: {  	v35 =	vld [tilespmem:s28+$0x8850]  }
0x126: {  	v36 =	vld [tilespmem:s28+$0x8860]  }
0x127: {  	v37 =	vld [tilespmem:s28+$0x8870]  }
0x128: {  	v38 =	vld [tilespmem:s28+$0x8880]  }
0x129: {  	v39 =	vld [tilespmem:s28+$0x8890]  }
0x12a: {  	v45 =	vld [tilespmem:s28+$0xC800];
	v0 =	vadd.f32 v4, v0  }
0x12b: {  	v4 =	vld [tilespmem:s28+$0x4820]  }
0x12c: {  	v0 =	vadd.f32 v1, v0;
	v1 =	vld [tilespmem:s28+$0x4830]  }
0x12d: {  	v3 =	vadd.f32 v3, v9;
	v9 =	vld [tilespmem:s28+$0xC810]  }
0x12e: {  	[tilespmem:s28+$0x108F0] =	vst v0;
	v0 =	vld [tilespmem:s28+$0x4840];
	v2 =	vadd.f32 v5, v2  }
0x12f: {  	v46 =	vld [tilespmem:s28+$0xC820];
	v3 =	vadd.f32 v30, v3  }
0x130: {  	v40 =	vld [tilespmem:s28+$0x88A0];
	v4 =	vadd.f32 v4, v6;
	v2 =	vadd.f32 v31, v2  }
0x131: {  	v5 =	vld [tilespmem:s28+$0xC830];
	v3 =	vadd.f32 v45, v3;
	v1 =	vadd.f32 v1, v7  }
0x132: {  	v41 =	vld [tilespmem:s28+$0x88B0];
	v4 =	vadd.f32 v32, v4;
	v2 =	vadd.f32 v9, v2  }
0x133: {  	v6 =	vld [tilespmem:s28+$0xC840];
	v0 =	vadd.f32 v0, v8;
	v1 =	vadd.f32 v33, v1  }
0x134: {  	v42 =	vld [tilespmem:s28+$0x88C0];
	v4 =	vadd.f32 v46, v4;
	[tilespmem:s28+$0x10810] =	vst v2;
	v2 =	vadd.f32 v11, v10  }
0x135: {  	v53 =	vld [tilespmem:s28+$0xC850];
	v11 =	vadd.f32 v23, v22;
	v0 =	vadd.f32 v34, v0  }
0x136: {  	v7 =	vld [tilespmem:s28+$0xC860];
	v1 =	vadd.f32 v5, v1;
	[tilespmem:s28+$0x10820] =	vst v4;
	v4 =	vadd.f32 v13, v12  }
0x137: {  	v43 =	vld [tilespmem:s28+$0x88D0];
	[tilespmem:s28+$0x10800] =	vst v3;
	v5 =	vadd.f32 v15, v14;
	v2 =	vadd.f32 v35, v2  }
0x138: {  	v3 =	vld [tilespmem:s28+$0xC870];
	v0 =	vadd.f32 v6, v0;
	[tilespmem:s28+$0x10830] =	vst v1;
	v1 =	vadd.f32 v17, v16  }
0x139: {  	v44 =	vld [tilespmem:s28+$0x88E0];
	v6 =	vadd.f32 v19, v18;
	v4 =	vadd.f32 v36, v4  }
0x13a: {  	v8 =	vld [tilespmem:s28+$0xC880];
	v5 =	vadd.f32 v37, v5;
	v2 =	vadd.f32 v53, v2  }
0x13b: {  	v9 =	vld [tilespmem:s28+$0xC890];
	[tilespmem:s28+$0x10840] =	vst v0;
	v0 =	vadd.f32 v21, v20;
	v4 =	vadd.f32 v7, v4  }
0x13c: {  	v10 =	vld [tilespmem:s28+$0xC8A0];
	v7 =	vadd.f32 v27, v26;
	v1 =	vadd.f32 v38, v1  }
0x13d: {  	v54 =	vld [tilespmem:s28+$0xC8B0];
	v3 =	vadd.f32 v3, v5;
	v5 =	vadd.f32 v39, v6;
	[tilespmem:s28+$0x10850] =	vst v2  }
0x13e: {  	v55 =	vld [tilespmem:s28+$0xC8C0];
	v2 =	vadd.f32 v25, v24;
	[tilespmem:s28+$0x10860] =	vst v4;
	v4 =	vadd.f32 v29, v28  }
0x13f: {  	v6 =	vld [tilespmem:s28+$0xC8D0];
	v0 =	vadd.f32 v40, v0;
	v1 =	vadd.f32 v8, v1  }
0x140: {  	[tilespmem:s28+$0x10870] =	vst v3;
	v3 =	vadd.f32 v41, v11;
	v5 =	vadd.f32 v9, v5;
	v8 =	vld [tilespmem:s28+$0xC8E0]  }
0x141: {  	v2 =	vadd.f32 v42, v2;
	[tilespmem:s28+$0x10880] =	vst v1;
	v0 =	vadd.f32 v10, v0  }
0x142: {  	v1 =	vadd.f32 v43, v7;
	[tilespmem:s28+$0x10890] =	vst v5;
	v3 =	vadd.f32 v54, v3  }
0x143: {  	v4 =	vadd.f32 v44, v4;
	[tilespmem:s28+$0x108A0] =	vst v0;
	v0 =	vadd.f32 v55, v2  }
0x144: {  	[tilespmem:s28+$0x108B0] =	vst v3;
	v1 =	vadd.f32 v6, v1  }
0x145: {  	s26 =	sadd.s32 s18, s31;
	[tilespmem:s28+$0x108C0] =	vst v0;
	v0 =	vadd.f32 v8, v4  }
0x146: {  	s7 =	sshrl.u32 s26, $0x3;
	[tilespmem:s28+$0x108D0] =	vst v1  }
0x147: {  	s7 =	sadd.s32 s11, s7;
	[tilespmem:s28+$0x108E0] =	vst v0  }
0x148: {  	[hbm4b:s7+s6] =	stream.linear.scatter [tilespmem:s20], [sflag:$0x4], $0x2000, $0x38;
	[tilespmem:$0x1A528] =	vst v63  }
0x149: {  	s7 =	simm.s32 @!p2 $0x5  }
0x14a: {  	_ =	swait.ge @!p2 [sflag:s7], $0x2000  }
0x14b: {  	p3 =	seq.s32 @!p2 s30, $0x31;
	[sflag:s7] =	ssyncset.done @!p2 $0x0  }
0x14c: {  	p3 =	por p2, !p3;
	[sflag:s7] =	ssyncadd.s32 @!p2 $0xFFFFE000  }
0x14d: {  	_ =	swait.ge @p3 [sflag:s29], $0x100  }
0x14e: {  	[sflag:s29] =	ssyncset.done @p3 $0x0  }
0x14f: {  	[sflag:s29] =	ssyncadd.s32 @p3 $0xFFFFFF00  }
0x150: {  	_ =	swait.ge @p3 [sflag:s29], $0x100  }
0x151: {  	[sflag:s29] =	ssyncset.done @p3 $0x0  }
0x152: {  	[sflag:s29] =	ssyncadd.s32 @p3 $0xFFFFFF00  }
0x153: {  	_ =	swait.ge @p3 [sflag:s29], $0x100  }
0x154: {  	[sflag:s29] =	ssyncset.done @p3 $0x0  }
0x155: {  	[sflag:s29] =	ssyncadd.s32 @p3 $0xFFFFFF00  }
0x156: {  	_ =	swait.ge @p3 [sflag:s29], $0x100  }
0x157: {  	[sflag:s29] =	ssyncset.done @p3 $0x0  }
0x158: {  	s7 =	simm.s32 @p3 $0x800;
	[sflag:s29] =	ssyncadd.s32 @p3 $0xFFFFFF00  }
0x159: {  	[tilespmem:s7], [sflag:$0x2] =	stream.indirect.gather @p3 [spmem:s2], $0x20, s6, s25, $0xb8;
	[tilespmem:$0x1A528] =	vst v63  }
0x15a: {  	s7 =	simm.s32 @p3 $0x4800  }
0x15b: {  	[tilespmem:s7], [sflag:$0x2] =	stream.indirect.gather @p3 [spmem:s3], $0x20, s25, s25, $0xb8;
	[tilespmem:$0x1A528] =	vst v63  }
0x15c: {  	s26 =	simm.s32 @p3 $0x8800;
	s7 =	simm.s32 @p3 $0x200  }
0x15d: {  	[tilespmem:s26], [sflag:$0x2] =	stream.indirect.gather @p3 [spmem:s4], $0x20, s7, s25, $0xb8;
	[tilespmem:$0x1A528] =	vst v63  }
0x15e: {  	s7 =	simm.s32 @p3 $0x300;
	s26 =	simm.s32 @p3 $0xC800  }
0x15f: {  	[tilespmem:s26], [sflag:$0x2] =	stream.indirect.gather @p3 [spmem:s5], $0x20, s7, s25, $0xb8;
	[tilespmem:$0x1A528] =	vst v63  }
0x160: {  	_ =	swait.ge [sflag:s24], $0x2000  }
0x161: {  	[sflag:s24] =	ssyncset.done $0x0  }
0x162: {  	[sflag:s24] =	ssyncadd.s32 $0xFFFFE000  }
0x163: {  	_ =	swait.ge [sflag:s24], $0x2000  }
0x164: {  	[sflag:s24] =	ssyncset.done $0x0  }
0x165: {  	[sflag:s24] =	ssyncadd.s32 $0xFFFFE000  }
0x166: {  	_ =	swait.ge [sflag:s24], $0x2000  }
0x167: {  	[sflag:s24] =	ssyncset.done $0x0  }
0x168: {  	s1 =	sadd.s32 @!p1 s1, s22;
	[sflag:s24] =	ssyncadd.s32 $0xFFFFE000  }
0x169: {  	s1 =	sshrl.u32 @!p1 s1, $0x3;
	_ =	swait.ge [sflag:s24], $0x2000  }
0x16a: {  	s1 =	sadd.s32 @!p1 s0, s1;
	[sflag:s24] =	ssyncset.done $0x0  }
0x16b: {  	s7 =	simm.s32 @!p1 $0x0;
	s26 =	simm.s32 @!p1 $0x400;
	[sflag:s24] =	ssyncadd.s32 $0xFFFFE000  }
0x16c: {  	[tilespmem:s26], [sflag:$0x1] =	stream.linear.gather @!p1 [hbm4b:s1+s7], $0x100, $0x38;
	[tilespmem:$0x1A528] =	vst v63  }
0x16d: {  	s28 =	simm.s32 @!p1 $0x500;
	s26 =	sadd.s32 @!p1 $0x19000, s1  }
0x16e: {  	[tilespmem:s28], [sflag:$0x1] =	stream.linear.gather @!p1 [hbm4b:s26+s7], $0x100, $0x38;
	[tilespmem:$0x1A528] =	vst v63  }
0x16f: {  	s26 =	sadd.s32 @!p1 $0x32000, s1;
	s28 =	simm.s32 @!p1 $0x600  }
0x170: {  	[tilespmem:s28], [sflag:$0x1] =	stream.linear.gather @!p1 [hbm4b:s26+s7], $0x100, $0x38;
	[tilespmem:$0x1A528] =	vst v63  }
0x171: {  	s1 =	sadd.s32 @!p1 $0x4B000, s1;
	s26 =	simm.s32 @!p1 $0x700  }
0x172: {  	[tilespmem:s26], [sflag:$0x1] =	stream.linear.gather @!p1 [hbm4b:s1+s7], $0x100, $0x38;
	[tilespmem:$0x1A528] =	vst v63  }
0x173: {  	s1 =	simm.s32 $0x0  }
0x174: {  	v0 =	vld [tilespmem:s1+$0x28F0]  }
0x175: {  	v1 =	vld [tilespmem:s1+$0x68F0]  }
0x176: {  	v2 =	vld [tilespmem:s1+$0x2800]  }
0x177: {  	v3 =	vld [tilespmem:s1+$0xA8F0]  }
0x178: {  	v4 =	vld [tilespmem:s1+$0x6800]  }
0x179: {  	v5 =	vld [tilespmem:s1+$0xE8F0]  }
0x17a: {  	v6 =	vld [tilespmem:s1+$0x2810]  }
0x17b: {  	v7 =	vld [tilespmem:s1+$0x2820]  }
0x17c: {  	v8 =	vld [tilespmem:s1+$0x2830]  }
0x17d: {  	v9 =	vld [tilespmem:s1+$0x2840]  }
0x17e: {  	v10 =	vld [tilespmem:s1+$0x2850]  }
0x17f: {  	v11 =	vld [tilespmem:s1+$0x6850]  }
0x180: {  	v12 =	vld [tilespmem:s1+$0x2860]  }
0x181: {  	v13 =	vld [tilespmem:s1+$0x6860]  }
0x182: {  	v14 =	vld [tilespmem:s1+$0x2870]  }
0x183: {  	v15 =	vld [tilespmem:s1+$0x6870]  }
0x184: {  	v16 =	vld [tilespmem:s1+$0x2880]  }
0x185: {  	v17 =	vld [tilespmem:s1+$0x6880]  }
0x186: {  	v18 =	vld [tilespmem:s1+$0x2890]  }
0x187: {  	v19 =	vld [tilespmem:s1+$0x6890]  }
0x188: {  	v20 =	vld [tilespmem:s1+$0x28A0]  }
0x189: {  	v21 =	vld [tilespmem:s1+$0x68A0]  }
0x18a: {  	v22 =	vld [tilespmem:s1+$0x28B0]  }
0x18b: {  	v23 =	vld [tilespmem:s1+$0x68B0]  }
0x18c: {  	v24 =	vld [tilespmem:s1+$0x28C0]  }
0x18d: {  	v25 =	vld [tilespmem:s1+$0x68C0]  }
0x18e: {  	v26 =	vld [tilespmem:s1+$0x28D0]  }
0x18f: {  	v27 =	vld [tilespmem:s1+$0x68D0]  }
0x190: {  	v28 =	vld [tilespmem:s1+$0x28E0]  }
0x191: {  	v29 =	vld [tilespmem:s1+$0x68E0]  }
0x192: {  	v30 =	vld [tilespmem:s1+$0xA800]  }
0x193: {  	v56 =	vld [tilespmem:s1+$0xA810]  }
0x194: {  	v57 =	vld [tilespmem:s1+$0xA820]  }
0x195: {  	v58 =	vld [tilespmem:s1+$0xA830]  }
0x196: {  	v59 =	vld [tilespmem:s1+$0xA840]  }
0x197: {  	v60 =	vld [tilespmem:s1+$0xA850]  }
0x198: {  	v61 =	vld [tilespmem:s1+$0xA860]  }
0x199: {  	v62 =	vld [tilespmem:s1+$0xA870]  }
0x19a: {  	v63 =	vld [tilespmem:s1+$0xA880];
	v0 =	vadd.f32 v1, v0  }
0x19b: {  	v1 =	vld [tilespmem:s1+$0x6810]  }
0x19c: {  	v54 =	vld [tilespmem:s1+$0xE800];
	v0 =	vadd.f32 v3, v0  }
0x19d: {  	v3 =	vld [tilespmem:s1+$0x6820]  }
0x19e: {  	v0 =	vadd.f32 v5, v0;
	v5 =	vld [tilespmem:s1+$0x6830]  }
0x19f: {  	v2 =	vadd.f32 v4, v2;
	v4 =	vld [tilespmem:s1+$0xE810]  }
0x1a0: {  	v1 =	vadd.f32 v1, v6;
	[tilespmem:s1+$0x128F0] =	vst v0;
	v0 =	vld [tilespmem:s1+$0x6840]  }
0x1a1: {  	v55 =	vld [tilespmem:s1+$0xE820];
	v2 =	vadd.f32 v30, v2  }
0x1a2: {  	v48 =	vld [tilespmem:s1+$0xA890];
	v3 =	vadd.f32 v3, v7;
	v1 =	vadd.f32 v56, v1  }
0x1a3: {  	v2 =	vadd.f32 v54, v2;
	v6 =	vld [tilespmem:s1+$0xE830];
	v5 =	vadd.f32 v5, v8  }
0x1a4: {  	v49 =	vld [tilespmem:s1+$0xA8A0];
	v3 =	vadd.f32 v57, v3;
	v1 =	vadd.f32 v4, v1  }
0x1a5: {  	v50 =	vld [tilespmem:s1+$0xA8B0];
	v57 =	vadd.f32 v23, v22;
	v0 =	vadd.f32 v0, v9  }
0x1a6: {  	v51 =	vld [tilespmem:s1+$0xA8C0];
	v4 =	vadd.f32 v58, v5;
	v3 =	vadd.f32 v55, v3  }
0x1a7: {  	v7 =	vld [tilespmem:s1+$0xE840];
	[tilespmem:s1+$0x12810] =	vst v1;
	v1 =	vadd.f32 v11, v10;
	v5 =	vadd.f32 v15, v14  }
0x1a8: {  	[tilespmem:s1+$0x12800] =	vst v2;
	v56 =	vld [tilespmem:s1+$0xE850];
	v0 =	vadd.f32 v59, v0;
	v4 =	vadd.f32 v6, v4  }
0x1a9: {  	v2 =	vld [tilespmem:s1+$0xE870];
	[tilespmem:s1+$0x12820] =	vst v3;
	v3 =	vadd.f32 v13, v12;
	v1 =	vadd.f32 v60, v1  }
0x1aa: {  	v8 =	vld [tilespmem:s1+$0xE860];
	v6 =	vadd.f32 v17, v16;
	v58 =	vadd.f32 v62, v5  }
0x1ab: {  	v52 =	vld [tilespmem:s1+$0xA8D0];
	v59 =	vadd.f32 v27, v26;
	v60 =	vadd.f32 v29, v28  }
0x1ac: {  	v53 =	vld [tilespmem:s1+$0xA8E0];
	v0 =	vadd.f32 v7, v0;
	v7 =	vadd.f32 v19, v18  }
0x1ad: {  	v9 =	vld [tilespmem:s1+$0xE880];
	v3 =	vadd.f32 v61, v3;
	v1 =	vadd.f32 v56, v1  }
0x1ae: {  	v10 =	vld [tilespmem:s1+$0xE890];
	v2 =	vadd.f32 v2, v58;
	[tilespmem:s1+$0x12840] =	vst v0;
	v0 =	vadd.f32 v21, v20  }
0x1af: {  	v11 =	vld [tilespmem:s1+$0xE8A0];
	v3 =	vadd.f32 v8, v3;
	[tilespmem:s1+$0x12850] =	vst v1;
	v1 =	vadd.f32 v25, v24  }
0x1b0: {  	[tilespmem:s1+$0x12830] =	vst v4;
	v4 =	vld [tilespmem:s1+$0xE8B0];
	v8 =	vadd.f32 v63, v6;
	v61 =	vadd.f32 v48, v7  }
0x1b1: {  	v5 =	vld [tilespmem:s1+$0xE8C0];
	[tilespmem:s1+$0x12870] =	vst v2;
	v2 =	vadd.f32 v52, v59;
	v62 =	vadd.f32 v49, v0  }
0x1b2: {  	v6 =	vld [tilespmem:s1+$0xE8D0];
	[tilespmem:s1+$0x12860] =	vst v3;
	v3 =	vadd.f32 v50, v57;
	v63 =	vadd.f32 v9, v8  }
0x1b3: {  	s26 =	simm.s32 $0x100;
	v1 =	vadd.f32 v51, v1;
	v8 =	vld [tilespmem:s1+$0xE8E0];
	v9 =	vadd.f32 v10, v61  }
0x1b4: {  	s7 =	simm.s32 $0x800;
	v0 =	vadd.f32 v53, v60;
	v7 =	vld [tilespmem:s26+$0x28F0];
	[tilespmem:s1+$0x12880] =	vst v63;
	v10 =	vadd.f32 v11, v62  }
.LBB2_5:
0x1b5: {  	p1 =	sne.s32 s7, $0x7C00;
	v11 =	vld [tilespmem:s26+$0x68F0];
	[tilespmem:s1+$0x12890] =	vst v9;
	v3 =	vadd.f32 v4, v3  }
0x1b6: {  	v4 =	vld [tilespmem:s26+$0x2800];
	[tilespmem:s1+$0x128A0] =	vst v10;
	v1 =	vadd.f32 v5, v1  }
0x1b7: {  	v5 =	vld [tilespmem:s26+$0xA8F0];
	[tilespmem:s1+$0x128B0] =	vst v3;
	v2 =	vadd.f32 v6, v2  }
0x1b8: {  	v3 =	vld [tilespmem:s26+$0x6800];
	[tilespmem:s1+$0x128C0] =	vst v1;
	v0 =	vadd.f32 v8, v0  }
0x1b9: {  	v1 =	vld [tilespmem:s26+$0xE8F0];
	[tilespmem:s1+$0x128D0] =	vst v2  }
0x1ba: {  	v2 =	vld [tilespmem:s26+$0x2810];
	v6 =	vadd.f32 v11, v7;
	[tilespmem:s1+$0x128E0] =	vst v0;
	s1 =	smov.u32 s26  }
0x1bb: {  	v0 =	vld [tilespmem:s1+$0x6810]  }
0x1bc: {  	v7 =	vld [tilespmem:s1+$0x2820];
	v5 =	vadd.f32 v5, v6  }
0x1bd: {  	v3 =	vadd.f32 v3, v4;
	v4 =	vld [tilespmem:s1+$0x6820]  }
0x1be: {  	v6 =	vld [tilespmem:s1+$0x2830];
	v1 =	vadd.f32 v1, v5  }
0x1bf: {  	v5 =	vld [tilespmem:s1+$0x6830]  }
0x1c0: {  	v0 =	vadd.f32 v0, v2;
	v2 =	vld [tilespmem:s1+$0x2840];
	[tilespmem:s1+$0x128F0] =	vst v1  }
0x1c1: {  	v1 =	vld [tilespmem:s1+$0x6840]  }
0x1c2: {  	v4 =	vadd.f32 v4, v7;
	v7 =	vld [tilespmem:s1+$0x2850]  }
0x1c3: {  	v8 =	vld [tilespmem:s1+$0x6850]  }
0x1c4: {  	v5 =	vadd.f32 v5, v6;
	v6 =	vld [tilespmem:s1+$0x2860]  }
0x1c5: {  	v9 =	vld [tilespmem:s1+$0x6860]  }
0x1c6: {  	v1 =	vadd.f32 v1, v2;
	v2 =	vld [tilespmem:s1+$0x2870]  }
0x1c7: {  	v10 =	vld [tilespmem:s1+$0x6870]  }
0x1c8: {  	v7 =	vadd.f32 v8, v7;
	v8 =	vld [tilespmem:s1+$0x2880]  }
0x1c9: {  	v11 =	vld [tilespmem:s1+$0x6880]  }
0x1ca: {  	v6 =	vadd.f32 v9, v6;
	v9 =	vld [tilespmem:s1+$0x2890]  }
0x1cb: {  	v12 =	vld [tilespmem:s1+$0x6890]  }
0x1cc: {  	v2 =	vadd.f32 v10, v2;
	v10 =	vld [tilespmem:s1+$0x28A0]  }
0x1cd: {  	v13 =	vld [tilespmem:s1+$0x68A0]  }
0x1ce: {  	v8 =	vadd.f32 v11, v8;
	v11 =	vld [tilespmem:s1+$0x28B0]  }
0x1cf: {  	v14 =	vld [tilespmem:s1+$0x68B0]  }
0x1d0: {  	v9 =	vadd.f32 v12, v9;
	v12 =	vld [tilespmem:s1+$0x28C0]  }
0x1d1: {  	v15 =	vld [tilespmem:s1+$0x68C0]  }
0x1d2: {  	v10 =	vadd.f32 v13, v10;
	v13 =	vld [tilespmem:s1+$0x28D0]  }
0x1d3: {  	v16 =	vld [tilespmem:s1+$0x68D0]  }
0x1d4: {  	v11 =	vadd.f32 v14, v11;
	v14 =	vld [tilespmem:s1+$0x28E0]  }
0x1d5: {  	v17 =	vld [tilespmem:s1+$0x68E0]  }
0x1d6: {  	v18 =	vld [tilespmem:s1+$0xA800];
	v12 =	vadd.f32 v15, v12  }
0x1d7: {  	v15 =	vld [tilespmem:s1+$0xA810]  }
0x1d8: {  	v19 =	vld [tilespmem:s1+$0xA820];
	v13 =	vadd.f32 v16, v13  }
0x1d9: {  	v16 =	vld [tilespmem:s1+$0xA830]  }
0x1da: {  	v20 =	vld [tilespmem:s1+$0xA840];
	v14 =	vadd.f32 v17, v14  }
0x1db: {  	v17 =	vadd.f32 v18, v3;
	v3 =	vld [tilespmem:s1+$0xA850]  }
0x1dc: {  	v15 =	vadd.f32 v15, v0;
	v0 =	vld [tilespmem:s1+$0xA860]  }
0x1dd: {  	v4 =	vadd.f32 v19, v4;
	v18 =	vld [tilespmem:s1+$0xA870]  }
0x1de: {  	v5 =	vadd.f32 v16, v5;
	v16 =	vld [tilespmem:s1+$0xA880]  }
0x1df: {  	v19 =	vadd.f32 v20, v1;
	v1 =	vld [tilespmem:s1+$0xA890]  }
0x1e0: {  	v7 =	vadd.f32 v3, v7;
	v3 =	vld [tilespmem:s1+$0xA8A0]  }
0x1e1: {  	v6 =	vadd.f32 v0, v6;
	v0 =	vld [tilespmem:s1+$0xA8B0]  }
0x1e2: {  	v18 =	vadd.f32 v18, v2;
	v2 =	vld [tilespmem:s1+$0xA8C0]  }
0x1e3: {  	v8 =	vadd.f32 v16, v8;
	v16 =	vld [tilespmem:s1+$0xA8D0]  }
0x1e4: {  	v9 =	vadd.f32 v1, v9;
	v20 =	vld [tilespmem:s1+$0xA8E0]  }
0x1e5: {  	v21 =	vld [tilespmem:s1+$0xE800];
	v10 =	vadd.f32 v3, v10  }
0x1e6: {  	v22 =	vld [tilespmem:s1+$0xE810];
	v3 =	vadd.f32 v0, v11  }
0x1e7: {  	v11 =	vld [tilespmem:s1+$0xE820];
	v1 =	vadd.f32 v2, v12  }
0x1e8: {  	v12 =	vld [tilespmem:s1+$0xE830];
	v2 =	vadd.f32 v16, v13  }
0x1e9: {  	v13 =	vld [tilespmem:s1+$0xE840];
	v0 =	vadd.f32 v20, v14  }
0x1ea: {  	v14 =	vadd.f32 v21, v17;
	v16 =	vld [tilespmem:s1+$0xE850]  }
0x1eb: {  	v15 =	vadd.f32 v22, v15;
	v17 =	vld [tilespmem:s1+$0xE860]  }
0x1ec: {  	[tilespmem:s1+$0x12800] =	vst v14;
	v4 =	vadd.f32 v11, v4;
	v11 =	vld [tilespmem:s1+$0xE870]  }
0x1ed: {  	[tilespmem:s1+$0x12810] =	vst v15;
	v5 =	vadd.f32 v12, v5;
	v12 =	vld [tilespmem:s1+$0xE880]  }
0x1ee: {  	[tilespmem:s1+$0x12820] =	vst v4;
	v4 =	vadd.f32 v13, v19;
	v13 =	vld [tilespmem:s1+$0xE890]  }
0x1ef: {  	[tilespmem:s1+$0x12830] =	vst v5;
	v5 =	vadd.f32 v16, v7;
	v14 =	vld [tilespmem:s1+$0xE8A0]  }
.Ltmp1:
0x1f0: {  	[tilespmem:s1+$0x12840] =	vst v4;
	v6 =	vadd.f32 v17, v6;
	v4 =	vld [tilespmem:s1+$0xE8B0];
	(pc) =	sbr.rel @p1 .LBB2_5-.Ltmp1, $4  }
0x1f1: {  	[tilespmem:s1+$0x12850] =	vst v5;
	v7 =	vadd.f32 v11, v18;
	v5 =	vld [tilespmem:s1+$0xE8C0]  }
0x1f2: {  	[tilespmem:s1+$0x12860] =	vst v6;
	v11 =	vadd.f32 v12, v8;
	v6 =	vld [tilespmem:s1+$0xE8D0]  }
0x1f3: {  	s26 =	sshra.s32 s7, $0x2;
	[tilespmem:s1+$0x12870] =	vst v7;
	v9 =	vadd.f32 v13, v9;
	v8 =	vld [tilespmem:s1+$0xE8E0]  }
0x1f4: {  	s7 =	sadd.s32 $0x400, s7;
	v7 =	vld [tilespmem:s26+$0x28F0];
	[tilespmem:s1+$0x12880] =	vst v11;
	v10 =	vadd.f32 v14, v10  }
0x1f5: {  	v11 =	vld [tilespmem:s26+$0x68F0];
	[tilespmem:s1+$0x12890] =	vst v9;
	v3 =	vadd.f32 v4, v3  }
0x1f6: {  	v9 =	vld [tilespmem:s26+$0x2800];
	[tilespmem:s1+$0x128A0] =	vst v10;
	v1 =	vadd.f32 v5, v1  }
0x1f7: {  	v49 =	vld [tilespmem:s26+$0xA8F0];
	[tilespmem:s1+$0x128B0] =	vst v3;
	v2 =	vadd.f32 v6, v2  }
0x1f8: {  	v3 =	vld [tilespmem:s26+$0x6800];
	[tilespmem:s1+$0x128C0] =	vst v1;
	v0 =	vadd.f32 v8, v0  }
0x1f9: {  	v1 =	vld [tilespmem:s26+$0xE8F0];
	[tilespmem:s1+$0x128D0] =	vst v2  }
0x1fa: {  	v2 =	vld [tilespmem:s26+$0x2810];
	[tilespmem:s1+$0x128E0] =	vst v0  }
0x1fb: {  	v51 =	vld [tilespmem:s26+$0x6810]  }
0x1fc: {  	v52 =	vld [tilespmem:s26+$0x2820]  }
0x1fd: {  	v53 =	vld [tilespmem:s26+$0x6820]  }
0x1fe: {  	v54 =	vld [tilespmem:s26+$0x2830]  }
0x1ff: {  	v55 =	vld [tilespmem:s26+$0x6830]  }
0x200: {  	v56 =	vld [tilespmem:s26+$0x2840]  }
0x201: {  	v57 =	vld [tilespmem:s26+$0x6840]  }
0x202: {  	v10 =	vld [tilespmem:s26+$0x2850]  }
0x203: {  	v58 =	vld [tilespmem:s26+$0x6850]  }
0x204: {  	v12 =	vld [tilespmem:s26+$0x2860]  }
0x205: {  	v13 =	vld [tilespmem:s26+$0x6860]  }
0x206: {  	v14 =	vld [tilespmem:s26+$0x2870]  }
0x207: {  	v15 =	vld [tilespmem:s26+$0x6870]  }
0x208: {  	v16 =	vld [tilespmem:s26+$0x2880]  }
0x209: {  	v17 =	vld [tilespmem:s26+$0x6880]  }
0x20a: {  	v18 =	vld [tilespmem:s26+$0x2890]  }
0x20b: {  	v19 =	vld [tilespmem:s26+$0x6890]  }
0x20c: {  	v20 =	vld [tilespmem:s26+$0x28A0]  }
0x20d: {  	v21 =	vld [tilespmem:s26+$0x68A0]  }
0x20e: {  	v22 =	vld [tilespmem:s26+$0x28B0]  }
0x20f: {  	v23 =	vld [tilespmem:s26+$0x68B0]  }
0x210: {  	v24 =	vld [tilespmem:s26+$0x28C0]  }
0x211: {  	v25 =	vld [tilespmem:s26+$0x68C0]  }
0x212: {  	v26 =	vld [tilespmem:s26+$0x28D0]  }
0x213: {  	v27 =	vld [tilespmem:s26+$0x68D0]  }
0x214: {  	v28 =	vld [tilespmem:s26+$0x28E0]  }
0x215: {  	v29 =	vld [tilespmem:s26+$0x68E0]  }
0x216: {  	v30 =	vld [tilespmem:s26+$0xA800]  }
0x217: {  	v31 =	vld [tilespmem:s26+$0xA810]  }
0x218: {  	v32 =	vld [tilespmem:s26+$0xA820]  }
0x219: {  	v33 =	vld [tilespmem:s26+$0xA830]  }
0x21a: {  	v34 =	vld [tilespmem:s26+$0xA840]  }
0x21b: {  	v35 =	vld [tilespmem:s26+$0xA850]  }
0x21c: {  	v36 =	vld [tilespmem:s26+$0xA860]  }
0x21d: {  	v50 =	vadd.f32 v11, v7;
	v37 =	vld [tilespmem:s26+$0xA870]  }
0x21e: {  	v38 =	vld [tilespmem:s26+$0xA880]  }
0x21f: {  	v39 =	vld [tilespmem:s26+$0xA890];
	v0 =	vadd.f32 v49, v50  }
0x220: {  	v40 =	vld [tilespmem:s26+$0xA8A0];
	v3 =	vadd.f32 v3, v9  }
0x221: {  	v41 =	vld [tilespmem:s26+$0xA8B0];
	v0 =	vadd.f32 v1, v0  }
0x222: {  	v42 =	vld [tilespmem:s26+$0xA8C0];
	v2 =	vadd.f32 v51, v2;
	v3 =	vadd.f32 v30, v3  }
0x223: {  	v45 =	vld [tilespmem:s26+$0xE800];
	v4 =	vadd.f32 v53, v52;
	v1 =	vadd.f32 v55, v54  }
0x224: {  	v43 =	vld [tilespmem:s26+$0xA8D0];
	[tilespmem:s26+$0x128F0] =	vst v0;
	v0 =	vadd.f32 v57, v56;
	v47 =	vadd.f32 v17, v16  }
0x225: {  	v44 =	vld [tilespmem:s26+$0xA8E0];
	v48 =	vadd.f32 v19, v18;
	v50 =	vadd.f32 v21, v20  }
0x226: {  	v59 =	vld [tilespmem:s26+$0xE810];
	v51 =	vadd.f32 v23, v22;
	v53 =	vadd.f32 v25, v24  }
0x227: {  	v46 =	vld [tilespmem:s26+$0xE820];
	v54 =	vadd.f32 v27, v26;
	v56 =	vadd.f32 v29, v28  }
0x228: {  	v60 =	vld [tilespmem:s26+$0xE830];
	v2 =	vadd.f32 v31, v2;
	v3 =	vadd.f32 v45, v3  }
0x229: {  	v61 =	vld [tilespmem:s26+$0xE840];
	v4 =	vadd.f32 v32, v4;
	v1 =	vadd.f32 v33, v1  }
0x22a: {  	v31 =	vld [tilespmem:s26+$0xE870];
	v32 =	vadd.f32 v58, v10;
	v0 =	vadd.f32 v34, v0  }
0x22b: {  	v62 =	vld [tilespmem:s26+$0xE850];
	v45 =	vadd.f32 v15, v14;
	v2 =	vadd.f32 v59, v2  }
0x22c: {  	v63 =	vld [tilespmem:s26+$0xE860];
	v34 =	vadd.f32 v13, v12;
	[tilespmem:s26+$0x12800] =	vst v3;
	v4 =	vadd.f32 v46, v4  }
0x22d: {  	v33 =	vld [tilespmem:s26+$0xE880];
	v1 =	vadd.f32 v60, v1;
	v5 =	vadd.f32 v37, v45;
	[tilespmem:s26+$0x12810] =	vst v2  }
0x22e: {  	v49 =	vld [tilespmem:s26+$0xE8A0];
	v0 =	vadd.f32 v61, v0;
	[tilespmem:s26+$0x12820] =	vst v4;
	v2 =	vadd.f32 v35, v32  }
0x22f: {  	v46 =	vld [tilespmem:s26+$0xE890];
	[tilespmem:s26+$0x12830] =	vst v1;
	v4 =	vadd.f32 v36, v34;
	v3 =	vadd.f32 v31, v5  }
0x230: {  	v52 =	vld [tilespmem:s26+$0xE8B0];
	[tilespmem:s26+$0x12840] =	vst v0;
	v1 =	vadd.f32 v38, v47;
	v2 =	vadd.f32 v62, v2  }
0x231: {  	v58 =	vld [tilespmem:s26+$0xE8D0];
	v0 =	vadd.f32 v40, v50;
	v4 =	vadd.f32 v63, v4;
	[tilespmem:s26+$0x12870] =	vst v3  }
0x232: {  	v55 =	vld [tilespmem:s26+$0xE8C0];
	v57 =	vadd.f32 v39, v48;
	v1 =	vadd.f32 v33, v1;
	[tilespmem:s26+$0x12850] =	vst v2  }
0x233: {  	v59 =	vadd.f32 v41, v51;
	v60 =	vld [tilespmem:s26+$0xE8E0];
	v0 =	vadd.f32 v49, v0;
	[tilespmem:s26+$0x12860] =	vst v4  }
0x234: {  	v61 =	vadd.f32 v43, v54;
	v5 =	vadd.f32 v46, v57;
	[tilespmem:s26+$0x12880] =	vst v1  }
0x235: {  	s30 =	sadd.s32 $0x1, s30;
	v3 =	vadd.f32 v52, v59;
	v2 =	vadd.f32 v42, v53;
	[tilespmem:s26+$0x128A0] =	vst v0  }
0x236: {  	p1 =	sne.s32 s30, $0x32;
	v4 =	vadd.f32 v44, v56;
	v1 =	vadd.f32 v58, v61;
	[tilespmem:s26+$0x12890] =	vst v5  }
.Ltmp2:
0x237: {  	[tilespmem:s26+$0x128B0] =	vst v3;
	v62 =	vadd.f32 v55, v2;
	(pc) =	sbr.rel @p1 .LBB2_2-.Ltmp2, $4  }
0x238: {  	s31 =	sadd.s32 s31, s23;
	v63 =	vadd.f32 v60, v4;
	[tilespmem:s26+$0x128D0] =	vst v1  }
0x239: {  	s1 =	sshrl.u32 s31, $0x3;
	[tilespmem:s26+$0x128C0] =	vst v62  }
0x23a: {  	s1 =	sadd.s32 s11, s1;
	[tilespmem:s26+$0x128E0] =	vst v63  }
0x23b: {  	[hbm4b:s1+s6] =	stream.linear.scatter [tilespmem:s12], [sflag:$0x5], $0x2000, $0x38;
	[tilespmem:$0x1A528] =	vst v63  }
0x23c: {  	s1 =	simm.s32 $0x4  }
0x23d: {  	_ =	swait.ge [sflag:s1], $0x2000  }
0x23e: {  	[sflag:s1] =	ssyncset.done $0x0  }
0x23f: {  	s7 =	simm.s32 $0x5;
	[sflag:s1] =	ssyncadd.s32 $0xFFFFE000  }
0x240: {  	_ =	swait.ge [sflag:s7], $0x2000  }
0x241: {  	s26 =	rddreg [dreg:$0x14]  }
0x242: {  	s31 =	rddreg [dreg:$0x13];
	s26 =	sadd.s32 $0x1, s26  }
0x243: {  	p1 =	sne.s32 s26, s31  }
.Ltmp3:
0x244: {  	_ = 	snop;
	(pc) =	sbr.rel @p1 .LBB2_1-.Ltmp3, $3  }
0x245: {  	_ =	sdelay $0x1  }
0x246: {  	[sflag:s7] =	ssyncset.done $0x0  }
0x247: {  	[sflag:s7] =	ssyncadd.s32 $0xFFFFE000  }
0x248: {  	_ =	sfence.sel $0x180000  }
0x249: {  	[bflag:$0x0] =	sbarrier.arrive $0xFFFF  }
0x24a: {  	_ =	strace $0x90000047  }
0x24b: {  	[bflag:$0x2] =	sbarrier.arrive $0xFFFF  }
0x24c: {  	s0 =	rddreg [dreg:$0x6]  }
0x24d: {  	s0 =	sadd.s32 @!p0 $0x100000, s0  }
0x24e: {  	[sflag:s0] =	ssyncadd.tile.s32 @!p0 $0x1;
	_ =	shalt  }
.Lfunc_end2:
_tile_overlayer_lowered:
.L_overlay_start_2:
0x24f: {  	(tag) =	ssettag $0x2  }
0x250: {  	s0 =	rddreg [dreg:$0x0];
	s2 =	stileid.u32  }
0x251: {  	s1 =	rddreg [dreg:$0x1];
	p0 =	sne.s32 s2, $0x0  }
0x252: {  	s3 =	rddreg [dreg:$0x2];
	[bflag:$0x3] =	sbarrier.arrive $0xFFFF;
	s2 =	simm.s32 @!p0 $0x1C07  }
0x253: {  	[timem:s3], [sflag:s2] =	dma.local @!p0 [hbm:s0], s1  }
0x254: {  	s0 =	simm.s32 @!p0 $0x7  }
0x255: {  	_ =	swait.ge @!p0 [sflag:s0], s1  }
0x256: {  	s1 =	ssub.s32 @!p0 $0x0, s1;
	[sflag:s0] =	ssyncset.done @!p0 $0x0  }
0x257: {  	[sflag:s0] =	ssyncadd.s32 @!p0 s1  }
0x258: {  	[bflag:$0x3] =	sbarrier.arrive $0xFFFF  }
0x259: {  	_ =	shalt  }

// kernel: sparse-core-data-format-call.cloned.1.call-start
scs
called_computation_lowered:
.L_overlay_start_0:
0x0: {  	s2 =	sld [smem:$0x3FD9]  }
0x1: {  	s3 =	sld [smem:$0x3FFE];
	_ =	sdelay $0x1  }
0x2: {  	s1 =	srdreg.scid  }
0x3: {  	s0 =	sand.u32 $0x1, s1  }
0x4: {  	s18 =	sshll.u32 s0, $0xA;
	s2 =	sadd.s32 s3, s2  }
0x5: {  	s2 =	sadd.s32 s2, s18  }
0x6: {  	[smem:$0x3FB5] =	sst s2  }
0x7: {  	_ = 	snop  }
0x8: {  	s2 =	sld [smem:$0x3FD0];
	(tm) =	ssettm $0x1  }
0x9: {  	s19 =	sld [smem:$0x3FFB];
	_ =	sdelay $0x3  }
0xa: {  	_ =	strace s19  }
0xb: {  	s3 =	sld [smem:$0x3FFC];
	_ =	sdelay $0x3  }
0xc: {  	_ =	strace s3  }
0xd: {  	s3 =	sld [smem:$0x3FFD];
	_ =	sdelay $0x3  }
0xe: {  	_ =	strace s3  }
0xf: {  	_ =	strace $0x8FFFFFFF  }
0x10: {  	s20 =	sld [smem:$0x3FDB];
	_ =	sdelay $0x1  }
0x11: {  	s4 =	simm.s32 $_scs_section_size  }
0x12: {  	s5 =	simm.s32 $_size__tile_overlayer_lowered;
	s6 =	simm.s32 $_tile_overlayer_lowered  }
0x13: {  	s23 =	simm.s32 $0x1BFF;
	s22 =	sshll.u32 s6, $0x1;
	s3 =	sadd.s32 s4, s20  }
0x14: {  	s7 =	simm.s32 $0x0;
	s21 =	sshll.u32 s5, $0x1;
	s5 =	sadd.s32 s22, s3  }
0x15: {  	[timem:s7], [sflag:s23] =	dma.local [hbm:s5], s21  }
0x16: {  	_ =	swait.ge [sflag:s23], s21  }
0x17: {  	s4 =	ssub.s32 $0x0, s21;
	[sflag:s23] =	ssyncset.done $0x0  }
0x18: {  	[sflag:s23] =	ssyncadd.s32 s4;
	_ =	sdelay $0x1  }
0x19: {  	s24 =	simm.s32 $0x1B8B  }
0x1a: {  	_ =	swait.ge [sflag:s24], $0x1  }
0x1b: {  	[sflag:s24] =	ssyncset.done $0x0  }
0x1c: {  	s26 =	simm.s32 $0x1B8E;
	s25 =	sld [smem:$0x3FFE];
	[sflag:s24] =	ssyncadd.s32 $0xFFFFFFFF  }
0x1d: {  	s27 =	simm.s32 $execute0_lowered;
	[smem:$0x3FD2] =	sst s26  }
0x1e: {  	s5 =	sshll.u32 s27, $0x1;
	_ =	strace $0x80000049;
	[dreg:$0x1] =	wrdreg $0xFFFFFFFF  }
0x1f: {  	s28 =	simm.s32 $_size_execute0_lowered;
	s3 =	sadd.s32 s3, s5;
	[dreg:$0x0] =	wrdreg $0x0  }
0x20: {  	s5 =	sshll.u32 s28, $0x1;
	[dreg:$0x2] =	wrdreg s3  }
0x21: {  	[dreg:$0x3] =	wrdreg s5  }
0x22: {  	[dreg:$0x4] =	wrdreg $0xC0  }
0x23: {  	_ =	task [dreg:s7], $0x5FFFF  }
0x24: {  	[dreg:$0x1] =	wrdreg $0xFFFFFFFF  }
0x25: {  	[dreg:$0x0] =	wrdreg $0x60  }
0x26: {  	[dreg:$0x2] =	wrdreg s25  }
0x27: {  	[dreg:$0x3] =	wrdreg s2  }
0x28: {  	[dreg:$0x4] =	wrdreg $0x9  }
0x29: {  	_ =	task.clear_ibuf [dreg:s7], $0x5FFFF;
	_ =	strace $0x90000049  }
0x2a: {  	s29 =	simm.s32 $0x9;
	_ =	strace $0x8000004B  }
0x2b: {  	_ =	swait.ge [sflag:s29], $0x1  }
0x2c: {  	[sflag:s29] =	ssyncadd.s32 $0xFFFFFFFF  }
0x2d: {  	_ =	strace $0x9000004B  }
0x2e: {  	_ =	sfence  }
0x2f: {  	s30 =	sld [smem:$0x0];
	_ =	sdelay $0x2  }
0x30: {  	s31 =	sshll.u32 s1, $0xD;
	s1 =	sshrl.u32 s1, $0x2  }
0x31: {  	s3 =	sand.u32 $0x4000, s31;
	s1 =	sadd.s32 s1, s30  }
0x32: {  	s0 =	sor.u32 s3, s0;
	s1 =	sshll.u32 s1, $0x11  }
0x33: {  	s0 =	sor.u32 s1, s0  }
0x34: {  	s0 =	sadd.s32 $0x8F2B, s0  }
0x35: {  	[sflag:s0] =	ssyncadd.remote.s32 $0x1  }
0x36: {  	_ =	sfence.sel $0xFFFF  }
0x37: {  	[dreg:$0x0] =	wrdreg $0xFFFFFFFF;
	(pc) =	sbr.abs _section_cstart, $3  }
0x38: {  	[dreg:$0x1] =	wrdreg $0xFFFFFFFF  }
0x39: {  	_ =	task.clear_ibuf [dreg:s7], $0x2FFFF;
	_ =	strace $0x9FFFFFFF  }
0x3a: {  	(tm) =	ssettm $0x7FFFFFFF  }
0x3b: {  	_ =	shalt  }
tec
execute0_lowered:
.L_overlay_start_1:
0x0: {  	(tag) =	ssettag $0x1  }
0x1: {  	s0 =	srdreg.scid  }
0x2: {  	s1 =	sshll.u32 s0, $0x4  }
0x3: {  	s0 =	stileid.u32;
	s1 =	sand.u32 $0x10, s1  }
0x4: {  	s1 =	sor.u32 s0, s1  }
0x5: {  	s6 =	rddreg [dreg:$0x0];
	s4 =	simm.s32 $0x1;
	s2 =	sshll.u32 s1, $0x7  }
0x6: {  	s7 =	simm.s32 $0x2;
	s12 =	simm.s32 $0x0;
	s1 =	ssub.s32 $0x1000, s2  }
0x7: {  	s8 =	simm.s32 $0x8000;
	s13 =	simm.s32 $0x0;
	s3 =	sand.u32 $0xF80, s1  }
0x8: {  	s9 =	simm.s32 $0x0;
	s5 =	sshrl.u32 s1, $0xC;
	p0 =	sne.s32 s3, $0x0  }
.Ltmp0:
0x9: {  	s1 =	rddreg [dreg:$0x2];
	s4 =	simm.s32 @!p0 $0x0;
	(pc) =	sbr.rel .LBB1_1-.Ltmp0, $4  }
0xa: {  	s11 =	simm.s32 $0x0;
	s3 =	rddreg [dreg:$0x1];
	s5 =	sadd.s32 s4, s5  }
0xb: {  	_ =	strace $0x8000004A;
	s4 =	simm.s32 $0x1;
	s5 =	smul.u32 $0xC8, s5  }
0xc: {  	s6 =	sadd.s32 $0x2400, s6;
	s10 =	smov.u32 s2;
	[sflag:s4] =	ssyncpa.u1 $0x0  }
0xd: {  	p0 =	por $0x0, $0x0;
	[sflag:s7] =	ssyncpa.u1 $0x0;
	s7 =	sor.u32 $0x1, s5  }
.LBB1_4:
0xe: {  	s16 =	sshll.u32 s13, $0x3;
	s17 =	sand.u32 $0x78, s13  }
0xf: {  	s30 =	sand.u32 $0x7E00, s13;
	s12 =	sshll.u32 s12, $0xF;
	s16 =	sand.u32 $0xC00, s16  }
0x10: {  	[tilespmem:s15+$0x810 ss:$0x81] =	vst.msk $0xffff, v2;
	s31 =	sand.u32 $0x7, s13;
	s16 =	sor.u32 s17, s16;
	s17 =	sadd.s32 s3, s30  }
0x11: {  	[tilespmem:s15+$0x1020 ss:$0x81] =	vst.msk $0xffff, v0;
	s13 =	sshll.u32 s31, $0x12;
	s12 =	sadd.s32 s12, s17;
	s16 =	sshrl.u32 s16, $0x3  }
0x12: {  	[tilespmem:s15+$0x0 ss:$0x81] =	vst.msk $0xffff, v1;
	s13 =	sor.u32 $0x400, s13;
	s12 =	sadd.s32 s16, s12  }
0x13: {  	[hbm4b:s12+s13] =	stream.strided.scatter [tilespmem:s14], [sflag:$0x2], $0x2000, s8, s13, $0x20;
	[tilespmem:$0x8080] =	vst v63  }
.LBB1_5:
0x14: {  	s14 =	sadd.s32 $0x1, s9  }
0x15: {  	s12 =	sadd.s32 $0x1000, s10;
	s16 =	smov.u32 s10;
	p2 =	sgt.s32 s14, $0xC7  }
0x16: {  	s16 =	smov.u32 @p2 s12  }
0x17: {  	s14 =	simm.s32 @p2 $0x0;
	p2 =	sgt.s32 s16, $0xFFF  }
0x18: {  	s16 =	smov.u32 @p2 s2;
	p2 =	sne.s32 s11, s7  }
.Ltmp1:
0x19: {  	p1 =	slt.u32 s11, $0x2;
	(pc) =	sbr.rel @!p2 .LBB1_6-.Ltmp1, $4  }
0x1a: {  	s15 =	simm.s32 @!p1 $0x2  }
0x1b: {  	s13 =	smov.u32 s10;
	p0 =	por !p0, !p0;
	_ =	swait.ge @!p1 [sflag:s15], $0x2000  }
0x1c: {  	s12 =	smov.u32 s9;
	[sflag:s15] =	ssyncset.done @!p1 $0x0;
	s9 =	smov.u32 s14  }
0x1d: {  	s11 =	sadd.s32 $0x1, s11;
	[sflag:s15] =	ssyncadd.s32 @!p1 $0xFFFFE000;
	s10 =	smov.u32 s16  }
.LBB1_1:
0x1e: {  	p1 =	sge.u32 s11, s5  }
0x1f: {  	s14 =	sand.u32 @!p1 $0x1FFFFFF, s9  }
0x20: {  	s15 =	smulhi.u32 @!p1 $0x147AE15, s14;
	_ =	sdelay $0x1  }
0x21: {  	s15 =	smul.u32 @!p1 $0xC8, s15  }
0x22: {  	s16 =	sxor.u32 @!p1 $0xFFFFFFFF, s11;
	s17 =	smul.u32 @!p1 $0xC80, s10  }
0x23: {  	s31 =	sadd.s32 $0xFFFFFFFF, s11;
	s16 =	sshll.u32 @!p1 s16, $0xD;
	s14 =	ssub.s32 @!p1 s14, s15  }
0x24: {  	s15 =	sand.u32 @!p1 $0x2000, s16;
	s16 =	sadd.s32 @!p1 s6, s17;
	s14 =	sshll.u32 @!p1 s14, $0x4  }
0x25: {  	s17 =	simm.s32 @!p1 $0x6400;
	s14 =	sadd.s32 @!p1 s14, s16;
	s16 =	simm.s32 @!p1 $0x40  }
0x26: {  	[tilespmem:s15], [sflag:$0x1] =	stream.strided.gather @!p1 [hbm4b:s14+s16], $0x2000, s17, s16, $0x38;
	[tilespmem:$0x8080] =	vst v63  }
0x27: {  	p1 =	sge.u32 s31, s5  }
.Ltmp2:
0x28: {  	_ = 	snop;
	(pc) =	sbr.rel @p1 .LBB1_5-.Ltmp2, $1  }
0x29: {  	_ =	sdelay $0x3  }
0x2a: {  	s14 =	simm.s32 $0x1  }
0x2b: {  	_ =	swait.ge [sflag:s4], $0x2000;
	s14 =	simm.s32 @!p0 $0x0  }
0x2c: {  	[sflag:s4] =	ssyncset.done $0x0;
	s15 =	sshll.u32 s14, $0xD  }
0x2d: {  	[sflag:s4] =	ssyncadd.s32 $0xFFFFE000;
	s18 =	sor.u32 $0x20, s15  }
0x2e: {  	s14 =	smul.u32 $0x8100, s14;
	v3 =	vld [tilespmem:s18+$0x10]  }
0x2f: {  	s30 =	sand.u32 $0x1, s11;
	v2 =	vld [tilespmem:s18+$0xFFFFFFF0]  }
0x30: {  	s15 =	smul.u32 $0x8100, s30;
	s14 =	sshrl.u32 s14, $0x2;
	v0 =	vld [tilespmem:s18+$0x0]  }
0x31: {  	v1 =	vld [tilespmem:s18+$0xFFFFFFE0];
	s16 =	sor.u32 $0x4000, s14  }
0x32: {  	s31 =	sshrl.u32 s15, $0x2;
	s15 =	sadd.s32 $0x0, s16  }
0x33: {  	s17 =	simm.s32 $0x4;
	s18 =	sadd.s32 $0x40, s18;
	s14 =	sor.u32 $0x4000, s31;
	[tilespmem:s15+$0x1830 ss:$0x81] =	vst.msk $0xffff, v3  }
.LBB1_3:
0x34: {  	v3 =	vld [tilespmem:s18+$0x10];
	p1 =	sne.s32 s17, $0x1FC;
	[tilespmem:s15+$0x810 ss:$0x81] =	vst.msk $0xffff, v2;
	s19 =	smov.u32 s17;
	s17 =	sadd.s32 $0x4, s17  }
.Ltmp3:
0x35: {  	v2 =	vld [tilespmem:s18+$0xFFFFFFF0];
	[tilespmem:s15+$0x1020 ss:$0x81] =	vst.msk $0xffff, v0;
	(pc) =	sbr.rel @p1 .LBB1_3-.Ltmp3, $4  }
0x36: {  	v0 =	vld [tilespmem:s18+$0x0];
	[tilespmem:s15+$0x0 ss:$0x81] =	vst.msk $0xffff, v1  }
0x37: {  	s15 =	sshra.s32 s19, $0x2;
	v1 =	vld [tilespmem:s18+$0xFFFFFFE0]  }
0x38: {  	s15 =	sadd.s32 s15, s16  }
0x39: {  	s18 =	sadd.s32 $0x40, s18;
	[tilespmem:s15+$0x1830 ss:$0x81] =	vst.msk $0xffff, v3  }
.Ltmp4:
0x3a: {  	_ = 	snop;
	(pc) =	sbr.rel .LBB1_4-.Ltmp4, $1  }
0x3b: {  	_ =	sdelay $0x3  }
.LBB1_6:
0x3c: {  	_ =	sfence.sel $0x180000  }
0x3d: {  	s2 =	simm.s32 $0x1;
	[bflag:$0x0] =	sbarrier.arrive $0xFFFF  }
0x3e: {  	s31 =	simm.s32 $0x2;
	[sflag:s2] =	ssyncpa.u1 $0x1  }
0x3f: {  	[sflag:s31] =	ssyncpa.u1 $0x1  }
0x40: {  	p0 =	sne.s32 s0, $0x0;
	_ =	strace $0x9000004A  }
0x41: {  	s0 =	sadd.s32 @!p0 $0x100000, s1;
	[bflag:$0x2] =	sbarrier.arrive $0xFFFF  }
0x42: {  	[sflag:s0] =	ssyncadd.tile.s32 @!p0 $0x1;
	_ =	shalt  }
.Lfunc_end1:
_tile_overlayer_lowered:
.L_overlay_start_2:
0x43: {  	(tag) =	ssettag $0x2  }
0x44: {  	s0 =	rddreg [dreg:$0x0];
	s2 =	stileid.u32  }
0x45: {  	s1 =	rddreg [dreg:$0x1];
	p0 =	sne.s32 s2, $0x0  }
0x46: {  	s3 =	rddreg [dreg:$0x2];
	[bflag:$0x3] =	sbarrier.arrive $0xFFFF;
	s2 =	simm.s32 @!p0 $0x1C01  }
0x47: {  	[timem:s3], [sflag:s2] =	dma.local @!p0 [hbm:s0], s1  }
0x48: {  	s0 =	simm.s32 @!p0 $0x1  }
0x49: {  	_ =	swait.ge @!p0 [sflag:s0], s1  }
0x4a: {  	s1 =	ssub.s32 @!p0 $0x0, s1;
	[sflag:s0] =	ssyncset.done @!p0 $0x0  }
0x4b: {  	[sflag:s0] =	ssyncadd.s32 @!p0 s1  }
0x4c: {  	[bflag:$0x3] =	sbarrier.arrive $0xFFFF  }
0x4d: {  	_ =	shalt  }

</sc_bundles>
